<compile_context>
chip_gen: v7x
topology: tpu7x:2x2x1
jax: 0.10.2.dev20260603
libtpu: 0.0.44.dev20260713+nightly
codegen_flags: <defaults>
</compile_context>

<pallas_src>
import jax
import jax.numpy as jnp
from jax.experimental import pallas as pl

N = 10000
NF = 128
HID = 64
NEMB = 8
NG = 5000
AH = 512

FP = jnp.float32
BLK = 2000


def _k1_body(x_ref, W_ref, asr_ref, adr_ref, h_ref, ls_ref, ld_ref):
    h = jnp.dot(x_ref[...], W_ref[...], preferred_element_type=FP)
    h_ref[...] = h
    ls_ref[...] = jnp.dot(h, asr_ref[...], preferred_element_type=FP)
    ld_ref[...] = jnp.dot(h, adr_ref[...], preferred_element_type=FP)


def _k2_body(acc_ref, b_ref, W_ref, asr_ref, adr_ref, h_ref, ls_ref, ld_ref):
    out = jnp.maximum(acc_ref[...] + b_ref[...], 0.0)
    h = jnp.dot(out, W_ref[...], preferred_element_type=FP)
    h_ref[...] = h
    ls_ref[...] = jnp.dot(h, asr_ref[...], preferred_element_type=FP)
    ld_ref[...] = jnp.dot(h, adr_ref[...], preferred_element_type=FP)


def _k3_body(acc_ref, b_ref, Wl_ref, bl_ref, z_ref):
    out = jnp.maximum(acc_ref[...] + b_ref[...], 0.0)
    z_ref[...] = jnp.dot(out, Wl_ref[...], preferred_element_type=FP) + bl_ref[...]


def _bn(x, g, b):
    mu = (x[0:1] + x[1:2]) * 0.5
    d = x - mu
    var = (d[0:1] * d[0:1] + d[1:2] * d[1:2]) * 0.5
    return g * (x - mu) / jnp.sqrt(var + 1e-5) + b


def _k6_body(a0_ref, g0_ref, be0_ref,
             E1W_ref, E1b_ref, g1_ref, be1_ref, E2W_ref, E2b_ref,
             D0W_ref, D0b_ref, dg0_ref, dbe0_ref,
             D1W_ref, D1b_ref, dg1_ref, dbe1_ref, D2W_ref, D2b_ref,
             out_ref):
    a0 = a0_ref[...]
    e0 = jnp.maximum(_bn(a0, g0_ref[...], be0_ref[...]), 0.0)
    a1 = jnp.dot(e0, E1W_ref[...], preferred_element_type=FP) + E1b_ref[...]
    e1 = jnp.maximum(_bn(a1, g1_ref[...], be1_ref[...]), 0.0)
    e2 = jnp.dot(e1, E2W_ref[...], preferred_element_type=FP) + E2b_ref[...]
    a2 = jnp.dot(e2, D0W_ref[...], preferred_element_type=FP) + D0b_ref[...]
    d0 = jnp.maximum(_bn(a2, dg0_ref[...], dbe0_ref[...]), 0.0)
    a3 = jnp.dot(d0, D1W_ref[...], preferred_element_type=FP) + D1b_ref[...]
    d1 = jnp.maximum(_bn(a3, dg1_ref[...], dbe1_ref[...]), 0.0)
    out_ref[...] = jnp.dot(d1, D2W_ref[...],
                           preferred_element_type=FP) + D2b_ref[...]


def _full(shape):
    return pl.BlockSpec(shape, lambda i: tuple(0 for _ in shape))


def _dense1(x, W, a_s, a_d):
    h, ls, ld = pl.pallas_call(
        _k1_body,
        grid=(N // BLK,),
        in_specs=[
            pl.BlockSpec((BLK, NF), lambda i: (i, 0)),
            _full((NF, HID)), _full((HID, 1)), _full((HID, 1)),
        ],
        out_specs=[
            pl.BlockSpec((BLK, HID), lambda i: (i, 0)),
            pl.BlockSpec((BLK, 1), lambda i: (i, 0)),
            pl.BlockSpec((BLK, 1), lambda i: (i, 0)),
        ],
        out_shape=[
            jax.ShapeDtypeStruct((N, HID), FP),
            jax.ShapeDtypeStruct((N, 1), FP),
            jax.ShapeDtypeStruct((N, 1), FP),
        ],
    )(x, W, a_s.reshape(HID, 1), a_d.reshape(HID, 1))
    return h, ls.reshape(N), ld.reshape(N)


def _dense2(acc, b, W, a_s, a_d):
    h, ls, ld = pl.pallas_call(
        _k2_body,
        grid=(N // BLK,),
        in_specs=[
            pl.BlockSpec((BLK, HID), lambda i: (i, 0)),
            _full((1, HID)), _full((HID, HID)), _full((HID, 1)), _full((HID, 1)),
        ],
        out_specs=[
            pl.BlockSpec((BLK, HID), lambda i: (i, 0)),
            pl.BlockSpec((BLK, 1), lambda i: (i, 0)),
            pl.BlockSpec((BLK, 1), lambda i: (i, 0)),
        ],
        out_shape=[
            jax.ShapeDtypeStruct((N, HID), FP),
            jax.ShapeDtypeStruct((N, 1), FP),
            jax.ShapeDtypeStruct((N, 1), FP),
        ],
    )(acc, b.reshape(1, HID), W, a_s.reshape(HID, 1), a_d.reshape(HID, 1))
    return h, ls.reshape(N), ld.reshape(N)


def _edge_softmax_agg(h, ls, ld, src, dst):
    logits = jax.nn.leaky_relu(ls[src] + ld[dst], 0.2)
    m = jax.ops.segment_max(logits, dst, num_segments=N)
    e = jnp.exp(logits - m[dst])
    s = jax.ops.segment_sum(e, dst, num_segments=N)
    alpha = e / s[dst]
    return jax.ops.segment_sum(alpha[:, None] * h[src], dst, num_segments=N)


def kernel(x, edge_index, W1, as1, ad1, b1, W2, as2, ad2, b2, Wl, bl,
           E0W, E0b, g0, be0, E1W, E1b, g1, be1, E2W, E2b,
           D0W, D0b, dg0, dbe0, D1W, D1b, dg1, dbe1, D2W, D2b):
    loops = jnp.arange(N, dtype=edge_index.dtype)
    src = jnp.concatenate([edge_index[0], loops])
    dst = jnp.concatenate([edge_index[1], loops])

    h1, ls1, ld1 = _dense1(x, W1, as1, ad1)
    acc1 = _edge_softmax_agg(h1, ls1, ld1, src, dst)

    h2, ls2, ld2 = _dense2(acc1, b1, W2, as2, ad2)
    acc2 = _edge_softmax_agg(h2, ls2, ld2, src, dst)

    z = pl.pallas_call(
        _k3_body,
        grid=(N // BLK,),
        in_specs=[
            pl.BlockSpec((BLK, HID), lambda i: (i, 0)),
            _full((1, HID)), _full((HID, NEMB)), _full((1, NEMB)),
        ],
        out_specs=pl.BlockSpec((BLK, NEMB), lambda i: (i, 0)),
        out_shape=jax.ShapeDtypeStruct((N, NEMB), FP),
    )(acc2, b2.reshape(1, HID), Wl, bl.reshape(1, NEMB))

    z2 = z.reshape(-1).reshape(-1, NG * NEMB)
    a0 = z2 @ E0W + E0b

    out = pl.pallas_call(
        _k6_body,
        grid=(1,),
        in_specs=[
            _full((2, AH)),
            _full((1, AH)), _full((1, AH)),
            _full((AH, AH)), _full((1, AH)), _full((1, AH)),
            _full((1, AH)), _full((AH, AH)), _full((1, AH)),
            _full((AH, AH)), _full((1, AH)), _full((1, AH)),
            _full((1, AH)), _full((AH, AH)), _full((1, AH)),
            _full((1, AH)), _full((1, AH)), _full((AH, NG)),
            _full((1, NG)),
        ],
        out_specs=_full((2, NG)),
        out_shape=jax.ShapeDtypeStruct((2, NG), FP),
    )(a0,
      g0.reshape(1, AH), be0.reshape(1, AH),
      E1W, E1b.reshape(1, AH), g1.reshape(1, AH), be1.reshape(1, AH),
      E2W, E2b.reshape(1, AH),
      D0W, D0b.reshape(1, AH), dg0.reshape(1, AH), dbe0.reshape(1, AH),
      D1W, D1b.reshape(1, AH), dg1.reshape(1, AH), dbe1.reshape(1, AH),
      D2W, D2b.reshape(1, NG))

    return out

# --- scband reference (transcript-rebuilt; emitter-appended) ---
"""Pipeline reference for scband-simple-gnn-ae-35691178230486 (READ-ONLY COPY).

The authoritative reference and input builder live on the scoring server;
editing this copy changes nothing except your own understanding.
"""

import jax, jax.numpy as jnp
import numpy as np

N = 10000
E = 320000
NUM_GENES = 5000
NODE_EMBED = 8
NUM_FEATS = 128
HID = 64
AE_HID = 512


def _gat(x, src, dst, W, a_s, a_d, b, n):
    # PyG GATConv, heads=1, concat=True, negative_slope=0.2, add_self_loops handled by caller
    h = x @ W
    ls = h @ a_s
    ld = h @ a_d
    logits = jax.nn.leaky_relu(ls[src] + ld[dst], 0.2)
    m = jax.ops.segment_max(logits, dst, num_segments=n)
    e = jnp.exp(logits - m[dst])
    s = jax.ops.segment_sum(e, dst, num_segments=n)
    alpha = e / s[dst]
    return jax.ops.segment_sum(alpha[:, None] * h[src], dst, num_segments=n) + b


def _bn(x, g, b):
    # BatchNorm1d (training-mode batch statistics, eps=1e-5, biased var)
    mu = jnp.mean(x, axis=0)
    var = jnp.var(x, axis=0)
    return g * (x - mu) / jnp.sqrt(var + 1e-5) + b


def setup_inputs(seed: int = 0):
    key = jax.random.key(seed)
    ks = jax.random.split(key, 32)
    sc = 0.05
    d = {}
    d['x'] = jax.random.normal(ks[0], (N, NUM_FEATS), jnp.float32)
    d['edge_index'] = jax.random.randint(ks[1], (2, E), 0, N, dtype=jnp.int32)
    d['W1'] = jax.random.normal(ks[2], (NUM_FEATS, HID), jnp.float32) * sc
    d['as1'] = jax.random.normal(ks[3], (HID,), jnp.float32) * sc
    d['ad1'] = jax.random.normal(ks[4], (HID,), jnp.float32) * sc
    d['b1'] = jnp.zeros((HID,), jnp.float32)
    d['W2'] = jax.random.normal(ks[5], (HID, HID), jnp.float32) * sc
    d['as2'] = jax.random.normal(ks[6], (HID,), jnp.float32) * sc
    d['ad2'] = jax.random.normal(ks[7], (HID,), jnp.float32) * sc
    d['b2'] = jnp.zeros((HID,), jnp.float32)
    d['Wl'] = jax.random.normal(ks[8], (HID, NODE_EMBED), jnp.float32) * sc
    d['bl'] = jnp.zeros((NODE_EMBED,), jnp.float32)
    AIN = NUM_GENES * NODE_EMBED
    d['E0W'] = jax.random.normal(ks[9], (AIN, AE_HID), jnp.float32) * 0.01
    d['E0b'] = jnp.zeros((AE_HID,), jnp.float32)
    d['g0'] = jnp.ones((AE_HID,), jnp.float32)
    d['be0'] = jnp.zeros((AE_HID,), jnp.float32)
    d['E1W'] = jax.random.normal(ks[10], (AE_HID, AE_HID), jnp.float32) * sc
    d['E1b'] = jnp.zeros((AE_HID,), jnp.float32)
    d['g1'] = jnp.ones((AE_HID,), jnp.float32)
    d['be1'] = jnp.zeros((AE_HID,), jnp.float32)
    d['E2W'] = jax.random.normal(ks[11], (AE_HID, AE_HID), jnp.float32) * sc
    d['E2b'] = jnp.zeros((AE_HID,), jnp.float32)
    d['D0W'] = jax.random.normal(ks[12], (AE_HID, AE_HID), jnp.float32) * sc
    d['D0b'] = jnp.zeros((AE_HID,), jnp.float32)
    d['dg0'] = jnp.ones((AE_HID,), jnp.float32)
    d['dbe0'] = jnp.zeros((AE_HID,), jnp.float32)
    d['D1W'] = jax.random.normal(ks[13], (AE_HID, AE_HID), jnp.float32) * sc
    d['D1b'] = jnp.zeros((AE_HID,), jnp.float32)
    d['dg1'] = jnp.ones((AE_HID,), jnp.float32)
    d['dbe1'] = jnp.zeros((AE_HID,), jnp.float32)
    d['D2W'] = jax.random.normal(ks[14], (AE_HID, NUM_GENES), jnp.float32) * sc
    d['D2b'] = jnp.zeros((NUM_GENES,), jnp.float32)
    return d


def reference(x, edge_index, W1, as1, ad1, b1, W2, as2, ad2, b2, Wl, bl, E0W, E0b, g0, be0, E1W, E1b, g1, be1, E2W, E2b, D0W, D0b, dg0, dbe0, D1W, D1b, dg1, dbe1, D2W, D2b):
    n = x.shape[0]
    loops = jnp.arange(n, dtype=edge_index.dtype)
    src = jnp.concatenate([edge_index[0], loops])
    dst = jnp.concatenate([edge_index[1], loops])
    h = jax.nn.relu(_gat(x, src, dst, W1, as1, ad1, b1, n))
    h = jax.nn.relu(_gat(h, src, dst, W2, as2, ad2, b2, n))
    out = (h @ Wl + bl).reshape(-1).reshape(-1, NUM_GENES * NODE_EMBED)
    enc = jax.nn.relu(_bn(out @ E0W + E0b, g0, be0))
    enc = jax.nn.relu(_bn(enc @ E1W + E1b, g1, be1))
    enc = enc @ E2W + E2b
    dec = jax.nn.relu(_bn(enc @ D0W + D0b, dg0, dbe0))
    dec = jax.nn.relu(_bn(dec @ D1W + D1b, dg1, dbe1))
    dec = dec @ D2W + D2b
    return jnp.squeeze(dec)

if __name__ == "__main__":
    import jax
    _d = setup_inputs()
    print(jax.jit(kernel)(*tuple(_d.values())))

</pallas_src>

<mosaic_0001>
module attributes {stable_mosaic.version = 14 : i64} {
  func.func @_k1_body(%arg0: i32, %arg1: memref<2000x128xf32, #tpu.memory_space<vmem>>, %arg2: memref<128x64xf32, #tpu.memory_space<vmem>>, %arg3: memref<64x1xf32, #tpu.memory_space<vmem>>, %arg4: memref<64x1xf32, #tpu.memory_space<vmem>>, %arg5: memref<2000x64xf32, #tpu.memory_space<vmem>>, %arg6: memref<2000x1xf32, #tpu.memory_space<vmem>>, %arg7: memref<2000x1xf32, #tpu.memory_space<vmem>>) attributes {dimension_semantics = [#tpu.dimension_semantics<arbitrary>], iteration_bounds = array<i64: 5>, scalar_prefetch = 0 : i64, scratch_operands = 0 : i64, tpu.core_type = #tpu.core_type<tc>, window_params = [{transform_indices = @transform_0, window_bounds = array<i64: 2000, 128>}, {pipeline_mode = #tpu.pipeline_mode<synchronous>, transform_indices = @transform_1, window_bounds = array<i64: 128, 64>}, {pipeline_mode = #tpu.pipeline_mode<synchronous>, transform_indices = @transform_2, window_bounds = array<i64: 64, 1>}, {pipeline_mode = #tpu.pipeline_mode<synchronous>, transform_indices = @transform_3, window_bounds = array<i64: 64, 1>}, {transform_indices = @transform_4, window_bounds = array<i64: 2000, 64>}, {transform_indices = @transform_5, window_bounds = array<i64: 2000, 1>}, {transform_indices = @transform_6, window_bounds = array<i64: 2000, 1>}]} {
    %get3A = arith.constant 0 : index
    %get3A_0 = arith.constant 0 : index
    %get3A_1 = vector.load %arg1[%get3A, %get3A_0] : memref<2000x128xf32, #tpu.memory_space<vmem>>, vector<2000x128xf32>
    %get3A_2 = arith.constant 0 : index
    %get3A_3 = arith.constant 0 : index
    %get3A_4 = vector.load %arg2[%get3A_2, %get3A_3] : memref<128x64xf32, #tpu.memory_space<vmem>>, vector<128x64xf32>
    %dot_general3A = arith.constant dense<0.000000e+00> : vector<2000x64xf32>
    %dot_general3A_5 = tpu.matmul %get3A_1, %get3A_4, %dot_general3A {dimension_numbers = #tpu.dot_dimension_numbers<[1], [0], [0], [1], [0, 0, 1, 1], [], []>, transpose_lhs_hint = false} : vector<2000x128xf32>, vector<128x64xf32>, vector<2000x64xf32> -> vector<2000x64xf32>
    %swap3A = arith.constant 0 : index
    %swap3A_6 = arith.constant 0 : index
    %swap3A_7 = vector.load %arg5[%swap3A, %swap3A_6] : memref<2000x64xf32, #tpu.memory_space<vmem>>, vector<2000x64xf32>
    tpu.vector_store %arg5[%swap3A, %swap3A_6], %dot_general3A_5 {strides = array<i32>} : memref<2000x64xf32, #tpu.memory_space<vmem>>, vector<2000x64xf32>,
    %get3A_8 = arith.constant 0 : index
    %get3A_9 = arith.constant 0 : index
    %get3A_10 = vector.load %arg3[%get3A_8, %get3A_9] : memref<64x1xf32, #tpu.memory_space<vmem>>, vector<64x1xf32>
    %dot_general3A_11 = arith.constant dense<0.000000e+00> : vector<2000x1xf32>
    %dot_general3A_12 = tpu.matmul %dot_general3A_5, %get3A_10, %dot_general3A_11 {dimension_numbers = #tpu.dot_dimension_numbers<[1], [0], [0], [1], [0, 0, 1, 1], [], []>, transpose_lhs_hint = false} : vector<2000x64xf32>, vector<64x1xf32>, vector<2000x1xf32> -> vector<2000x1xf32>
    %swap3A_13 = arith.constant 0 : index
    %swap3A_14 = arith.constant 0 : index
    %swap3A_15 = vector.load %arg6[%swap3A_13, %swap3A_14] : memref<2000x1xf32, #tpu.memory_space<vmem>>, vector<2000x1xf32>
    tpu.vector_store %arg6[%swap3A_13, %swap3A_14], %dot_general3A_12 {strides = array<i32>} : memref<2000x1xf32, #tpu.memory_space<vmem>>, vector<2000x1xf32>,
    %get3A_16 = arith.constant 0 : index
    %get3A_17 = arith.constant 0 : index
    %get3A_18 = vector.load %arg4[%get3A_16, %get3A_17] : memref<64x1xf32, #tpu.memory_space<vmem>>, vector<64x1xf32>
    %dot_general3A_19 = arith.constant dense<0.000000e+00> : vector<2000x1xf32>
    %dot_general3A_20 = tpu.matmul %dot_general3A_5, %get3A_18, %dot_general3A_19 {dimension_numbers = #tpu.dot_dimension_numbers<[1], [0], [0], [1], [0, 0, 1, 1], [], []>, transpose_lhs_hint = false} : vector<2000x64xf32>, vector<64x1xf32>, vector<2000x1xf32> -> vector<2000x1xf32>
    %swap3A_21 = arith.constant 0 : index
    %swap3A_22 = arith.constant 0 : index
    %swap3A_23 = vector.load %arg7[%swap3A_21, %swap3A_22] : memref<2000x1xf32, #tpu.memory_space<vmem>>, vector<2000x1xf32>
    tpu.vector_store %arg7[%swap3A_21, %swap3A_22], %dot_general3A_20 {strides = array<i32>} : memref<2000x1xf32, #tpu.memory_space<vmem>>, vector<2000x1xf32>,
    return
  }
  func.func @transform_0(%arg0: i32) -> (i32, i32) {
    %c0_i32 = arith.constant 0 : i32
    %c0_i32_0 = arith.constant 0 : i32
    return %arg0, %c0_i32 : i32, i32
  }
  func.func @transform_1(%arg0: i32) -> (i32, i32) {
    %c0_i32 = arith.constant 0 : i32
    %c0_i32_0 = arith.constant 0 : i32
    %c0_i32_1 = arith.constant 0 : i32
    return %c0_i32, %c0_i32_0 : i32, i32
  }
  func.func @transform_2(%arg0: i32) -> (i32, i32) {
    %c0_i32 = arith.constant 0 : i32
    %c0_i32_0 = arith.constant 0 : i32
    %c0_i32_1 = arith.constant 0 : i32
    return %c0_i32, %c0_i32_0 : i32, i32
  }
  func.func @transform_3(%arg0: i32) -> (i32, i32) {
    %c0_i32 = arith.constant 0 : i32
    %c0_i32_0 = arith.constant 0 : i32
    %c0_i32_1 = arith.constant 0 : i32
    return %c0_i32, %c0_i32_0 : i32, i32
  }
  func.func @transform_4(%arg0: i32) -> (i32, i32) {
    %c0_i32 = arith.constant 0 : i32
    %c0_i32_0 = arith.constant 0 : i32
    return %arg0, %c0_i32 : i32, i32
  }
  func.func @transform_5(%arg0: i32) -> (i32, i32) {
    %c0_i32 = arith.constant 0 : i32
    %c0_i32_0 = arith.constant 0 : i32
    return %arg0, %c0_i32 : i32, i32
  }
  func.func @transform_6(%arg0: i32) -> (i32, i32) {
    %c0_i32 = arith.constant 0 : i32
    %c0_i32_0 = arith.constant 0 : i32
    return %arg0, %c0_i32 : i32, i32
  }
}

module attributes {stable_mosaic.version = 14 : i64} {
  func.func @_k2_body(%arg0: i32, %arg1: memref<2000x64xf32, #tpu.memory_space<vmem>>, %arg2: memref<1x64xf32, #tpu.memory_space<vmem>>, %arg3: memref<64x64xf32, #tpu.memory_space<vmem>>, %arg4: memref<64x1xf32, #tpu.memory_space<vmem>>, %arg5: memref<64x1xf32, #tpu.memory_space<vmem>>, %arg6: memref<2000x64xf32, #tpu.memory_space<vmem>>, %arg7: memref<2000x1xf32, #tpu.memory_space<vmem>>, %arg8: memref<2000x1xf32, #tpu.memory_space<vmem>>) attributes {dimension_semantics = [#tpu.dimension_semantics<arbitrary>], iteration_bounds = array<i64: 5>, scalar_prefetch = 0 : i64, scratch_operands = 0 : i64, tpu.core_type = #tpu.core_type<tc>, window_params = [{transform_indices = @transform_0, window_bounds = array<i64: 2000, 64>}, {pipeline_mode = #tpu.pipeline_mode<synchronous>, transform_indices = @transform_1, window_bounds = array<i64: 1, 64>}, {pipeline_mode = #tpu.pipeline_mode<synchronous>, transform_indices = @transform_2, window_bounds = array<i64: 64, 64>}, {pipeline_mode = #tpu.pipeline_mode<synchronous>, transform_indices = @transform_3, window_bounds = array<i64: 64, 1>}, {pipeline_mode = #tpu.pipeline_mode<synchronous>, transform_indices = @transform_4, window_bounds = array<i64: 64, 1>}, {transform_indices = @transform_5, window_bounds = array<i64: 2000, 64>}, {transform_indices = @transform_6, window_bounds = array<i64: 2000, 1>}, {transform_indices = @transform_7, window_bounds = array<i64: 2000, 1>}]} {
    %get3A = arith.constant 0 : index
    %get3A_0 = arith.constant 0 : index
    %get3A_1 = vector.load %arg1[%get3A, %get3A_0] : memref<2000x64xf32, #tpu.memory_space<vmem>>, vector<2000x64xf32>
    %get3A_2 = arith.constant 0 : index
    %get3A_3 = arith.constant 0 : index
    %get3A_4 = vector.load %arg2[%get3A_2, %get3A_3] : memref<1x64xf32, #tpu.memory_space<vmem>>, vector<1x64xf32>
    %add3A = vector.broadcast %get3A_4 : vector<1x64xf32> to vector<2000x64xf32>
    %add3A_5 = arith.addf %get3A_1, %add3A : vector<2000x64xf32>
    %max3A = arith.constant 0.000000e+00 : f32
    %max3A_6 = vector.broadcast %max3A : f32 to vector<2000x64xf32>
    %max3A_7 = arith.maximumf %add3A_5, %max3A_6 : vector<2000x64xf32>
    %get3A_8 = arith.constant 0 : index
    %get3A_9 = arith.constant 0 : index
    %get3A_10 = vector.load %arg3[%get3A_8, %get3A_9] : memref<64x64xf32, #tpu.memory_space<vmem>>, vector<64x64xf32>
    %dot_general3A = arith.constant dense<0.000000e+00> : vector<2000x64xf32>
    %dot_general3A_11 = tpu.matmul %max3A_7, %get3A_10, %dot_general3A {dimension_numbers = #tpu.dot_dimension_numbers<[1], [0], [0], [1], [0, 0, 1, 1], [], []>, transpose_lhs_hint = false} : vector<2000x64xf32>, vector<64x64xf32>, vector<2000x64xf32> -> vector<2000x64xf32>
    %swap3A = arith.constant 0 : index
    %swap3A_12 = arith.constant 0 : index
    %swap3A_13 = vector.load %arg6[%swap3A, %swap3A_12] : memref<2000x64xf32, #tpu.memory_space<vmem>>, vector<2000x64xf32>
    tpu.vector_store %arg6[%swap3A, %swap3A_12], %dot_general3A_11 {strides = array<i32>} : memref<2000x64xf32, #tpu.memory_space<vmem>>, vector<2000x64xf32>,
    %get3A_14 = arith.constant 0 : index
    %get3A_15 = arith.constant 0 : index
    %get3A_16 = vector.load %arg4[%get3A_14, %get3A_15] : memref<64x1xf32, #tpu.memory_space<vmem>>, vector<64x1xf32>
    %dot_general3A_17 = arith.constant dense<0.000000e+00> : vector<2000x1xf32>
    %dot_general3A_18 = tpu.matmul %dot_general3A_11, %get3A_16, %dot_general3A_17 {dimension_numbers = #tpu.dot_dimension_numbers<[1], [0], [0], [1], [0, 0, 1, 1], [], []>, transpose_lhs_hint = false} : vector<2000x64xf32>, vector<64x1xf32>, vector<2000x1xf32> -> vector<2000x1xf32>
    %swap3A_19 = arith.constant 0 : index
    %swap3A_20 = arith.constant 0 : index
    %swap3A_21 = vector.load %arg7[%swap3A_19, %swap3A_20] : memref<2000x1xf32, #tpu.memory_space<vmem>>, vector<2000x1xf32>
    tpu.vector_store %arg7[%swap3A_19, %swap3A_20], %dot_general3A_18 {strides = array<i32>} : memref<2000x1xf32, #tpu.memory_space<vmem>>, vector<2000x1xf32>,
    %get3A_22 = arith.constant 0 : index
    %get3A_23 = arith.constant 0 : index
    %get3A_24 = vector.load %arg5[%get3A_22, %get3A_23] : memref<64x1xf32, #tpu.memory_space<vmem>>, vector<64x1xf32>
    %dot_general3A_25 = arith.constant dense<0.000000e+00> : vector<2000x1xf32>
    %dot_general3A_26 = tpu.matmul %dot_general3A_11, %get3A_24, %dot_general3A_25 {dimension_numbers = #tpu.dot_dimension_numbers<[1], [0], [0], [1], [0, 0, 1, 1], [], []>, transpose_lhs_hint = false} : vector<2000x64xf32>, vector<64x1xf32>, vector<2000x1xf32> -> vector<2000x1xf32>
    %swap3A_27 = arith.constant 0 : index
    %swap3A_28 = arith.constant 0 : index
    %swap3A_29 = vector.load %arg8[%swap3A_27, %swap3A_28] : memref<2000x1xf32, #tpu.memory_space<vmem>>, vector<2000x1xf32>
    tpu.vector_store %arg8[%swap3A_27, %swap3A_28], %dot_general3A_26 {strides = array<i32>} : memref<2000x1xf32, #tpu.memory_space<vmem>>, vector<2000x1xf32>,
    return
  }
  func.func @transform_0(%arg0: i32) -> (i32, i32) {
    %c0_i32 = arith.constant 0 : i32
    %c0_i32_0 = arith.constant 0 : i32
    return %arg0, %c0_i32 : i32, i32
  }
  func.func @transform_1(%arg0: i32) -> (i32, i32) {
    %c0_i32 = arith.constant 0 : i32
    %c0_i32_0 = arith.constant 0 : i32
    %c0_i32_1 = arith.constant 0 : i32
    return %c0_i32, %c0_i32_0 : i32, i32
  }
  func.func @transform_2(%arg0: i32) -> (i32, i32) {
    %c0_i32 = arith.constant 0 : i32
    %c0_i32_0 = arith.constant 0 : i32
    %c0_i32_1 = arith.constant 0 : i32
    return %c0_i32, %c0_i32_0 : i32, i32
  }
  func.func @transform_3(%arg0: i32) -> (i32, i32) {
    %c0_i32 = arith.constant 0 : i32
    %c0_i32_0 = arith.constant 0 : i32
    %c0_i32_1 = arith.constant 0 : i32
    return %c0_i32, %c0_i32_0 : i32, i32
  }
  func.func @transform_4(%arg0: i32) -> (i32, i32) {
    %c0_i32 = arith.constant 0 : i32
    %c0_i32_0 = arith.constant 0 : i32
    %c0_i32_1 = arith.constant 0 : i32
    return %c0_i32, %c0_i32_0 : i32, i32
  }
  func.func @transform_5(%arg0: i32) -> (i32, i32) {
    %c0_i32 = arith.constant 0 : i32
    %c0_i32_0 = arith.constant 0 : i32
    return %arg0, %c0_i32 : i32, i32
  }
  func.func @transform_6(%arg0: i32) -> (i32, i32) {
    %c0_i32 = arith.constant 0 : i32
    %c0_i32_0 = arith.constant 0 : i32
    return %arg0, %c0_i32 : i32, i32
  }
  func.func @transform_7(%arg0: i32) -> (i32, i32) {
    %c0_i32 = arith.constant 0 : i32
    %c0_i32_0 = arith.constant 0 : i32
    return %arg0, %c0_i32 : i32, i32
  }
}

module attributes {stable_mosaic.version = 14 : i64} {
  func.func @_k3_body(%arg0: i32, %arg1: memref<2000x64xf32, #tpu.memory_space<vmem>>, %arg2: memref<1x64xf32, #tpu.memory_space<vmem>>, %arg3: memref<64x8xf32, #tpu.memory_space<vmem>>, %arg4: memref<1x8xf32, #tpu.memory_space<vmem>>, %arg5: memref<2000x8xf32, #tpu.memory_space<vmem>>) attributes {dimension_semantics = [#tpu.dimension_semantics<arbitrary>], iteration_bounds = array<i64: 5>, scalar_prefetch = 0 : i64, scratch_operands = 0 : i64, tpu.core_type = #tpu.core_type<tc>, window_params = [{transform_indices = @transform_0, window_bounds = array<i64: 2000, 64>}, {pipeline_mode = #tpu.pipeline_mode<synchronous>, transform_indices = @transform_1, window_bounds = array<i64: 1, 64>}, {pipeline_mode = #tpu.pipeline_mode<synchronous>, transform_indices = @transform_2, window_bounds = array<i64: 64, 8>}, {pipeline_mode = #tpu.pipeline_mode<synchronous>, transform_indices = @transform_3, window_bounds = array<i64: 1, 8>}, {transform_indices = @transform_4, window_bounds = array<i64: 2000, 8>}]} {
    %get3A = arith.constant 0 : index
    %get3A_0 = arith.constant 0 : index
    %get3A_1 = vector.load %arg1[%get3A, %get3A_0] : memref<2000x64xf32, #tpu.memory_space<vmem>>, vector<2000x64xf32>
    %get3A_2 = arith.constant 0 : index
    %get3A_3 = arith.constant 0 : index
    %get3A_4 = vector.load %arg2[%get3A_2, %get3A_3] : memref<1x64xf32, #tpu.memory_space<vmem>>, vector<1x64xf32>
    %add3A = vector.broadcast %get3A_4 : vector<1x64xf32> to vector<2000x64xf32>
    %add3A_5 = arith.addf %get3A_1, %add3A : vector<2000x64xf32>
    %max3A = arith.constant 0.000000e+00 : f32
    %max3A_6 = vector.broadcast %max3A : f32 to vector<2000x64xf32>
    %max3A_7 = arith.maximumf %add3A_5, %max3A_6 : vector<2000x64xf32>
    %get3A_8 = arith.constant 0 : index
    %get3A_9 = arith.constant 0 : index
    %get3A_10 = vector.load %arg3[%get3A_8, %get3A_9] : memref<64x8xf32, #tpu.memory_space<vmem>>, vector<64x8xf32>
    %dot_general3A = arith.constant dense<0.000000e+00> : vector<2000x8xf32>
    %dot_general3A_11 = tpu.matmul %max3A_7, %get3A_10, %dot_general3A {dimension_numbers = #tpu.dot_dimension_numbers<[1], [0], [0], [1], [0, 0, 1, 1], [], []>, transpose_lhs_hint = false} : vector<2000x64xf32>, vector<64x8xf32>, vector<2000x8xf32> -> vector<2000x8xf32>
    %get3A_12 = arith.constant 0 : index
    %get3A_13 = arith.constant 0 : index
    %get3A_14 = vector.load %arg4[%get3A_12, %get3A_13] : memref<1x8xf32, #tpu.memory_space<vmem>>, vector<1x8xf32>
    %add3A_15 = vector.broadcast %get3A_14 : vector<1x8xf32> to vector<2000x8xf32>
    %add3A_16 = arith.addf %dot_general3A_11, %add3A_15 : vector<2000x8xf32>
    %swap3A = arith.constant 0 : index
    %swap3A_17 = arith.constant 0 : index
    %swap3A_18 = vector.load %arg5[%swap3A, %swap3A_17] : memref<2000x8xf32, #tpu.memory_space<vmem>>, vector<2000x8xf32>
    tpu.vector_store %arg5[%swap3A, %swap3A_17], %add3A_16 {strides = array<i32>} : memref<2000x8xf32, #tpu.memory_space<vmem>>, vector<2000x8xf32>,
    return
  }
  func.func @transform_0(%arg0: i32) -> (i32, i32) {
    %c0_i32 = arith.constant 0 : i32
    %c0_i32_0 = arith.constant 0 : i32
    return %arg0, %c0_i32 : i32, i32
  }
  func.func @transform_1(%arg0: i32) -> (i32, i32) {
    %c0_i32 = arith.constant 0 : i32
    %c0_i32_0 = arith.constant 0 : i32
    %c0_i32_1 = arith.constant 0 : i32
    return %c0_i32, %c0_i32_0 : i32, i32
  }
  func.func @transform_2(%arg0: i32) -> (i32, i32) {
    %c0_i32 = arith.constant 0 : i32
    %c0_i32_0 = arith.constant 0 : i32
    %c0_i32_1 = arith.constant 0 : i32
    return %c0_i32, %c0_i32_0 : i32, i32
  }
  func.func @transform_3(%arg0: i32) -> (i32, i32) {
    %c0_i32 = arith.constant 0 : i32
    %c0_i32_0 = arith.constant 0 : i32
    %c0_i32_1 = arith.constant 0 : i32
    return %c0_i32, %c0_i32_0 : i32, i32
  }
  func.func @transform_4(%arg0: i32) -> (i32, i32) {
    %c0_i32 = arith.constant 0 : i32
    %c0_i32_0 = arith.constant 0 : i32
    return %arg0, %c0_i32 : i32, i32
  }
}

module attributes {stable_mosaic.version = 14 : i64} {
  func.func @_k6_body(%arg0: i32, %arg1: memref<2x512xf32, #tpu.memory_space<vmem>>, %arg2: memref<1x512xf32, #tpu.memory_space<vmem>>, %arg3: memref<1x512xf32, #tpu.memory_space<vmem>>, %arg4: memref<512x512xf32, #tpu.memory_space<vmem>>, %arg5: memref<1x512xf32, #tpu.memory_space<vmem>>, %arg6: memref<1x512xf32, #tpu.memory_space<vmem>>, %arg7: memref<1x512xf32, #tpu.memory_space<vmem>>, %arg8: memref<512x512xf32, #tpu.memory_space<vmem>>, %arg9: memref<1x512xf32, #tpu.memory_space<vmem>>, %arg10: memref<512x512xf32, #tpu.memory_space<vmem>>, %arg11: memref<1x512xf32, #tpu.memory_space<vmem>>, %arg12: memref<1x512xf32, #tpu.memory_space<vmem>>, %arg13: memref<1x512xf32, #tpu.memory_space<vmem>>, %arg14: memref<512x512xf32, #tpu.memory_space<vmem>>, %arg15: memref<1x512xf32, #tpu.memory_space<vmem>>, %arg16: memref<1x512xf32, #tpu.memory_space<vmem>>, %arg17: memref<1x512xf32, #tpu.memory_space<vmem>>, %arg18: memref<512x5000xf32, #tpu.memory_space<vmem>>, %arg19: memref<1x5000xf32, #tpu.memory_space<vmem>>, %arg20: memref<2x5000xf32, #tpu.memory_space<vmem>>) attributes {dimension_semantics = [#tpu.dimension_semantics<arbitrary>], iteration_bounds = array<i64: 1>, scalar_prefetch = 0 : i64, scratch_operands = 0 : i64, tpu.core_type = #tpu.core_type<tc>, window_params = [{pipeline_mode = #tpu.pipeline_mode<synchronous>, transform_indices = @transform_0, window_bounds = array<i64: 2, 512>}, {pipeline_mode = #tpu.pipeline_mode<synchronous>, transform_indices = @transform_1, window_bounds = array<i64: 1, 512>}, {pipeline_mode = #tpu.pipeline_mode<synchronous>, transform_indices = @transform_2, window_bounds = array<i64: 1, 512>}, {pipeline_mode = #tpu.pipeline_mode<synchronous>, transform_indices = @transform_3, window_bounds = array<i64: 512, 512>}, {pipeline_mode = #tpu.pipeline_mode<synchronous>, transform_indices = @transform_4, window_bounds = array<i64: 1, 512>}, {pipeline_mode = #tpu.pipeline_mode<synchronous>, transform_indices = @transform_5, window_bounds = array<i64: 1, 512>}, {pipeline_mode = #tpu.pipeline_mode<synchronous>, transform_indices = @transform_6, window_bounds = array<i64: 1, 512>}, {pipeline_mode = #tpu.pipeline_mode<synchronous>, transform_indices = @transform_7, window_bounds = array<i64: 512, 512>}, {pipeline_mode = #tpu.pipeline_mode<synchronous>, transform_indices = @transform_8, window_bounds = array<i64: 1, 512>}, {pipeline_mode = #tpu.pipeline_mode<synchronous>, transform_indices = @transform_9, window_bounds = array<i64: 512, 512>}, {pipeline_mode = #tpu.pipeline_mode<synchronous>, transform_indices = @transform_10, window_bounds = array<i64: 1, 512>}, {pipeline_mode = #tpu.pipeline_mode<synchronous>, transform_indices = @transform_11, window_bounds = array<i64: 1, 512>}, {pipeline_mode = #tpu.pipeline_mode<synchronous>, transform_indices = @transform_12, window_bounds = array<i64: 1, 512>}, {pipeline_mode = #tpu.pipeline_mode<synchronous>, transform_indices = @transform_13, window_bounds = array<i64: 512, 512>}, {pipeline_mode = #tpu.pipeline_mode<synchronous>, transform_indices = @transform_14, window_bounds = array<i64: 1, 512>}, {pipeline_mode = #tpu.pipeline_mode<synchronous>, transform_indices = @transform_15, window_bounds = array<i64: 1, 512>}, {pipeline_mode = #tpu.pipeline_mode<synchronous>, transform_indices = @transform_16, window_bounds = array<i64: 1, 512>}, {pipeline_mode = #tpu.pipeline_mode<synchronous>, transform_indices = @transform_17, window_bounds = array<i64: 512, 5000>}, {pipeline_mode = #tpu.pipeline_mode<synchronous>, transform_indices = @transform_18, window_bounds = array<i64: 1, 5000>}, {pipeline_mode = #tpu.pipeline_mode<synchronous>, transform_indices = @transform_19, window_bounds = array<i64: 2, 5000>}]} {
    %get3A = arith.constant 0 : index
    %get3A_0 = arith.constant 0 : index
    %get3A_1 = vector.load %arg1[%get3A, %get3A_0] : memref<2x512xf32, #tpu.memory_space<vmem>>, vector<2x512xf32>
    %get3A_2 = arith.constant 0 : index
    %get3A_3 = arith.constant 0 : index
    %get3A_4 = vector.load %arg2[%get3A_2, %get3A_3] : memref<1x512xf32, #tpu.memory_space<vmem>>, vector<1x512xf32>
    %get3A_5 = arith.constant 0 : index
    %get3A_6 = arith.constant 0 : index
    %get3A_7 = vector.load %arg3[%get3A_5, %get3A_6] : memref<1x512xf32, #tpu.memory_space<vmem>>, vector<1x512xf32>
    %reduce_sum3A = arith.constant dense<0.000000e+00> : vector<512xf32>
    %reduce_sum3A_8 = vector.multi_reduction <add>, %get3A_1, %reduce_sum3A [0] : vector<2x512xf32> to vector<512xf32>
    %div3A = arith.constant 2.000000e+00 : f32
    %div3A_9 = vector.broadcast %div3A : f32 to vector<512xf32>
    %div3A_10 = arith.divf %reduce_sum3A_8, %div3A_9 : vector<512xf32>
    %jit3A = arith.constant 0 : i32
    %reduce_sum3A_11 = arith.constant dense<0.000000e+00> : vector<512xf32>
    %reduce_sum3A_12 = vector.multi_reduction <add>, %get3A_1, %reduce_sum3A_11 [0] : vector<2x512xf32> to vector<512xf32>
    %broadcast_in_dim3A = vector.shape_cast %reduce_sum3A_12 : vector<512xf32> to vector<1x512xf32>
    %div3A_13 = arith.constant 2.000000e+00 : f32
    %div3A_14 = vector.broadcast %div3A_13 : f32 to vector<1x512xf32>
    %div3A_15 = arith.divf %broadcast_in_dim3A, %div3A_14 : vector<1x512xf32>
    %sub3A = vector.broadcast %div3A_15 : vector<1x512xf32> to vector<2x512xf32>
    %sub3A_16 = arith.subf %get3A_1, %sub3A : vector<2x512xf32>
    %square3A = arith.mulf %sub3A_16, %sub3A_16 : vector<2x512xf32>
    %convert_element_type3A = arith.sitofp %jit3A : i32 to f32
    %sub3A_17 = arith.constant 2.000000e+00 : f32
    %sub3A_18 = arith.subf %sub3A_17, %convert_element_type3A : f32
    %reduce_sum3A_19 = arith.constant dense<0.000000e+00> : vector<512xf32>
    %reduce_sum3A_20 = vector.multi_reduction <add>, %square3A, %reduce_sum3A_19 [0] : vector<2x512xf32> to vector<512xf32>
    %div3A_21 = vector.broadcast %sub3A_18 : f32 to vector<512xf32>
    %div3A_22 = arith.divf %reduce_sum3A_20, %div3A_21 : vector<512xf32>
    %gt3A = arith.constant 0.000000e+00 : f32
    %gt3A_23 = arith.cmpf ogt, %sub3A_18, %gt3A : f32
    %jit3A_24 = arith.constant 0x7FC00000 : f32
    %broadcast_in_dim3A_25 = vector.broadcast %jit3A_24 : f32 to vector<512xf32>
    %select_n3A = arith.select %gt3A_23, %div3A_22, %broadcast_in_dim3A_25 : vector<512xf32>
    %broadcast_in_dim3A_26 = vector.shape_cast %div3A_10 : vector<512xf32> to vector<1x512xf32>
    %sub3A_27 = vector.broadcast %broadcast_in_dim3A_26 : vector<1x512xf32> to vector<2x512xf32>
    %sub3A_28 = arith.subf %get3A_1, %sub3A_27 : vector<2x512xf32>
    %mul3A = vector.broadcast %get3A_4 : vector<1x512xf32> to vector<2x512xf32>
    %mul3A_29 = arith.mulf %mul3A, %sub3A_28 : vector<2x512xf32>
    %add3A = arith.constant 9.99999974E-6 : f32
    %add3A_30 = vector.broadcast %add3A : f32 to vector<512xf32>
    %add3A_31 = arith.addf %select_n3A, %add3A_30 : vector<512xf32>
    %sqrt3A = math.sqrt %add3A_31 : vector<512xf32>
    %broadcast_in_dim3A_32 = vector.shape_cast %sqrt3A : vector<512xf32> to vector<1x512xf32>
    %div3A_33 = vector.broadcast %broadcast_in_dim3A_32 : vector<1x512xf32> to vector<2x512xf32>
    %div3A_34 = arith.divf %mul3A_29, %div3A_33 : vector<2x512xf32>
    %add3A_35 = vector.broadcast %get3A_7 : vector<1x512xf32> to vector<2x512xf32>
    %add3A_36 = arith.addf %div3A_34, %add3A_35 : vector<2x512xf32>
    %max3A = arith.constant 0.000000e+00 : f32
    %max3A_37 = vector.broadcast %max3A : f32 to vector<2x512xf32>
    %max3A_38 = arith.maximumf %add3A_36, %max3A_37 : vector<2x512xf32>
    %get3A_39 = arith.constant 0 : index
    %get3A_40 = arith.constant 0 : index
    %get3A_41 = vector.load %arg4[%get3A_39, %get3A_40] : memref<512x512xf32, #tpu.memory_space<vmem>>, vector<512x512xf32>
    %dot_general3A = arith.constant dense<0.000000e+00> : vector<2x512xf32>
    %dot_general3A_42 = tpu.matmul %max3A_38, %get3A_41, %dot_general3A {dimension_numbers = #tpu.dot_dimension_numbers<[1], [0], [0], [1], [0, 0, 1, 1], [], []>, transpose_lhs_hint = false} : vector<2x512xf32>, vector<512x512xf32>, vector<2x512xf32> -> vector<2x512xf32>
    %get3A_43 = arith.constant 0 : index
    %get3A_44 = arith.constant 0 : index
    %get3A_45 = vector.load %arg5[%get3A_43, %get3A_44] : memref<1x512xf32, #tpu.memory_space<vmem>>, vector<1x512xf32>
    %add3A_46 = vector.broadcast %get3A_45 : vector<1x512xf32> to vector<2x512xf32>
    %add3A_47 = arith.addf %dot_general3A_42, %add3A_46 : vector<2x512xf32>
    %get3A_48 = arith.constant 0 : index
    %get3A_49 = arith.constant 0 : index
    %get3A_50 = vector.load %arg6[%get3A_48, %get3A_49] : memref<1x512xf32, #tpu.memory_space<vmem>>, vector<1x512xf32>
    %get3A_51 = arith.constant 0 : index
    %get3A_52 = arith.constant 0 : index
    %get3A_53 = vector.load %arg7[%get3A_51, %get3A_52] : memref<1x512xf32, #tpu.memory_space<vmem>>, vector<1x512xf32>
    %reduce_sum3A_54 = arith.constant dense<0.000000e+00> : vector<512xf32>
    %reduce_sum3A_55 = vector.multi_reduction <add>, %add3A_47, %reduce_sum3A_54 [0] : vector<2x512xf32> to vector<512xf32>
    %div3A_56 = arith.constant 2.000000e+00 : f32
    %div3A_57 = vector.broadcast %div3A_56 : f32 to vector<512xf32>
    %div3A_58 = arith.divf %reduce_sum3A_55, %div3A_57 : vector<512xf32>
    %jit3A_59 = arith.constant 0 : i32
    %reduce_sum3A_60 = arith.constant dense<0.000000e+00> : vector<512xf32>
    %reduce_sum3A_61 = vector.multi_reduction <add>, %add3A_47, %reduce_sum3A_60 [0] : vector<2x512xf32> to vector<512xf32>
    %broadcast_in_dim3A_62 = vector.shape_cast %reduce_sum3A_61 : vector<512xf32> to vector<1x512xf32>
    %div3A_63 = arith.constant 2.000000e+00 : f32
    %div3A_64 = vector.broadcast %div3A_63 : f32 to vector<1x512xf32>
    %div3A_65 = arith.divf %broadcast_in_dim3A_62, %div3A_64 : vector<1x512xf32>
    %sub3A_66 = vector.broadcast %div3A_65 : vector<1x512xf32> to vector<2x512xf32>
    %sub3A_67 = arith.subf %add3A_47, %sub3A_66 : vector<2x512xf32>
    %square3A_68 = arith.mulf %sub3A_67, %sub3A_67 : vector<2x512xf32>
    %convert_element_type3A_69 = arith.sitofp %jit3A_59 : i32 to f32
    %sub3A_70 = arith.constant 2.000000e+00 : f32
    %sub3A_71 = arith.subf %sub3A_70, %convert_element_type3A_69 : f32
    %reduce_sum3A_72 = arith.constant dense<0.000000e+00> : vector<512xf32>
    %reduce_sum3A_73 = vector.multi_reduction <add>, %square3A_68, %reduce_sum3A_72 [0] : vector<2x512xf32> to vector<512xf32>
    %div3A_74 = vector.broadcast %sub3A_71 : f32 to vector<512xf32>
    %div3A_75 = arith.divf %reduce_sum3A_73, %div3A_74 : vector<512xf32>
    %gt3A_76 = arith.constant 0.000000e+00 : f32
    %gt3A_77 = arith.cmpf ogt, %sub3A_71, %gt3A_76 : f32
    %jit3A_78 = arith.constant 0x7FC00000 : f32
    %broadcast_in_dim3A_79 = vector.broadcast %jit3A_78 : f32 to vector<512xf32>
    %select_n3A_80 = arith.select %gt3A_77, %div3A_75, %broadcast_in_dim3A_79 : vector<512xf32>
    %broadcast_in_dim3A_81 = vector.shape_cast %div3A_58 : vector<512xf32> to vector<1x512xf32>
    %sub3A_82 = vector.broadcast %broadcast_in_dim3A_81 : vector<1x512xf32> to vector<2x512xf32>
    %sub3A_83 = arith.subf %add3A_47, %sub3A_82 : vector<2x512xf32>
    %mul3A_84 = vector.broadcast %get3A_50 : vector<1x512xf32> to vector<2x512xf32>
    %mul3A_85 = arith.mulf %mul3A_84, %sub3A_83 : vector<2x512xf32>
    %add3A_86 = arith.constant 9.99999974E-6 : f32
    %add3A_87 = vector.broadcast %add3A_86 : f32 to vector<512xf32>
    %add3A_88 = arith.addf %select_n3A_80, %add3A_87 : vector<512xf32>
    %sqrt3A_89 = math.sqrt %add3A_88 : vector<512xf32>
    %broadcast_in_dim3A_90 = vector.shape_cast %sqrt3A_89 : vector<512xf32> to vector<1x512xf32>
    %div3A_91 = vector.broadcast %broadcast_in_dim3A_90 : vector<1x512xf32> to vector<2x512xf32>
    %div3A_92 = arith.divf %mul3A_85, %div3A_91 : vector<2x512xf32>
    %add3A_93 = vector.broadcast %get3A_53 : vector<1x512xf32> to vector<2x512xf32>
    %add3A_94 = arith.addf %div3A_92, %add3A_93 : vector<2x512xf32>
    %max3A_95 = arith.constant 0.000000e+00 : f32
    %max3A_96 = vector.broadcast %max3A_95 : f32 to vector<2x512xf32>
    %max3A_97 = arith.maximumf %add3A_94, %max3A_96 : vector<2x512xf32>
    %get3A_98 = arith.constant 0 : index
    %get3A_99 = arith.constant 0 : index
    %get3A_100 = vector.load %arg8[%get3A_98, %get3A_99] : memref<512x512xf32, #tpu.memory_space<vmem>>, vector<512x512xf32>
    %dot_general3A_101 = arith.constant dense<0.000000e+00> : vector<2x512xf32>
    %dot_general3A_102 = tpu.matmul %max3A_97, %get3A_100, %dot_general3A_101 {dimension_numbers = #tpu.dot_dimension_numbers<[1], [0], [0], [1], [0, 0, 1, 1], [], []>, transpose_lhs_hint = false} : vector<2x512xf32>, vector<512x512xf32>, vector<2x512xf32> -> vector<2x512xf32>
    %get3A_103 = arith.constant 0 : index
    %get3A_104 = arith.constant 0 : index
    %get3A_105 = vector.load %arg9[%get3A_103, %get3A_104] : memref<1x512xf32, #tpu.memory_space<vmem>>, vector<1x512xf32>
    %add3A_106 = vector.broadcast %get3A_105 : vector<1x512xf32> to vector<2x512xf32>
    %add3A_107 = arith.addf %dot_general3A_102, %add3A_106 : vector<2x512xf32>
    %get3A_108 = arith.constant 0 : index
    %get3A_109 = arith.constant 0 : index
    %get3A_110 = vector.load %arg10[%get3A_108, %get3A_109] : memref<512x512xf32, #tpu.memory_space<vmem>>, vector<512x512xf32>
    %dot_general3A_111 = arith.constant dense<0.000000e+00> : vector<2x512xf32>
    %dot_general3A_112 = tpu.matmul %add3A_107, %get3A_110, %dot_general3A_111 {dimension_numbers = #tpu.dot_dimension_numbers<[1], [0], [0], [1], [0, 0, 1, 1], [], []>, transpose_lhs_hint = false} : vector<2x512xf32>, vector<512x512xf32>, vector<2x512xf32> -> vector<2x512xf32>
    %get3A_113 = arith.constant 0 : index
    %get3A_114 = arith.constant 0 : index
    %get3A_115 = vector.load %arg11[%get3A_113, %get3A_114] : memref<1x512xf32, #tpu.memory_space<vmem>>, vector<1x512xf32>
    %add3A_116 = vector.broadcast %get3A_115 : vector<1x512xf32> to vector<2x512xf32>
    %add3A_117 = arith.addf %dot_general3A_112, %add3A_116 : vector<2x512xf32>
    %get3A_118 = arith.constant 0 : index
    %get3A_119 = arith.constant 0 : index
    %get3A_120 = vector.load %arg12[%get3A_118, %get3A_119] : memref<1x512xf32, #tpu.memory_space<vmem>>, vector<1x512xf32>
    %get3A_121 = arith.constant 0 : index
    %get3A_122 = arith.constant 0 : index
    %get3A_123 = vector.load %arg13[%get3A_121, %get3A_122] : memref<1x512xf32, #tpu.memory_space<vmem>>, vector<1x512xf32>
    %reduce_sum3A_124 = arith.constant dense<0.000000e+00> : vector<512xf32>
    %reduce_sum3A_125 = vector.multi_reduction <add>, %add3A_117, %reduce_sum3A_124 [0] : vector<2x512xf32> to vector<512xf32>
    %div3A_126 = arith.constant 2.000000e+00 : f32
    %div3A_127 = vector.broadcast %div3A_126 : f32 to vector<512xf32>
    %div3A_128 = arith.divf %reduce_sum3A_125, %div3A_127 : vector<512xf32>
    %jit3A_129 = arith.constant 0 : i32
    %reduce_sum3A_130 = arith.constant dense<0.000000e+00> : vector<512xf32>
    %reduce_sum3A_131 = vector.multi_reduction <add>, %add3A_117, %reduce_sum3A_130 [0] : vector<2x512xf32> to vector<512xf32>
    %broadcast_in_dim3A_132 = vector.shape_cast %reduce_sum3A_131 : vector<512xf32> to vector<1x512xf32>
    %div3A_133 = arith.constant 2.000000e+00 : f32
    %div3A_134 = vector.broadcast %div3A_133 : f32 to vector<1x512xf32>
    %div3A_135 = arith.divf %broadcast_in_dim3A_132, %div3A_134 : vector<1x512xf32>
    %sub3A_136 = vector.broadcast %div3A_135 : vector<1x512xf32> to vector<2x512xf32>
    %sub3A_137 = arith.subf %add3A_117, %sub3A_136 : vector<2x512xf32>
    %square3A_138 = arith.mulf %sub3A_137, %sub3A_137 : vector<2x512xf32>
    %convert_element_type3A_139 = arith.sitofp %jit3A_129 : i32 to f32
    %sub3A_140 = arith.constant 2.000000e+00 : f32
    %sub3A_141 = arith.subf %sub3A_140, %convert_element_type3A_139 : f32
    %reduce_sum3A_142 = arith.constant dense<0.000000e+00> : vector<512xf32>
    %reduce_sum3A_143 = vector.multi_reduction <add>, %square3A_138, %reduce_sum3A_142 [0] : vector<2x512xf32> to vector<512xf32>
    %div3A_144 = vector.broadcast %sub3A_141 : f32 to vector<512xf32>
    %div3A_145 = arith.divf %reduce_sum3A_143, %div3A_144 : vector<512xf32>
    %gt3A_146 = arith.constant 0.000000e+00 : f32
    %gt3A_147 = arith.cmpf ogt, %sub3A_141, %gt3A_146 : f32
    %jit3A_148 = arith.constant 0x7FC00000 : f32
    %broadcast_in_dim3A_149 = vector.broadcast %jit3A_148 : f32 to vector<512xf32>
    %select_n3A_150 = arith.select %gt3A_147, %div3A_145, %broadcast_in_dim3A_149 : vector<512xf32>
    %broadcast_in_dim3A_151 = vector.shape_cast %div3A_128 : vector<512xf32> to vector<1x512xf32>
    %sub3A_152 = vector.broadcast %broadcast_in_dim3A_151 : vector<1x512xf32> to vector<2x512xf32>
    %sub3A_153 = arith.subf %add3A_117, %sub3A_152 : vector<2x512xf32>
    %mul3A_154 = vector.broadcast %get3A_120 : vector<1x512xf32> to vector<2x512xf32>
    %mul3A_155 = arith.mulf %mul3A_154, %sub3A_153 : vector<2x512xf32>
    %add3A_156 = arith.constant 9.99999974E-6 : f32
    %add3A_157 = vector.broadcast %add3A_156 : f32 to vector<512xf32>
    %add3A_158 = arith.addf %select_n3A_150, %add3A_157 : vector<512xf32>
    %sqrt3A_159 = math.sqrt %add3A_158 : vector<512xf32>
    %broadcast_in_dim3A_160 = vector.shape_cast %sqrt3A_159 : vector<512xf32> to vector<1x512xf32>
    %div3A_161 = vector.broadcast %broadcast_in_dim3A_160 : vector<1x512xf32> to vector<2x512xf32>
    %div3A_162 = arith.divf %mul3A_155, %div3A_161 : vector<2x512xf32>
    %add3A_163 = vector.broadcast %get3A_123 : vector<1x512xf32> to vector<2x512xf32>
    %add3A_164 = arith.addf %div3A_162, %add3A_163 : vector<2x512xf32>
    %max3A_165 = arith.constant 0.000000e+00 : f32
    %max3A_166 = vector.broadcast %max3A_165 : f32 to vector<2x512xf32>
    %max3A_167 = arith.maximumf %add3A_164, %max3A_166 : vector<2x512xf32>
    %get3A_168 = arith.constant 0 : index
    %get3A_169 = arith.constant 0 : index
    %get3A_170 = vector.load %arg14[%get3A_168, %get3A_169] : memref<512x512xf32, #tpu.memory_space<vmem>>, vector<512x512xf32>
    %dot_general3A_171 = arith.constant dense<0.000000e+00> : vector<2x512xf32>
    %dot_general3A_172 = tpu.matmul %max3A_167, %get3A_170, %dot_general3A_171 {dimension_numbers = #tpu.dot_dimension_numbers<[1], [0], [0], [1], [0, 0, 1, 1], [], []>, transpose_lhs_hint = false} : vector<2x512xf32>, vector<512x512xf32>, vector<2x512xf32> -> vector<2x512xf32>
    %get3A_173 = arith.constant 0 : index
    %get3A_174 = arith.constant 0 : index
    %get3A_175 = vector.load %arg15[%get3A_173, %get3A_174] : memref<1x512xf32, #tpu.memory_space<vmem>>, vector<1x512xf32>
    %add3A_176 = vector.broadcast %get3A_175 : vector<1x512xf32> to vector<2x512xf32>
    %add3A_177 = arith.addf %dot_general3A_172, %add3A_176 : vector<2x512xf32>
    %get3A_178 = arith.constant 0 : index
    %get3A_179 = arith.constant 0 : index
    %get3A_180 = vector.load %arg16[%get3A_178, %get3A_179] : memref<1x512xf32, #tpu.memory_space<vmem>>, vector<1x512xf32>
    %get3A_181 = arith.constant 0 : index
    %get3A_182 = arith.constant 0 : index
    %get3A_183 = vector.load %arg17[%get3A_181, %get3A_182] : memref<1x512xf32, #tpu.memory_space<vmem>>, vector<1x512xf32>
    %reduce_sum3A_184 = arith.constant dense<0.000000e+00> : vector<512xf32>
    %reduce_sum3A_185 = vector.multi_reduction <add>, %add3A_177, %reduce_sum3A_184 [0] : vector<2x512xf32> to vector<512xf32>
    %div3A_186 = arith.constant 2.000000e+00 : f32
    %div3A_187 = vector.broadcast %div3A_186 : f32 to vector<512xf32>
    %div3A_188 = arith.divf %reduce_sum3A_185, %div3A_187 : vector<512xf32>
    %jit3A_189 = arith.constant 0 : i32
    %reduce_sum3A_190 = arith.constant dense<0.000000e+00> : vector<512xf32>
    %reduce_sum3A_191 = vector.multi_reduction <add>, %add3A_177, %reduce_sum3A_190 [0] : vector<2x512xf32> to vector<512xf32>
    %broadcast_in_dim3A_192 = vector.shape_cast %reduce_sum3A_191 : vector<512xf32> to vector<1x512xf32>
    %div3A_193 = arith.constant 2.000000e+00 : f32
    %div3A_194 = vector.broadcast %div3A_193 : f32 to vector<1x512xf32>
    %div3A_195 = arith.divf %broadcast_in_dim3A_192, %div3A_194 : vector<1x512xf32>
    %sub3A_196 = vector.broadcast %div3A_195 : vector<1x512xf32> to vector<2x512xf32>
    %sub3A_197 = arith.subf %add3A_177, %sub3A_196 : vector<2x512xf32>
    %square3A_198 = arith.mulf %sub3A_197, %sub3A_197 : vector<2x512xf32>
    %convert_element_type3A_199 = arith.sitofp %jit3A_189 : i32 to f32
    %sub3A_200 = arith.constant 2.000000e+00 : f32
    %sub3A_201 = arith.subf %sub3A_200, %convert_element_type3A_199 : f32
    %reduce_sum3A_202 = arith.constant dense<0.000000e+00> : vector<512xf32>
    %reduce_sum3A_203 = vector.multi_reduction <add>, %square3A_198, %reduce_sum3A_202 [0] : vector<2x512xf32> to vector<512xf32>
    %div3A_204 = vector.broadcast %sub3A_201 : f32 to vector<512xf32>
    %div3A_205 = arith.divf %reduce_sum3A_203, %div3A_204 : vector<512xf32>
    %gt3A_206 = arith.constant 0.000000e+00 : f32
    %gt3A_207 = arith.cmpf ogt, %sub3A_201, %gt3A_206 : f32
    %jit3A_208 = arith.constant 0x7FC00000 : f32
    %broadcast_in_dim3A_209 = vector.broadcast %jit3A_208 : f32 to vector<512xf32>
    %select_n3A_210 = arith.select %gt3A_207, %div3A_205, %broadcast_in_dim3A_209 : vector<512xf32>
    %broadcast_in_dim3A_211 = vector.shape_cast %div3A_188 : vector<512xf32> to vector<1x512xf32>
    %sub3A_212 = vector.broadcast %broadcast_in_dim3A_211 : vector<1x512xf32> to vector<2x512xf32>
    %sub3A_213 = arith.subf %add3A_177, %sub3A_212 : vector<2x512xf32>
    %mul3A_214 = vector.broadcast %get3A_180 : vector<1x512xf32> to vector<2x512xf32>
    %mul3A_215 = arith.mulf %mul3A_214, %sub3A_213 : vector<2x512xf32>
    %add3A_216 = arith.constant 9.99999974E-6 : f32
    %add3A_217 = vector.broadcast %add3A_216 : f32 to vector<512xf32>
    %add3A_218 = arith.addf %select_n3A_210, %add3A_217 : vector<512xf32>
    %sqrt3A_219 = math.sqrt %add3A_218 : vector<512xf32>
    %broadcast_in_dim3A_220 = vector.shape_cast %sqrt3A_219 : vector<512xf32> to vector<1x512xf32>
    %div3A_221 = vector.broadcast %broadcast_in_dim3A_220 : vector<1x512xf32> to vector<2x512xf32>
    %div3A_222 = arith.divf %mul3A_215, %div3A_221 : vector<2x512xf32>
    %add3A_223 = vector.broadcast %get3A_183 : vector<1x512xf32> to vector<2x512xf32>
    %add3A_224 = arith.addf %div3A_222, %add3A_223 : vector<2x512xf32>
    %max3A_225 = arith.constant 0.000000e+00 : f32
    %max3A_226 = vector.broadcast %max3A_225 : f32 to vector<2x512xf32>
    %max3A_227 = arith.maximumf %add3A_224, %max3A_226 : vector<2x512xf32>
    %get3A_228 = arith.constant 0 : index
    %get3A_229 = arith.constant 0 : index
    %get3A_230 = vector.load %arg18[%get3A_228, %get3A_229] : memref<512x5000xf32, #tpu.memory_space<vmem>>, vector<512x5000xf32>
    %dot_general3A_231 = arith.constant dense<0.000000e+00> : vector<2x5000xf32>
    %dot_general3A_232 = tpu.matmul %max3A_227, %get3A_230, %dot_general3A_231 {dimension_numbers = #tpu.dot_dimension_numbers<[1], [0], [0], [1], [0, 0, 1, 1], [], []>, transpose_lhs_hint = false} : vector<2x512xf32>, vector<512x5000xf32>, vector<2x5000xf32> -> vector<2x5000xf32>
    %get3A_233 = arith.constant 0 : index
    %get3A_234 = arith.constant 0 : index
    %get3A_235 = vector.load %arg19[%get3A_233, %get3A_234] : memref<1x5000xf32, #tpu.memory_space<vmem>>, vector<1x5000xf32>
    %add3A_236 = vector.broadcast %get3A_235 : vector<1x5000xf32> to vector<2x5000xf32>
    %add3A_237 = arith.addf %dot_general3A_232, %add3A_236 : vector<2x5000xf32>
    %swap3A = arith.constant 0 : index
    %swap3A_238 = arith.constant 0 : index
    %swap3A_239 = vector.load %arg20[%swap3A, %swap3A_238] : memref<2x5000xf32, #tpu.memory_space<vmem>>, vector<2x5000xf32>
    tpu.vector_store %arg20[%swap3A, %swap3A_238], %add3A_237 {strides = array<i32>} : memref<2x5000xf32, #tpu.memory_space<vmem>>, vector<2x5000xf32>,
    return
  }
  func.func @transform_0(%arg0: i32) -> (i32, i32) {
    %c0_i32 = arith.constant 0 : i32
    %c0_i32_0 = arith.constant 0 : i32
    %c0_i32_1 = arith.constant 0 : i32
    return %c0_i32, %c0_i32_0 : i32, i32
  }
  func.func @transform_1(%arg0: i32) -> (i32, i32) {
    %c0_i32 = arith.constant 0 : i32
    %c0_i32_0 = arith.constant 0 : i32
    %c0_i32_1 = arith.constant 0 : i32
    return %c0_i32, %c0_i32_0 : i32, i32
  }
  func.func @transform_2(%arg0: i32) -> (i32, i32) {
    %c0_i32 = arith.constant 0 : i32
    %c0_i32_0 = arith.constant 0 : i32
    %c0_i32_1 = arith.constant 0 : i32
    return %c0_i32, %c0_i32_0 : i32, i32
  }
  func.func @transform_3(%arg0: i32) -> (i32, i32) {
    %c0_i32 = arith.constant 0 : i32
    %c0_i32_0 = arith.constant 0 : i32
    %c0_i32_1 = arith.constant 0 : i32
    return %c0_i32, %c0_i32_0 : i32, i32
  }
  func.func @transform_4(%arg0: i32) -> (i32, i32) {
    %c0_i32 = arith.constant 0 : i32
    %c0_i32_0 = arith.constant 0 : i32
    %c0_i32_1 = arith.constant 0 : i32
    return %c0_i32, %c0_i32_0 : i32, i32
  }
  func.func @transform_5(%arg0: i32) -> (i32, i32) {
    %c0_i32 = arith.constant 0 : i32
    %c0_i32_0 = arith.constant 0 : i32
    %c0_i32_1 = arith.constant 0 : i32
    return %c0_i32, %c0_i32_0 : i32, i32
  }
  func.func @transform_6(%arg0: i32) -> (i32, i32) {
    %c0_i32 = arith.constant 0 : i32
    %c0_i32_0 = arith.constant 0 : i32
    %c0_i32_1 = arith.constant 0 : i32
    return %c0_i32, %c0_i32_0 : i32, i32
  }
  func.func @transform_7(%arg0: i32) -> (i32, i32) {
    %c0_i32 = arith.constant 0 : i32
    %c0_i32_0 = arith.constant 0 : i32
    %c0_i32_1 = arith.constant 0 : i32
    return %c0_i32, %c0_i32_0 : i32, i32
  }
  func.func @transform_8(%arg0: i32) -> (i32, i32) {
    %c0_i32 = arith.constant 0 : i32
    %c0_i32_0 = arith.constant 0 : i32
    %c0_i32_1 = arith.constant 0 : i32
    return %c0_i32, %c0_i32_0 : i32, i32
  }
  func.func @transform_9(%arg0: i32) -> (i32, i32) {
    %c0_i32 = arith.constant 0 : i32
    %c0_i32_0 = arith.constant 0 : i32
    %c0_i32_1 = arith.constant 0 : i32
    return %c0_i32, %c0_i32_0 : i32, i32
  }
  func.func @transform_10(%arg0: i32) -> (i32, i32) {
    %c0_i32 = arith.constant 0 : i32
    %c0_i32_0 = arith.constant 0 : i32
    %c0_i32_1 = arith.constant 0 : i32
    return %c0_i32, %c0_i32_0 : i32, i32
  }
  func.func @transform_11(%arg0: i32) -> (i32, i32) {
    %c0_i32 = arith.constant 0 : i32
    %c0_i32_0 = arith.constant 0 : i32
    %c0_i32_1 = arith.constant 0 : i32
    return %c0_i32, %c0_i32_0 : i32, i32
  }
  func.func @transform_12(%arg0: i32) -> (i32, i32) {
    %c0_i32 = arith.constant 0 : i32
    %c0_i32_0 = arith.constant 0 : i32
    %c0_i32_1 = arith.constant 0 : i32
    return %c0_i32, %c0_i32_0 : i32, i32
  }
  func.func @transform_13(%arg0: i32) -> (i32, i32) {
    %c0_i32 = arith.constant 0 : i32
    %c0_i32_0 = arith.constant 0 : i32
    %c0_i32_1 = arith.constant 0 : i32
    return %c0_i32, %c0_i32_0 : i32, i32
  }
  func.func @transform_14(%arg0: i32) -> (i32, i32) {
    %c0_i32 = arith.constant 0 : i32
    %c0_i32_0 = arith.constant 0 : i32
    %c0_i32_1 = arith.constant 0 : i32
    return %c0_i32, %c0_i32_0 : i32, i32
  }
  func.func @transform_15(%arg0: i32) -> (i32, i32) {
    %c0_i32 = arith.constant 0 : i32
    %c0_i32_0 = arith.constant 0 : i32
    %c0_i32_1 = arith.constant 0 : i32
    return %c0_i32, %c0_i32_0 : i32, i32
  }
  func.func @transform_16(%arg0: i32) -> (i32, i32) {
    %c0_i32 = arith.constant 0 : i32
    %c0_i32_0 = arith.constant 0 : i32
    %c0_i32_1 = arith.constant 0 : i32
    return %c0_i32, %c0_i32_0 : i32, i32
  }
  func.func @transform_17(%arg0: i32) -> (i32, i32) {
    %c0_i32 = arith.constant 0 : i32
    %c0_i32_0 = arith.constant 0 : i32
    %c0_i32_1 = arith.constant 0 : i32
    return %c0_i32, %c0_i32_0 : i32, i32
  }
  func.func @transform_18(%arg0: i32) -> (i32, i32) {
    %c0_i32 = arith.constant 0 : i32
    %c0_i32_0 = arith.constant 0 : i32
    %c0_i32_1 = arith.constant 0 : i32
    return %c0_i32, %c0_i32_0 : i32, i32
  }
  func.func @transform_19(%arg0: i32) -> (i32, i32) {
    %c0_i32 = arith.constant 0 : i32
    %c0_i32_0 = arith.constant 0 : i32
    %c0_i32_1 = arith.constant 0 : i32
    return %c0_i32, %c0_i32_0 : i32, i32
  }
}

</mosaic_0001>

<sc_bundles>
// kernel: scatter_offload_async_start.1
scs
__scs_entry_jumppad:
0x0: {  	(pc) =	sbr.rel $0x88, $3  }
0x1: {  	(tag) =	ssettag $0x0;
	lr =	simm.s32 $0x1  }
0x2: {  	[smem:$0x3F81] =	sst lr;
	_ =	strace $0xD0000000  }
0x3: {  	_ = 	snop  }
0x4: {  	_ = 	snop  }
0x5: {  	_ = 	snop  }
0x6: {  	_ = 	snop  }
0x7: {  	_ = 	snop  }
__scs_overlays_trampoline_lowered:
0x8: {  	[smem:$0x3F90] =	sst s0  }
0x9: {  	[smem:$0x3F91] =	sst s1  }
0xa: {  	[smem:$0x3F92] =	sst s2  }
0xb: {  	[smem:$0x3F93] =	sst s3  }
0xc: {  	[smem:$0x3F94] =	sst s4  }
0xd: {  	[smem:$0x3F95] =	sst s5  }
0xe: {  	[smem:$0x3F96] =	sst s6  }
0xf: {  	[smem:$0x3F97] =	sst s7  }
0x10: {  	[smem:$0x3F98] =	sst s8  }
0x11: {  	[smem:$0x3F99] =	sst s9;
	s0 =	simm.s32 @!p0 $0x0  }
0x12: {  	s1 =	sld [smem:$0x3F7F];
	s0 =	simm.s32 @p0 $0x1  }
0x13: {  	[smem:$0x3F9A] =	sst s0;
	s0 =	simm.s32 @!p1 $0x0  }
0x14: {  	s2 =	sld [smem:$0x3F7E];
	s0 =	simm.s32 @p1 $0x1  }
0x15: {  	[smem:$0x3F9B] =	sst s0;
	s0 =	simm.s32 @!p2 $0x0  }
0x16: {  	s3 =	sld [smem:$0x3FDB];
	s0 =	simm.s32 @p2 $0x1  }
0x17: {  	s4 =	simm.s32 $0x1BF5;
	[smem:$0x3F9D] =	sst s0  }
0x18: {  	s0 =	sld [smem:$0x3F80];
	_ =	swait.ge [sflag:s4], $0x0  }
0x19: {  	s7 =	sld [smem:$0x3F81]  }
0x1a: {  	s8 =	sadd.s32 $0xFFFFE003, lr  }
0x1b: {  	s9 =	sadd.s32 $0xFFFFFEF7, lr;
	s5 =	simm.s32 $0xFFFFFFFF;
	p2 =	slt.u32 s8, $0xFFFFF086  }
0x1c: {  	p1 =	slt.u32 s9, $0xF7A;
	s5 =	simm.s32 @!p2 $0x0  }
0x1d: {  	s5 =	simm.s32 @p1 $0x1;
	p0 =	seq.s32 s7, s2  }
0x1e: {  	s7 =	smul.u32 @!p0 $0xF7A, s2;
	p2 =	seq.s32 @!p0 s5, $0x0  }
0x1f: {  	s9 =	smul.u32 $0xF7A, s1;
	s8 =	simm.s32 @!p0 $0x1BF5;
	p2 =	por !p2, p0  }
0x20: {  	[sflag:s8] =	ssyncset.s32 @!p0 $0xFFFFF086;
	s6 =	sadd.s32 @!p0 s3, s7;
	s7 =	simm.s32 @!p0 $0x108  }
0x21: {  	s3 =	sadd.s32 s3, s9;
	s6 =	sadd.s32 @!p0 $0x88, s6;
	s7 =	simm.s32 @p2 $0x1082  }
0x22: {  	[simem:s7], [sflag:s8] =	dma.local @!p0 [hbm:s6], $0xF7A  }
0x23: {  	s9 =	sor.u32 $0xD0000000, s2;
	s6 =	simm.s32 $0x108;
	_ =	swait.ge @!p0 [sflag:s8], $0x0  }
0x24: {  	s3 =	sadd.s32 $0x88, s3;
	s6 =	simm.s32 @!p1 $0x1082;
	[sflag:s4] =	ssyncset.s32 $0xFFFFF086  }
0x25: {  	[simem:s6], [sflag:s4] =	dma.local [hbm:s3], $0xF7A  }
0x26: {  	[smem:$0x3F81] =	sst s1;
	(tag) =	ssettag s2;
	_ =	strace s9  }
0x27: {  	s1 =	sld [smem:$0x3F91]  }
0x28: {  	s2 =	sld [smem:$0x3F92]  }
0x29: {  	s4 =	sld [smem:$0x3F94]  }
0x2a: {  	p0 =	seq.s32 s5, $0x0;
	s5 =	sld [smem:$0x3F95]  }
0x2b: {  	s6 =	sld [smem:$0x3F96]  }
0x2c: {  	s7 =	sld [smem:$0x3F97]  }
0x2d: {  	s3 =	simm.s32 $0x108;
	s8 =	sld [smem:$0x3F98]  }
0x2e: {  	s3 =	simm.s32 @!p0 $0x1082;
	s9 =	sld [smem:$0x3F99]  }
0x2f: {  	lr =	sadd.s32 s0, s3;
	s0 =	sld [smem:$0x3F90]  }
0x30: {  	s3 =	sld [smem:$0x3F93]  }
0x31: {  	[smem:$0x3F9C] =	sst s10  }
0x32: {  	s10 =	sld [smem:$0x3F9A];
	_ =	sdelay $0x3  }
0x33: {  	p0 =	seq.s32 s10, $0x1;
	s10 =	sld [smem:$0x3F9C];
	_ =	sdelay $0x3  }
0x34: {  	[smem:$0x3F9C] =	sst s10  }
0x35: {  	s10 =	sld [smem:$0x3F9B];
	_ =	sdelay $0x3  }
0x36: {  	p1 =	seq.s32 s10, $0x1;
	s10 =	sld [smem:$0x3F9C];
	_ =	sdelay $0x3  }
0x37: {  	[smem:$0x3F9C] =	sst s10  }
0x38: {  	s10 =	sld [smem:$0x3F9D]  }
0x39: {  	_ = 	snop;
	(pc) =	sbr.ind lr, $3  }
0x3a: {  	_ = 	snop  }
0x3b: {  	_ = 	snop  }
0x3c: {  	p2 =	seq.s32 s10, $0x1;
	s10 =	sld [smem:$0x3F9C]  }
0x3d: {  	_ =	shalt  }
0x3e: {  	_ =	shalt  }
0x3f: {  	_ =	shalt  }
0x40: {  	_ =	shalt  }
0x41: {  	_ =	shalt  }
0x42: {  	_ =	shalt  }
0x43: {  	_ =	shalt  }
0x44: {  	_ =	shalt  }
0x45: {  	_ =	shalt  }
0x46: {  	_ =	shalt  }
0x47: {  	_ =	shalt  }
0x48: {  	_ =	shalt  }
0x49: {  	_ =	shalt  }
0x4a: {  	_ =	shalt  }
0x4b: {  	_ =	shalt  }
0x4c: {  	_ =	shalt  }
0x4d: {  	_ =	shalt  }
0x4e: {  	_ =	shalt  }
0x4f: {  	_ =	shalt  }
0x50: {  	_ =	shalt  }
0x51: {  	_ =	shalt  }
0x52: {  	_ =	shalt  }
0x53: {  	_ =	shalt  }
0x54: {  	_ =	shalt  }
0x55: {  	_ =	shalt  }
0x56: {  	_ =	shalt  }
0x57: {  	_ =	shalt  }
0x58: {  	_ =	shalt  }
0x59: {  	_ =	shalt  }
0x5a: {  	_ =	shalt  }
0x5b: {  	_ =	shalt  }
0x5c: {  	_ =	shalt  }
0x5d: {  	_ =	shalt  }
0x5e: {  	_ =	shalt  }
0x5f: {  	_ =	shalt  }
0x60: {  	_ =	shalt  }
0x61: {  	_ =	shalt  }
0x62: {  	_ =	shalt  }
0x63: {  	_ =	shalt  }
0x64: {  	_ =	shalt  }
0x65: {  	_ =	shalt  }
0x66: {  	_ =	shalt  }
0x67: {  	_ =	shalt  }
0x68: {  	_ =	shalt  }
0x69: {  	_ =	shalt  }
0x6a: {  	_ =	shalt  }
0x6b: {  	_ =	shalt  }
0x6c: {  	_ =	shalt  }
0x6d: {  	_ =	shalt  }
0x6e: {  	_ =	shalt  }
0x6f: {  	_ =	shalt  }
0x70: {  	_ =	shalt  }
0x71: {  	_ =	shalt  }
0x72: {  	_ =	shalt  }
0x73: {  	_ =	shalt  }
0x74: {  	_ =	shalt  }
0x75: {  	_ =	shalt  }
0x76: {  	_ =	shalt  }
0x77: {  	_ =	shalt  }
0x78: {  	_ =	shalt  }
0x79: {  	_ =	shalt  }
0x7a: {  	_ =	shalt  }
0x7b: {  	_ =	shalt  }
0x7c: {  	_ =	shalt  }
0x7d: {  	_ =	shalt  }
0x7e: {  	_ =	shalt  }
0x7f: {  	_ =	shalt  }
0x80: {  	_ =	shalt  }
0x81: {  	_ =	shalt  }
0x82: {  	_ =	shalt  }
0x83: {  	_ =	shalt  }
0x84: {  	_ =	shalt  }
0x85: {  	_ =	shalt  }
0x86: {  	_ =	shalt  }
0x87: {  	_ =	shalt  }
.Lfunc_end0:
.L_simem_size_0:
called_computation.1_lowered:
.L_overlay_start_0:
0x88: {  	s0 =	sld [smem:$0x3FD9]  }
0x89: {  	s1 =	sld [smem:$0x3FFE];
	_ =	sdelay $0x3  }
0x8a: {  	s0 =	sadd.s32 s1, s0  }
0x8b: {  	[smem:$0x3FA8] =	sst s0  }
0x8c: {  	_ = 	snop  }
0x8d: {  	(tm) =	ssettm $0x1  }
0x8e: {  	s14 =	sld [smem:$0x3FFB];
	_ =	sdelay $0x3  }
0x8f: {  	_ =	strace s14  }
0x90: {  	s0 =	sld [smem:$0x3FFC];
	_ =	sdelay $0x3  }
0x91: {  	_ =	strace s0  }
0x92: {  	s0 =	sld [smem:$0x3FFD];
	_ =	sdelay $0x3  }
0x93: {  	_ =	strace s0  }
0x94: {  	_ =	strace $0x8FFFFFFF  }
0x95: {  	s15 =	sld [smem:$0x3FDB];
	_ =	sdelay $0x1  }
0x96: {  	s16 =	simm.s32 $_scs_section_size  }
0x97: {  	s2 =	simm.s32 $_size__tile_overlayer_lowered;
	s3 =	simm.s32 $_tile_overlayer_lowered  }
0x98: {  	s4 =	simm.s32 $0x1BFF;
	s17 =	sshll.u32 s3, $0x1;
	s1 =	sadd.s32 s16, s15  }
0x99: {  	s18 =	simm.s32 $0x0;
	s2 =	sshll.u32 s2, $0x1;
	s3 =	sadd.s32 s17, s1  }
0x9a: {  	[timem:s18], [sflag:s4] =	dma.local [hbm:s3], s2  }
0x9b: {  	_ =	swait.ge [sflag:s4], s2  }
0x9c: {  	s2 =	ssub.s32 $0x0, s2;
	[sflag:s4] =	ssyncset.done $0x0  }
0x9d: {  	[sflag:s4] =	ssyncadd.s32 s2;
	_ =	sdelay $0x1  }
0x9e: {  	s19 =	simm.s32 $0x1B8B  }
0x9f: {  	_ =	swait.ge [sflag:s19], $0x1  }
0xa0: {  	[sflag:s19] =	ssyncset.done $0x0  }
0xa1: {  	s21 =	simm.s32 $0x1B8E;
	s20 =	sld [smem:$0x3FFE];
	[sflag:s19] =	ssyncadd.s32 $0xFFFFFFFF  }
0xa2: {  	s22 =	simm.s32 $execute0_lowered;
	[smem:$0x3FD2] =	sst s21  }
0xa3: {  	s3 =	sshll.u32 s22, $0x1;
	_ =	strace $0x8000004C;
	[dreg:$0x1] =	wrdreg $0xFFFFFFFF  }
0xa4: {  	s23 =	simm.s32 $_size_execute0_lowered;
	s3 =	sadd.s32 s1, s3;
	[dreg:$0x0] =	wrdreg $0x0  }
0xa5: {  	s4 =	sshll.u32 s23, $0x1;
	[dreg:$0x2] =	wrdreg s3  }
0xa6: {  	[dreg:$0x3] =	wrdreg s4  }
0xa7: {  	[dreg:$0x4] =	wrdreg $0xC0  }
0xa8: {  	s24 =	simm.s32 $execute1_lowered;
	_ =	task [dreg:s18], $0x5FFFF  }
0xa9: {  	s3 =	sshll.u32 s24, $0x1;
	[dreg:$0x1] =	wrdreg $0xFFFFFFFF  }
0xaa: {  	s1 =	sadd.s32 s1, s3;
	[dreg:$0x0] =	wrdreg $0x60  }
0xab: {  	[dreg:$0x2] =	wrdreg s1  }
0xac: {  	[dreg:$0x3] =	wrdreg s20  }
0xad: {  	[dreg:$0x4] =	wrdreg $0x9  }
0xae: {  	_ =	task.clear_ibuf [dreg:s18], $0x5FFFF;
	_ =	strace $0x9000004C  }
0xaf: {  	s25 =	simm.s32 $0x9;
	_ =	strace $0x8000004E  }
0xb0: {  	_ =	swait.ge [sflag:s25], $0x1  }
0xb1: {  	[sflag:s25] =	ssyncadd.s32 $0xFFFFFFFF  }
0xb2: {  	_ =	strace $0x9000004E  }
0xb3: {  	_ =	strace $0x8000004F;
	[dreg:$0x1] =	wrdreg $0xFFFFFFFF  }
0xb4: {  	[dreg:$0x0] =	wrdreg $0x2030  }
0xb5: {  	[dreg:$0x2] =	wrdreg s20  }
0xb6: {  	[dreg:$0x3] =	wrdreg $0xA  }
0xb7: {  	_ =	task.clear_ibuf [dreg:s18], $0x4FFFF;
	_ =	strace $0x9000004F  }
0xb8: {  	s26 =	simm.s32 $0xA;
	_ =	strace $0x80000051  }
0xb9: {  	_ =	swait.ge [sflag:s26], $0x1  }
0xba: {  	[sflag:s26] =	ssyncadd.s32 $0xFFFFFFFF  }
0xbb: {  	_ =	strace $0x90000051  }
0xbc: {  	_ =	sfence  }
0xbd: {  	s28 =	sld [smem:$0x0];
	_ =	sdelay $0x1  }
0xbe: {  	s29 =	srdreg.scid  }
0xbf: {  	s30 =	sshll.u32 s29, $0xD;
	s31 =	sshrl.u32 s29, $0x2  }
0xc0: {  	s2 =	sand.u32 $0x1, s29;
	s3 =	sand.u32 $0x4000, s30;
	s1 =	sadd.s32 s31, s28  }
0xc1: {  	s2 =	sor.u32 s3, s2;
	s1 =	sshll.u32 s1, $0x11  }
0xc2: {  	s1 =	sor.u32 s1, s2  }
0xc3: {  	s1 =	sadd.s32 $0x8F2B, s1  }
0xc4: {  	[sflag:s1] =	ssyncadd.remote.s32 $0x1  }
0xc5: {  	_ =	sfence.sel $0xFFFF  }
0xc6: {  	[dreg:$0x0] =	wrdreg $0xFFFFFFFF;
	(pc) =	sbr.abs _section_cstart, $3  }
0xc7: {  	[dreg:$0x1] =	wrdreg $0xFFFFFFFF  }
0xc8: {  	_ =	task.clear_ibuf [dreg:s18], $0x2FFFF;
	_ =	strace $0x9FFFFFFF  }
0xc9: {  	(tm) =	ssettm $0x7FFFFFFF  }
tec
execute0_lowered:
.L_overlay_start_1:
0x0: {  	(tag) =	ssettag $0x1  }
0x1: {  	s2 =	rddreg [dreg:$0x0]  }
0x2: {  	s4 =	rddreg [dreg:$0x1]  }
0x3: {  	s0 =	rddreg [dreg:$0x2];
	s3 =	stileid.u32  }
0x4: {  	[bflag:$0x3] =	sbarrier.arrive $0xFFFF;
	s1 =	simm.s32 $_size_execute1_lowered;
	p0 =	sne.s32 s3, $0x0  }
0x5: {  	s1 =	sshll.u32 s1, $0x1;
	s5 =	simm.s32 @!p0 $0x1C3F;
	s6 =	simm.s32 @!p0 $0x4060  }
0x6: {  	[timem:s6], [sflag:s5] =	dma.local @!p0 [hbm:s2], s1  }
0x7: {  	s2 =	smul.u32 $0x280, s3  }
.Ltmp0:
0x8: {  	s31 =	simm.s32 $0x2;
	s7 =	simm.s32 $0x280;
	(pc) =	sbr.rel .LBB2_1-.Ltmp0, $4  }
0x9: {  	s8 =	simm.s32 $0x780;
	s10 =	simm.s32 $0x0;
	s9 =	simm.s32 $0x0  }
0xa: {  	s3 =	simm.s32 $0x1;
	_ =	strace $0x8000004D;
	s30 =	sshrl.u32 s2, $0x3  }
0xb: {  	s6 =	simm.s32 $0x0;
	[sflag:s3] =	ssyncpa.u1 $0x0;
	s5 =	sadd.s32 s30, s4  }
0xc: {  	s4 =	sadd.s32 $0x2400, s4;
	[sflag:s31] =	ssyncpa.u1 $0x0;
	s5 =	sadd.s32 $0x1E00, s5  }
.LBB2_8:
0xd: {  	p1 =	seq.s32 s9, $0x2  }
.Ltmp1:
0xe: {  	_ = 	snop;
	(pc) =	sbr.rel @p1 .LBB2_10-.Ltmp1, $1  }
0xf: {  	_ =	sdelay $0x3  }
.LBB2_9:
0x10: {  	s9 =	sadd.s32 $0x1, s9;
	s10 =	smov.u32 s2  }
.LBB2_1:
0x11: {  	p1 =	sne.s32 s9, $0x0  }
.Ltmp2:
0x12: {  	_ = 	snop;
	(pc) =	sbr.rel @!p1 .LBB2_2-.Ltmp2, $1  }
0x13: {  	_ =	sdelay $0x3  }
0x14: {  	s11 =	sand.u32 $0x1, s9  }
0x15: {  	p1 =	seq.s32 s11, $0x0  }
.Ltmp3:
0x16: {  	_ = 	snop;
	(pc) =	sbr.rel @p1 .LBB2_8-.Ltmp3, $1  }
0x17: {  	_ =	sdelay $0x3  }
0x18: {  	_ =	swait.ge [sflag:s3], $0x280  }
0x19: {  	[sflag:s3] =	ssyncset.done $0x0  }
0x1a: {  	s11 =	simm.s32 $0x0;
	p1 =	por $0x1, $0x1;
	[sflag:s3] =	ssyncadd.s32 $0xFFFFFD80  }
.LBB2_5:
0x1b: {  	v0 =	vld [tilespmem:s11+$0x280]  }
0x1c: {  	v1 =	vld [tilespmem:s11+$0x290]  }
0x1d: {  	v2 =	vld [tilespmem:s11+$0x2A0]  }
0x1e: {  	v3 =	vld [tilespmem:s11+$0x2B0]  }
0x1f: {  	v4 =	vld [tilespmem:s11+$0x2C0]  }
0x20: {  	v53 =	vld [tilespmem:s11+$0x2D0];
	[tilespmem:s11+$0x780] =	vst v0  }
0x21: {  	v54 =	vld [tilespmem:s11+$0x2E0];
	[tilespmem:s11+$0x790] =	vst v1  }
0x22: {  	v55 =	vld [tilespmem:s11+$0x2F0];
	[tilespmem:s11+$0x7A0] =	vst v2  }
0x23: {  	v56 =	vld [tilespmem:s11+$0x300];
	[tilespmem:s11+$0x7B0] =	vst v3  }
0x24: {  	v57 =	vld [tilespmem:s11+$0x310];
	[tilespmem:s11+$0x7C0] =	vst v4  }
0x25: {  	v58 =	vld [tilespmem:s11+$0x320];
	[tilespmem:s11+$0x7D0] =	vst v53  }
0x26: {  	v59 =	vld [tilespmem:s11+$0x330];
	[tilespmem:s11+$0x7E0] =	vst v54  }
0x27: {  	v60 =	vld [tilespmem:s11+$0x340];
	[tilespmem:s11+$0x7F0] =	vst v55  }
0x28: {  	v61 =	vld [tilespmem:s11+$0x350];
	[tilespmem:s11+$0x800] =	vst v56  }
0x29: {  	v62 =	vld [tilespmem:s11+$0x360];
	[tilespmem:s11+$0x810] =	vst v57  }
0x2a: {  	v63 =	vld [tilespmem:s11+$0x370];
	p2 =	por p1, p1;
	[tilespmem:s11+$0x820] =	vst v58  }
.Ltmp4:
0x2b: {  	[tilespmem:s11+$0x830] =	vst v59;
	(pc) =	sbr.rel @p2 .LBB2_5-.Ltmp4, $4  }
0x2c: {  	[tilespmem:s11+$0x840] =	vst v60  }
0x2d: {  	[tilespmem:s11+$0x850] =	vst v61  }
0x2e: {  	s12 =	simm.s32 $0x1F0;
	s13 =	simm.s32 $0x980;
	[tilespmem:s11+$0x860] =	vst v62  }
0x2f: {  	s14 =	simm.s32 $0x480;
	p1 =	por $0x0, $0x0;
	[tilespmem:s11+$0x870] =	vst v63;
	s11 =	simm.s32 $0x100  }
.LBB2_6:
0x30: {  	s12 =	sadd.s32 $0x10, s12  }
0x31: {  	v0 =	vld [tilespmem:s14+$0x0];
	p1 =	slt.u32 s12, $0x270  }
.Ltmp5:
0x32: {  	_ = 	snop;
	(pc) =	sbr.rel @p1 .LBB2_6-.Ltmp5, $2  }
0x33: {  	_ =	sdelay $0x2  }
0x34: {  	s14 =	sadd.s32 $0x10, s14;
	[tilespmem:s13+$0x0] =	vst v0;
	s13 =	sadd.s32 $0x10, s13  }
.Ltmp6:
0x35: {  	(pc) =	sbr.rel .LBB2_8-.Ltmp6, $4  }
0x36: {  	_ = 	snop  }
0x37: {  	s10 =	sshrl.u32 s10, $0x3  }
0x38: {  	s10 =	sadd.s32 s4, s10  }
0x39: {  	[hbm4b:s10+s6] =	stream.linear.scatter [tilespmem:s8], [sflag:$0x2], $0x280, $0x38;
	[tilespmem:$0xA00] =	vst v63  }
.LBB2_2:
.Ltmp7:
0x3a: {  	(pc) =	sbr.rel .LBB2_9-.Ltmp7, $2  }
0x3b: {  	_ =	sdelay $0x2  }
0x3c: {  	[tilespmem:s7], [sflag:$0x1] =	stream.linear.gather [hbm4b:s5+s6], $0x280, $0x38;
	[tilespmem:$0xA00] =	vst v63  }
.LBB2_10:
0x3d: {  	s2 =	simm.s32 $0x2  }
0x3e: {  	_ =	swait.ge [sflag:s2], $0x280  }
0x3f: {  	[sflag:s2] =	ssyncset.done $0x0  }
0x40: {  	[sflag:s2] =	ssyncadd.s32 $0xFFFFFD80  }
0x41: {  	_ =	sfence.sel $0x180000  }
0x42: {  	s3 =	simm.s32 $0x1;
	[bflag:$0x0] =	sbarrier.arrive $0xFFFF  }
0x43: {  	[sflag:s3] =	ssyncpa.u1 $0x1  }
0x44: {  	[sflag:s2] =	ssyncpa.u1 $0x1  }
0x45: {  	_ =	strace $0x9000004D  }
0x46: {  	s0 =	sadd.s32 @!p0 $0x100000, s0;
	[bflag:$0x2] =	sbarrier.arrive $0xFFFF  }
0x47: {  	[sflag:s0] =	ssyncadd.tile.s32 @!p0 $0x1;
	s0 =	simm.s32 @!p0 $0x3F  }
0x48: {  	_ =	swait.ge @!p0 [sflag:s0], s1  }
0x49: {  	s1 =	ssub.s32 @!p0 $0x0, s1;
	[sflag:s0] =	ssyncset.done @!p0 $0x0  }
0x4a: {  	[sflag:s0] =	ssyncadd.s32 @!p0 s1  }
0x4b: {  	[bflag:$0x3] =	sbarrier.arrive $0xFFFF  }
0x4c: {  	_ =	shalt  }
.Lfunc_end2:
execute1_lowered:
.L_overlay_start_2:
0x4d: {  	(tag) =	ssettag $0x2  }
0x4e: {  	s0 =	rddreg [dreg:$0x0]  }
0x4f: {  	s6 =	stileid.u32;
	_ =	strace $0x80000050;
	s2 =	simm.s32 $0x1  }
0x50: {  	v1 =	vimm.s32 $0xFFFFFFFF;
	s1 =	smul.u32 $0x3, s6;
	[sflag:s2] =	ssyncpa.u1 $0x0  }
0x51: {  	s3 =	smin.u32 s6, $0x7;
	[tilespmem:$0x10] =	vst v1  }
0x52: {  	v0 =	vimm.f32 $0.0e+00;
	[tilespmem:$0x20] =	vst v1;
	s1 =	sadd.s32 s3, s1  }
0x53: {  	p0 =	slt.u32 s6, $0x7;
	[tilespmem:$0x30] =	vst v0;
	s3 =	smul.u32 $0x1770, s1;
	s1 =	simm.s32 $0x5DC0  }
0x54: {  	[tilespmem:$0x40] =	vst v0;
	s1 =	simm.s32 @!p0 $0x4650  }
0x55: {  	[tilespmem:$0x50] =	vst v0;
	s1 =	sadd.s32 s1, s3  }
0x56: {  	[tilespmem:$0x60] =	vst v1;
	s4 =	smin.u32 s1, $0x50910  }
0x57: {  	s7 =	simm.s32 $0x2;
	[tilespmem:$0x70] =	vst v1;
	s9 =	ssub.s32 s4, s3  }
0x58: {  	s8 =	simm.s32 $0x8;
	s31 =	simm.s32 $0x9;
	[tilespmem:$0x80] =	vst v1;
	p0 =	sgt.s32 s9, $0x0  }
0x59: {  	s16 =	simm.s32 $0x0;
	s17 =	simm.s32 $0xF0;
	v1 =	vimm.s32 $0x0;
	[tilespmem:$0xB0] =	vst v0;
	s9 =	simm.s32 @!p0 $0x0  }
0x5a: {  	s18 =	simm.s32 $0xFFFFFFFF;
	s19 =	simm.s32 $0xFFFFD220;
	[tilespmem:$0x90] =	vst v1;
	s5 =	smulhi.u32 $0x57619F1, s9  }
0x5b: {  	s20 =	simm.s32 $0xFFFFFFFE;
	[tilespmem:$0xA0] =	vst v1;
	[sflag:s7] =	ssyncpa.u1 $0x0;
	s7 =	simm.s32 $0x7  }
0x5c: {  	s21 =	simm.s32 $0xF;
	[sflag:s7] =	ssyncpa.u1 $0x0;
	s10 =	sshrl.u32 s5, $0x7  }
0x5d: {  	s25 =	simm.s32 $0x0;
	[sflag:s8] =	ssyncpa.u1 $0x0;
	s11 =	smul.u32 $0x1770, s10  }
0x5e: {  	s24 =	simm.s32 $0x0;
	s14 =	sshllo.u32 s6, $0x1;
	[sflag:s31] =	ssyncpa.u1 $0x0  }
.Ltmp8:
0x5f: {  	s1 =	sadd.s32 $0x2400, s0;
	p0 =	sne.s32 s9, s11;
	(pc) =	sbr.rel .LBB3_1-.Ltmp8, $4  }
0x60: {  	s5 =	sadd.s32 $0x5B600, s0;
	s0 =	sadd.s32 $0x65800, s0;
	s2 =	simm.s32 @!p0 $0x0  }
0x61: {  	s23 =	smov.u32 s3;
	[dreg:$0x2] =	wrdreg s0;
	s9 =	sadd.s32 s2, s10  }
0x62: {  	vm0 =	vmmov $0xffff;
	v2 =	vlaneseq.u32;
	p0 =	por $0x0, $0x0;
	s10 =	sshll.u32 s6, $0x1;
	s11 =	sadd.s32 $0x1, s9  }
0x63: {  	vm1 =	vmxor vm1, vm1;
	vm2 =	vmmov $0x1;
	vm3 =	vcmask $0x3F3C;
	s12 =	sadd.s32 $0x2, s9;
	s13 =	sor.u32 $0x81, s10;
	s15 =	sor.u32 $0x80, s10  }
.LBB3_9:
0x64: {  	p1 =	slt.u32 s24, $0x3  }
0x65: {  	s0 =	simm.s32 @!p1 $0x2  }
0x66: {  	_ =	swait.ge @!p1 [sflag:s0], $0x1770  }
0x67: {  	[sflag:s0] =	ssyncset.done @!p1 $0x0  }
0x68: {  	[sflag:s0] =	ssyncadd.s32 @!p1 $0xFFFFE890;
	s0 =	simm.s32 @!p1 $0x9  }
0x69: {  	_ =	swait.ge @!p1 [sflag:s0], $0x10  }
0x6a: {  	[sflag:s0] =	ssyncset.done @!p1 $0x0  }
0x6b: {  	[sflag:s0] =	ssyncadd.s32 @!p1 $0xFFFFFFF0;
	p1 =	sne.s32 s24, s12  }
.Ltmp9:
0x6c: {  	s2 =	sadd.s32 $0x1770, s23;
	(pc) =	sbr.rel @!p1 .LBB3_10-.Ltmp9, $4  }
0x6d: {  	s6 =	smov.u32 s3;
	s31 =	sadd.s32 $0x1, s24;
	s17 =	sadd.s32 $0x1770, s17  }
0x6e: {  	s18 =	sadd.s32 $0x1, s18;
	s25 =	smov.u32 s23;
	p2 =	slt.s32 s2, s4  }
0x6f: {  	p0 =	por !p0, !p0;
	s19 =	sadd.s32 $0x1770, s19;
	s6 =	smov.u32 @p2 s2  }
0x70: {  	s20 =	sadd.s32 $0x1, s20;
	s23 =	smov.u32 s6;
	s24 =	smov.u32 s31  }
.LBB3_1:
0x71: {  	p1 =	sge.u32 s24, s9  }
0x72: {  	s0 =	smulhi.u32 @!p1 $0xAAAAAAAB, s24;
	_ =	sdelay $0x1  }
0x73: {  	s0 =	sshrl.u32 @!p1 s0, $0x1  }
0x74: {  	s0 =	smul.u32 @!p1 $0x3, s0;
	_ =	sdelay $0x1  }
0x75: {  	s0 =	ssub.s32 @!p1 s24, s0  }
0x76: {  	s0 =	smul.u32 @!p1 $0x5DC0, s0;
	_ =	sdelay $0x1  }
0x77: {  	s2 =	sshrl.u32 @!p1 s23, $0x3;
	s0 =	sshrl.u32 @!p1 s0, $0x2  }
0x78: {  	s22 =	sand.u32 @!p1 $0x7, s23;
	s2 =	sadd.s32 @!p1 s5, s2;
	s0 =	sadd.s32 @!p1 $0x100, s0  }
0x79: {  	[tilespmem:s0], [sflag:$0x7] =	stream.linear.gather @!p1 [hbm4b:s2+s22], $0x1770, $0x38;
	[tilespmem:$0xD410] =	vst v63  }
0x7a: {  	s0 =	sadd.s32 $0xFFFFFFFF, s24  }
0x7b: {  	p1 =	sge.u32 s0, s9  }
.Ltmp10:
0x7c: {  	_ = 	snop;
	(pc) =	sbr.rel @p1 .LBB3_5-.Ltmp10, $1  }
0x7d: {  	_ =	sdelay $0x3  }
0x7e: {  	s2 =	smulhi.u32 $0xAAAAAAAB, s0;
	_ =	sdelay $0x1  }
0x7f: {  	s2 =	sshrl.u32 s2, $0x1  }
0x80: {  	s2 =	smul.u32 $0x3, s2;
	_ =	sdelay $0x1  }
0x81: {  	s2 =	ssub.s32 s0, s2  }
0x82: {  	s2 =	smul.u32 $0x5DC0, s2  }
0x83: {  	_ =	swait.ge [sflag:s7], $0x1770  }
0x84: {  	[sflag:s7] =	ssyncset.done $0x0;
	s2 =	sshrl.u32 s2, $0x2  }
0x85: {  	[sflag:s7] =	ssyncadd.s32 $0xFFFFE890;
	(ifvalue) =	ssetifvalue $0xFFFFFFFF;
	v3 =	vld.msk [tilespmem:s2+$0x100 ss:$0x1], $0xffff;
	_ =	sdelay $0x2  }
0x86: {  	s30 =	smulhi.u32 $0xAAAAAAAB, s18;
	p1 =	sne.s32 s24, $0x1  }
0x87: {  	v4 =	vimm.s32 @!p1 $0x0  }
0x88: {  	s2 =	sshrl.u32 s30, $0x1;
	v4 =	vperm.xlane @!p1 v3, v4  }
0x89: {  	s22 =	sshll.u32 s24, $0x4;
	s2 =	smul.u32 $0xFFFEE6C0, s2;
	vm4 =	vlt.u32 v3, $0x2800  }
0x8a: {  	s22 =	sand.u32 $0x10, s22;
	v3 =	vnsel vm4, $0xFFFFFFFE, v3;
	vm4 =	vlt.u32 @!p1 v4, $0x2800  }
0x8b: {  	s2 =	sshra.s32 s2, $0x2;
	[tilespmem:s22+$0x60] =	vst v3;
	v3 =	vnsel @!p1 vm4, $0xFFFFFFFE, v4  }
0x8c: {  	s28 =	sadd.s32 s2, s17;
	[tilespmem:$0x80] =	vst @!p1 v3  }
0x8d: {  	v3 =	vld.msk [tilespmem:s28+$0x0 ss:$0x1], $0xffff;
	_ =	sdelay $0x4  }
0x8e: {  	(xrf1) =	vunique.msk.u32 $0xffff, v3;
	_ =	sdelay $0xd  }
0x8f: {  	v4 =	vimm.s32 $0xFFFFFFFF;
	v5, _, _ =	vpop (xrf1)  }
0x90: {  	vm5 =	vne.s32 v3, v4;
	vm4 =	veq.s32 v5, v2  }
0x91: {  	vm6 =	vlt.u32 v3, $0x2800;
	vm4 =	vmand vm5, vm4  }
0x92: {  	vm4 =	vmand vm6, vm4  }
0x93: {  	v4 =	vnsel vm4, $0xFFFFFFFF, v3  }
0x94: {  	s31 =	sand.u32 $0x1, s0  }
0x95: {  	s0 =	simm.s32 $0x1770;
	p1 =	seq.s32 s31, $0x1  }
0x96: {  	s0 =	simm.s32 @!p1 $0x0  }
0x97: {  	s26 =	sadd.s32 $0x5EB0, s0;
	(ifvalue) =	ssetifvalue $0xFFFFFFFF  }
0x98: {  	v3 =	vperm.xlane v3, v1;
	[tilespmem:s26], [sflag:$0x8] =	stream.indirect_vreg.gather [hbm4b:s1+s16], $0x1, v4, vm0, $0x4038;
	v4 =	vnsel vm6, $0xFFFFFFFE, v4;
	[tilespmem:$0xD410] =	vst v63  }
0x99: {  	s2 =	simm.s32 $0x0;
	s22 =	sadd.s32 $0xFFFFFFF0, s28;
	[tilespmem:s28+$0x0] =	vst v4  }
.LBB3_3:
0x9a: {  	v4 =	vld.msk [tilespmem:s22+$0x0 ss:$0x1], $0xffff;
	s2 =	sadd.s32 $0x10, s2;
	v5 =	vmov v3;
	s28 =	smov.u32 s22  }
0x9b: {  	p1 =	slt.u32 s2, $0x1760;
	_ =	sdelay $0x4  }
0x9c: {  	v3 =	vperm.xlane v4, v1;
	(xrf1) =	vunique.msk.u32 $0xffff, v4;
	_ =	sdelay $0xd  }
0x9d: {  	v6, _, _ =	vpop (xrf1)  }
0x9e: {  	vm5 =	vne.s32 v4, v5;
	vm4 =	veq.s32 v6, v2  }
0x9f: {  	vm6 =	vlt.u32 v4, $0x2800;
	vm4 =	vmand vm5, vm4  }
0xa0: {  	vm4 =	vmand vm6, vm4  }
0xa1: {  	v4 =	vnsel vm4, $0xFFFFFFFF, v4  }
.Ltmp11:
0xa2: {  	v5 =	vnsel vm6, $0xFFFFFFFE, v4;
	(pc) =	sbr.rel @p1 .LBB3_3-.Ltmp11, $3  }
0xa3: {  	_ =	sdelay $0x1  }
0xa4: {  	s22 =	sadd.s32 $0xFFFFFFF0, s22;
	s26 =	sadd.s32 $0xFFFFFFF0, s26;
	(ifvalue) =	ssetifvalue $0xFFFFFFFF  }
0xa5: {  	[tilespmem:s26], [sflag:$0x8] =	stream.indirect_vreg.gather [hbm4b:s1+s16], $0x1, v4, vm0, $0x4038;
	[tilespmem:s28+$0x0] =	vst v5  }
0xa6: {  	s2 =	sshrl.u32 s25, $0x3;
	s6 =	rddreg [dreg:$0x2]  }
0xa7: {  	s0 =	sadd.s32 $0x7630, s0;
	s2 =	sadd.s32 s6, s2  }
0xa8: {  	[tilespmem:s0], [sflag:$0x8] =	stream.linear.gather [hbm:s2], $0x1770, $0x38;
	[tilespmem:$0xD410] =	vst v63  }
.LBB3_5:
0xa9: {  	p1 =	slt.u32 s24, $0x2  }
0xaa: {  	p2 =	sge.u32 @!p1 s24, s12  }
0xab: {  	p1 =	por p1, p2  }
.Ltmp12:
0xac: {  	_ = 	snop;
	(pc) =	sbr.rel @p1 .LBB3_9-.Ltmp12, $1  }
0xad: {  	_ =	sdelay $0x3  }
0xae: {  	s0 =	sadd.s32 $0xFFFFFFFE, s24  }
0xaf: {  	s2 =	smulhi.u32 $0xAAAAAAAB, s0;
	_ =	sdelay $0x1  }
0xb0: {  	s2 =	sshrl.u32 s2, $0x1  }
0xb1: {  	s2 =	smul.u32 $0x3, s2;
	_ =	sdelay $0x1  }
0xb2: {  	s0 =	ssub.s32 s0, s2  }
0xb3: {  	_ =	swait.ge [sflag:s8], $0x2EE0;
	s0 =	smul.u32 $0x1770, s0  }
0xb4: {  	p1 =	sne.s32 s24, s11;
	[sflag:s8] =	ssyncset.done $0x0  }
0xb5: {  	[sflag:s8] =	ssyncadd.s32 $0xFFFFD120;
	s2 =	sadd.s32 @!p1 $0x186F, s0  }
0xb6: {  	[spmem:s13] =	stream.linear.scatter @!p1 [tilespmem:s2], [sflag:$0x1], $0x1, $0x38;
	[tilespmem:$0xD410] =	vst v63  }
0xb7: {  	s2 =	simm.s32 @!p1 $0x1  }
0xb8: {  	_ =	swait.ge @!p1 [sflag:s2], $0x1  }
0xb9: {  	s22 =	sshll.u32 s24, $0x4;
	[sflag:s2] =	ssyncset.done @!p1 $0x0  }
0xba: {  	s25 =	sand.u32 $0x10, s22;
	[sflag:s2] =	ssyncadd.s32 @!p1 $0xFFFFFFFF  }
0xbb: {  	s2 =	sxor.u32 $0x10, s25;
	v4 =	vld [tilespmem:s25+$0x10]  }
0xbc: {  	v5 =	vld [tilespmem:s2+$0x60]  }
0xbd: {  	v3 =	vld [tilespmem:$0x80];
	_ =	sdelay $0x2  }
0xbe: {  	(v2sf) =	vpush v4, $0x0  }
0xbf: {  	(v2sf) =	vpush v5, $0x0  }
0xc0: {  	(v2sf) =	vpush v3, $0x0;
	_ =	sdelay $0xc  }
0xc1: {  	s6 =	spop (v2sf)  }
0xc2: {  	s28 =	spop (v2sf)  }
0xc3: {  	s26 =	spop (v2sf)  }
0xc4: {  	p2 =	seq.s32 s6, s28;
	p3 =	seq.s32 s26, s6  }
0xc5: {  	p3 =	por p2, p3  }
0xc6: {  	s6 =	sand.u32 $0x1, s24;
	v4 =	vpsel p3, $0xFFFFFFFF, v4  }
0xc7: {  	s28 =	smul.u32 $0x1770, s6;
	[tilespmem:s25+$0x10] =	vst.msk $0x1, v4  }
0xc8: {  	v4 =	vld [tilespmem:$0x30]  }
0xc9: {  	v5 =	vld [tilespmem:s28+$0x7630]  }
0xca: {  	v6 =	vld [tilespmem:s25+$0x40];
	_ =	sdelay $0x3  }
0xcb: {  	vm4 =	vmmov vm1;
	v5 =	vadd.f32 v5, v4  }
0xcc: {  	vm5 =	vmmov vm2;
	vm4 =	vmmov @p2 vm2;
	v4 =	vadd.f32 v6, v4  }
0xcd: {  	s22 =	sshll.u32 s6, $0x4;
	vm5 =	vmmov @p3 vm1;
	[tilespmem:s28+$0x7630] =	vst.msk vm4, v5  }
0xce: {  	[tilespmem:s22+$0xD3F0] =	vst.msk vm5, v4  }
0xcf: {  	v4 =	vld [tilespmem:s28+$0x5EB0];
	_ =	sdelay $0x3  }
0xd0: {  	v5 =	vimm.f32 $0.0e+00  }
0xd1: {  	v4 =	vshift.insert v4, v5, s21  }
0xd2: {  	s29 =	sor.u32 $0x40, s2  }
0xd3: {  	[tilespmem:s29+$0x0] =	vst.msk $0x1, v4  }
0xd4: {  	[tilespmem:s28+$0x5EBF] =	vst.msk $0x1, v5  }
0xd5: {  	v4 =	vld [tilespmem:s0+$0x1860];
	_ =	sdelay $0x1  }
0xd6: {  	s29 =	smulhi.u32 $0xAAAAAAAB, s20;
	s0 =	simm.s32 $0x1  }
0xd7: {  	s0 =	simm.s32 @!p0 $0x0  }
0xd8: {  	s29 =	sshrl.u32 s29, $0x1;
	s0 =	smul.u32 $0x5DC0, s0  }
0xd9: {  	s29 =	smul.u32 $0xFFFEE6C0, s29;
	v4 =	vshift.insert v4, v1, s21  }
0xda: {  	s0 =	sshrl.u32 s0, $0x2  }
0xdb: {  	s29 =	sshra.s32 s29, $0x2;
	s30 =	sadd.s32 $0x7630, s0;
	[tilespmem:s2+$0x10] =	vst.msk $0x1, v4  }
0xdc: {  	s6 =	sadd.s32 s29, s19;
	v6 =	vld [tilespmem:s30+$0x0]  }
0xdd: {  	v7 =	vld [tilespmem:s6+$0x0];
	_ =	sdelay $0x3  }
0xde: {  	v5 =	vadd.f32 v6, v5  }
0xdf: {  	vm4 =	vne.s32 v7, $0xFFFFFFFF  }
0xe0: {  	(xrf2) =	vadd.seg.scan.f32 vm4, v5;
	_ =	sdelay $0x3  }
0xe1: {  	s31 =	sadd.s32 $0x4750, s0;
	v5 =	vperm.xlane v4, v1  }
0xe2: {  	v6 =	vld [tilespmem:s31+$0x0]  }
0xe3: {  	vm5 =	veq.s32 v7, v3;
	vm6 =	veq.s32 v7, v5  }
0xe4: {  	vm7 =	vgt.u32 v7, $0xFFFFFFFD;
	vm6 =	vmor vm6, vm5  }
0xe5: {  	vm6 =	vmor vm6, vm7  }
0xe6: {  	v9 =	vld [tilespmem:$0xA0];
	v7 =	vsel vm6, $0xFFFFFFFF, v7  }
0xe7: {  	v10 =	vld [tilespmem:$0x90];
	v6 =	vsel vm5, $0x0, v6;
	v8, _, _ =	vpop (xrf2)  }
0xe8: {  	v6 =	vadd.f32 v8, v6  }
0xe9: {  	s0 =	sadd.s32 $0xA510, s0  }
0xea: {  	vm4 =	vmand vm4, vm3;
	[tilespmem:s0+$0x0] =	vst v6;
	(ifvalue) =	ssetifvalue $0xFFFFFFFF  }
0xeb: {  	vm6 =	veq.s32 v9, $0x1;
	[hbm4b:s1+s16] =	stream.indirect_vreg.scatter [tilespmem:s0], [sflag:$0x2], $0x1, v7, vm0, $0x4038;
	v7 =	vsel vm4, $0x0, v8;
	[tilespmem:$0xD410] =	vst v63  }
0xec: {  	s29 =	sadd.s32 $0xD3F0, s22;
	s22 =	sadd.s32 $0x10, s6;
	s2 =	simm.s32 $0x0;
	vm4 =	vmor vm6, vm5;
	v6 =	vsel vm5, v8, v10;
	v7 =	vshift.insert v7, v0, s21  }
.LBB3_7:
0xed: {  	v8 =	vld [tilespmem:s22+$0x0];
	s30 =	sadd.s32 $0x10, s30  }
0xee: {  	s31 =	sadd.s32 $0x10, s31;
	v9 =	vld [tilespmem:s30+$0x0]  }
0xef: {  	s2 =	sadd.s32 $0x10, s2;
	v10 =	vld [tilespmem:s31+$0x0]  }
0xf0: {  	p2 =	slt.u32 s2, $0x1760;
	_ =	sdelay $0x2  }
0xf1: {  	v7 =	vadd.f32 v9, v7  }
0xf2: {  	vm5 =	vne.s32 v8, $0xFFFFFFFF  }
0xf3: {  	vm6 =	vmand vm5, vm3;
	(xrf2) =	vadd.seg.scan.f32 vm5, v7;
	_ =	sdelay $0x5  }
0xf4: {  	vm7 =	veq.s32 v8, v5;
	vm5 =	veq.s32 v8, v3  }
0xf5: {  	vm8 =	vgt.u32 v8, $0xFFFFFFFD;
	vm4 =	vmor vm4, vm5;
	vm7 =	vmor vm7, vm5  }
0xf6: {  	vm7 =	vmor vm7, vm8  }
0xf7: {  	v8 =	vsel vm7, $0xFFFFFFFF, v8  }
.Ltmp13:
0xf8: {  	v7 =	vsel vm5, $0x0, v10;
	v9, _, _ =	vpop (xrf2);
	(pc) =	sbr.rel @p2 .LBB3_7-.Ltmp13, $4  }
0xf9: {  	v6 =	vsel vm5, v9, v6;
	v10 =	vadd.f32 v9, v7;
	v7 =	vsel vm6, $0x0, v9  }
0xfa: {  	s0 =	sadd.s32 $0x10, s0;
	v7 =	vshift.insert v7, v0, s21  }
0xfb: {  	s22 =	sadd.s32 $0x10, s22;
	[tilespmem:s0+$0x0] =	vst v10;
	(ifvalue) =	ssetifvalue $0xFFFFFFFF  }
0xfc: {  	[hbm4b:s1+s16] =	stream.indirect_vreg.scatter [tilespmem:s0], [sflag:$0x2], $0x1, v8, vm0, $0x4038;
	[tilespmem:$0xD410] =	vst v63  }
0xfd: {  	v3 =	vld [tilespmem:s28+$0xBC70];
	_ =	sdelay $0x4  }
0xfe: {  	v3 =	vshift.insert v3, v0, s21  }
0xff: {  	s0 =	simm.s32 $0x30  }
0x100: {  	[tilespmem:s0+$0x0] =	vst.msk $0x1, v3  }
0x101: {  	v3 =	vsel vm4, $0x1, v1;
	[tilespmem:$0x90] =	vst v6  }
0x102: {  	s0 =	sadd.s32 @!p1 $0xBC7F, s28;
	[tilespmem:$0xA0] =	vst v3  }
0x103: {  	[spmem:s14] =	stream.linear.scatter @!p1 [tilespmem:s0], [sflag:$0x1], $0x1, $0x38;
	[tilespmem:$0xD410] =	vst v63  }
0x104: {  	s0 =	simm.s32 @!p1 $0x1  }
0x105: {  	v3 =	vmctz.xlane @!p1 vm4;
	_ =	swait.ge @!p1 [sflag:s0], $0x1  }
0x106: {  	(v2sf) =	vpush @!p1 v4, $0x0  }
0x107: {  	(v2sf) =	vpush @!p1 v3, $0x0;
	_ =	sdelay $0xd  }
0x108: {  	s2 =	spop @!p1 (v2sf)  }
0x109: {  	s6 =	spop @!p1 (v2sf)  }
0x10a: {  	p2 =	sne.s32 @!p1 s26, s2;
	p3 =	slt.s32 @!p1 s6, $0xF  }
0x10b: {  	[sflag:s0] =	ssyncset.done @!p1 $0x0;
	p2 =	por p2, p1;
	p3 =	por !p3, p1  }
0x10c: {  	[sflag:s0] =	ssyncadd.s32 @!p1 $0xFFFFFFFF;
	v3 =	vimm.s32 @!p2 $0xFFFFFFFF;
	s6 =	simm.s32 @p3 $0xF  }
0x10d: {  	[tilespmem:$0x80] =	vst @!p2 v3;
	s2 =	sadd.s32 @!p1 $0x90, s6  }
0x10e: {  	[spmem:s10] =	stream.linear.scatter @!p1 [tilespmem:s2], [sflag:$0x1], $0x1, $0x38;
	[tilespmem:$0xD410] =	vst v63  }
0x10f: {  	_ =	swait.ge @!p1 [sflag:s0], $0x1  }
0x110: {  	[sflag:s0] =	ssyncset.done @!p1 $0x0  }
0x111: {  	s2 =	simm.s32 @!p1 $0x80;
	[sflag:s0] =	ssyncadd.s32 @!p1 $0xFFFFFFFF  }
0x112: {  	[spmem:s15] =	stream.linear.scatter @!p1 [tilespmem:s2], [sflag:$0x1], $0x1, $0x38;
	[tilespmem:$0xD410] =	vst v63  }
0x113: {  	_ =	swait.ge @!p1 [sflag:s0], $0x1  }
0x114: {  	[sflag:s0] =	ssyncset.done @!p1 $0x0  }
0x115: {  	[sflag:s0] =	ssyncadd.s32 @!p1 $0xFFFFFFFF;
	(ifvalue) =	ssetifvalue $0xFFFFFFFF;
	v3 =	vld [tilespmem:s25+$0x10];
	_ =	sdelay $0x3  }
.Ltmp14:
0x116: {  	_ = 	snop;
	(pc) =	sbr.rel .LBB3_9-.Ltmp14, $3  }
0x117: {  	_ =	sdelay $0x1  }
0x118: {  	(ifvalue) =	ssetifvalue $0xFFFFFFFF  }
0x119: {  	[hbm4b:s1+s16] =	stream.indirect_vreg.scatter [tilespmem:s29], [sflag:$0x9], $0x1, v3, vm0, $0x4038;
	[tilespmem:$0xD410] =	vst v63  }
.LBB3_10:
0x11a: {  	_ =	sfence.sel $0x180000  }
0x11b: {  	s0 =	simm.s32 $0x7;
	[bflag:$0x0] =	sbarrier.arrive $0xFFFF  }
0x11c: {  	s26 =	simm.s32 $0x8;
	[sflag:s0] =	ssyncpa.u1 $0x1  }
0x11d: {  	s28 =	simm.s32 $0x9;
	[sflag:s26] =	ssyncpa.u1 $0x1  }
0x11e: {  	[sflag:s28] =	ssyncpa.u1 $0x1  }
0x11f: {  	_ =	sfence.stream.spmem  }
0x120: {  	s29 =	simm.s32 $0x3;
	[bflag:$0x0] =	sbarrier.arrive $0xFFFF  }
0x121: {  	s30 =	simm.s32 $0x4;
	[sflag:s29] =	ssyncpa.u1 $0x1  }
0x122: {  	s31 =	simm.s32 $0x3C;
	s2 =	stileid.u32;
	[sflag:s30] =	ssyncpa.u1 $0x1  }
0x123: {  	p0 =	sne.s32 s2, $0x0;
	[sflag:s31] =	ssyncpa.u1 $0x1  }
0x124: {  	s0 =	simm.s32 @p0 $0x1;
	_ =	sfence @p0  }
0x125: {  	[sflag:s0] =	ssyncpa.u1 @p0 $0x1;
	s0 =	simm.s32 @p0 $0x2  }
0x126: {  	[sflag:s0] =	ssyncpa.u1 @p0 $0x1  }
0x127: {  	_ =	strace @p0 $0x90000050  }
0x128: {  	[bflag:$0x2] =	sbarrier.arrive @p0 $0xFFFF  }
0x129: {  	_ =	shalt @p0  }
.LBB3_11:
0x12a: {  	_ =	sfence.stream.spmem;
	s0 =	simm.s32 $0x5  }
0x12b: {  	s2 =	simm.s32 $0x80;
	s3 =	simm.s32 $0xC0;
	[sflag:s0] =	ssyncpa.u1 $0x0  }
0x12c: {  	[tilespmem:s3], [sflag:$0x5] =	stream.linear.gather [spmem:s2], $0x20, $0x38;
	[tilespmem:$0xD410] =	vst v63  }
0x12d: {  	s2 =	simm.s32 $0x0;
	s3 =	simm.s32 $0xE0  }
0x12e: {  	[tilespmem:s3], [sflag:$0x5] =	stream.linear.gather [spmem:s2], $0x20, $0x38;
	[tilespmem:$0xD410] =	vst v63  }
.Ltmp15:
0x12f: {  	_ = 	snop;
	(pc) =	sbr.rel .LBB3_12-.Ltmp15, $4  }
0x130: {  	_ =	swait.ge [sflag:s0], $0x40  }
0x131: {  	[sflag:s0] =	ssyncset.done $0x0  }
0x132: {  	s31 =	simm.s32 $0x6;
	[sflag:s0] =	ssyncadd.s32 $0xFFFFFFC0  }
0x133: {  	s4 =	simm.s32 $0x0;
	[sflag:s31] =	ssyncpa.u1 $0x0  }
.LBB3_17:
0x134: {  	p0 =	sgt.u32 s5, $0x27FF  }
0x135: {  	s0 =	sshrl.u32 @!p0 s5, $0x3  }
0x136: {  	s5 =	sand.u32 @!p0 $0x7, s5;
	s6 =	simm.s32 @!p0 $0xB0;
	s0 =	sadd.s32 @!p0 s1, s0  }
0x137: {  	[tilespmem:s6], [sflag:$0x6] =	stream.linear.gather @!p0 [hbm4b:s0+s5], $0x1, $0x38;
	[tilespmem:$0xD410] =	vst v63  }
0x138: {  	s0 =	simm.s32 @!p0 $0x6  }
0x139: {  	_ =	swait.ge @!p0 [sflag:s0], $0x1  }
0x13a: {  	[sflag:s0] =	ssyncset.done @!p0 $0x0  }
0x13b: {  	[sflag:s0] =	ssyncadd.s32 @!p0 $0xFFFFFFFF  }
0x13c: {  	v2 =	vmov @!p0 s4;
	v1 =	vld.msk @!p0 [tilespmem:$0xB0], $0x1;
	_ =	sdelay $0x3  }
0x13d: {  	s0 =	simm.s32 @!p0 $0xE0  }
0x13e: {  	[tilespmem:v2+s0+$0x0], v1 =	vst.idx.ret.add.f32.msk @!p0 $0x1, v1  }
0x13f: {  	[tilespmem:s2+$0xC0] =	vst.msk $0x1, v0  }
0x140: {  	v0 =	vld.msk [tilespmem:s4+$0xE0], $0x1;
	_ =	sdelay $0x4  }
0x141: {  	[tilespmem:s2+$0xE0] =	vst.msk $0x1, v0;
	s2 =	sadd.s32 $0x1, s2  }
.LBB3_19:
0x142: {  	s4 =	sadd.s32 $0x1, s4  }
0x143: {  	p0 =	sne.s32 s4, $0x20  }
.Ltmp16:
0x144: {  	_ = 	snop;
	(pc) =	sbr.rel @!p0 .LBB3_20-.Ltmp16, $1  }
0x145: {  	_ =	sdelay $0x3  }
.LBB3_12:
0x146: {  	v0 =	vld.msk [tilespmem:s4+$0xC0], $0x1;
	_ =	sdelay $0x4  }
0x147: {  	(v2sf) =	vpush v0, $0x0;
	_ =	sdelay $0xe  }
0x148: {  	s5 =	spop (v2sf)  }
0x149: {  	p0 =	seq.s32 s5, $0xFFFFFFFF  }
.Ltmp17:
0x14a: {  	_ = 	snop;
	(pc) =	sbr.rel @p0 .LBB3_19-.Ltmp17, $1  }
0x14b: {  	_ =	sdelay $0x3  }
0x14c: {  	p0 =	slt.s32 s2, $0x1  }
.Ltmp18:
0x14d: {  	_ = 	snop;
	(pc) =	sbr.rel @p0 .LBB3_17-.Ltmp18, $1  }
0x14e: {  	_ =	sdelay $0x3  }
0x14f: {  	s0 =	simm.s32 $0xC0;
	p0 =	por $0x0, $0x0  }
0x150: {  	v1 =	vld.msk @!p0 [tilespmem:s0+$0x0], $0x1;
	_ =	sdelay $0x4  }
0x151: {  	(v2sf) =	vpush @!p0 v1, $0x0;
	_ =	sdelay $0xd  }
0x152: {  	p2 =	sne.s32 s2, $0x1  }
.Ltmp19:
0x153: {  	s6 =	spop @!p0 (v2sf);
	(pc) =	sbr.rel @!p2 .LBB3_16-.Ltmp19, $4  }
0x154: {  	p1 =	seq.s32 @!p0 s5, s6  }
0x155: {  	s6 =	simm.s32 $0x0;
	p1 =	por !p1, p0  }
0x156: {  	s8 =	simm.s32 $0xFFFFFFFF;
	s6 =	simm.s32 @p1 $0xFFFFFFFF  }
0x157: {  	s7 =	simm.s32 $0x1;
	s6 =	smov.u32 @p0 s8  }
.LBB3_15:
0x158: {  	s8 =	smov.u32 s6;
	p0 =	sne.s32 s6, $0xFFFFFFFF  }
0x159: {  	s0 =	sadd.s32 $0x1, s0;
	s6 =	smov.u32 s7;
	s7 =	sadd.s32 $0x1, s7  }
0x15a: {  	p1 =	sne.s32 s2, s7;
	v1 =	vld.msk @!p0 [tilespmem:s0+$0x0], $0x1;
	_ =	sdelay $0x4  }
0x15b: {  	(v2sf) =	vpush @!p0 v1, $0x0;
	_ =	sdelay $0xe  }
.Ltmp20:
0x15c: {  	s9 =	spop @!p0 (v2sf);
	(pc) =	sbr.rel @p1 .LBB3_15-.Ltmp20, $4  }
0x15d: {  	p2 =	seq.s32 @!p0 s5, s9  }
0x15e: {  	p2 =	por !p2, p0  }
0x15f: {  	s6 =	simm.s32 @p2 $0xFFFFFFFF  }
0x160: {  	s6 =	smov.u32 @p0 s8  }
.LBB3_16:
0x161: {  	p0 =	sne.s32 s6, $0xFFFFFFFF  }
.Ltmp21:
0x162: {  	_ = 	snop;
	(pc) =	sbr.rel @!p0 .LBB3_17-.Ltmp21, $1  }
0x163: {  	_ =	sdelay $0x3  }
0x164: {  	v0 =	vld.msk [tilespmem:s4+$0xE0], $0x1;
	v1 =	vmov s6  }
.Ltmp22:
0x165: {  	_ = 	snop;
	(pc) =	sbr.rel .LBB3_19-.Ltmp22, $2  }
0x166: {  	_ =	sdelay $0x2  }
0x167: {  	[tilespmem:v1+s3+$0x0], v0 =	vst.idx.ret.add.f32.msk $0x1, v0  }
.LBB3_20:
0x168: {  	p0 =	slt.s32 s2, $0x1  }
.Ltmp23:
0x169: {  	_ = 	snop;
	(pc) =	sbr.rel @p0 .LBB3_24-.Ltmp23, $3  }
0x16a: {  	_ =	sdelay $0x1  }
0x16b: {  	s0 =	simm.s32 $0x6  }
0x16c: {  	s3 =	simm.s32 $0x0;
	[sflag:s0] =	ssyncpa.u1 $0x1  }
0x16d: {  	s0 =	simm.s32 $0xC0  }
0x16e: {  	v0 =	vld.msk [tilespmem:s0+$0x0], $0x1;
	_ =	sdelay $0x4  }
0x16f: {  	(v2sf) =	vpush v0, $0x0;
	_ =	sdelay $0xe  }
0x170: {  	s2 =	sadd.s32 $0xFFFFFFFF, s2;
	s4 =	spop (v2sf)  }
0x171: {  	p1 =	sne.s32 s2, $0x0;
	p0 =	sgt.u32 s4, $0x27FF  }
.Ltmp24:
0x172: {  	s5 =	sshrl.u32 @!p0 s4, $0x3;
	(pc) =	sbr.rel @!p1 .LBB3_23-.Ltmp24, $4  }
0x173: {  	s0 =	simm.s32 $0xE0;
	s4 =	sand.u32 @!p0 $0x7, s4;
	s5 =	sadd.s32 @!p0 s1, s5  }
0x174: {  	[hbm4b:s5+s4] =	stream.linear.scatter @!p0 [tilespmem:s0], [sflag:$0x5], $0x1, $0x38;
	[tilespmem:$0xD410] =	vst v63  }
0x175: {  	s5 =	simm.s32 $0x0  }
0x176: {  	s4 =	simm.s32 $0xC1;
	s5 =	simm.s32 @!p0 $0x4  }
.LBB3_22:
0x177: {  	v0 =	vld.msk [tilespmem:s4+$0x0], $0x1;
	s2 =	sadd.s32 $0xFFFFFFFF, s2;
	s3 =	sadd.s32 s3, s5  }
0x178: {  	p0 =	sne.s32 s2, $0x0;
	_ =	sdelay $0x3  }
0x179: {  	(v2sf) =	vpush v0, $0x0;
	_ =	sdelay $0xe  }
.Ltmp25:
0x17a: {  	s6 =	spop (v2sf);
	(pc) =	sbr.rel @p0 .LBB3_22-.Ltmp25, $4  }
0x17b: {  	s5 =	simm.s32 $0x0;
	p1 =	sgt.u32 s6, $0x27FF  }
0x17c: {  	s0 =	sadd.s32 $0x1, s0;
	s5 =	simm.s32 @!p1 $0x4;
	s7 =	sshrl.u32 @!p1 s6, $0x3  }
0x17d: {  	s4 =	sadd.s32 $0x1, s4;
	s6 =	sand.u32 @!p1 $0x7, s6;
	s7 =	sadd.s32 @!p1 s1, s7  }
0x17e: {  	[hbm4b:s7+s6] =	stream.linear.scatter @!p1 [tilespmem:s0], [sflag:$0x5], $0x1, $0x38;
	[tilespmem:$0xD410] =	vst v63  }
.LBB3_23:
0x17f: {  	s0 =	sadd.s32 s3, s5  }
0x180: {  	s3 =	sshrl.u32 s0, $0x2  }
.LBB3_24:
0x181: {  	s0 =	simm.s32 $0x5  }
0x182: {  	_ =	swait.ge [sflag:s0], s3  }
0x183: {  	s1 =	ssub.s32 $0x0, s3;
	[sflag:s0] =	ssyncset.done $0x0  }
0x184: {  	[sflag:s0] =	ssyncadd.s32 s1  }
0x185: {  	[sflag:s0] =	ssyncpa.u1 $0x1  }
0x186: {  	s29 =	simm.s32 $0x1;
	_ =	sfence  }
0x187: {  	s30 =	simm.s32 $0x2;
	[sflag:s29] =	ssyncpa.u1 $0x1  }
0x188: {  	[sflag:s30] =	ssyncpa.u1 $0x1  }
0x189: {  	_ =	strace $0x90000050  }
0x18a: {  	[bflag:$0x2] =	sbarrier.arrive $0xFFFF  }
0x18b: {  	s31 =	rddreg [dreg:$0x1]  }
0x18c: {  	s0 =	sadd.s32 $0x100000, s31  }
0x18d: {  	[sflag:s0] =	ssyncadd.tile.s32 $0x1;
	_ =	shalt  }
.Lfunc_end3:
_tile_overlayer_lowered:
.L_overlay_start_3:
0x18e: {  	(tag) =	ssettag $0x3  }
0x18f: {  	s0 =	rddreg [dreg:$0x0];
	s2 =	stileid.u32  }
0x190: {  	s1 =	rddreg [dreg:$0x1];
	p0 =	sne.s32 s2, $0x0  }
0x191: {  	s3 =	rddreg [dreg:$0x2];
	[bflag:$0x3] =	sbarrier.arrive $0xFFFF;
	s2 =	simm.s32 @!p0 $0x1C01  }
0x192: {  	[timem:s3], [sflag:s2] =	dma.local @!p0 [hbm:s0], s1  }
0x193: {  	s0 =	simm.s32 @!p0 $0x1  }
0x194: {  	_ =	swait.ge @!p0 [sflag:s0], s1  }
0x195: {  	s1 =	ssub.s32 @!p0 $0x0, s1;
	[sflag:s0] =	ssyncset.done @!p0 $0x0  }
0x196: {  	[sflag:s0] =	ssyncadd.s32 @!p0 s1  }
0x197: {  	[bflag:$0x3] =	sbarrier.arrive $0xFFFF  }
0x198: {  	_ =	shalt  }

// kernel: scatter_offload_async_start.2
scs
__scs_entry_jumppad:
0x0: {  	(pc) =	sbr.rel $0x88, $3  }
0x1: {  	(tag) =	ssettag $0x0;
	lr =	simm.s32 $0x1  }
0x2: {  	[smem:$0x3F81] =	sst lr;
	_ =	strace $0xD0000000  }
0x3: {  	_ = 	snop  }
0x4: {  	_ = 	snop  }
0x5: {  	_ = 	snop  }
0x6: {  	_ = 	snop  }
0x7: {  	_ = 	snop  }
__scs_overlays_trampoline_lowered:
0x8: {  	[smem:$0x3F90] =	sst s0  }
0x9: {  	[smem:$0x3F91] =	sst s1  }
0xa: {  	[smem:$0x3F92] =	sst s2  }
0xb: {  	[smem:$0x3F93] =	sst s3  }
0xc: {  	[smem:$0x3F94] =	sst s4  }
0xd: {  	[smem:$0x3F95] =	sst s5  }
0xe: {  	[smem:$0x3F96] =	sst s6  }
0xf: {  	[smem:$0x3F97] =	sst s7  }
0x10: {  	[smem:$0x3F98] =	sst s8  }
0x11: {  	[smem:$0x3F99] =	sst s9;
	s0 =	simm.s32 @!p0 $0x0  }
0x12: {  	s1 =	sld [smem:$0x3F7F];
	s0 =	simm.s32 @p0 $0x1  }
0x13: {  	[smem:$0x3F9A] =	sst s0;
	s0 =	simm.s32 @!p1 $0x0  }
0x14: {  	s2 =	sld [smem:$0x3F7E];
	s0 =	simm.s32 @p1 $0x1  }
0x15: {  	[smem:$0x3F9B] =	sst s0;
	s0 =	simm.s32 @!p2 $0x0  }
0x16: {  	s3 =	sld [smem:$0x3FDB];
	s0 =	simm.s32 @p2 $0x1  }
0x17: {  	s4 =	simm.s32 $0x1BF5;
	[smem:$0x3F9D] =	sst s0  }
0x18: {  	s0 =	sld [smem:$0x3F80];
	_ =	swait.ge [sflag:s4], $0x0  }
0x19: {  	s7 =	sld [smem:$0x3F81]  }
0x1a: {  	s8 =	sadd.s32 $0xFFFFE003, lr  }
0x1b: {  	s9 =	sadd.s32 $0xFFFFFEF7, lr;
	s5 =	simm.s32 $0xFFFFFFFF;
	p2 =	slt.u32 s8, $0xFFFFF086  }
0x1c: {  	p1 =	slt.u32 s9, $0xF7A;
	s5 =	simm.s32 @!p2 $0x0  }
0x1d: {  	s5 =	simm.s32 @p1 $0x1;
	p0 =	seq.s32 s7, s2  }
0x1e: {  	s7 =	smul.u32 @!p0 $0xF7A, s2;
	p2 =	seq.s32 @!p0 s5, $0x0  }
0x1f: {  	s9 =	smul.u32 $0xF7A, s1;
	s8 =	simm.s32 @!p0 $0x1BF5;
	p2 =	por !p2, p0  }
0x20: {  	[sflag:s8] =	ssyncset.s32 @!p0 $0xFFFFF086;
	s6 =	sadd.s32 @!p0 s3, s7;
	s7 =	simm.s32 @!p0 $0x108  }
0x21: {  	s3 =	sadd.s32 s3, s9;
	s6 =	sadd.s32 @!p0 $0x88, s6;
	s7 =	simm.s32 @p2 $0x1082  }
0x22: {  	[simem:s7], [sflag:s8] =	dma.local @!p0 [hbm:s6], $0xF7A  }
0x23: {  	s9 =	sor.u32 $0xD0000000, s2;
	s6 =	simm.s32 $0x108;
	_ =	swait.ge @!p0 [sflag:s8], $0x0  }
0x24: {  	s3 =	sadd.s32 $0x88, s3;
	s6 =	simm.s32 @!p1 $0x1082;
	[sflag:s4] =	ssyncset.s32 $0xFFFFF086  }
0x25: {  	[simem:s6], [sflag:s4] =	dma.local [hbm:s3], $0xF7A  }
0x26: {  	[smem:$0x3F81] =	sst s1;
	(tag) =	ssettag s2;
	_ =	strace s9  }
0x27: {  	s1 =	sld [smem:$0x3F91]  }
0x28: {  	s2 =	sld [smem:$0x3F92]  }
0x29: {  	s4 =	sld [smem:$0x3F94]  }
0x2a: {  	p0 =	seq.s32 s5, $0x0;
	s5 =	sld [smem:$0x3F95]  }
0x2b: {  	s6 =	sld [smem:$0x3F96]  }
0x2c: {  	s7 =	sld [smem:$0x3F97]  }
0x2d: {  	s3 =	simm.s32 $0x108;
	s8 =	sld [smem:$0x3F98]  }
0x2e: {  	s3 =	simm.s32 @!p0 $0x1082;
	s9 =	sld [smem:$0x3F99]  }
0x2f: {  	lr =	sadd.s32 s0, s3;
	s0 =	sld [smem:$0x3F90]  }
0x30: {  	s3 =	sld [smem:$0x3F93]  }
0x31: {  	[smem:$0x3F9C] =	sst s10  }
0x32: {  	s10 =	sld [smem:$0x3F9A];
	_ =	sdelay $0x3  }
0x33: {  	p0 =	seq.s32 s10, $0x1;
	s10 =	sld [smem:$0x3F9C];
	_ =	sdelay $0x3  }
0x34: {  	[smem:$0x3F9C] =	sst s10  }
0x35: {  	s10 =	sld [smem:$0x3F9B];
	_ =	sdelay $0x3  }
0x36: {  	p1 =	seq.s32 s10, $0x1;
	s10 =	sld [smem:$0x3F9C];
	_ =	sdelay $0x3  }
0x37: {  	[smem:$0x3F9C] =	sst s10  }
0x38: {  	s10 =	sld [smem:$0x3F9D]  }
0x39: {  	_ = 	snop;
	(pc) =	sbr.ind lr, $3  }
0x3a: {  	_ = 	snop  }
0x3b: {  	_ = 	snop  }
0x3c: {  	p2 =	seq.s32 s10, $0x1;
	s10 =	sld [smem:$0x3F9C]  }
0x3d: {  	_ =	shalt  }
0x3e: {  	_ =	shalt  }
0x3f: {  	_ =	shalt  }
0x40: {  	_ =	shalt  }
0x41: {  	_ =	shalt  }
0x42: {  	_ =	shalt  }
0x43: {  	_ =	shalt  }
0x44: {  	_ =	shalt  }
0x45: {  	_ =	shalt  }
0x46: {  	_ =	shalt  }
0x47: {  	_ =	shalt  }
0x48: {  	_ =	shalt  }
0x49: {  	_ =	shalt  }
0x4a: {  	_ =	shalt  }
0x4b: {  	_ =	shalt  }
0x4c: {  	_ =	shalt  }
0x4d: {  	_ =	shalt  }
0x4e: {  	_ =	shalt  }
0x4f: {  	_ =	shalt  }
0x50: {  	_ =	shalt  }
0x51: {  	_ =	shalt  }
0x52: {  	_ =	shalt  }
0x53: {  	_ =	shalt  }
0x54: {  	_ =	shalt  }
0x55: {  	_ =	shalt  }
0x56: {  	_ =	shalt  }
0x57: {  	_ =	shalt  }
0x58: {  	_ =	shalt  }
0x59: {  	_ =	shalt  }
0x5a: {  	_ =	shalt  }
0x5b: {  	_ =	shalt  }
0x5c: {  	_ =	shalt  }
0x5d: {  	_ =	shalt  }
0x5e: {  	_ =	shalt  }
0x5f: {  	_ =	shalt  }
0x60: {  	_ =	shalt  }
0x61: {  	_ =	shalt  }
0x62: {  	_ =	shalt  }
0x63: {  	_ =	shalt  }
0x64: {  	_ =	shalt  }
0x65: {  	_ =	shalt  }
0x66: {  	_ =	shalt  }
0x67: {  	_ =	shalt  }
0x68: {  	_ =	shalt  }
0x69: {  	_ =	shalt  }
0x6a: {  	_ =	shalt  }
0x6b: {  	_ =	shalt  }
0x6c: {  	_ =	shalt  }
0x6d: {  	_ =	shalt  }
0x6e: {  	_ =	shalt  }
0x6f: {  	_ =	shalt  }
0x70: {  	_ =	shalt  }
0x71: {  	_ =	shalt  }
0x72: {  	_ =	shalt  }
0x73: {  	_ =	shalt  }
0x74: {  	_ =	shalt  }
0x75: {  	_ =	shalt  }
0x76: {  	_ =	shalt  }
0x77: {  	_ =	shalt  }
0x78: {  	_ =	shalt  }
0x79: {  	_ =	shalt  }
0x7a: {  	_ =	shalt  }
0x7b: {  	_ =	shalt  }
0x7c: {  	_ =	shalt  }
0x7d: {  	_ =	shalt  }
0x7e: {  	_ =	shalt  }
0x7f: {  	_ =	shalt  }
0x80: {  	_ =	shalt  }
0x81: {  	_ =	shalt  }
0x82: {  	_ =	shalt  }
0x83: {  	_ =	shalt  }
0x84: {  	_ =	shalt  }
0x85: {  	_ =	shalt  }
0x86: {  	_ =	shalt  }
0x87: {  	_ =	shalt  }
.Lfunc_end0:
.L_simem_size_0:
called_computation.2_lowered:
.L_overlay_start_0:
0x88: {  	s0 =	sld [smem:$0x3FD9]  }
0x89: {  	s1 =	sld [smem:$0x3FFE];
	_ =	sdelay $0x3  }
0x8a: {  	s0 =	sadd.s32 s1, s0  }
0x8b: {  	[smem:$0x3FA8] =	sst s0  }
0x8c: {  	_ = 	snop  }
0x8d: {  	(tm) =	ssettm $0x1  }
0x8e: {  	s14 =	sld [smem:$0x3FFB];
	_ =	sdelay $0x3  }
0x8f: {  	_ =	strace s14  }
0x90: {  	s0 =	sld [smem:$0x3FFC];
	_ =	sdelay $0x3  }
0x91: {  	_ =	strace s0  }
0x92: {  	s0 =	sld [smem:$0x3FFD];
	_ =	sdelay $0x3  }
0x93: {  	_ =	strace s0  }
0x94: {  	_ =	strace $0x8FFFFFFF  }
0x95: {  	s15 =	sld [smem:$0x3FDB];
	_ =	sdelay $0x1  }
0x96: {  	s16 =	simm.s32 $_scs_section_size  }
0x97: {  	s2 =	simm.s32 $_size__tile_overlayer_lowered;
	s3 =	simm.s32 $_tile_overlayer_lowered  }
0x98: {  	s4 =	simm.s32 $0x1BFF;
	s17 =	sshll.u32 s3, $0x1;
	s1 =	sadd.s32 s16, s15  }
0x99: {  	s18 =	simm.s32 $0x0;
	s2 =	sshll.u32 s2, $0x1;
	s3 =	sadd.s32 s17, s1  }
0x9a: {  	[timem:s18], [sflag:s4] =	dma.local [hbm:s3], s2  }
0x9b: {  	_ =	swait.ge [sflag:s4], s2  }
0x9c: {  	s2 =	ssub.s32 $0x0, s2;
	[sflag:s4] =	ssyncset.done $0x0  }
0x9d: {  	[sflag:s4] =	ssyncadd.s32 s2;
	_ =	sdelay $0x1  }
0x9e: {  	s19 =	simm.s32 $0x1B8B  }
0x9f: {  	_ =	swait.ge [sflag:s19], $0x1  }
0xa0: {  	[sflag:s19] =	ssyncset.done $0x0  }
0xa1: {  	s21 =	simm.s32 $0x1B8E;
	s20 =	sld [smem:$0x3FFE];
	[sflag:s19] =	ssyncadd.s32 $0xFFFFFFFF  }
0xa2: {  	s22 =	simm.s32 $execute0_lowered;
	[smem:$0x3FD2] =	sst s21  }
0xa3: {  	s3 =	sshll.u32 s22, $0x1;
	_ =	strace $0x80000052;
	[dreg:$0x1] =	wrdreg $0xFFFFFFFF  }
0xa4: {  	s23 =	simm.s32 $_size_execute0_lowered;
	s3 =	sadd.s32 s1, s3;
	[dreg:$0x0] =	wrdreg $0x0  }
0xa5: {  	s4 =	sshll.u32 s23, $0x1;
	[dreg:$0x2] =	wrdreg s3  }
0xa6: {  	[dreg:$0x3] =	wrdreg s4  }
0xa7: {  	[dreg:$0x4] =	wrdreg $0xC0  }
0xa8: {  	s24 =	simm.s32 $execute1_lowered;
	_ =	task [dreg:s18], $0x5FFFF  }
0xa9: {  	s3 =	sshll.u32 s24, $0x1;
	[dreg:$0x1] =	wrdreg $0xFFFFFFFF  }
0xaa: {  	s1 =	sadd.s32 s1, s3;
	[dreg:$0x0] =	wrdreg $0x60  }
0xab: {  	[dreg:$0x2] =	wrdreg s1  }
0xac: {  	[dreg:$0x3] =	wrdreg s20  }
0xad: {  	[dreg:$0x4] =	wrdreg $0x9  }
0xae: {  	_ =	task.clear_ibuf [dreg:s18], $0x5FFFF;
	_ =	strace $0x90000052  }
0xaf: {  	s25 =	simm.s32 $0x9;
	_ =	strace $0x80000054  }
0xb0: {  	_ =	swait.ge [sflag:s25], $0x1  }
0xb1: {  	[sflag:s25] =	ssyncadd.s32 $0xFFFFFFFF  }
0xb2: {  	_ =	strace $0x90000054  }
0xb3: {  	_ =	strace $0x80000055;
	[dreg:$0x1] =	wrdreg $0xFFFFFFFF  }
0xb4: {  	[dreg:$0x0] =	wrdreg $0x2030  }
0xb5: {  	[dreg:$0x2] =	wrdreg s20  }
0xb6: {  	[dreg:$0x3] =	wrdreg $0xA  }
0xb7: {  	_ =	task.clear_ibuf [dreg:s18], $0x4FFFF;
	_ =	strace $0x90000055  }
0xb8: {  	s26 =	simm.s32 $0xA;
	_ =	strace $0x80000057  }
0xb9: {  	_ =	swait.ge [sflag:s26], $0x1  }
0xba: {  	[sflag:s26] =	ssyncadd.s32 $0xFFFFFFFF  }
0xbb: {  	_ =	strace $0x90000057  }
0xbc: {  	_ =	sfence  }
0xbd: {  	s28 =	sld [smem:$0x0];
	_ =	sdelay $0x1  }
0xbe: {  	s29 =	srdreg.scid  }
0xbf: {  	s30 =	sshll.u32 s29, $0xD;
	s31 =	sshrl.u32 s29, $0x2  }
0xc0: {  	s2 =	sand.u32 $0x1, s29;
	s3 =	sand.u32 $0x4000, s30;
	s1 =	sadd.s32 s31, s28  }
0xc1: {  	s2 =	sor.u32 s3, s2;
	s1 =	sshll.u32 s1, $0x11  }
0xc2: {  	s1 =	sor.u32 s1, s2  }
0xc3: {  	s1 =	sadd.s32 $0x8F2B, s1  }
0xc4: {  	[sflag:s1] =	ssyncadd.remote.s32 $0x1  }
0xc5: {  	_ =	sfence.sel $0xFFFF  }
0xc6: {  	[dreg:$0x0] =	wrdreg $0xFFFFFFFF;
	(pc) =	sbr.abs _section_cstart, $3  }
0xc7: {  	[dreg:$0x1] =	wrdreg $0xFFFFFFFF  }
0xc8: {  	_ =	task.clear_ibuf [dreg:s18], $0x2FFFF;
	_ =	strace $0x9FFFFFFF  }
0xc9: {  	(tm) =	ssettm $0x7FFFFFFF  }
tec
execute0_lowered:
.L_overlay_start_1:
0x0: {  	(tag) =	ssettag $0x1  }
0x1: {  	s2 =	rddreg [dreg:$0x0]  }
0x2: {  	s5 =	rddreg [dreg:$0x1]  }
0x3: {  	s0 =	rddreg [dreg:$0x2];
	s3 =	stileid.u32  }
0x4: {  	[bflag:$0x3] =	sbarrier.arrive $0xFFFF;
	s1 =	simm.s32 $_size_execute1_lowered;
	s31 =	simm.s32 $0x2  }
0x5: {  	s13 =	simm.s32 $0x0;
	s8 =	simm.s32 $0x40;
	s9 =	simm.s32 $0x80  }
0x6: {  	s11 =	simm.s32 $0x0;
	s12 =	simm.s32 $0x0;
	p0 =	sne.s32 s3, $0x0  }
0x7: {  	s1 =	sshll.u32 s1, $0x1;
	s3 =	sshll.u32 s3, $0x8;
	s4 =	simm.s32 @!p0 $0x1C3F  }
.Ltmp0:
0x8: {  	s6 =	simm.s32 @!p0 $0x4060;
	s7 =	ssub.s32 $0x2700, s3;
	(pc) =	sbr.rel .LBB2_1-.Ltmp0, $4  }
0x9: {  	[timem:s6], [sflag:s4] =	dma.local @!p0 [hbm:s2], s1  }
0xa: {  	s10 =	smov.u32 s3;
	s4 =	simm.s32 $0x1;
	_ =	strace $0x80000053  }
0xb: {  	s2 =	sadd.s32 $0x578C00, s5;
	s6 =	sshrl.u32 s7, $0xC;
	[sflag:s4] =	ssyncpa.u1 $0x0  }
0xc: {  	s5 =	sadd.s32 $0x59FE00, s5;
	s7 =	sadd.s32 $0x2, s6;
	[sflag:s31] =	ssyncpa.u1 $0x0  }
.LBB2_5:
0xd: {  	_ =	sdelay $0x3  }
0xe: {  	[tilespmem:v3+s18+$0x0 ss:$0x1] =	vst.idx.msk $0xffff, v1  }
0xf: {  	[tilespmem:v3+s17+$0x0 ss:$0x1] =	vst.idx.msk $0xffff, v2  }
0x10: {  	[tilespmem:v3+s16+$0x0 ss:$0x1] =	vst.idx.msk $0xffff, v4  }
0x11: {  	[tilespmem:v3+s19+$0x0 ss:$0x1] =	vst.idx.msk $0xffff, v5  }
.LBB2_6:
0x12: {  	s16 =	sand.u32 $0x1FFFFFF, s11  }
0x13: {  	s17 =	smulhi.u32 $0x1A36E2F, s16;
	_ =	sdelay $0x1  }
0x14: {  	s17 =	sshrl.u32 s17, $0x6  }
0x15: {  	s17 =	smul.u32 $0x2710, s17;
	_ =	sdelay $0x1  }
0x16: {  	s16 =	ssub.s32 s16, s17  }
0x17: {  	s16 =	sshll.u32 s16, $0x4  }
0x18: {  	s16 =	sadd.s32 s5, s16  }
0x19: {  	[hbm4b:s16+s8] =	stream.strided.scatter [tilespmem:s15], [sflag:$0x2], s14, s9, s8, $0x38;
	[tilespmem:$0x10000] =	vst v63  }
.LBB2_7:
0x1a: {  	p1 =	slt.u32 s12, $0x2  }
0x1b: {  	p2 =	sgt.s32 @!p1 s13, $0x2610  }
0x1c: {  	s14 =	smov.u32 s13;
	s15 =	sshra.s32 @!p1 s13, $0x1F;
	p2 =	por !p2, p1  }
0x1d: {  	s13 =	sand.u32 @!p1 s15, s13;
	s14 =	simm.s32 @p2 $0x2610  }
0x1e: {  	s13 =	ssub.s32 @!p1 s14, s13  }
0x1f: {  	s13 =	sadd.s32 @!p1 $0xFFFFD9F0, s13  }
0x20: {  	s14 =	sshll.u32 @!p1 s13, $0x8  }
0x21: {  	p2 =	sgt.s32 @!p1 s13, $0xFF;
	s13 =	ssub.s32 @!p1 $0x10000, s14  }
0x22: {  	s15 =	sadd.s32 $0x1000, s10;
	p2 =	por !p2, p1;
	s13 =	sshrl.u32 @!p1 s13, $0x2  }
0x23: {  	s13 =	simm.s32 @!p2 $0x0;
	p2 =	sgt.s32 s15, $0x270F  }
0x24: {  	s15 =	smov.u32 @p2 s3;
	p2 =	sne.s32 s12, s7  }
.Ltmp1:
0x25: {  	_ = 	snop;
	(pc) =	sbr.rel @!p2 .LBB2_8-.Ltmp1, $4  }
0x26: {  	s14 =	simm.s32 @!p1 $0x2  }
0x27: {  	_ =	swait.ge @!p1 [sflag:s14], s13;
	s16 =	ssub.s32 @!p1 $0x0, s13  }
0x28: {  	s13 =	smov.u32 s11;
	s12 =	sadd.s32 $0x1, s12;
	[sflag:s14] =	ssyncset.done @!p1 $0x0  }
0x29: {  	s11 =	smov.u32 s10;
	s10 =	smov.u32 s15;
	[sflag:s14] =	ssyncadd.s32 @!p1 s16  }
.LBB2_1:
0x2a: {  	p1 =	sgt.u32 s12, s6  }
0x2b: {  	s15 =	smov.u32 s10;
	p2 =	sgt.s32 @!p1 s10, $0x2610  }
0x2c: {  	s14 =	sand.u32 @!p1 $0x1FFFFFF, s10;
	s16 =	sshra.s32 @!p1 s10, $0x1F;
	p2 =	por !p2, p1  }
0x2d: {  	s17 =	smulhi.u32 @!p1 $0x1A36E2F, s14;
	s16 =	sand.u32 @!p1 s16, s10;
	s15 =	simm.s32 @p2 $0x2610  }
0x2e: {  	s15 =	ssub.s32 @!p1 s15, s16  }
0x2f: {  	s16 =	sshrl.u32 @!p1 s17, $0x6;
	s15 =	sadd.s32 @!p1 $0xFFFFD9F0, s15  }
0x30: {  	s17 =	sxor.u32 @!p1 $0xFFFFFFFF, s12;
	s16 =	smul.u32 @!p1 $0x2710, s16;
	s18 =	sshll.u32 @!p1 s15, $0x8  }
0x31: {  	s17 =	sshll.u32 @!p1 s17, $0xE;
	p2 =	sgt.s32 @!p1 s15, $0xFF;
	s15 =	ssub.s32 @!p1 $0x10000, s18  }
0x32: {  	s14 =	ssub.s32 @!p1 s14, s16;
	p2 =	por !p2, p1;
	s16 =	sand.u32 @!p1 $0x4000, s17  }
0x33: {  	s17 =	simm.s32 @!p1 $0x40;
	s15 =	sshrl.u32 @!p1 s15, $0x2;
	s14 =	sshll.u32 @!p1 s14, $0x4  }
0x34: {  	s18 =	simm.s32 @!p1 $0x80;
	s15 =	simm.s32 @!p2 $0x0;
	s14 =	sadd.s32 @!p1 s2, s14  }
0x35: {  	[tilespmem:s16], [sflag:$0x1] =	stream.strided.gather @!p1 [hbm4b:s14+s17], s15, s18, s17, $0x38;
	[tilespmem:$0x10000] =	vst v63  }
0x36: {  	p1 =	seq.s32 s12, $0x0  }
0x37: {  	p2 =	sge.u32 @!p1 s12, s7  }
0x38: {  	p1 =	por p1, p2  }
.Ltmp2:
0x39: {  	_ = 	snop;
	(pc) =	sbr.rel @p1 .LBB2_7-.Ltmp2, $1  }
0x3a: {  	_ =	sdelay $0x3  }
0x3b: {  	p1 =	sgt.s32 s11, $0x2610;
	s14 =	smov.u32 s11;
	s15 =	sshra.s32 s11, $0x1F  }
0x3c: {  	s14 =	simm.s32 @!p1 $0x2610;
	s15 =	sand.u32 s15, s11  }
0x3d: {  	s14 =	ssub.s32 s14, s15  }
0x3e: {  	s14 =	sadd.s32 $0xFFFFD9F0, s14  }
0x3f: {  	s31 =	sshll.u32 s14, $0x8  }
0x40: {  	s15 =	ssub.s32 $0x10000, s31  }
0x41: {  	p1 =	sgt.s32 s14, $0xFF;
	s14 =	sshrl.u32 s15, $0x2;
	s15 =	sadd.s32 $0x100, s11  }
0x42: {  	s14 =	simm.s32 @p1 $0x0;
	p1 =	slt.s32 s15, $0x2710  }
0x43: {  	s15 =	simm.s32 @!p1 $0x2710  }
0x44: {  	s20 =	ssub.s32 s15, s11  }
0x45: {  	p1 =	slt.s32 s20, $0x1  }
.Ltmp3:
0x46: {  	_ = 	snop;
	(pc) =	sbr.rel @p1 .LBB2_6-.Ltmp3, $4  }
0x47: {  	_ = 	snop  }
0x48: {  	s16 =	sshll.u32 s12, $0xE;
	_ =	swait.ge [sflag:s4], s14  }
0x49: {  	s16 =	sand.u32 $0x4000, s16;
	s17 =	ssub.s32 $0x0, s14;
	[sflag:s4] =	ssyncset.done $0x0  }
0x4a: {  	s15 =	sor.u32 $0x8000, s16;
	[sflag:s4] =	ssyncadd.s32 s17  }
0x4b: {  	v0 =	vmov s16;
	_ =	sdelay $0x2  }
0x4c: {  	s31 =	simm.s32 $0x0;
	p1 =	sne.s32 s20, $0x1  }
.Ltmp4:
0x4d: {  	s18 =	sand.u32 $0x3FC0, s31;
	(pc) =	sbr.rel @!p1 .LBB2_5-.Ltmp4, $4  }
0x4e: {  	s17 =	sor.u32 $0x30, s18;
	v1 =	vld.idx.msk [tilespmem:v0+s18+$0x0 ss:$0x1], $0xffff  }
0x4f: {  	v3 =	vmov s15;
	s16 =	sor.u32 $0x10, s18;
	v2 =	vld.idx.msk [tilespmem:v0+s17+$0x0 ss:$0x1], $0xffff  }
0x50: {  	s19 =	sor.u32 $0x20, s18;
	v4 =	vld.idx.msk [tilespmem:v0+s16+$0x0 ss:$0x1], $0xffff  }
0x51: {  	s20 =	sadd.s32 $0xFFFFFFFF, s20;
	s21 =	simm.s32 $0x40;
	v5 =	vld.idx.msk [tilespmem:v0+s19+$0x0 ss:$0x1], $0xffff  }
.LBB2_4:
0x52: {  	s22 =	sand.u32 $0x3FC0, s21  }
0x53: {  	p1 =	sne.s32 s20, $0x1;
	s20 =	sadd.s32 $0xFFFFFFFF, s20;
	s23 =	sor.u32 $0x10, s22  }
.Ltmp5:
0x54: {  	s24 =	sor.u32 $0x20, s22;
	s25 =	sor.u32 $0x30, s22;
	[tilespmem:v3+s18+$0x0 ss:$0x1] =	vst.idx.msk $0xffff, v1;
	v1 =	vld.idx.msk [tilespmem:v0+s22+$0x0 ss:$0x1], $0xffff;
	(pc) =	sbr.rel @p1 .LBB2_4-.Ltmp5, $4  }
0x55: {  	s18 =	smov.u32 s22;
	[tilespmem:v3+s17+$0x0 ss:$0x1] =	vst.idx.msk $0xffff, v2;
	v2 =	vld.idx.msk [tilespmem:v0+s25+$0x0 ss:$0x1], $0xffff;
	s17 =	smov.u32 s25  }
0x56: {  	[tilespmem:v3+s16+$0x0 ss:$0x1] =	vst.idx.msk $0xffff, v4;
	v4 =	vld.idx.msk [tilespmem:v0+s23+$0x0 ss:$0x1], $0xffff;
	s16 =	smov.u32 s23  }
0x57: {  	[tilespmem:v3+s19+$0x0 ss:$0x1] =	vst.idx.msk $0xffff, v5;
	v5 =	vld.idx.msk [tilespmem:v0+s24+$0x0 ss:$0x1], $0xffff;
	s19 =	smov.u32 s24  }
0x58: {  	s21 =	sadd.s32 $0x40, s21  }
.Ltmp6:
0x59: {  	_ = 	snop;
	(pc) =	sbr.rel .LBB2_5-.Ltmp6, $1  }
0x5a: {  	_ =	sdelay $0x3  }
.LBB2_8:
0x5b: {  	_ =	sfence.sel $0x180000  }
0x5c: {  	s2 =	simm.s32 $0x1;
	[bflag:$0x0] =	sbarrier.arrive $0xFFFF  }
0x5d: {  	s31 =	simm.s32 $0x2;
	[sflag:s2] =	ssyncpa.u1 $0x1  }
0x5e: {  	[sflag:s31] =	ssyncpa.u1 $0x1  }
0x5f: {  	_ =	strace $0x90000053  }
0x60: {  	s0 =	sadd.s32 @!p0 $0x100000, s0;
	[bflag:$0x2] =	sbarrier.arrive $0xFFFF  }
0x61: {  	[sflag:s0] =	ssyncadd.tile.s32 @!p0 $0x1;
	s0 =	simm.s32 @!p0 $0x3F  }
0x62: {  	_ =	swait.ge @!p0 [sflag:s0], s1  }
0x63: {  	s1 =	ssub.s32 @!p0 $0x0, s1;
	[sflag:s0] =	ssyncset.done @!p0 $0x0  }
0x64: {  	[sflag:s0] =	ssyncadd.s32 @!p0 s1  }
0x65: {  	[bflag:$0x3] =	sbarrier.arrive $0xFFFF  }
0x66: {  	_ =	shalt  }
.Lfunc_end2:
execute1_lowered:
.L_overlay_start_2:
0x67: {  	(tag) =	ssettag $0x2  }
0x68: {  	s0 =	rddreg [dreg:$0x0];
	_ =	strace $0x80000056;
	s1 =	simm.s32 $0x1  }
0x69: {  	s8 =	simm.s32 $0x88;
	v0 =	vimm.s32 $0x0;
	[sflag:s1] =	ssyncpa.u1 $0x0  }
0x6a: {  	[tilespmem:s8+$0x30] =	vst v0  }
0x6b: {  	s1 =	sadd.s32 $0x59FE00, s0;
	s3 =	sadd.s32 $0x2A00, s0;
	[tilespmem:s8+$0x20] =	vst v0  }
0x6c: {  	s4 =	sadd.s32 $0x6FA00, s0;
	s5 =	sadd.s32 $0xCC00, s0;
	s0 =	simm.s32 $0x40;
	[tilespmem:s8+$0x10] =	vst v0  }
.LBB3_1:
0x6d: {  	s0 =	sadd.s32 $0x40, s0  }
0x6e: {  	[tilespmem:s8+$0x0] =	vst v0;
	s8 =	sadd.s32 $0x40, s8;
	p0 =	slt.u32 s0, $0x5040  }
.Ltmp7:
0x6f: {  	(pc) =	sbr.rel @p0 .LBB3_1-.Ltmp7, $4  }
0x70: {  	_ = 	snop  }
0x71: {  	[tilespmem:s8+$0x30] =	vst v0  }
0x72: {  	[tilespmem:s8+$0x20] =	vst v0  }
0x73: {  	[tilespmem:s8+$0x10] =	vst v0  }
0x74: {  	s9 =	stileid.u32  }
0x75: {  	s0 =	smin.u32 s9, $0x8;
	s2 =	sshll.u32 s9, $0x6  }
0x76: {  	s0 =	sor.u32 s0, s2  }
0x77: {  	p0 =	slt.u32 s9, $0x8;
	s6 =	smul.u32 $0x140, s0;
	s0 =	simm.s32 $0x5140  }
0x78: {  	s0 =	simm.s32 @!p0 $0x5000  }
0x79: {  	s0 =	sadd.s32 s0, s6  }
0x7a: {  	s7 =	smin.u32 s0, $0x50910  }
0x7b: {  	s0 =	ssub.s32 s7, s6  }
0x7c: {  	p0 =	sgt.s32 s0, $0x0  }
0x7d: {  	s0 =	simm.s32 @!p0 $0x0  }
0x7e: {  	s29 =	simm.s32 $0x2;
	s10 =	simm.s32 $0x7;
	s28 =	smulhi.u32 $0x66666667, s0  }
0x7f: {  	s31 =	simm.s32 $0x8;
	s11 =	simm.s32 $0x1;
	s15 =	simm.s32 $0x0  }
0x80: {  	p1 =	por $0x0, $0x0;
	s16 =	simm.s32 $0xA;
	s2 =	sshrl.u32 s28, $0x7  }
0x81: {  	s20 =	simm.s32 $0x0;
	s17 =	simm.s32 $0x0;
	s30 =	smul.u32 $0x140, s2  }
.Ltmp8:
0x82: {  	[tilespmem:s8+$0x0] =	vst v0;
	v0 =	vimm.s32 $0xFFFFFFFF;
	s19 =	simm.s32 $0x0;
	[sflag:s29] =	ssyncpa.u1 $0x0;
	(pc) =	sbr.rel .LBB3_3-.Ltmp8, $4  }
0x83: {  	[tilespmem:$0xA108] =	vst v0;
	[sflag:s10] =	ssyncpa.u1 $0x0;
	p0 =	sne.s32 s0, s30;
	s0 =	simm.s32 $0x1  }
0x84: {  	s10 =	simm.s32 $0x9;
	[sflag:s31] =	ssyncpa.u1 $0x0;
	s0 =	simm.s32 @!p0 $0x0  }
0x85: {  	s13 =	sshll.u32 s9, $0x7;
	[sflag:s10] =	ssyncpa.u1 $0x0;
	s12 =	sadd.s32 s0, s2  }
0x86: {  	v0 =	vlaneseq.u32;
	s18 =	smov.u32 s6;
	p0 =	por $0x1, $0x1;
	s14 =	sadd.s32 $0x1, s12  }
.LBB3_24:
0x87: {  	s0 =	sshrl.u32 s29, $0x2  }
.LBB3_26:
0x88: {  	_ =	swait.ge [sflag:s16], s0  }
0x89: {  	s31 =	ssub.s32 $0x0, s0;
	v1 =	vmov s22;
	vm0 =	veq.s32 v0, $0x0;
	[sflag:s16] =	ssyncset.done $0x0  }
0x8a: {  	vm15 =	veq.s32 v0, $0x2;
	v1 =	vsel vm0, s28, v1;
	[sflag:s16] =	ssyncadd.s32 s31  }
0x8b: {  	v1 =	vsel vm15, s20, v1;
	[sflag:s16] =	ssyncpa.u1 $0x1  }
0x8c: {  	[tilespmem:$0xA108] =	vst v1  }
.LBB3_27:
0x8d: {  	s0 =	sadd.s32 $0x140, s18  }
0x8e: {  	s2 =	smov.u32 s6;
	p2 =	slt.s32 s0, s7  }
0x8f: {  	s2 =	smov.u32 @p2 s0;
	p2 =	sne.s32 s19, s14  }
.Ltmp9:
0x90: {  	_ = 	snop;
	(pc) =	sbr.rel @!p2 .LBB3_28-.Ltmp9, $4  }
0x91: {  	_ = 	snop  }
0x92: {  	s20 =	smov.u32 s17  }
0x93: {  	s31 =	sadd.s32 $0x1, s19;
	s17 =	smov.u32 s18;
	p0 =	por !p0, !p0  }
0x94: {  	p1 =	por !p1, !p1;
	s19 =	smov.u32 s31;
	s18 =	smov.u32 s2  }
.LBB3_3:
0x95: {  	p2 =	sge.u32 s19, s12  }
0x96: {  	s0 =	smulhi.u32 @!p2 $0xAAAAAAAB, s19  }
0x97: {  	s2 =	smov.u32 s18;
	p3 =	sgt.s32 @!p2 s18, $0x507D0  }
0x98: {  	s8 =	sshra.s32 @!p2 s18, $0x1F;
	p3 =	por !p3, p2;
	s0 =	sshrl.u32 @!p2 s0, $0x1  }
0x99: {  	s8 =	sand.u32 @!p2 s8, s18;
	s2 =	simm.s32 @p3 $0x507D0;
	s0 =	smul.u32 @!p2 $0x3, s0  }
0x9a: {  	s2 =	ssub.s32 @!p2 s2, s8  }
0x9b: {  	s22 =	sadd.s32 $0xFFFFFFFF, s19;
	s2 =	sadd.s32 @!p2 $0xFFFAF830, s2;
	s0 =	ssub.s32 @!p2 s19, s0  }
0x9c: {  	s8 =	sshll.u32 @!p2 s2, $0x2;
	p3 =	sgt.s32 @!p2 s2, $0x13F;
	s0 =	smul.u32 @!p2 $0x500, s0  }
0x9d: {  	s21 =	sand.u32 @!p2 $0x7, s18;
	s2 =	ssub.s32 @!p2 $0x500, s8;
	p3 =	por !p3, p2  }
0x9e: {  	s8 =	sshrl.u32 @!p2 s18, $0x3;
	s2 =	sshrl.u32 @!p2 s2, $0x2;
	s0 =	sshrl.u32 @!p2 s0, $0x2  }
0x9f: {  	s8 =	sadd.s32 @!p2 s5, s8;
	s2 =	simm.s32 @!p3 $0x0;
	s0 =	sadd.s32 @!p2 $0xA938, s0  }
0xa0: {  	[tilespmem:s0], [sflag:$0x8] =	stream.linear.gather @!p2 [hbm4b:s8+s21], s2, $0x38;
	[tilespmem:$0x1EF78] =	vst v63  }
0xa1: {  	p2 =	sge.u32 s22, s12  }
0xa2: {  	p3 =	sgt.s32 @!p2 s17, $0x507D0  }
0xa3: {  	s0 =	smov.u32 s17;
	s2 =	sshra.s32 @!p2 s17, $0x1F;
	p3 =	por !p3, p2  }
0xa4: {  	s2 =	sand.u32 @!p2 s2, s17;
	s0 =	simm.s32 @p3 $0x507D0  }
0xa5: {  	s0 =	ssub.s32 @!p2 s0, s2  }
0xa6: {  	s0 =	sadd.s32 @!p2 $0xFFFAF830, s0  }
0xa7: {  	s2 =	sshll.u32 @!p2 s0, $0x2  }
0xa8: {  	p3 =	sgt.s32 @!p2 s0, $0x13F;
	s0 =	ssub.s32 @!p2 $0x500, s2  }
0xa9: {  	p3 =	por !p3, p2;
	s0 =	sshrl.u32 @!p2 s0, $0x2  }
0xaa: {  	s8 =	simm.s32 @!p2 $0x8;
	s2 =	sand.u32 @!p2 $0x1, s22;
	s0 =	simm.s32 @!p3 $0x0  }
0xab: {  	s2 =	smul.u32 @!p2 $0x500, s2;
	_ =	swait.ge @!p2 [sflag:s8], s0  }
0xac: {  	s21 =	ssub.s32 @!p2 $0x0, s0;
	[sflag:s8] =	ssyncset.done @!p2 $0x0  }
0xad: {  	s2 =	sshrl.u32 @!p2 s2, $0x2;
	[sflag:s8] =	ssyncadd.s32 @!p2 s21;
	s8 =	sshrl.u32 @!p2 s17, $0x3  }
0xae: {  	s2 =	sadd.s32 @!p2 $0xACF8, s2;
	s21 =	sand.u32 @!p2 $0x7, s17;
	s8 =	sadd.s32 @!p2 s3, s8  }
0xaf: {  	[tilespmem:s2], [sflag:$0x9] =	stream.linear.gather @!p2 [hbm4b:s8+s21], s0, $0x38;
	[tilespmem:$0x1EF78] =	vst v63  }
0xb0: {  	s21 =	ssub.s32 @!p2 $0x50910, s17  }
0xb1: {  	p3 =	slt.s32 @!p2 s21, $0x1  }
0xb2: {  	p3 =	por p2, p3  }
.Ltmp10:
0xb3: {  	_ = 	snop;
	(pc) =	sbr.rel @p3 .LBB3_9-.Ltmp10, $1  }
0xb4: {  	_ =	sdelay $0x3  }
0xb5: {  	s0 =	smulhi.u32 $0xAAAAAAAB, s22;
	_ =	sdelay $0x1  }
0xb6: {  	s0 =	sshrl.u32 s0, $0x1  }
0xb7: {  	s0 =	smul.u32 $0x3, s0;
	_ =	sdelay $0x1  }
0xb8: {  	s0 =	ssub.s32 s22, s0  }
0xb9: {  	s2 =	simm.s32 $0x1;
	s0 =	smul.u32 $0x500, s0  }
.Ltmp11:
0xba: {  	s2 =	simm.s32 @!p0 $0x0;
	(pc) =	sbr.rel .LBB3_6-.Ltmp11, $4  }
0xbb: {  	s2 =	smul.u32 $0x28000, s2  }
0xbc: {  	p3 =	slt.s32 @!p2 s21, $0x140;
	s0 =	sshrl.u32 s0, $0x2  }
0xbd: {  	p2 =	por !p3, p2;
	s2 =	sshrl.u32 s2, $0x2;
	s0 =	sadd.s32 $0xA938, s0  }
0xbe: {  	s23 =	simm.s32 $0x0;
	s21 =	simm.s32 @p2 $0x140;
	s22 =	sadd.s32 $0xAF78, s2;
	v1 =	vmov s0  }
.LBB3_5:
0xbf: {  	p2 =	sge.s32 s23, s21  }
.Ltmp12:
0xc0: {  	_ = 	snop;
	(pc) =	sbr.rel @p2 .LBB3_9-.Ltmp12, $2  }
0xc1: {  	_ =	sdelay $0x2  }
0xc2: {  	s22 =	sadd.s32 $0x800, s22  }
.LBB3_6:
0xc3: {  	p2 =	sle.s32 s21, s23  }
.Ltmp13:
0xc4: {  	_ = 	snop;
	(pc) =	sbr.rel @p2 .LBB3_5-.Ltmp13, $2  }
0xc5: {  	_ =	sdelay $0x2  }
0xc6: {  	s24 =	smov.u32 s23;
	s23 =	sadd.s32 $0x10, s23  }
0xc7: {  	s0 =	ssub.s32 s21, s24  }
0xc8: {  	p2 =	slt.s32 s0, $0x10  }
0xc9: {  	s0 =	simm.s32 @!p2 $0x10  }
0xca: {  	v2 =	vmov s0  }
0xcb: {  	vm0 =	vgt.s32 v2, v0;
	_ =	sdelay $0x5  }
0xcc: {  	v2 =	vld.idx.msk [tilespmem:v1+s24+$0x0 ss:$0x1], vm0;
	_ =	sdelay $0x2  }
0xcd: {  	p2 =	slt.s32 s23, s21;
	s0 =	smov.u32 s21  }
0xce: {  	s2 =	smov.u32 s22;
	s25 =	simm.s32 $0x0;
	s0 =	smov.u32 @p2 s23  }
.LBB3_8:
0xcf: {  	(v2sf) =	vpush v2, s25;
	_ =	sdelay $0xc  }
0xd0: {  	s25 =	sadd.s32 $0x1, s25  }
0xd1: {  	s31 =	sadd.s32 s25, s24  }
0xd2: {  	p2 =	slt.s32 s31, s0;
	s8 =	spop (v2sf)  }
.Ltmp14:
0xd3: {  	s8 =	sshll.u32 s8, $0x4;
	(pc) =	sbr.rel @p2 .LBB3_8-.Ltmp14, $4  }
0xd4: {  	s8 =	sand.u32 $0x1FFFFFF0, s8  }
0xd5: {  	s8 =	sadd.s32 s4, s8  }
0xd6: {  	[tilespmem:s2], [sflag:$0x7] =	stream.linear.gather [hbm4b:s8+s15], $0x40, $0x38;
	[tilespmem:$0x1EF78] =	vst v63  }
0xd7: {  	s2 =	sadd.s32 $0x80, s2  }
.Ltmp15:
0xd8: {  	_ = 	snop;
	(pc) =	sbr.rel .LBB3_5-.Ltmp15, $1  }
0xd9: {  	_ =	sdelay $0x3  }
.LBB3_9:
0xda: {  	p2 =	slt.u32 s19, $0x2  }
.Ltmp16:
0xdb: {  	_ = 	snop;
	(pc) =	sbr.rel @p2 .LBB3_27-.Ltmp16, $1  }
0xdc: {  	_ =	sdelay $0x3  }
0xdd: {  	p2 =	sgt.s32 s20, $0x507D0;
	s0 =	smov.u32 s20  }
0xde: {  	s2 =	sshra.s32 s20, $0x1F;
	s8 =	ssub.s32 $0x50910, s20;
	s0 =	simm.s32 @!p2 $0x507D0  }
0xdf: {  	s2 =	sand.u32 s2, s20;
	p2 =	slt.s32 s8, $0x140;
	s21 =	smov.u32 s8  }
0xe0: {  	s0 =	ssub.s32 s0, s2;
	s21 =	simm.s32 @!p2 $0x140  }
0xe1: {  	s0 =	sadd.s32 $0xFFFAF830, s0;
	s26 =	sshll.u32 s21, $0x6  }
0xe2: {  	s9 =	simm.s32 $0x7;
	s29 =	sshll.u32 s0, $0x2;
	s2 =	sand.u32 $0x3FFFFFC0, s26  }
0xe3: {  	p2 =	sgt.s32 s0, $0x13F;
	s30 =	ssub.s32 $0x500, s29;
	_ =	swait.ge [sflag:s9], s2  }
0xe4: {  	s2 =	ssub.s32 $0x0, s2;
	[sflag:s9] =	ssyncset.done $0x0;
	s0 =	sshrl.u32 s30, $0x2  }
0xe5: {  	[sflag:s9] =	ssyncadd.s32 s2;
	s0 =	simm.s32 @p2 $0x0  }
0xe6: {  	_ =	swait.ge [sflag:s10], s0  }
0xe7: {  	s0 =	ssub.s32 $0x0, s0;
	[sflag:s10] =	ssyncset.done $0x0  }
0xe8: {  	[sflag:s10] =	ssyncadd.s32 s0  }
0xe9: {  	v1 =	vld [tilespmem:$0xA108];
	_ =	sdelay $0x4  }
0xea: {  	(v2sf) =	vpush v1, $0x0  }
0xeb: {  	(v2sf) =	vpush v1, $0x1  }
0xec: {  	(v2sf) =	vpush v1, $0x2;
	_ =	sdelay $0x3  }
0xed: {  	s0 =	sadd.s32 $0x140, s20  }
0xee: {  	p2 =	slt.s32 s7, s0  }
0xef: {  	s0 =	smov.u32 @p2 s7;
	p2 =	sgt.s32 s8, $0x0  }
0xf0: {  	s24 =	ssub.s32 s0, s20;
	s8 =	simm.s32 @!p2 $0x0  }
0xf1: {  	p2 =	slt.s32 s8, s24  }
0xf2: {  	s24 =	smov.u32 @p2 s8  }
0xf3: {  	s23 =	simm.s32 $0x1;
	p2 =	slt.s32 s24, $0x1  }
.Ltmp17:
0xf4: {  	s23 =	simm.s32 @!p1 $0x0;
	(pc) =	sbr.rel @p2 .LBB3_14-.Ltmp17, $4  }
0xf5: {  	s31 =	smul.u32 $0x500, s23  }
0xf6: {  	s25 =	spop (v2sf)  }
0xf7: {  	s0 =	sshrl.u32 s31, $0x2;
	s28 =	spop (v2sf)  }
0xf8: {  	s21 =	sadd.s32 $0xACF8, s0;
	s20 =	spop (v2sf)  }
0xf9: {  	s0 =	smin.u32 s24, $0x10  }
0xfa: {  	v1 =	vmov s0  }
0xfb: {  	p3 =	sgt.s32 s24, $0x10;
	vm1 =	vgt.u32 v1, v0  }
.Ltmp18:
0xfc: {  	_ = 	snop;
	(pc) =	sbr.rel @!p3 .LBB3_13-.Ltmp18, $2  }
0xfd: {  	_ =	sdelay $0x2  }
0xfe: {  	s26 =	simm.s32 $0x10;
	s29 =	sadd.s32 $0xFFFFFFF0, s24;
	s22 =	smov.u32 s21;
	vm0 =	vmmov vm1  }
.LBB3_12:
0xff: {  	s0 =	smin.u32 s29, $0x10;
	s26 =	sadd.s32 $0x10, s26;
	v1 =	vld.msk [tilespmem:s22+$0x0 ss:$0x1], vm1  }
0x100: {  	v2 =	vmov s0;
	p3 =	slt.s32 s26, s24  }
0x101: {  	vm1 =	vgt.u32 v2, v0  }
.Ltmp19:
0x102: {  	(pc) =	sbr.rel @p3 .LBB3_12-.Ltmp19, $3  }
0x103: {  	_ =	sdelay $0x1  }
0x104: {  	v1 =	vshll.u32 v1, $0x4  }
0x105: {  	s29 =	sadd.s32 $0xFFFFFFF0, s29;
	[tilespmem:s22+$0x0] =	vst.msk vm0, v1;
	s22 =	sadd.s32 $0x10, s22;
	vm0 =	vmmov vm1  }
.LBB3_13:
0x106: {  	_ =	sdelay $0x4  }
0x107: {  	v1 =	vld.msk [tilespmem:s22+$0x0 ss:$0x1], vm1;
	_ =	sdelay $0x4  }
0x108: {  	v1 =	vshll.u32 v1, $0x4  }
0x109: {  	[tilespmem:s22+$0x0] =	vst.msk vm0, v1  }
.LBB3_14:
0x10a: {  	s0 =	sand.u32 $0x1, s19  }
0x10b: {  	s0 =	smul.u32 $0x140, s0  }
0x10c: {  	p3 =	sne.s32 s28, $0xFFFFFFFF  }
0x10d: {  	v1 =	vld.msk @!p3 [tilespmem:s0+$0xACF8], $0x1;
	_ =	sdelay $0x4  }
0x10e: {  	(v2sf) =	vpush @!p3 v1, $0x0;
	_ =	sdelay $0xc  }
.Ltmp20:
0x10f: {  	_ = 	snop;
	(pc) =	sbr.rel @p2 .LBB3_25-.Ltmp20, $4  }
0x110: {  	_ = 	snop  }
0x111: {  	s26 =	spop @!p3 (v2sf)  }
0x112: {  	s20 =	simm.s32 @!p3 $0x0;
	s22 =	smov.u32 s26  }
0x113: {  	[sflag:s16] =	ssyncpa.u1 $0x0;
	s26 =	smov.u32 @p3 s25;
	s22 =	smov.u32 @p3 s28  }
0x114: {  	v1 =	vld.msk [tilespmem:s21+$0x0], $0x1;
	_ =	sdelay $0x4  }
0x115: {  	(v2sf) =	vpush v1, $0x0;
	_ =	sdelay $0xe  }
0x116: {  	s0 =	smul.u32 $0x28000, s23;
	s30 =	spop (v2sf)  }
0x117: {  	s24 =	ssub.s32 $0x0, s24;
	p2 =	seq.s32 s26, s30  }
0x118: {  	s28 =	sadd.s32 $0x1, s24;
	s0 =	sshrl.u32 s0, $0x2;
	p3 =	sgt.s32 @!p2 s26, $0x0  }
0x119: {  	s23 =	sadd.s32 $0xAF98, s0;
	s0 =	smov.u32 s26;
	p3 =	por !p3, p2  }
0x11a: {  	s0 =	simm.s32 @p3 $0x0;
	p3 =	seq.s32 s28, $0x0  }
.Ltmp21:
0x11b: {  	_ = 	snop;
	(pc) =	sbr.rel @p3 .LBB3_17-.Ltmp21, $4  }
0x11c: {  	_ = 	snop  }
0x11d: {  	s25 =	simm.s32 $0x0;
	s31 =	simm.s32 @!p2 $0x1;
	s2 =	smin.u32 @!p2 s0, $0x270F8  }
0x11e: {  	s29 =	sadd.s32 $0x1, s21;
	s31 =	smov.u32 @p2 s25;
	s8 =	sand.u32 @!p2 $0x3FFF8, s2  }
0x11f: {  	s0 =	simm.s32 @!p2 $0x50C8;
	s2 =	sand.u32 @!p2 $0x7, s2;
	s8 =	sadd.s32 @!p2 s1, s8  }
.LBB3_16:
0x120: {  	s9 =	smov.u32 s31  }
0x121: {  	[tilespmem:s0], [sflag:$0x2] =	stream.linear.gather @!p2 [hbm4b:s8+s2], $0x40, $0x38;
	[tilespmem:$0x1EF78] =	vst v63  }
0x122: {  	s28 =	sadd.s32 $0x1, s28;
	s2 =	smov.u32 s30;
	v1 =	vld.msk [tilespmem:s29+$0x0], $0x1  }
0x123: {  	p3 =	seq.s32 s28, $0x0;
	_ =	sdelay $0x3  }
0x124: {  	(v2sf) =	vpush v1, $0x0;
	_ =	sdelay $0xe  }
0x125: {  	s30 =	spop (v2sf)  }
0x126: {  	p2 =	seq.s32 s2, s30  }
0x127: {  	p4 =	sgt.s32 @!p2 s2, $0x0;
	s0 =	sshll.u32 @!p2 s31, $0x8;
	s31 =	sadd.s32 @!p2 $0x1, s31  }
.Ltmp22:
0x128: {  	p4 =	por !p4, p2;
	s0 =	sshra.s32 @!p2 s0, $0x2;
	(pc) =	sbr.rel @!p3 .LBB3_16-.Ltmp22, $4  }
0x129: {  	s31 =	smov.u32 @p2 s9;
	s2 =	simm.s32 @p4 $0x0;
	s0 =	sadd.s32 @!p2 $0x50C8, s0  }
0x12a: {  	s2 =	smin.u32 @!p2 s2, $0x270F8  }
0x12b: {  	s8 =	sand.u32 @!p2 $0x3FFF8, s2;
	s2 =	sand.u32 @!p2 $0x7, s2  }
0x12c: {  	s29 =	sadd.s32 $0x1, s29;
	s8 =	sadd.s32 @!p2 s1, s8  }
.LBB3_17:
0x12d: {  	[tilespmem:s0], [sflag:$0x2] =	stream.linear.gather @!p2 [hbm4b:s8+s2], $0x40, $0x38;
	[tilespmem:$0x1EF78] =	vst v63  }
.Ltmp23:
0x12e: {  	s30 =	sshll.u32 s31, $0x6;
	(pc) =	sbr.rel .LBB3_18-.Ltmp23, $4  }
0x12f: {  	s31 =	simm.s32 $0x2;
	s0 =	sand.u32 $0x3FFFFFC0, s30  }
0x130: {  	_ =	swait.ge [sflag:s31], s0  }
0x131: {  	s0 =	ssub.s32 $0x0, s0;
	[sflag:s31] =	ssyncset.done $0x0  }
0x132: {  	s29 =	simm.s32 $0x0;
	[sflag:s31] =	ssyncadd.s32 s0  }
.LBB3_19:
0x133: {  	v1 =	vld [tilespmem:s23+$0xFFFFFFE0];
	_ =	sdelay $0x4  }
0x134: {  	[tilespmem:s30+$0x88] =	vst.add.f32.msk $0xffff, v1  }
0x135: {  	v1 =	vld [tilespmem:s23+$0xFFFFFFF0];
	_ =	sdelay $0x4  }
0x136: {  	[tilespmem:s30+$0x98] =	vst.add.f32.msk $0xffff, v1  }
0x137: {  	v1 =	vld [tilespmem:s23+$0x0];
	_ =	sdelay $0x4  }
0x138: {  	[tilespmem:s30+$0xA8] =	vst.add.f32.msk $0xffff, v1  }
0x139: {  	v1 =	vld [tilespmem:s23+$0x10];
	_ =	sdelay $0x4  }
0x13a: {  	[tilespmem:s30+$0xB8] =	vst.add.f32.msk $0xffff, v1  }
.LBB3_23:
0x13b: {  	s24 =	sadd.s32 $0x1, s24  }
0x13c: {  	p2 =	seq.s32 s24, $0x0  }
.Ltmp24:
0x13d: {  	_ = 	snop;
	(pc) =	sbr.rel @p2 .LBB3_24-.Ltmp24, $2  }
0x13e: {  	_ =	sdelay $0x2  }
0x13f: {  	s23 =	sadd.s32 $0x80, s23;
	s21 =	sadd.s32 $0x1, s21;
	s26 =	smov.u32 s28  }
.LBB3_18:
0x140: {  	v1 =	vld.msk [tilespmem:s21+$0x0], $0x1;
	_ =	sdelay $0x4  }
0x141: {  	(v2sf) =	vpush v1, $0x0;
	_ =	sdelay $0xe  }
0x142: {  	s28 =	spop (v2sf)  }
0x143: {  	p2 =	sne.s32 s26, s28  }
.Ltmp25:
0x144: {  	_ = 	snop;
	(pc) =	sbr.rel @!p2 .LBB3_19-.Ltmp25, $3  }
0x145: {  	_ =	sdelay $0x1  }
0x146: {  	s0 =	sshll.u32 s20, $0x8  }
0x147: {  	s30 =	sshra.s32 s0, $0x2  }
0x148: {  	p2 =	seq.s32 s26, s22  }
.Ltmp26:
0x149: {  	_ = 	snop;
	(pc) =	sbr.rel @!p2 .LBB3_21-.Ltmp26, $1  }
0x14a: {  	_ =	sdelay $0x3  }
.Ltmp27:
0x14b: {  	s0 =	sadd.s32 $0x88, s30;
	(pc) =	sbr.rel .LBB3_22-.Ltmp27, $4  }
0x14c: {  	[spmem:s13] =	stream.linear.scatter [tilespmem:s0], [sflag:$0x1], $0x40, $0x38;
	[tilespmem:$0x1EF78] =	vst v63  }
0x14d: {  	_ =	swait.ge [sflag:s11], $0x40  }
0x14e: {  	[sflag:s11] =	ssyncset.done $0x0  }
0x14f: {  	[sflag:s11] =	ssyncadd.s32 $0xFFFFFFC0  }
.LBB3_21:
0x150: {  	s0 =	sshll.u32 s25, $0x8  }
0x151: {  	s0 =	sshra.s32 s0, $0x2  }
0x152: {  	v1 =	vld [tilespmem:s0+$0x50C8];
	_ =	sdelay $0x4  }
0x153: {  	[tilespmem:s30+$0x88] =	vst.add.f32.msk $0xffff, v1  }
0x154: {  	v1 =	vld [tilespmem:s0+$0x50D8];
	_ =	sdelay $0x4  }
0x155: {  	[tilespmem:s30+$0x98] =	vst.add.f32.msk $0xffff, v1  }
0x156: {  	v1 =	vld [tilespmem:s0+$0x50E8];
	_ =	sdelay $0x4  }
0x157: {  	[tilespmem:s30+$0xA8] =	vst.add.f32.msk $0xffff, v1  }
0x158: {  	v1 =	vld [tilespmem:s0+$0x50F8];
	_ =	sdelay $0x2  }
0x159: {  	p2 =	sgt.u32 s26, $0x270F8  }
0x15a: {  	s0 =	sand.u32 @!p2 $0x3FFF8, s26  }
0x15b: {  	s2 =	sadd.s32 $0x88, s30;
	s8 =	sand.u32 @!p2 $0x7, s26;
	s0 =	sadd.s32 @!p2 s1, s0;
	[tilespmem:s30+$0xB8] =	vst.add.f32.msk $0xffff, v1  }
0x15c: {  	[hbm4b:s0+s8] =	stream.linear.scatter @!p2 [tilespmem:s2], [sflag:$0xA], $0x40, $0x38;
	[tilespmem:$0x1EF78] =	vst v63  }
0x15d: {  	s0 =	simm.s32 $0x0  }
0x15e: {  	s0 =	simm.s32 @!p2 $0x100  }
0x15f: {  	s29 =	sadd.s32 s0, s29  }
.LBB3_22:
0x160: {  	s0 =	sadd.s32 $0x1, s20  }
0x161: {  	s2 =	smulhi.u32 $0xCCCCCCCD, s0;
	_ =	sdelay $0x1  }
0x162: {  	v1 =	vld [tilespmem:s23+$0xFFFFFFE0];
	s2 =	sshrl.u32 s2, $0x8  }
0x163: {  	s2 =	smul.u32 $0x140, s2;
	_ =	sdelay $0x1  }
0x164: {  	s20 =	ssub.s32 s0, s2  }
0x165: {  	s0 =	sshll.u32 s20, $0x6  }
0x166: {  	[tilespmem:s0+$0x88] =	vst v1  }
0x167: {  	v1 =	vld [tilespmem:s23+$0xFFFFFFF0];
	_ =	sdelay $0x4  }
0x168: {  	[tilespmem:s0+$0x98] =	vst v1  }
0x169: {  	v1 =	vld [tilespmem:s23+$0x0];
	_ =	sdelay $0x4  }
0x16a: {  	[tilespmem:s0+$0xA8] =	vst v1  }
0x16b: {  	v1 =	vld [tilespmem:s23+$0x10]  }
.Ltmp28:
0x16c: {  	_ = 	snop;
	(pc) =	sbr.rel .LBB3_23-.Ltmp28, $2  }
0x16d: {  	_ =	sdelay $0x2  }
0x16e: {  	s25 =	sadd.s32 $0x1, s25;
	[tilespmem:s0+$0xB8] =	vst v1  }
.LBB3_25:
.Ltmp29:
0x16f: {  	(pc) =	sbr.rel .LBB3_26-.Ltmp29, $4  }
0x170: {  	_ = 	snop  }
0x171: {  	s0 =	simm.s32 $0x2  }
0x172: {  	_ =	swait.ge [sflag:s0], $0x0  }
0x173: {  	s28 =	smov.u32 s26;
	[sflag:s0] =	ssyncset.done $0x0;
	s0 =	simm.s32 $0x0  }
.LBB3_28:
0x174: {  	_ =	sfence.sel $0x180000  }
0x175: {  	s0 =	simm.s32 $0x7;
	[bflag:$0x0] =	sbarrier.arrive $0xFFFF  }
0x176: {  	s25 =	simm.s32 $0x8;
	[sflag:s0] =	ssyncpa.u1 $0x1  }
0x177: {  	s26 =	simm.s32 $0x9;
	[sflag:s25] =	ssyncpa.u1 $0x1  }
0x178: {  	s28 =	simm.s32 $0x2;
	[sflag:s26] =	ssyncpa.u1 $0x1  }
0x179: {  	[sflag:s28] =	ssyncpa.u1 $0x1  }
0x17a: {  	v0 =	vld [tilespmem:$0xA108];
	_ =	sdelay $0x4  }
0x17b: {  	(v2sf) =	vpush v0, $0x0  }
0x17c: {  	(v2sf) =	vpush v0, $0x1;
	_ =	sdelay $0x1  }
0x17d: {  	(v2sf) =	vpush v0, $0x2;
	_ =	sdelay $0xb  }
0x17e: {  	s0 =	spop (v2sf)  }
0x17f: {  	s2 =	spop (v2sf)  }
0x180: {  	s3 =	smov.u32 s0;
	p0 =	sne.s32 s0, s2  }
0x181: {  	s4 =	spop (v2sf);
	s3 =	simm.s32 @!p0 $0xFFFFFFFF  }
0x182: {  	v2 =	vimm.s32 $0x1;
	v3 =	vlaneseq.u32;
	p0 =	seq.s32 s4, $0xFFFFFFFF;
	v1 =	vmov s3  }
0x183: {  	s7 =	stileid.u32;
	v0 =	vperm.xlane v0, v2;
	p1 =	sne.s32 @!p0 s0, s2;
	v1 =	vperm.xlane v1, v3  }
0x184: {  	vm0 =	vcmask $0x3F04;
	s6 =	simm.s32 $0xA108;
	s0 =	simm.s32 @!p0 $0x1;
	p1 =	por !p1, p0  }
0x185: {  	s3 =	sshll.u32 s7, $0x1;
	s2 =	sshll.u32 @!p0 s4, $0x8;
	s0 =	simm.s32 @p1 $0x0;
	v0 =	vsel vm0, v1, v0  }
0x186: {  	s5 =	sor.u32 $0x800, s3;
	s2 =	sshra.s32 @!p0 s2, $0x2;
	s0 =	sor.u32 @!p0 s0, s3;
	[tilespmem:$0xA108] =	vst v0  }
0x187: {  	[spmem:s5] =	stream.linear.scatter [tilespmem:s6], [sflag:$0x1], $0x2, $0x38;
	[tilespmem:$0x1EF78] =	vst v63  }
0x188: {  	s2 =	sadd.s32 @!p0 $0x88, s2;
	s0 =	sshll.u32 @!p0 s0, $0x6  }
0x189: {  	[spmem:s0] =	stream.linear.scatter @!p0 [tilespmem:s2], [sflag:$0x1], $0x40, $0x38;
	[tilespmem:$0x1EF78] =	vst v63  }
0x18a: {  	s2 =	simm.s32 @!p0 $0x42  }
0x18b: {  	s0 =	simm.s32 $0x1;
	s2 =	simm.s32 @p0 $0x2  }
0x18c: {  	_ =	swait.ge [sflag:s0], s2  }
0x18d: {  	s2 =	ssub.s32 $0x0, s2;
	[sflag:s0] =	ssyncset.done $0x0  }
0x18e: {  	[sflag:s0] =	ssyncadd.s32 s2  }
0x18f: {  	_ =	sfence.stream.spmem  }
0x190: {  	s29 =	simm.s32 $0x3;
	[bflag:$0x0] =	sbarrier.arrive $0xFFFF  }
0x191: {  	s30 =	simm.s32 $0x4;
	[sflag:s29] =	ssyncpa.u1 $0x1  }
0x192: {  	s31 =	simm.s32 $0x3C;
	[sflag:s30] =	ssyncpa.u1 $0x1  }
0x193: {  	p0 =	sne.s32 s7, $0x0;
	[sflag:s31] =	ssyncpa.u1 $0x1  }
0x194: {  	_ =	sfence @p0  }
0x195: {  	[sflag:s0] =	ssyncpa.u1 @p0 $0x1  }
0x196: {  	_ =	strace @p0 $0x90000056  }
0x197: {  	[bflag:$0x2] =	sbarrier.arrive @p0 $0xFFFF  }
0x198: {  	_ =	shalt @p0  }
.LBB3_29:
0x199: {  	_ =	sfence.stream.spmem;
	s0 =	simm.s32 $0x5  }
0x19a: {  	s2 =	simm.s32 $0x800;
	s3 =	simm.s32 $0xA118;
	[sflag:s0] =	ssyncpa.u1 $0x0  }
0x19b: {  	[tilespmem:s3], [sflag:$0x5] =	stream.linear.gather [spmem:s2], $0x20, $0x38;
	[tilespmem:$0x1EF78] =	vst v63  }
0x19c: {  	s30 =	simm.s32 $0xA138;
	s2 =	simm.s32 $0x0  }
0x19d: {  	[tilespmem:s30], [sflag:$0x5] =	stream.linear.gather [spmem:s2], $0x800, $0x38;
	[tilespmem:$0x1EF78] =	vst v63  }
.Ltmp30:
0x19e: {  	_ = 	snop;
	(pc) =	sbr.rel .LBB3_30-.Ltmp30, $4  }
0x19f: {  	_ =	swait.ge [sflag:s0], $0x820  }
0x1a0: {  	[sflag:s0] =	ssyncset.done $0x0  }
0x1a1: {  	s31 =	simm.s32 $0x6;
	[sflag:s0] =	ssyncadd.s32 $0xFFFFF7E0  }
0x1a2: {  	s3 =	simm.s32 $0x0;
	[sflag:s31] =	ssyncpa.u1 $0x0  }
.LBB3_36:
0x1a3: {  	p0 =	slt.u32 s4, $0x270F9  }
0x1a4: {  	s0 =	sand.u32 @p0 $0x3FFF8, s4  }
0x1a5: {  	s4 =	sand.u32 @p0 $0x7, s4;
	s5 =	simm.s32 @p0 $0xA0C8;
	s0 =	sadd.s32 @p0 s1, s0  }
0x1a6: {  	[tilespmem:s5], [sflag:$0x6] =	stream.linear.gather @p0 [hbm4b:s0+s4], $0x40, $0x38;
	[tilespmem:$0x1EF78] =	vst v63  }
0x1a7: {  	s0 =	simm.s32 @p0 $0x6  }
0x1a8: {  	_ =	swait.ge @p0 [sflag:s0], $0x40  }
0x1a9: {  	[sflag:s0] =	ssyncset.done @p0 $0x0  }
0x1aa: {  	[sflag:s0] =	ssyncadd.s32 @p0 $0xFFFFFFC0  }
0x1ab: {  	v1 =	vld @p0 [tilespmem:$0xA0C8];
	_ =	sdelay $0x2  }
0x1ac: {  	s0 =	sshll.u32 @p0 s3, $0x8  }
0x1ad: {  	s4 =	sshrl.u32 @p0 s0, $0x2  }
0x1ae: {  	[tilespmem:s4+$0xA138] =	vst.add.f32.msk @p0 $0xffff, v1  }
0x1af: {  	v1 =	vld @p0 [tilespmem:$0xA0D8];
	_ =	sdelay $0x4  }
0x1b0: {  	[tilespmem:s4+$0xA148] =	vst.add.f32.msk @p0 $0xffff, v1  }
0x1b1: {  	v1 =	vld @p0 [tilespmem:$0xA0E8];
	_ =	sdelay $0x4  }
0x1b2: {  	[tilespmem:s4+$0xA158] =	vst.add.f32.msk @p0 $0xffff, v1  }
0x1b3: {  	v1 =	vld @p0 [tilespmem:$0xA0F8];
	_ =	sdelay $0x3  }
0x1b4: {  	s5 =	sshll.u32 @!p0 s3, $0x8  }
0x1b5: {  	s5 =	smov.u32 @p0 s0;
	[tilespmem:s4+$0xA168] =	vst.add.f32.msk @p0 $0xffff, v1  }
0x1b6: {  	s0 =	sshrl.u32 s5, $0x2;
	[tilespmem:s2+$0xA118] =	vst.msk $0x1, v0  }
0x1b7: {  	v0 =	vld [tilespmem:s0+$0xA138];
	_ =	sdelay $0x2  }
0x1b8: {  	s31 =	sshll.u32 s2, $0x8  }
0x1b9: {  	s4 =	sshra.s32 s31, $0x2  }
0x1ba: {  	[tilespmem:s4+$0xA138] =	vst v0  }
0x1bb: {  	v0 =	vld [tilespmem:s0+$0xA148];
	_ =	sdelay $0x4  }
0x1bc: {  	[tilespmem:s4+$0xA148] =	vst v0  }
0x1bd: {  	v0 =	vld [tilespmem:s0+$0xA158];
	_ =	sdelay $0x4  }
0x1be: {  	[tilespmem:s4+$0xA158] =	vst v0  }
0x1bf: {  	v0 =	vld [tilespmem:s0+$0xA168];
	_ =	sdelay $0x4  }
0x1c0: {  	s2 =	sadd.s32 $0x1, s2;
	[tilespmem:s4+$0xA168] =	vst v0  }
.LBB3_37:
0x1c1: {  	s3 =	sadd.s32 $0x1, s3  }
0x1c2: {  	p0 =	sne.s32 s3, $0x20  }
.Ltmp31:
0x1c3: {  	_ = 	snop;
	(pc) =	sbr.rel @!p0 .LBB3_38-.Ltmp31, $1  }
0x1c4: {  	_ =	sdelay $0x3  }
.LBB3_30:
0x1c5: {  	v0 =	vld.msk [tilespmem:s3+$0xA118], $0x1;
	_ =	sdelay $0x4  }
0x1c6: {  	(v2sf) =	vpush v0, $0x0;
	_ =	sdelay $0xe  }
0x1c7: {  	s4 =	spop (v2sf)  }
0x1c8: {  	p0 =	seq.s32 s4, $0xFFFFFFFF  }
.Ltmp32:
0x1c9: {  	_ = 	snop;
	(pc) =	sbr.rel @p0 .LBB3_37-.Ltmp32, $1  }
0x1ca: {  	_ =	sdelay $0x3  }
0x1cb: {  	p0 =	slt.s32 s2, $0x1  }
.Ltmp33:
0x1cc: {  	_ = 	snop;
	(pc) =	sbr.rel @p0 .LBB3_36-.Ltmp33, $1  }
0x1cd: {  	_ =	sdelay $0x3  }
0x1ce: {  	s5 =	simm.s32 $0xA118;
	p0 =	por $0x0, $0x0  }
0x1cf: {  	v1 =	vld.msk @!p0 [tilespmem:s5+$0x0], $0x1;
	_ =	sdelay $0x4  }
0x1d0: {  	(v2sf) =	vpush @!p0 v1, $0x0;
	_ =	sdelay $0xd  }
0x1d1: {  	p2 =	sne.s32 s2, $0x1  }
.Ltmp34:
0x1d2: {  	s0 =	spop @!p0 (v2sf);
	(pc) =	sbr.rel @!p2 .LBB3_34-.Ltmp34, $4  }
0x1d3: {  	p1 =	seq.s32 @!p0 s4, s0  }
0x1d4: {  	s6 =	simm.s32 $0x0;
	p1 =	por !p1, p0  }
0x1d5: {  	s0 =	simm.s32 $0xFFFFFFFF;
	s6 =	simm.s32 @p1 $0xFFFFFFFF  }
0x1d6: {  	s7 =	simm.s32 $0x1;
	s6 =	smov.u32 @p0 s0  }
.LBB3_33:
0x1d7: {  	s0 =	smov.u32 s6;
	p0 =	sne.s32 s6, $0xFFFFFFFF  }
0x1d8: {  	s5 =	sadd.s32 $0x1, s5;
	s6 =	smov.u32 s7;
	s7 =	sadd.s32 $0x1, s7  }
0x1d9: {  	p1 =	sne.s32 s2, s7;
	v1 =	vld.msk @!p0 [tilespmem:s5+$0x0], $0x1;
	_ =	sdelay $0x4  }
0x1da: {  	(v2sf) =	vpush @!p0 v1, $0x0;
	_ =	sdelay $0xe  }
.Ltmp35:
0x1db: {  	s8 =	spop @!p0 (v2sf);
	(pc) =	sbr.rel @p1 .LBB3_33-.Ltmp35, $4  }
0x1dc: {  	p2 =	seq.s32 @!p0 s4, s8  }
0x1dd: {  	p2 =	por !p2, p0  }
0x1de: {  	s6 =	simm.s32 @p2 $0xFFFFFFFF  }
0x1df: {  	s6 =	smov.u32 @p0 s0  }
.LBB3_34:
0x1e0: {  	p0 =	seq.s32 s6, $0xFFFFFFFF  }
.Ltmp36:
0x1e1: {  	_ = 	snop;
	(pc) =	sbr.rel @p0 .LBB3_36-.Ltmp36, $1  }
0x1e2: {  	_ =	sdelay $0x3  }
0x1e3: {  	s0 =	sshll.u32 s3, $0x6  }
0x1e4: {  	s0 =	sand.u32 $0x3FFFFFC0, s0  }
0x1e5: {  	v0 =	vld [tilespmem:s0+$0xA138];
	_ =	sdelay $0x2  }
0x1e6: {  	s4 =	sshll.u32 s6, $0x8  }
0x1e7: {  	s4 =	sshra.s32 s4, $0x2  }
0x1e8: {  	[tilespmem:s4+$0xA138] =	vst.add.f32.msk $0xffff, v0  }
0x1e9: {  	v0 =	vld [tilespmem:s0+$0xA148];
	_ =	sdelay $0x4  }
0x1ea: {  	[tilespmem:s4+$0xA148] =	vst.add.f32.msk $0xffff, v0  }
0x1eb: {  	v0 =	vld [tilespmem:s0+$0xA158];
	_ =	sdelay $0x4  }
0x1ec: {  	[tilespmem:s4+$0xA158] =	vst.add.f32.msk $0xffff, v0  }
0x1ed: {  	v0 =	vld [tilespmem:s0+$0xA168]  }
.Ltmp37:
0x1ee: {  	_ = 	snop;
	(pc) =	sbr.rel .LBB3_37-.Ltmp37, $2  }
0x1ef: {  	_ =	sdelay $0x2  }
0x1f0: {  	[tilespmem:s4+$0xA168] =	vst.add.f32.msk $0xffff, v0  }
.LBB3_38:
0x1f1: {  	p0 =	slt.s32 s2, $0x1  }
.Ltmp38:
0x1f2: {  	_ = 	snop;
	(pc) =	sbr.rel @p0 .LBB3_42-.Ltmp38, $3  }
0x1f3: {  	_ =	sdelay $0x1  }
0x1f4: {  	s0 =	simm.s32 $0x6  }
0x1f5: {  	s3 =	simm.s32 $0x0;
	[sflag:s0] =	ssyncpa.u1 $0x1  }
0x1f6: {  	s0 =	simm.s32 $0xA118  }
0x1f7: {  	v0 =	vld.msk [tilespmem:s0+$0x0], $0x1;
	_ =	sdelay $0x4  }
0x1f8: {  	(v2sf) =	vpush v0, $0x0;
	_ =	sdelay $0xe  }
0x1f9: {  	s2 =	sadd.s32 $0xFFFFFFFF, s2;
	s0 =	spop (v2sf)  }
0x1fa: {  	p1 =	sne.s32 s2, $0x0;
	p0 =	sgt.u32 s0, $0x270F8  }
.Ltmp39:
0x1fb: {  	s5 =	sand.u32 @!p0 $0x3FFF8, s0;
	(pc) =	sbr.rel @!p1 .LBB3_41-.Ltmp39, $4  }
0x1fc: {  	s4 =	simm.s32 $0xA138;
	s0 =	sand.u32 @!p0 $0x7, s0;
	s5 =	sadd.s32 @!p0 s1, s5  }
0x1fd: {  	[hbm4b:s5+s0] =	stream.linear.scatter @!p0 [tilespmem:s4], [sflag:$0x5], $0x40, $0x38;
	[tilespmem:$0x1EF78] =	vst v63  }
0x1fe: {  	s0 =	simm.s32 $0x0  }
0x1ff: {  	s5 =	simm.s32 $0xA119;
	s0 =	simm.s32 @!p0 $0x100  }
.LBB3_40:
0x200: {  	v0 =	vld.msk [tilespmem:s5+$0x0], $0x1;
	s2 =	sadd.s32 $0xFFFFFFFF, s2;
	s3 =	sadd.s32 s3, s0  }
0x201: {  	p0 =	sne.s32 s2, $0x0;
	_ =	sdelay $0x3  }
0x202: {  	(v2sf) =	vpush v0, $0x0;
	_ =	sdelay $0xe  }
.Ltmp40:
0x203: {  	s6 =	spop (v2sf);
	(pc) =	sbr.rel @p0 .LBB3_40-.Ltmp40, $4  }
0x204: {  	s0 =	simm.s32 $0x0;
	p1 =	sgt.u32 s6, $0x270F8  }
0x205: {  	s4 =	sadd.s32 $0x40, s4;
	s0 =	simm.s32 @!p1 $0x100;
	s7 =	sand.u32 @!p1 $0x3FFF8, s6  }
0x206: {  	s5 =	sadd.s32 $0x1, s5;
	s6 =	sand.u32 @!p1 $0x7, s6;
	s7 =	sadd.s32 @!p1 s1, s7  }
0x207: {  	[hbm4b:s7+s6] =	stream.linear.scatter @!p1 [tilespmem:s4], [sflag:$0x5], $0x40, $0x38;
	[tilespmem:$0x1EF78] =	vst v63  }
.LBB3_41:
0x208: {  	s0 =	sadd.s32 s3, s0  }
0x209: {  	s3 =	sshrl.u32 s0, $0x2  }
.LBB3_42:
0x20a: {  	s0 =	simm.s32 $0x5  }
0x20b: {  	_ =	swait.ge [sflag:s0], s3  }
0x20c: {  	s1 =	ssub.s32 $0x0, s3;
	[sflag:s0] =	ssyncset.done $0x0  }
0x20d: {  	[sflag:s0] =	ssyncadd.s32 s1  }
0x20e: {  	[sflag:s0] =	ssyncpa.u1 $0x1  }
0x20f: {  	s30 =	simm.s32 $0x1;
	_ =	sfence  }
0x210: {  	[sflag:s30] =	ssyncpa.u1 $0x1  }
0x211: {  	_ =	strace $0x90000056  }
0x212: {  	[bflag:$0x2] =	sbarrier.arrive $0xFFFF  }
0x213: {  	s31 =	rddreg [dreg:$0x1]  }
0x214: {  	s0 =	sadd.s32 $0x100000, s31  }
0x215: {  	[sflag:s0] =	ssyncadd.tile.s32 $0x1;
	_ =	shalt  }
.Lfunc_end3:
_tile_overlayer_lowered:
.L_overlay_start_3:
0x216: {  	(tag) =	ssettag $0x3  }
0x217: {  	s0 =	rddreg [dreg:$0x0];
	s2 =	stileid.u32  }
0x218: {  	s1 =	rddreg [dreg:$0x1];
	p0 =	sne.s32 s2, $0x0  }
0x219: {  	s3 =	rddreg [dreg:$0x2];
	[bflag:$0x3] =	sbarrier.arrive $0xFFFF;
	s2 =	simm.s32 @!p0 $0x1C01  }
0x21a: {  	[timem:s3], [sflag:s2] =	dma.local @!p0 [hbm:s0], s1  }
0x21b: {  	s0 =	simm.s32 @!p0 $0x1  }
0x21c: {  	_ =	swait.ge @!p0 [sflag:s0], s1  }
0x21d: {  	s1 =	ssub.s32 @!p0 $0x0, s1;
	[sflag:s0] =	ssyncset.done @!p0 $0x0  }
0x21e: {  	[sflag:s0] =	ssyncadd.s32 @!p0 s1  }
0x21f: {  	[bflag:$0x3] =	sbarrier.arrive $0xFFFF  }
0x220: {  	_ =	shalt  }

// kernel: scatter_offload_async_start.3
scs
__scs_entry_jumppad:
0x0: {  	(pc) =	sbr.rel $0x88, $3  }
0x1: {  	(tag) =	ssettag $0x0;
	lr =	simm.s32 $0x1  }
0x2: {  	[smem:$0x3F81] =	sst lr;
	_ =	strace $0xD0000000  }
0x3: {  	_ = 	snop  }
0x4: {  	_ = 	snop  }
0x5: {  	_ = 	snop  }
0x6: {  	_ = 	snop  }
0x7: {  	_ = 	snop  }
__scs_overlays_trampoline_lowered:
0x8: {  	[smem:$0x3F90] =	sst s0  }
0x9: {  	[smem:$0x3F91] =	sst s1  }
0xa: {  	[smem:$0x3F92] =	sst s2  }
0xb: {  	[smem:$0x3F93] =	sst s3  }
0xc: {  	[smem:$0x3F94] =	sst s4  }
0xd: {  	[smem:$0x3F95] =	sst s5  }
0xe: {  	[smem:$0x3F96] =	sst s6  }
0xf: {  	[smem:$0x3F97] =	sst s7  }
0x10: {  	[smem:$0x3F98] =	sst s8  }
0x11: {  	[smem:$0x3F99] =	sst s9;
	s0 =	simm.s32 @!p0 $0x0  }
0x12: {  	s1 =	sld [smem:$0x3F7F];
	s0 =	simm.s32 @p0 $0x1  }
0x13: {  	[smem:$0x3F9A] =	sst s0;
	s0 =	simm.s32 @!p1 $0x0  }
0x14: {  	s2 =	sld [smem:$0x3F7E];
	s0 =	simm.s32 @p1 $0x1  }
0x15: {  	[smem:$0x3F9B] =	sst s0;
	s0 =	simm.s32 @!p2 $0x0  }
0x16: {  	s3 =	sld [smem:$0x3FDB];
	s0 =	simm.s32 @p2 $0x1  }
0x17: {  	s4 =	simm.s32 $0x1BF5;
	[smem:$0x3F9D] =	sst s0  }
0x18: {  	s0 =	sld [smem:$0x3F80];
	_ =	swait.ge [sflag:s4], $0x0  }
0x19: {  	s7 =	sld [smem:$0x3F81]  }
0x1a: {  	s8 =	sadd.s32 $0xFFFFE003, lr  }
0x1b: {  	s9 =	sadd.s32 $0xFFFFFEF7, lr;
	s5 =	simm.s32 $0xFFFFFFFF;
	p2 =	slt.u32 s8, $0xFFFFF086  }
0x1c: {  	p1 =	slt.u32 s9, $0xF7A;
	s5 =	simm.s32 @!p2 $0x0  }
0x1d: {  	s5 =	simm.s32 @p1 $0x1;
	p0 =	seq.s32 s7, s2  }
0x1e: {  	s7 =	smul.u32 @!p0 $0xF7A, s2;
	p2 =	seq.s32 @!p0 s5, $0x0  }
0x1f: {  	s9 =	smul.u32 $0xF7A, s1;
	s8 =	simm.s32 @!p0 $0x1BF5;
	p2 =	por !p2, p0  }
0x20: {  	[sflag:s8] =	ssyncset.s32 @!p0 $0xFFFFF086;
	s6 =	sadd.s32 @!p0 s3, s7;
	s7 =	simm.s32 @!p0 $0x108  }
0x21: {  	s3 =	sadd.s32 s3, s9;
	s6 =	sadd.s32 @!p0 $0x88, s6;
	s7 =	simm.s32 @p2 $0x1082  }
0x22: {  	[simem:s7], [sflag:s8] =	dma.local @!p0 [hbm:s6], $0xF7A  }
0x23: {  	s9 =	sor.u32 $0xD0000000, s2;
	s6 =	simm.s32 $0x108;
	_ =	swait.ge @!p0 [sflag:s8], $0x0  }
0x24: {  	s3 =	sadd.s32 $0x88, s3;
	s6 =	simm.s32 @!p1 $0x1082;
	[sflag:s4] =	ssyncset.s32 $0xFFFFF086  }
0x25: {  	[simem:s6], [sflag:s4] =	dma.local [hbm:s3], $0xF7A  }
0x26: {  	[smem:$0x3F81] =	sst s1;
	(tag) =	ssettag s2;
	_ =	strace s9  }
0x27: {  	s1 =	sld [smem:$0x3F91]  }
0x28: {  	s2 =	sld [smem:$0x3F92]  }
0x29: {  	s4 =	sld [smem:$0x3F94]  }
0x2a: {  	p0 =	seq.s32 s5, $0x0;
	s5 =	sld [smem:$0x3F95]  }
0x2b: {  	s6 =	sld [smem:$0x3F96]  }
0x2c: {  	s7 =	sld [smem:$0x3F97]  }
0x2d: {  	s3 =	simm.s32 $0x108;
	s8 =	sld [smem:$0x3F98]  }
0x2e: {  	s3 =	simm.s32 @!p0 $0x1082;
	s9 =	sld [smem:$0x3F99]  }
0x2f: {  	lr =	sadd.s32 s0, s3;
	s0 =	sld [smem:$0x3F90]  }
0x30: {  	s3 =	sld [smem:$0x3F93]  }
0x31: {  	[smem:$0x3F9C] =	sst s10  }
0x32: {  	s10 =	sld [smem:$0x3F9A];
	_ =	sdelay $0x3  }
0x33: {  	p0 =	seq.s32 s10, $0x1;
	s10 =	sld [smem:$0x3F9C];
	_ =	sdelay $0x3  }
0x34: {  	[smem:$0x3F9C] =	sst s10  }
0x35: {  	s10 =	sld [smem:$0x3F9B];
	_ =	sdelay $0x3  }
0x36: {  	p1 =	seq.s32 s10, $0x1;
	s10 =	sld [smem:$0x3F9C];
	_ =	sdelay $0x3  }
0x37: {  	[smem:$0x3F9C] =	sst s10  }
0x38: {  	s10 =	sld [smem:$0x3F9D]  }
0x39: {  	_ = 	snop;
	(pc) =	sbr.ind lr, $3  }
0x3a: {  	_ = 	snop  }
0x3b: {  	_ = 	snop  }
0x3c: {  	p2 =	seq.s32 s10, $0x1;
	s10 =	sld [smem:$0x3F9C]  }
0x3d: {  	_ =	shalt  }
0x3e: {  	_ =	shalt  }
0x3f: {  	_ =	shalt  }
0x40: {  	_ =	shalt  }
0x41: {  	_ =	shalt  }
0x42: {  	_ =	shalt  }
0x43: {  	_ =	shalt  }
0x44: {  	_ =	shalt  }
0x45: {  	_ =	shalt  }
0x46: {  	_ =	shalt  }
0x47: {  	_ =	shalt  }
0x48: {  	_ =	shalt  }
0x49: {  	_ =	shalt  }
0x4a: {  	_ =	shalt  }
0x4b: {  	_ =	shalt  }
0x4c: {  	_ =	shalt  }
0x4d: {  	_ =	shalt  }
0x4e: {  	_ =	shalt  }
0x4f: {  	_ =	shalt  }
0x50: {  	_ =	shalt  }
0x51: {  	_ =	shalt  }
0x52: {  	_ =	shalt  }
0x53: {  	_ =	shalt  }
0x54: {  	_ =	shalt  }
0x55: {  	_ =	shalt  }
0x56: {  	_ =	shalt  }
0x57: {  	_ =	shalt  }
0x58: {  	_ =	shalt  }
0x59: {  	_ =	shalt  }
0x5a: {  	_ =	shalt  }
0x5b: {  	_ =	shalt  }
0x5c: {  	_ =	shalt  }
0x5d: {  	_ =	shalt  }
0x5e: {  	_ =	shalt  }
0x5f: {  	_ =	shalt  }
0x60: {  	_ =	shalt  }
0x61: {  	_ =	shalt  }
0x62: {  	_ =	shalt  }
0x63: {  	_ =	shalt  }
0x64: {  	_ =	shalt  }
0x65: {  	_ =	shalt  }
0x66: {  	_ =	shalt  }
0x67: {  	_ =	shalt  }
0x68: {  	_ =	shalt  }
0x69: {  	_ =	shalt  }
0x6a: {  	_ =	shalt  }
0x6b: {  	_ =	shalt  }
0x6c: {  	_ =	shalt  }
0x6d: {  	_ =	shalt  }
0x6e: {  	_ =	shalt  }
0x6f: {  	_ =	shalt  }
0x70: {  	_ =	shalt  }
0x71: {  	_ =	shalt  }
0x72: {  	_ =	shalt  }
0x73: {  	_ =	shalt  }
0x74: {  	_ =	shalt  }
0x75: {  	_ =	shalt  }
0x76: {  	_ =	shalt  }
0x77: {  	_ =	shalt  }
0x78: {  	_ =	shalt  }
0x79: {  	_ =	shalt  }
0x7a: {  	_ =	shalt  }
0x7b: {  	_ =	shalt  }
0x7c: {  	_ =	shalt  }
0x7d: {  	_ =	shalt  }
0x7e: {  	_ =	shalt  }
0x7f: {  	_ =	shalt  }
0x80: {  	_ =	shalt  }
0x81: {  	_ =	shalt  }
0x82: {  	_ =	shalt  }
0x83: {  	_ =	shalt  }
0x84: {  	_ =	shalt  }
0x85: {  	_ =	shalt  }
0x86: {  	_ =	shalt  }
0x87: {  	_ =	shalt  }
.Lfunc_end0:
.L_simem_size_0:
called_computation.3_lowered:
.L_overlay_start_0:
0x88: {  	s0 =	sld [smem:$0x3FD9]  }
0x89: {  	s1 =	sld [smem:$0x3FFE];
	_ =	sdelay $0x3  }
0x8a: {  	s0 =	sadd.s32 s1, s0  }
0x8b: {  	[smem:$0x3FA8] =	sst s0  }
0x8c: {  	_ = 	snop  }
0x8d: {  	s0 =	sld [smem:$0x3FD0];
	(tm) =	ssettm $0x1  }
0x8e: {  	s16 =	sld [smem:$0x3FFB];
	_ =	sdelay $0x3  }
0x8f: {  	_ =	strace s16  }
0x90: {  	s1 =	sld [smem:$0x3FFC];
	_ =	sdelay $0x3  }
0x91: {  	_ =	strace s1  }
0x92: {  	s1 =	sld [smem:$0x3FFD];
	_ =	sdelay $0x3  }
0x93: {  	_ =	strace s1  }
0x94: {  	_ =	strace $0x8FFFFFFF  }
0x95: {  	s17 =	sld [smem:$0x3FDB];
	_ =	sdelay $0x1  }
0x96: {  	s2 =	simm.s32 $_scs_section_size  }
0x97: {  	s3 =	simm.s32 $_size__tile_overlayer_lowered;
	s4 =	simm.s32 $_tile_overlayer_lowered  }
0x98: {  	s20 =	simm.s32 $0x1BFF;
	s19 =	sshll.u32 s4, $0x1;
	s1 =	sadd.s32 s2, s17  }
0x99: {  	s5 =	simm.s32 $0x0;
	s18 =	sshll.u32 s3, $0x1;
	s3 =	sadd.s32 s19, s1  }
0x9a: {  	[timem:s5], [sflag:s20] =	dma.local [hbm:s3], s18  }
0x9b: {  	_ =	swait.ge [sflag:s20], s18  }
0x9c: {  	s2 =	ssub.s32 $0x0, s18;
	[sflag:s20] =	ssyncset.done $0x0  }
0x9d: {  	[sflag:s20] =	ssyncadd.s32 s2;
	_ =	sdelay $0x1  }
0x9e: {  	s21 =	simm.s32 $0x1B8B  }
0x9f: {  	_ =	swait.ge [sflag:s21], $0x1  }
0xa0: {  	[sflag:s21] =	ssyncset.done $0x0  }
0xa1: {  	s23 =	simm.s32 $0x1B8E;
	s22 =	sld [smem:$0x3FFE];
	[sflag:s21] =	ssyncadd.s32 $0xFFFFFFFF  }
0xa2: {  	s24 =	simm.s32 $execute0_lowered;
	[smem:$0x3FD2] =	sst s23  }
0xa3: {  	s3 =	sshll.u32 s24, $0x1;
	_ =	strace $0x80000058;
	[dreg:$0x1] =	wrdreg $0xFFFFFFFF  }
0xa4: {  	s25 =	simm.s32 $_size_execute0_lowered;
	s1 =	sadd.s32 s1, s3;
	[dreg:$0x0] =	wrdreg $0x0  }
0xa5: {  	s3 =	sshll.u32 s25, $0x1;
	[dreg:$0x2] =	wrdreg s1  }
0xa6: {  	[dreg:$0x3] =	wrdreg s3  }
0xa7: {  	[dreg:$0x4] =	wrdreg $0xC0  }
0xa8: {  	_ =	task [dreg:s5], $0x5FFFF  }
0xa9: {  	[dreg:$0x1] =	wrdreg $0xFFFFFFFF  }
0xaa: {  	[dreg:$0x0] =	wrdreg $0x60  }
0xab: {  	[dreg:$0x2] =	wrdreg s0  }
0xac: {  	[dreg:$0x3] =	wrdreg s22  }
0xad: {  	[dreg:$0x4] =	wrdreg $0x9  }
0xae: {  	_ =	task.clear_ibuf [dreg:s5], $0x5FFFF;
	_ =	strace $0x90000058  }
0xaf: {  	s26 =	simm.s32 $0x9;
	_ =	strace $0x8000005A  }
0xb0: {  	_ =	swait.ge [sflag:s26], $0x1  }
0xb1: {  	[sflag:s26] =	ssyncadd.s32 $0xFFFFFFFF  }
0xb2: {  	_ =	strace $0x9000005A  }
0xb3: {  	_ =	sfence  }
0xb4: {  	s28 =	sld [smem:$0x0];
	_ =	sdelay $0x1  }
0xb5: {  	s29 =	srdreg.scid  }
0xb6: {  	s30 =	sshll.u32 s29, $0xD;
	s31 =	sshrl.u32 s29, $0x2  }
0xb7: {  	s2 =	sand.u32 $0x4000, s30;
	s1 =	sand.u32 $0x1, s29;
	s0 =	sadd.s32 s31, s28  }
0xb8: {  	s1 =	sor.u32 s2, s1;
	s0 =	sshll.u32 s0, $0x11  }
0xb9: {  	s0 =	sor.u32 s0, s1  }
0xba: {  	s0 =	sadd.s32 $0x8F2B, s0  }
0xbb: {  	[sflag:s0] =	ssyncadd.remote.s32 $0x1  }
0xbc: {  	_ =	sfence.sel $0xFFFF  }
0xbd: {  	[dreg:$0x0] =	wrdreg $0xFFFFFFFF;
	(pc) =	sbr.abs _section_cstart, $3  }
0xbe: {  	[dreg:$0x1] =	wrdreg $0xFFFFFFFF  }
0xbf: {  	_ =	task.clear_ibuf [dreg:s5], $0x2FFFF;
	_ =	strace $0x9FFFFFFF  }
0xc0: {  	(tm) =	ssettm $0x7FFFFFFF  }
0xc1: {  	_ =	shalt  }
tec
execute0_lowered:
.L_overlay_start_1:
0x0: {  	(tag) =	ssettag $0x1  }
0x1: {  	s1 =	rddreg [dreg:$0x0]  }
0x2: {  	s0 =	rddreg [dreg:$0x1]  }
0x3: {  	s11 =	stileid.u32;
	_ =	strace $0x80000059;
	s6 =	simm.s32 $0x1  }
0x4: {  	v1 =	vimm.s32 $0xFFFFFFFF;
	s2 =	smul.u32 $0x3, s11;
	[sflag:s6] =	ssyncpa.u1 $0x0  }
0x5: {  	s3 =	smin.u32 s11, $0x7;
	[tilespmem:$0x10] =	vst v1  }
0x6: {  	v0 =	vimm.f32 $-Inf;
	[tilespmem:$0x20] =	vst v1;
	s2 =	sadd.s32 s3, s2  }
0x7: {  	p0 =	slt.u32 s11, $0x7;
	[tilespmem:$0x30] =	vst v0;
	s3 =	smul.u32 $0x1770, s2;
	s2 =	simm.s32 $0x5DC0  }
0x8: {  	[tilespmem:$0x40] =	vst v0;
	s2 =	simm.s32 @!p0 $0x4650  }
0x9: {  	[tilespmem:$0x50] =	vst v0;
	s2 =	sadd.s32 s2, s3  }
0xa: {  	[tilespmem:$0x60] =	vst v1;
	s4 =	smin.u32 s2, $0x50910  }
0xb: {  	s7 =	simm.s32 $0x2;
	s8 =	simm.s32 $0x8;
	[tilespmem:$0x70] =	vst v1;
	s2 =	ssub.s32 s4, s3  }
0xc: {  	s29 =	simm.s32 $0x9;
	s16 =	simm.s32 $0x0;
	[tilespmem:$0x80] =	vst v1;
	p0 =	sgt.s32 s2, $0x0  }
0xd: {  	s17 =	simm.s32 $0xF0;
	s18 =	simm.s32 $0xFFFFFFFF;
	v1 =	vimm.s32 $0x0;
	[tilespmem:$0xB0] =	vst v0;
	s2 =	simm.s32 @!p0 $0x0  }
0xe: {  	s19 =	simm.s32 $0xFFFFD220;
	s20 =	simm.s32 $0xFFFFFFFE;
	[tilespmem:$0x90] =	vst v1;
	s5 =	smulhi.u32 $0x57619F1, s2  }
0xf: {  	s21 =	simm.s32 $0xF;
	[tilespmem:$0xA0] =	vst v1;
	[sflag:s7] =	ssyncpa.u1 $0x0;
	s7 =	simm.s32 $0x7  }
0x10: {  	s25 =	simm.s32 $0x0;
	[sflag:s7] =	ssyncpa.u1 $0x0;
	s9 =	sshrl.u32 s5, $0x7  }
0x11: {  	s24 =	simm.s32 $0x0;
	[sflag:s8] =	ssyncpa.u1 $0x0;
	s10 =	smul.u32 $0x1770, s9  }
0x12: {  	s14 =	sshllo.u32 s11, $0x1;
	[sflag:s29] =	ssyncpa.u1 $0x0;
	s23 =	smov.u32 s3  }
.Ltmp0:
0x13: {  	s5 =	sadd.s32 $0x16E00, s0;
	p0 =	sne.s32 s2, s10;
	(pc) =	sbr.rel .LBB2_1-.Ltmp0, $4  }
0x14: {  	s0 =	sadd.s32 $0x21000, s0;
	s10 =	sshll.u32 s11, $0x1;
	s6 =	simm.s32 @!p0 $0x0  }
0x15: {  	[dreg:$0x3] =	wrdreg s0;
	s31 =	sor.u32 $0x81, s10;
	s9 =	sadd.s32 s6, s9  }
0x16: {  	vm0 =	vmmov $0xffff;
	v2 =	vlaneseq.u32;
	vm1 =	vmxor vm1, vm1;
	s15 =	sor.u32 $0x80, s10;
	[dreg:$0x5] =	wrdreg s31;
	s30 =	sadd.s32 $0x1, s9  }
0x17: {  	vm2 =	vmmov $0x1;
	v3 =	vimm.f32 $0.0e+00;
	vm3 =	vcmask $0x3F3C;
	p0 =	por $0x0, $0x0;
	s12 =	sadd.s32 $0x2, s9;
	[dreg:$0x4] =	wrdreg s30  }
.LBB2_9:
0x18: {  	p1 =	slt.u32 s24, $0x3  }
0x19: {  	s0 =	simm.s32 @!p1 $0x2  }
0x1a: {  	_ =	swait.ge @!p1 [sflag:s0], $0x1770  }
0x1b: {  	[sflag:s0] =	ssyncset.done @!p1 $0x0  }
0x1c: {  	[sflag:s0] =	ssyncadd.s32 @!p1 $0xFFFFE890;
	s0 =	simm.s32 @!p1 $0x9  }
0x1d: {  	_ =	swait.ge @!p1 [sflag:s0], $0x10  }
0x1e: {  	[sflag:s0] =	ssyncset.done @!p1 $0x0  }
0x1f: {  	[sflag:s0] =	ssyncadd.s32 @!p1 $0xFFFFFFF0;
	p1 =	sne.s32 s24, s12  }
.Ltmp1:
0x20: {  	s2 =	sadd.s32 $0x1770, s23;
	(pc) =	sbr.rel @!p1 .LBB2_10-.Ltmp1, $4  }
0x21: {  	s6 =	smov.u32 s3;
	s31 =	sadd.s32 $0x1, s24;
	s17 =	sadd.s32 $0x1770, s17  }
0x22: {  	s18 =	sadd.s32 $0x1, s18;
	s25 =	smov.u32 s23;
	p2 =	slt.s32 s2, s4  }
0x23: {  	p0 =	por !p0, !p0;
	s19 =	sadd.s32 $0x1770, s19;
	s6 =	smov.u32 @p2 s2  }
0x24: {  	s20 =	sadd.s32 $0x1, s20;
	s23 =	smov.u32 s6;
	s24 =	smov.u32 s31  }
.LBB2_1:
0x25: {  	p1 =	sge.u32 s24, s9  }
0x26: {  	s0 =	smulhi.u32 @!p1 $0xAAAAAAAB, s24;
	_ =	sdelay $0x1  }
0x27: {  	s0 =	sshrl.u32 @!p1 s0, $0x1  }
0x28: {  	s0 =	smul.u32 @!p1 $0x3, s0;
	_ =	sdelay $0x1  }
0x29: {  	s0 =	ssub.s32 @!p1 s24, s0  }
0x2a: {  	s0 =	smul.u32 @!p1 $0x5DC0, s0;
	_ =	sdelay $0x1  }
0x2b: {  	s2 =	sshrl.u32 @!p1 s23, $0x3;
	s0 =	sshrl.u32 @!p1 s0, $0x2  }
0x2c: {  	s6 =	sand.u32 @!p1 $0x7, s23;
	s2 =	sadd.s32 @!p1 s5, s2;
	s0 =	sadd.s32 @!p1 $0x100, s0  }
0x2d: {  	[tilespmem:s0], [sflag:$0x7] =	stream.linear.gather @!p1 [hbm4b:s2+s6], $0x1770, $0x38;
	[tilespmem:$0xD410] =	vst v63  }
0x2e: {  	s0 =	sadd.s32 $0xFFFFFFFF, s24  }
0x2f: {  	p1 =	sge.u32 s0, s9  }
.Ltmp2:
0x30: {  	_ = 	snop;
	(pc) =	sbr.rel @p1 .LBB2_5-.Ltmp2, $1  }
0x31: {  	_ =	sdelay $0x3  }
0x32: {  	s2 =	smulhi.u32 $0xAAAAAAAB, s0;
	_ =	sdelay $0x1  }
0x33: {  	s2 =	sshrl.u32 s2, $0x1  }
0x34: {  	s2 =	smul.u32 $0x3, s2;
	_ =	sdelay $0x1  }
0x35: {  	s2 =	ssub.s32 s0, s2  }
0x36: {  	s2 =	smul.u32 $0x5DC0, s2  }
0x37: {  	_ =	swait.ge [sflag:s7], $0x1770  }
0x38: {  	[sflag:s7] =	ssyncset.done $0x0;
	s2 =	sshrl.u32 s2, $0x2  }
0x39: {  	[sflag:s7] =	ssyncadd.s32 $0xFFFFE890;
	(ifvalue) =	ssetifvalue $0xFFFFFFFF;
	v4 =	vld.msk [tilespmem:s2+$0x100 ss:$0x1], $0xffff;
	_ =	sdelay $0x2  }
0x3a: {  	s29 =	smulhi.u32 $0xAAAAAAAB, s18;
	p1 =	sne.s32 s24, $0x1  }
0x3b: {  	v5 =	vimm.s32 @!p1 $0x0  }
0x3c: {  	s2 =	sshrl.u32 s29, $0x1;
	v5 =	vperm.xlane @!p1 v4, v5  }
0x3d: {  	s6 =	sshll.u32 s24, $0x4;
	s2 =	smul.u32 $0xFFFEE6C0, s2;
	vm4 =	vlt.u32 v4, $0x2800  }
0x3e: {  	s6 =	sand.u32 $0x10, s6;
	v4 =	vnsel vm4, $0xFFFFFFFE, v4;
	vm4 =	vlt.u32 @!p1 v5, $0x2800  }
0x3f: {  	s2 =	sshra.s32 s2, $0x2;
	[tilespmem:s6+$0x60] =	vst v4;
	v4 =	vnsel @!p1 vm4, $0xFFFFFFFE, v5  }
0x40: {  	s30 =	sadd.s32 s2, s17;
	[tilespmem:$0x80] =	vst @!p1 v4  }
0x41: {  	v4 =	vld.msk [tilespmem:s30+$0x0 ss:$0x1], $0xffff;
	_ =	sdelay $0x4  }
0x42: {  	(xrf1) =	vunique.msk.u32 $0xffff, v4;
	_ =	sdelay $0xd  }
0x43: {  	v5 =	vimm.s32 $0xFFFFFFFF;
	v6, _, _ =	vpop (xrf1)  }
0x44: {  	vm5 =	vne.s32 v4, v5;
	vm4 =	veq.s32 v6, v2  }
0x45: {  	vm6 =	vlt.u32 v4, $0x2800;
	vm4 =	vmand vm5, vm4  }
0x46: {  	vm4 =	vmand vm6, vm4  }
0x47: {  	v5 =	vnsel vm4, $0xFFFFFFFF, v4  }
0x48: {  	s31 =	sand.u32 $0x1, s0  }
0x49: {  	s26 =	simm.s32 $0x1770;
	p1 =	seq.s32 s31, $0x1  }
0x4a: {  	s26 =	simm.s32 @!p1 $0x0  }
0x4b: {  	s28 =	sadd.s32 $0x5EB0, s26;
	(ifvalue) =	ssetifvalue $0xFFFFFFFF  }
0x4c: {  	v4 =	vperm.xlane v4, v1;
	[tilespmem:s28], [sflag:$0x8] =	stream.indirect_vreg.gather [hbm4b:s1+s16], $0x1, v5, vm0, $0x4038;
	v5 =	vnsel vm6, $0xFFFFFFFE, v5;
	[tilespmem:$0xD410] =	vst v63  }
0x4d: {  	s0 =	simm.s32 $0x0;
	s2 =	sadd.s32 $0xFFFFFFF0, s30;
	[tilespmem:s30+$0x0] =	vst v5  }
.LBB2_3:
0x4e: {  	v5 =	vld.msk [tilespmem:s2+$0x0 ss:$0x1], $0xffff;
	s0 =	sadd.s32 $0x10, s0;
	v6 =	vmov v4;
	s6 =	smov.u32 s2  }
0x4f: {  	p1 =	slt.u32 s0, $0x1760;
	_ =	sdelay $0x4  }
0x50: {  	v4 =	vperm.xlane v5, v1;
	(xrf1) =	vunique.msk.u32 $0xffff, v5;
	_ =	sdelay $0xd  }
0x51: {  	v7, _, _ =	vpop (xrf1)  }
0x52: {  	vm5 =	vne.s32 v5, v6;
	vm4 =	veq.s32 v7, v2  }
0x53: {  	vm6 =	vlt.u32 v5, $0x2800;
	vm4 =	vmand vm5, vm4  }
0x54: {  	vm4 =	vmand vm6, vm4  }
0x55: {  	v5 =	vnsel vm4, $0xFFFFFFFF, v5  }
.Ltmp3:
0x56: {  	v6 =	vnsel vm6, $0xFFFFFFFE, v5;
	(pc) =	sbr.rel @p1 .LBB2_3-.Ltmp3, $3  }
0x57: {  	_ =	sdelay $0x1  }
0x58: {  	s2 =	sadd.s32 $0xFFFFFFF0, s2;
	s28 =	sadd.s32 $0xFFFFFFF0, s28;
	(ifvalue) =	ssetifvalue $0xFFFFFFFF  }
0x59: {  	[tilespmem:s28], [sflag:$0x8] =	stream.indirect_vreg.gather [hbm4b:s1+s16], $0x1, v5, vm0, $0x4038;
	[tilespmem:s6+$0x0] =	vst v6  }
0x5a: {  	s0 =	sshrl.u32 s25, $0x3;
	s2 =	rddreg [dreg:$0x3]  }
0x5b: {  	s31 =	sadd.s32 $0x7630, s26;
	s0 =	sadd.s32 s2, s0  }
0x5c: {  	[tilespmem:s31], [sflag:$0x8] =	stream.linear.gather [hbm:s0], $0x1770, $0x38;
	[tilespmem:$0xD410] =	vst v63  }
.LBB2_5:
0x5d: {  	p1 =	slt.u32 s24, $0x2  }
0x5e: {  	p2 =	sge.u32 @!p1 s24, s12  }
0x5f: {  	p1 =	por p1, p2  }
.Ltmp4:
0x60: {  	_ = 	snop;
	(pc) =	sbr.rel @p1 .LBB2_9-.Ltmp4, $1  }
0x61: {  	_ =	sdelay $0x3  }
0x62: {  	s0 =	sadd.s32 $0xFFFFFFFE, s24  }
0x63: {  	s2 =	smulhi.u32 $0xAAAAAAAB, s0;
	_ =	sdelay $0x1  }
0x64: {  	s2 =	sshrl.u32 s2, $0x1  }
0x65: {  	s2 =	smul.u32 $0x3, s2;
	_ =	sdelay $0x1  }
0x66: {  	_ =	swait.ge [sflag:s8], $0x2EE0;
	s0 =	ssub.s32 s0, s2  }
0x67: {  	s6 =	rddreg [dreg:$0x4];
	s0 =	smul.u32 $0x1770, s0  }
0x68: {  	[sflag:s8] =	ssyncset.done $0x0;
	p1 =	sne.s32 s24, s6  }
0x69: {  	[sflag:s8] =	ssyncadd.s32 $0xFFFFD120;
	s6 =	rddreg [dreg:$0x5];
	s2 =	sadd.s32 @!p1 $0x186F, s0  }
0x6a: {  	[spmem:s6] =	stream.linear.scatter @!p1 [tilespmem:s2], [sflag:$0x1], $0x1, $0x38;
	[tilespmem:$0xD410] =	vst v63  }
0x6b: {  	s2 =	simm.s32 @!p1 $0x1  }
0x6c: {  	_ =	swait.ge @!p1 [sflag:s2], $0x1  }
0x6d: {  	s11 =	sshll.u32 s24, $0x4;
	[sflag:s2] =	ssyncset.done @!p1 $0x0  }
0x6e: {  	s25 =	sand.u32 $0x10, s11;
	[sflag:s2] =	ssyncadd.s32 @!p1 $0xFFFFFFFF  }
0x6f: {  	s2 =	sxor.u32 $0x10, s25;
	v5 =	vld [tilespmem:s25+$0x10]  }
0x70: {  	v6 =	vld [tilespmem:s2+$0x60]  }
0x71: {  	v4 =	vld [tilespmem:$0x80];
	_ =	sdelay $0x2  }
0x72: {  	(v2sf) =	vpush v5, $0x0  }
0x73: {  	(v2sf) =	vpush v6, $0x0  }
0x74: {  	(v2sf) =	vpush v4, $0x0;
	_ =	sdelay $0xc  }
0x75: {  	s13 =	spop (v2sf)  }
0x76: {  	s22 =	spop (v2sf)  }
0x77: {  	s26 =	spop (v2sf)  }
0x78: {  	p2 =	seq.s32 s13, s22;
	p3 =	seq.s32 s26, s13  }
0x79: {  	p3 =	por p2, p3  }
0x7a: {  	s22 =	sand.u32 $0x1, s24;
	v5 =	vpsel p3, $0xFFFFFFFF, v5  }
0x7b: {  	s28 =	smul.u32 $0x1770, s22;
	[tilespmem:s25+$0x10] =	vst.msk $0x1, v5  }
0x7c: {  	v5 =	vld [tilespmem:$0x30]  }
0x7d: {  	v6 =	vld [tilespmem:s28+$0x7630]  }
0x7e: {  	v7 =	vld [tilespmem:s25+$0x40];
	_ =	sdelay $0x2  }
0x7f: {  	vm4 =	vmmov vm1  }
0x80: {  	vm5 =	vmmov vm2;
	vm4 =	vmmov @p2 vm2;
	v6 =	vmax.f32 v5, v6  }
0x81: {  	s6 =	sshll.u32 s22, $0x4;
	vm5 =	vmmov @p3 vm1;
	v5 =	vmax.f32 v5, v7;
	[tilespmem:s28+$0x7630] =	vst.msk vm4, v6  }
0x82: {  	[tilespmem:s6+$0xD3F0] =	vst.msk vm5, v5  }
0x83: {  	v5 =	vld [tilespmem:s28+$0x5EB0];
	_ =	sdelay $0x4  }
0x84: {  	v5 =	vshift.insert v5, v3, s21  }
0x85: {  	s11 =	sor.u32 $0x40, s2  }
0x86: {  	v6 =	vimm.f32 $-Inf;
	[tilespmem:s11+$0x0] =	vst.msk $0x1, v5  }
0x87: {  	[tilespmem:s28+$0x5EBF] =	vst.msk $0x1, v6  }
0x88: {  	v5 =	vld [tilespmem:s0+$0x1860]  }
0x89: {  	s13 =	smulhi.u32 $0xAAAAAAAB, s20;
	_ =	sdelay $0x1  }
0x8a: {  	s22 =	simm.s32 $0x1;
	s0 =	sshrl.u32 s13, $0x1  }
0x8b: {  	s22 =	simm.s32 @!p0 $0x0;
	s0 =	smul.u32 $0xFFFEE6C0, s0  }
0x8c: {  	s22 =	smul.u32 $0x5DC0, s22;
	v5 =	vshift.insert v5, v1, s21  }
0x8d: {  	s0 =	sshra.s32 s0, $0x2  }
0x8e: {  	s22 =	sshrl.u32 s22, $0x2;
	s11 =	sadd.s32 s0, s19;
	[tilespmem:s2+$0x10] =	vst.msk $0x1, v5  }
0x8f: {  	s2 =	sadd.s32 $0x7630, s22;
	v7 =	vld [tilespmem:s11+$0x0]  }
0x90: {  	v8 =	vld [tilespmem:s2+$0x0];
	_ =	sdelay $0x4  }
0x91: {  	vm4 =	vne.s32 v7, $0xFFFFFFFF;
	v6 =	vmax.f32 v8, v6  }
0x92: {  	(xrf0) =	vmax.seg.scan.f32 vm4, v6  }
0x93: {  	s13 =	sadd.s32 $0x4750, s22;
	v8 =	vld [tilespmem:$0xA0]  }
0x94: {  	v9 =	vld [tilespmem:s13+$0x0];
	_ =	sdelay $0x1  }
0x95: {  	v6 =	vperm.xlane v5, v1;
	_ =	sdelay $0x1  }
0x96: {  	vm6 =	veq.s32 v7, v4;
	vm7 =	veq.s32 v7, v6;
	vm5 =	veq.s32 v8, $0x1;
	v8, _, _ =	vpop (xrf0)  }
0x97: {  	vm8 =	vgt.u32 v7, $0xFFFFFFFD;
	vm7 =	vmor vm7, vm6;
	v9 =	vmax.f32 v8, v9  }
0x98: {  	s30 =	sadd.s32 $0xA510, s22;
	v10 =	vld [tilespmem:$0x90];
	vm7 =	vmor vm7, vm8;
	v9 =	vsel vm6, v8, v9  }
0x99: {  	[tilespmem:s30+$0x0] =	vst v9;
	v9 =	vsel vm7, $0xFFFFFFFF, v7;
	_ =	sdelay $0x1  }
0x9a: {  	s31 =	simm.s32 $0x0;
	vm9 =	vmand vm4, vm3  }
0x9b: {  	s29 =	sadd.s32 $0xD3F0, s6;
	s6 =	sadd.s32 $0x10, s13;
	s22 =	sadd.s32 $0x10, s30;
	v11 =	vsel vm9, $0xFF800000, v8  }
0x9c: {  	s0 =	sadd.s32 $0x10, s2;
	s2 =	sadd.s32 $0x10, s11;
	vm4 =	vmor vm5, vm6;
	v7 =	vsel vm6, v8, v10;
	v8 =	vshift.insert v11, v0, s21;
	(ifvalue) =	ssetifvalue $0xFFFFFFFF  }
.LBB2_7:
0x9d: {  	[hbm4b:s1+s16] =	stream.indirect_vreg.scatter [tilespmem:s30], [sflag:$0x2], $0x1, v9, vm0, $0x4038;
	[tilespmem:$0xD410] =	vst v63  }
0x9e: {  	s31 =	sadd.s32 $0x10, s31;
	s30 =	smov.u32 s22;
	v9 =	vld [tilespmem:s2+$0x0]  }
0x9f: {  	p2 =	slt.u32 s31, $0x1760;
	v10 =	vld [tilespmem:s0+$0x0];
	_ =	sdelay $0x4  }
0xa0: {  	vm5 =	vne.s32 v9, $0xFFFFFFFF;
	v8 =	vmax.f32 v10, v8  }
0xa1: {  	(xrf0) =	vmax.seg.scan.f32 vm5, v8;
	_ =	sdelay $0x1  }
0xa2: {  	v8 =	vld [tilespmem:s6+$0x0]  }
0xa3: {  	vm6 =	veq.s32 v9, v4;
	vm7 =	veq.s32 v9, v6  }
0xa4: {  	vm8 =	vgt.u32 v9, $0xFFFFFFFD;
	vm4 =	vmor vm4, vm6;
	vm7 =	vmor vm7, vm6  }
0xa5: {  	vm7 =	vmor vm7, vm8  }
.Ltmp5:
0xa6: {  	vm5 =	vmand vm5, vm3;
	v9 =	vsel vm7, $0xFFFFFFFF, v9;
	v10, _, _ =	vpop (xrf0);
	(pc) =	sbr.rel @p2 .LBB2_7-.Ltmp5, $4  }
0xa7: {  	v7 =	vsel vm6, v10, v7;
	v8 =	vmax.f32 v10, v8;
	v11 =	vsel vm5, $0xFF800000, v10  }
0xa8: {  	v10 =	vsel vm6, v10, v8;
	v8 =	vshift.insert v11, v0, s21  }
0xa9: {  	s2 =	sadd.s32 $0x10, s2;
	s0 =	sadd.s32 $0x10, s0;
	[tilespmem:s22+$0x0] =	vst v10  }
0xaa: {  	s6 =	sadd.s32 $0x10, s6;
	s22 =	sadd.s32 $0x10, s22;
	(ifvalue) =	ssetifvalue $0xFFFFFFFF  }
0xab: {  	_ =	sdelay $0x3  }
0xac: {  	[hbm4b:s1+s16] =	stream.indirect_vreg.scatter [tilespmem:s30], [sflag:$0x2], $0x1, v9, vm0, $0x4038;
	[tilespmem:$0xD410] =	vst v63  }
0xad: {  	v4 =	vld [tilespmem:s28+$0xBC70];
	_ =	sdelay $0x4  }
0xae: {  	v4 =	vshift.insert v4, v3, s21  }
0xaf: {  	s0 =	simm.s32 $0x30  }
0xb0: {  	[tilespmem:s0+$0x0] =	vst.msk $0x1, v4  }
0xb1: {  	v4 =	vsel vm4, $0x1, v1;
	[tilespmem:$0x90] =	vst v7  }
0xb2: {  	s0 =	sadd.s32 @!p1 $0xBC7F, s28;
	[tilespmem:$0xA0] =	vst v4  }
0xb3: {  	[spmem:s14] =	stream.linear.scatter @!p1 [tilespmem:s0], [sflag:$0x1], $0x1, $0x38;
	[tilespmem:$0xD410] =	vst v63  }
0xb4: {  	s0 =	simm.s32 @!p1 $0x1  }
0xb5: {  	v4 =	vmctz.xlane @!p1 vm4;
	_ =	swait.ge @!p1 [sflag:s0], $0x1  }
0xb6: {  	(v2sf) =	vpush @!p1 v5, $0x0  }
0xb7: {  	(v2sf) =	vpush @!p1 v4, $0x0;
	_ =	sdelay $0xd  }
0xb8: {  	s2 =	spop @!p1 (v2sf)  }
0xb9: {  	s6 =	spop @!p1 (v2sf)  }
0xba: {  	p2 =	sne.s32 @!p1 s26, s2;
	p3 =	slt.s32 @!p1 s6, $0xF  }
0xbb: {  	[sflag:s0] =	ssyncset.done @!p1 $0x0;
	p2 =	por p2, p1;
	p3 =	por !p3, p1  }
0xbc: {  	[sflag:s0] =	ssyncadd.s32 @!p1 $0xFFFFFFFF;
	v4 =	vimm.s32 @!p2 $0xFFFFFFFF;
	s6 =	simm.s32 @p3 $0xF  }
0xbd: {  	[tilespmem:$0x80] =	vst @!p2 v4;
	s2 =	sadd.s32 @!p1 $0x90, s6  }
0xbe: {  	[spmem:s10] =	stream.linear.scatter @!p1 [tilespmem:s2], [sflag:$0x1], $0x1, $0x38;
	[tilespmem:$0xD410] =	vst v63  }
0xbf: {  	_ =	swait.ge @!p1 [sflag:s0], $0x1  }
0xc0: {  	[sflag:s0] =	ssyncset.done @!p1 $0x0  }
0xc1: {  	s2 =	simm.s32 @!p1 $0x80;
	[sflag:s0] =	ssyncadd.s32 @!p1 $0xFFFFFFFF  }
0xc2: {  	[spmem:s15] =	stream.linear.scatter @!p1 [tilespmem:s2], [sflag:$0x1], $0x1, $0x38;
	[tilespmem:$0xD410] =	vst v63  }
0xc3: {  	_ =	swait.ge @!p1 [sflag:s0], $0x1  }
0xc4: {  	[sflag:s0] =	ssyncset.done @!p1 $0x0  }
0xc5: {  	[sflag:s0] =	ssyncadd.s32 @!p1 $0xFFFFFFFF;
	(ifvalue) =	ssetifvalue $0xFFFFFFFF;
	v4 =	vld [tilespmem:s25+$0x10];
	_ =	sdelay $0x3  }
.Ltmp6:
0xc6: {  	_ = 	snop;
	(pc) =	sbr.rel .LBB2_9-.Ltmp6, $3  }
0xc7: {  	_ =	sdelay $0x1  }
0xc8: {  	(ifvalue) =	ssetifvalue $0xFFFFFFFF  }
0xc9: {  	[hbm4b:s1+s16] =	stream.indirect_vreg.scatter [tilespmem:s29], [sflag:$0x9], $0x1, v4, vm0, $0x4038;
	[tilespmem:$0xD410] =	vst v63  }
.LBB2_10:
0xca: {  	_ =	sfence.sel $0x180000  }
0xcb: {  	s0 =	simm.s32 $0x7;
	[bflag:$0x0] =	sbarrier.arrive $0xFFFF  }
0xcc: {  	s26 =	simm.s32 $0x8;
	[sflag:s0] =	ssyncpa.u1 $0x1  }
0xcd: {  	s28 =	simm.s32 $0x9;
	[sflag:s26] =	ssyncpa.u1 $0x1  }
0xce: {  	[sflag:s28] =	ssyncpa.u1 $0x1  }
0xcf: {  	_ =	sfence.stream.spmem  }
0xd0: {  	s29 =	simm.s32 $0x3;
	[bflag:$0x0] =	sbarrier.arrive $0xFFFF  }
0xd1: {  	s30 =	simm.s32 $0x4;
	[sflag:s29] =	ssyncpa.u1 $0x1  }
0xd2: {  	s31 =	simm.s32 $0x3C;
	s2 =	stileid.u32;
	[sflag:s30] =	ssyncpa.u1 $0x1  }
0xd3: {  	p0 =	sne.s32 s2, $0x0;
	[sflag:s31] =	ssyncpa.u1 $0x1  }
0xd4: {  	s0 =	simm.s32 @p0 $0x1;
	_ =	sfence @p0  }
0xd5: {  	[sflag:s0] =	ssyncpa.u1 @p0 $0x1;
	s0 =	simm.s32 @p0 $0x2  }
0xd6: {  	[sflag:s0] =	ssyncpa.u1 @p0 $0x1  }
0xd7: {  	_ =	strace @p0 $0x90000059  }
0xd8: {  	[bflag:$0x2] =	sbarrier.arrive @p0 $0xFFFF  }
0xd9: {  	_ =	shalt @p0  }
.LBB2_11:
0xda: {  	_ =	sfence.stream.spmem;
	s0 =	simm.s32 $0x5  }
0xdb: {  	s2 =	simm.s32 $0x80;
	s3 =	simm.s32 $0xC0;
	[sflag:s0] =	ssyncpa.u1 $0x0  }
0xdc: {  	[tilespmem:s3], [sflag:$0x5] =	stream.linear.gather [spmem:s2], $0x20, $0x38;
	[tilespmem:$0xD410] =	vst v63  }
0xdd: {  	s30 =	simm.s32 $0xE0;
	s2 =	simm.s32 $0x0  }
0xde: {  	[tilespmem:s30], [sflag:$0x5] =	stream.linear.gather [spmem:s2], $0x20, $0x38;
	[tilespmem:$0xD410] =	vst v63  }
.Ltmp7:
0xdf: {  	_ = 	snop;
	(pc) =	sbr.rel .LBB2_12-.Ltmp7, $4  }
0xe0: {  	_ =	swait.ge [sflag:s0], $0x40  }
0xe1: {  	[sflag:s0] =	ssyncset.done $0x0  }
0xe2: {  	s31 =	simm.s32 $0x6;
	[sflag:s0] =	ssyncadd.s32 $0xFFFFFFC0  }
0xe3: {  	s3 =	simm.s32 $0x0;
	[sflag:s31] =	ssyncpa.u1 $0x0  }
.LBB2_17:
0xe4: {  	p0 =	sgt.u32 s4, $0x27FF  }
0xe5: {  	s0 =	sshrl.u32 @!p0 s4, $0x3  }
0xe6: {  	s4 =	sand.u32 @!p0 $0x7, s4;
	s5 =	simm.s32 @!p0 $0xB0;
	s0 =	sadd.s32 @!p0 s1, s0  }
0xe7: {  	[tilespmem:s5], [sflag:$0x6] =	stream.linear.gather @!p0 [hbm4b:s0+s4], $0x1, $0x38;
	[tilespmem:$0xD410] =	vst v63  }
0xe8: {  	s0 =	simm.s32 @!p0 $0x6  }
0xe9: {  	_ =	swait.ge @!p0 [sflag:s0], $0x1  }
0xea: {  	[sflag:s0] =	ssyncset.done @!p0 $0x0  }
0xeb: {  	[sflag:s0] =	ssyncadd.s32 @!p0 $0xFFFFFFFF  }
0xec: {  	v1 =	vld.msk @!p0 [tilespmem:$0xB0], $0x1  }
0xed: {  	v2 =	vld.msk @!p0 [tilespmem:s3+$0xE0], $0x1;
	_ =	sdelay $0x4  }
0xee: {  	v1 =	vmax.f32 @!p0 v2, v1  }
0xef: {  	[tilespmem:s3+$0xE0] =	vst.msk @!p0 $0x1, v1  }
0xf0: {  	[tilespmem:s2+$0xC0] =	vst.msk $0x1, v0  }
0xf1: {  	v0 =	vld.msk [tilespmem:s3+$0xE0], $0x1;
	_ =	sdelay $0x4  }
0xf2: {  	[tilespmem:s2+$0xE0] =	vst.msk $0x1, v0;
	s2 =	sadd.s32 $0x1, s2  }
.LBB2_19:
0xf3: {  	s3 =	sadd.s32 $0x1, s3  }
0xf4: {  	p0 =	sne.s32 s3, $0x20  }
.Ltmp8:
0xf5: {  	_ = 	snop;
	(pc) =	sbr.rel @!p0 .LBB2_20-.Ltmp8, $1  }
0xf6: {  	_ =	sdelay $0x3  }
.LBB2_12:
0xf7: {  	v0 =	vld.msk [tilespmem:s3+$0xC0], $0x1;
	_ =	sdelay $0x4  }
0xf8: {  	(v2sf) =	vpush v0, $0x0;
	_ =	sdelay $0xe  }
0xf9: {  	s4 =	spop (v2sf)  }
0xfa: {  	p0 =	seq.s32 s4, $0xFFFFFFFF  }
.Ltmp9:
0xfb: {  	_ = 	snop;
	(pc) =	sbr.rel @p0 .LBB2_19-.Ltmp9, $1  }
0xfc: {  	_ =	sdelay $0x3  }
0xfd: {  	p0 =	slt.s32 s2, $0x1  }
.Ltmp10:
0xfe: {  	_ = 	snop;
	(pc) =	sbr.rel @p0 .LBB2_17-.Ltmp10, $1  }
0xff: {  	_ =	sdelay $0x3  }
0x100: {  	s0 =	simm.s32 $0xC0;
	p0 =	por $0x0, $0x0  }
0x101: {  	v1 =	vld.msk @!p0 [tilespmem:s0+$0x0], $0x1;
	_ =	sdelay $0x4  }
0x102: {  	(v2sf) =	vpush @!p0 v1, $0x0;
	_ =	sdelay $0xd  }
0x103: {  	p2 =	sne.s32 s2, $0x1  }
.Ltmp11:
0x104: {  	s5 =	spop @!p0 (v2sf);
	(pc) =	sbr.rel @!p2 .LBB2_16-.Ltmp11, $4  }
0x105: {  	p1 =	seq.s32 @!p0 s4, s5  }
0x106: {  	s5 =	simm.s32 $0x0;
	p1 =	por !p1, p0  }
0x107: {  	s7 =	simm.s32 $0xFFFFFFFF;
	s5 =	simm.s32 @p1 $0xFFFFFFFF  }
0x108: {  	s6 =	simm.s32 $0x1;
	s5 =	smov.u32 @p0 s7  }
.LBB2_15:
0x109: {  	s7 =	smov.u32 s5;
	p0 =	sne.s32 s5, $0xFFFFFFFF  }
0x10a: {  	s0 =	sadd.s32 $0x1, s0;
	s5 =	smov.u32 s6;
	s6 =	sadd.s32 $0x1, s6  }
0x10b: {  	p1 =	sne.s32 s2, s6;
	v1 =	vld.msk @!p0 [tilespmem:s0+$0x0], $0x1;
	_ =	sdelay $0x4  }
0x10c: {  	(v2sf) =	vpush @!p0 v1, $0x0;
	_ =	sdelay $0xe  }
.Ltmp12:
0x10d: {  	s8 =	spop @!p0 (v2sf);
	(pc) =	sbr.rel @p1 .LBB2_15-.Ltmp12, $4  }
0x10e: {  	p2 =	seq.s32 @!p0 s4, s8  }
0x10f: {  	p2 =	por !p2, p0  }
0x110: {  	s5 =	simm.s32 @p2 $0xFFFFFFFF  }
0x111: {  	s5 =	smov.u32 @p0 s7  }
.LBB2_16:
0x112: {  	p0 =	sne.s32 s5, $0xFFFFFFFF  }
.Ltmp13:
0x113: {  	_ = 	snop;
	(pc) =	sbr.rel @!p0 .LBB2_17-.Ltmp13, $1  }
0x114: {  	_ =	sdelay $0x3  }
0x115: {  	v0 =	vld.msk [tilespmem:s3+$0xE0], $0x1  }
0x116: {  	v1 =	vld.msk [tilespmem:s5+$0xE0], $0x1;
	_ =	sdelay $0x1  }
.Ltmp14:
0x117: {  	_ = 	snop;
	(pc) =	sbr.rel .LBB2_19-.Ltmp14, $3  }
0x118: {  	_ =	sdelay $0x1  }
0x119: {  	v0 =	vmax.f32 v1, v0  }
0x11a: {  	[tilespmem:s5+$0xE0] =	vst.msk $0x1, v0  }
.LBB2_20:
0x11b: {  	p0 =	slt.s32 s2, $0x1  }
.Ltmp15:
0x11c: {  	_ = 	snop;
	(pc) =	sbr.rel @p0 .LBB2_24-.Ltmp15, $3  }
0x11d: {  	_ =	sdelay $0x1  }
0x11e: {  	s0 =	simm.s32 $0x6  }
0x11f: {  	s3 =	simm.s32 $0x0;
	[sflag:s0] =	ssyncpa.u1 $0x1  }
0x120: {  	s0 =	simm.s32 $0xC0  }
0x121: {  	v0 =	vld.msk [tilespmem:s0+$0x0], $0x1;
	_ =	sdelay $0x4  }
0x122: {  	(v2sf) =	vpush v0, $0x0;
	_ =	sdelay $0xe  }
0x123: {  	s2 =	sadd.s32 $0xFFFFFFFF, s2;
	s4 =	spop (v2sf)  }
0x124: {  	p1 =	sne.s32 s2, $0x0;
	p0 =	sgt.u32 s4, $0x27FF  }
.Ltmp16:
0x125: {  	s5 =	sshrl.u32 @!p0 s4, $0x3;
	(pc) =	sbr.rel @!p1 .LBB2_23-.Ltmp16, $4  }
0x126: {  	s0 =	simm.s32 $0xE0;
	s4 =	sand.u32 @!p0 $0x7, s4;
	s5 =	sadd.s32 @!p0 s1, s5  }
0x127: {  	[hbm4b:s5+s4] =	stream.linear.scatter @!p0 [tilespmem:s0], [sflag:$0x5], $0x1, $0x38;
	[tilespmem:$0xD410] =	vst v63  }
0x128: {  	s5 =	simm.s32 $0x0  }
0x129: {  	s4 =	simm.s32 $0xC1;
	s5 =	simm.s32 @!p0 $0x4  }
.LBB2_22:
0x12a: {  	v0 =	vld.msk [tilespmem:s4+$0x0], $0x1;
	s2 =	sadd.s32 $0xFFFFFFFF, s2;
	s3 =	sadd.s32 s3, s5  }
0x12b: {  	p0 =	sne.s32 s2, $0x0;
	_ =	sdelay $0x3  }
0x12c: {  	(v2sf) =	vpush v0, $0x0;
	_ =	sdelay $0xe  }
.Ltmp17:
0x12d: {  	s6 =	spop (v2sf);
	(pc) =	sbr.rel @p0 .LBB2_22-.Ltmp17, $4  }
0x12e: {  	s5 =	simm.s32 $0x0;
	p1 =	sgt.u32 s6, $0x27FF  }
0x12f: {  	s0 =	sadd.s32 $0x1, s0;
	s5 =	simm.s32 @!p1 $0x4;
	s7 =	sshrl.u32 @!p1 s6, $0x3  }
0x130: {  	s4 =	sadd.s32 $0x1, s4;
	s6 =	sand.u32 @!p1 $0x7, s6;
	s7 =	sadd.s32 @!p1 s1, s7  }
0x131: {  	[hbm4b:s7+s6] =	stream.linear.scatter @!p1 [tilespmem:s0], [sflag:$0x5], $0x1, $0x38;
	[tilespmem:$0xD410] =	vst v63  }
.LBB2_23:
0x132: {  	s0 =	sadd.s32 s3, s5  }
0x133: {  	s3 =	sshrl.u32 s0, $0x2  }
.LBB2_24:
0x134: {  	s0 =	simm.s32 $0x5  }
0x135: {  	_ =	swait.ge [sflag:s0], s3  }
0x136: {  	s1 =	ssub.s32 $0x0, s3;
	[sflag:s0] =	ssyncset.done $0x0  }
0x137: {  	[sflag:s0] =	ssyncadd.s32 s1  }
0x138: {  	[sflag:s0] =	ssyncpa.u1 $0x1  }
0x139: {  	s29 =	simm.s32 $0x1;
	_ =	sfence  }
0x13a: {  	s30 =	simm.s32 $0x2;
	[sflag:s29] =	ssyncpa.u1 $0x1  }
0x13b: {  	[sflag:s30] =	ssyncpa.u1 $0x1  }
0x13c: {  	_ =	strace $0x90000059  }
0x13d: {  	[bflag:$0x2] =	sbarrier.arrive $0xFFFF  }
0x13e: {  	s31 =	rddreg [dreg:$0x2]  }
0x13f: {  	s0 =	sadd.s32 $0x100000, s31  }
0x140: {  	[sflag:s0] =	ssyncadd.tile.s32 $0x1;
	_ =	shalt  }
.Lfunc_end2:
_tile_overlayer_lowered:
.L_overlay_start_2:
0x141: {  	(tag) =	ssettag $0x2  }
0x142: {  	s0 =	rddreg [dreg:$0x0];
	s2 =	stileid.u32  }
0x143: {  	s1 =	rddreg [dreg:$0x1];
	p0 =	sne.s32 s2, $0x0  }
0x144: {  	s3 =	rddreg [dreg:$0x2];
	[bflag:$0x3] =	sbarrier.arrive $0xFFFF;
	s2 =	simm.s32 @!p0 $0x1C01  }
0x145: {  	[timem:s3], [sflag:s2] =	dma.local @!p0 [hbm:s0], s1  }
0x146: {  	s0 =	simm.s32 @!p0 $0x1  }
0x147: {  	_ =	swait.ge @!p0 [sflag:s0], s1  }
0x148: {  	s1 =	ssub.s32 @!p0 $0x0, s1;
	[sflag:s0] =	ssyncset.done @!p0 $0x0  }
0x149: {  	[sflag:s0] =	ssyncadd.s32 @!p0 s1  }
0x14a: {  	[bflag:$0x3] =	sbarrier.arrive $0xFFFF  }
0x14b: {  	_ =	shalt  }

// kernel: scatter_offload_async_start.4
scs
__scs_entry_jumppad:
0x0: {  	(pc) =	sbr.rel $0x88, $3  }
0x1: {  	(tag) =	ssettag $0x0;
	lr =	simm.s32 $0x1  }
0x2: {  	[smem:$0x3F81] =	sst lr;
	_ =	strace $0xD0000000  }
0x3: {  	_ = 	snop  }
0x4: {  	_ = 	snop  }
0x5: {  	_ = 	snop  }
0x6: {  	_ = 	snop  }
0x7: {  	_ = 	snop  }
__scs_overlays_trampoline_lowered:
0x8: {  	[smem:$0x3F90] =	sst s0  }
0x9: {  	[smem:$0x3F91] =	sst s1  }
0xa: {  	[smem:$0x3F92] =	sst s2  }
0xb: {  	[smem:$0x3F93] =	sst s3  }
0xc: {  	[smem:$0x3F94] =	sst s4  }
0xd: {  	[smem:$0x3F95] =	sst s5  }
0xe: {  	[smem:$0x3F96] =	sst s6  }
0xf: {  	[smem:$0x3F97] =	sst s7  }
0x10: {  	[smem:$0x3F98] =	sst s8  }
0x11: {  	[smem:$0x3F99] =	sst s9;
	s0 =	simm.s32 @!p0 $0x0  }
0x12: {  	s1 =	sld [smem:$0x3F7F];
	s0 =	simm.s32 @p0 $0x1  }
0x13: {  	[smem:$0x3F9A] =	sst s0;
	s0 =	simm.s32 @!p1 $0x0  }
0x14: {  	s2 =	sld [smem:$0x3F7E];
	s0 =	simm.s32 @p1 $0x1  }
0x15: {  	[smem:$0x3F9B] =	sst s0;
	s0 =	simm.s32 @!p2 $0x0  }
0x16: {  	s3 =	sld [smem:$0x3FDB];
	s0 =	simm.s32 @p2 $0x1  }
0x17: {  	s4 =	simm.s32 $0x1BF5;
	[smem:$0x3F9D] =	sst s0  }
0x18: {  	s0 =	sld [smem:$0x3F80];
	_ =	swait.ge [sflag:s4], $0x0  }
0x19: {  	s7 =	sld [smem:$0x3F81]  }
0x1a: {  	s8 =	sadd.s32 $0xFFFFE003, lr  }
0x1b: {  	s9 =	sadd.s32 $0xFFFFFEF7, lr;
	s5 =	simm.s32 $0xFFFFFFFF;
	p2 =	slt.u32 s8, $0xFFFFF086  }
0x1c: {  	p1 =	slt.u32 s9, $0xF7A;
	s5 =	simm.s32 @!p2 $0x0  }
0x1d: {  	s5 =	simm.s32 @p1 $0x1;
	p0 =	seq.s32 s7, s2  }
0x1e: {  	s7 =	smul.u32 @!p0 $0xF7A, s2;
	p2 =	seq.s32 @!p0 s5, $0x0  }
0x1f: {  	s9 =	smul.u32 $0xF7A, s1;
	s8 =	simm.s32 @!p0 $0x1BF5;
	p2 =	por !p2, p0  }
0x20: {  	[sflag:s8] =	ssyncset.s32 @!p0 $0xFFFFF086;
	s6 =	sadd.s32 @!p0 s3, s7;
	s7 =	simm.s32 @!p0 $0x108  }
0x21: {  	s3 =	sadd.s32 s3, s9;
	s6 =	sadd.s32 @!p0 $0x88, s6;
	s7 =	simm.s32 @p2 $0x1082  }
0x22: {  	[simem:s7], [sflag:s8] =	dma.local @!p0 [hbm:s6], $0xF7A  }
0x23: {  	s9 =	sor.u32 $0xD0000000, s2;
	s6 =	simm.s32 $0x108;
	_ =	swait.ge @!p0 [sflag:s8], $0x0  }
0x24: {  	s3 =	sadd.s32 $0x88, s3;
	s6 =	simm.s32 @!p1 $0x1082;
	[sflag:s4] =	ssyncset.s32 $0xFFFFF086  }
0x25: {  	[simem:s6], [sflag:s4] =	dma.local [hbm:s3], $0xF7A  }
0x26: {  	[smem:$0x3F81] =	sst s1;
	(tag) =	ssettag s2;
	_ =	strace s9  }
0x27: {  	s1 =	sld [smem:$0x3F91]  }
0x28: {  	s2 =	sld [smem:$0x3F92]  }
0x29: {  	s4 =	sld [smem:$0x3F94]  }
0x2a: {  	p0 =	seq.s32 s5, $0x0;
	s5 =	sld [smem:$0x3F95]  }
0x2b: {  	s6 =	sld [smem:$0x3F96]  }
0x2c: {  	s7 =	sld [smem:$0x3F97]  }
0x2d: {  	s3 =	simm.s32 $0x108;
	s8 =	sld [smem:$0x3F98]  }
0x2e: {  	s3 =	simm.s32 @!p0 $0x1082;
	s9 =	sld [smem:$0x3F99]  }
0x2f: {  	lr =	sadd.s32 s0, s3;
	s0 =	sld [smem:$0x3F90]  }
0x30: {  	s3 =	sld [smem:$0x3F93]  }
0x31: {  	[smem:$0x3F9C] =	sst s10  }
0x32: {  	s10 =	sld [smem:$0x3F9A];
	_ =	sdelay $0x3  }
0x33: {  	p0 =	seq.s32 s10, $0x1;
	s10 =	sld [smem:$0x3F9C];
	_ =	sdelay $0x3  }
0x34: {  	[smem:$0x3F9C] =	sst s10  }
0x35: {  	s10 =	sld [smem:$0x3F9B];
	_ =	sdelay $0x3  }
0x36: {  	p1 =	seq.s32 s10, $0x1;
	s10 =	sld [smem:$0x3F9C];
	_ =	sdelay $0x3  }
0x37: {  	[smem:$0x3F9C] =	sst s10  }
0x38: {  	s10 =	sld [smem:$0x3F9D]  }
0x39: {  	_ = 	snop;
	(pc) =	sbr.ind lr, $3  }
0x3a: {  	_ = 	snop  }
0x3b: {  	_ = 	snop  }
0x3c: {  	p2 =	seq.s32 s10, $0x1;
	s10 =	sld [smem:$0x3F9C]  }
0x3d: {  	_ =	shalt  }
0x3e: {  	_ =	shalt  }
0x3f: {  	_ =	shalt  }
0x40: {  	_ =	shalt  }
0x41: {  	_ =	shalt  }
0x42: {  	_ =	shalt  }
0x43: {  	_ =	shalt  }
0x44: {  	_ =	shalt  }
0x45: {  	_ =	shalt  }
0x46: {  	_ =	shalt  }
0x47: {  	_ =	shalt  }
0x48: {  	_ =	shalt  }
0x49: {  	_ =	shalt  }
0x4a: {  	_ =	shalt  }
0x4b: {  	_ =	shalt  }
0x4c: {  	_ =	shalt  }
0x4d: {  	_ =	shalt  }
0x4e: {  	_ =	shalt  }
0x4f: {  	_ =	shalt  }
0x50: {  	_ =	shalt  }
0x51: {  	_ =	shalt  }
0x52: {  	_ =	shalt  }
0x53: {  	_ =	shalt  }
0x54: {  	_ =	shalt  }
0x55: {  	_ =	shalt  }
0x56: {  	_ =	shalt  }
0x57: {  	_ =	shalt  }
0x58: {  	_ =	shalt  }
0x59: {  	_ =	shalt  }
0x5a: {  	_ =	shalt  }
0x5b: {  	_ =	shalt  }
0x5c: {  	_ =	shalt  }
0x5d: {  	_ =	shalt  }
0x5e: {  	_ =	shalt  }
0x5f: {  	_ =	shalt  }
0x60: {  	_ =	shalt  }
0x61: {  	_ =	shalt  }
0x62: {  	_ =	shalt  }
0x63: {  	_ =	shalt  }
0x64: {  	_ =	shalt  }
0x65: {  	_ =	shalt  }
0x66: {  	_ =	shalt  }
0x67: {  	_ =	shalt  }
0x68: {  	_ =	shalt  }
0x69: {  	_ =	shalt  }
0x6a: {  	_ =	shalt  }
0x6b: {  	_ =	shalt  }
0x6c: {  	_ =	shalt  }
0x6d: {  	_ =	shalt  }
0x6e: {  	_ =	shalt  }
0x6f: {  	_ =	shalt  }
0x70: {  	_ =	shalt  }
0x71: {  	_ =	shalt  }
0x72: {  	_ =	shalt  }
0x73: {  	_ =	shalt  }
0x74: {  	_ =	shalt  }
0x75: {  	_ =	shalt  }
0x76: {  	_ =	shalt  }
0x77: {  	_ =	shalt  }
0x78: {  	_ =	shalt  }
0x79: {  	_ =	shalt  }
0x7a: {  	_ =	shalt  }
0x7b: {  	_ =	shalt  }
0x7c: {  	_ =	shalt  }
0x7d: {  	_ =	shalt  }
0x7e: {  	_ =	shalt  }
0x7f: {  	_ =	shalt  }
0x80: {  	_ =	shalt  }
0x81: {  	_ =	shalt  }
0x82: {  	_ =	shalt  }
0x83: {  	_ =	shalt  }
0x84: {  	_ =	shalt  }
0x85: {  	_ =	shalt  }
0x86: {  	_ =	shalt  }
0x87: {  	_ =	shalt  }
.Lfunc_end0:
.L_simem_size_0:
called_computation.4_lowered:
.L_overlay_start_0:
0x88: {  	s0 =	sld [smem:$0x3FD9]  }
0x89: {  	s1 =	sld [smem:$0x3FFE];
	_ =	sdelay $0x3  }
0x8a: {  	s0 =	sadd.s32 s1, s0  }
0x8b: {  	[smem:$0x3FA8] =	sst s0  }
0x8c: {  	_ = 	snop  }
0x8d: {  	(tm) =	ssettm $0x1  }
0x8e: {  	s15 =	sld [smem:$0x3FFB];
	_ =	sdelay $0x3  }
0x8f: {  	_ =	strace s15  }
0x90: {  	s0 =	sld [smem:$0x3FFC];
	_ =	sdelay $0x3  }
0x91: {  	_ =	strace s0  }
0x92: {  	s0 =	sld [smem:$0x3FFD];
	_ =	sdelay $0x3  }
0x93: {  	_ =	strace s0  }
0x94: {  	_ =	strace $0x8FFFFFFF  }
0x95: {  	s16 =	sld [smem:$0x3FDB];
	_ =	sdelay $0x1  }
0x96: {  	s17 =	simm.s32 $_scs_section_size  }
0x97: {  	s2 =	simm.s32 $_size__tile_overlayer_lowered;
	s3 =	simm.s32 $_tile_overlayer_lowered  }
0x98: {  	s20 =	simm.s32 $0x1BFF;
	s19 =	sshll.u32 s3, $0x1;
	s0 =	sadd.s32 s17, s16  }
0x99: {  	s4 =	simm.s32 $0x0;
	s18 =	sshll.u32 s2, $0x1;
	s2 =	sadd.s32 s19, s0  }
0x9a: {  	[timem:s4], [sflag:s20] =	dma.local [hbm:s2], s18  }
0x9b: {  	_ =	swait.ge [sflag:s20], s18  }
0x9c: {  	s1 =	ssub.s32 $0x0, s18;
	[sflag:s20] =	ssyncset.done $0x0  }
0x9d: {  	[sflag:s20] =	ssyncadd.s32 s1;
	_ =	sdelay $0x1  }
0x9e: {  	s21 =	simm.s32 $0x1B8B  }
0x9f: {  	_ =	swait.ge [sflag:s21], $0x1  }
0xa0: {  	[sflag:s21] =	ssyncset.done $0x0  }
0xa1: {  	s23 =	simm.s32 $0x1B8E;
	s22 =	sld [smem:$0x3FFE];
	[sflag:s21] =	ssyncadd.s32 $0xFFFFFFFF  }
0xa2: {  	s24 =	simm.s32 $execute0_lowered;
	[smem:$0x3FD2] =	sst s23  }
0xa3: {  	s2 =	sshll.u32 s24, $0x1;
	_ =	strace $0x8000005B;
	[dreg:$0x1] =	wrdreg $0xFFFFFFFF  }
0xa4: {  	s25 =	simm.s32 $_size_execute0_lowered;
	s0 =	sadd.s32 s0, s2;
	[dreg:$0x0] =	wrdreg $0x0  }
0xa5: {  	s2 =	sshll.u32 s25, $0x1;
	[dreg:$0x2] =	wrdreg s0  }
0xa6: {  	[dreg:$0x3] =	wrdreg s2  }
0xa7: {  	[dreg:$0x4] =	wrdreg $0xC0  }
0xa8: {  	_ =	task [dreg:s4], $0x5FFFF  }
0xa9: {  	[dreg:$0x1] =	wrdreg $0xFFFFFFFF  }
0xaa: {  	[dreg:$0x0] =	wrdreg $0x60  }
0xab: {  	[dreg:$0x2] =	wrdreg s22  }
0xac: {  	[dreg:$0x3] =	wrdreg $0x9  }
0xad: {  	_ =	task.clear_ibuf [dreg:s4], $0x4FFFF;
	_ =	strace $0x9000005B  }
0xae: {  	s26 =	simm.s32 $0x9;
	_ =	strace $0x8000005D  }
0xaf: {  	_ =	swait.ge [sflag:s26], $0x1  }
0xb0: {  	[sflag:s26] =	ssyncadd.s32 $0xFFFFFFFF  }
0xb1: {  	_ =	strace $0x9000005D  }
0xb2: {  	_ =	sfence  }
0xb3: {  	s28 =	sld [smem:$0x0];
	_ =	sdelay $0x1  }
0xb4: {  	s29 =	srdreg.scid  }
0xb5: {  	s30 =	sshll.u32 s29, $0xD;
	s31 =	sshrl.u32 s29, $0x2  }
0xb6: {  	s1 =	sand.u32 $0x1, s29;
	s2 =	sand.u32 $0x4000, s30;
	s0 =	sadd.s32 s31, s28  }
0xb7: {  	s1 =	sor.u32 s2, s1;
	s0 =	sshll.u32 s0, $0x11  }
0xb8: {  	s0 =	sor.u32 s0, s1  }
0xb9: {  	s0 =	sadd.s32 $0x8F2B, s0  }
0xba: {  	[sflag:s0] =	ssyncadd.remote.s32 $0x1  }
0xbb: {  	_ =	sfence.sel $0xFFFF  }
0xbc: {  	[dreg:$0x0] =	wrdreg $0xFFFFFFFF;
	(pc) =	sbr.abs _section_cstart, $3  }
0xbd: {  	[dreg:$0x1] =	wrdreg $0xFFFFFFFF  }
0xbe: {  	_ =	task.clear_ibuf [dreg:s4], $0x2FFFF;
	_ =	strace $0x9FFFFFFF  }
0xbf: {  	(tm) =	ssettm $0x7FFFFFFF  }
tec
execute0_lowered:
.L_overlay_start_1:
0x0: {  	(tag) =	ssettag $0x1  }
0x1: {  	s0 =	rddreg [dreg:$0x0]  }
0x2: {  	s6 =	stileid.u32;
	_ =	strace $0x8000005C;
	s2 =	simm.s32 $0x1  }
0x3: {  	v1 =	vimm.s32 $0xFFFFFFFF;
	s1 =	smul.u32 $0x3, s6;
	[sflag:s2] =	ssyncpa.u1 $0x0  }
0x4: {  	s3 =	smin.u32 s6, $0x7;
	[tilespmem:$0x10] =	vst v1  }
0x5: {  	v0 =	vimm.f32 $0.0e+00;
	[tilespmem:$0x20] =	vst v1;
	s1 =	sadd.s32 s3, s1  }
0x6: {  	p0 =	slt.u32 s6, $0x7;
	[tilespmem:$0x30] =	vst v0;
	s3 =	smul.u32 $0x1770, s1;
	s1 =	simm.s32 $0x5DC0  }
0x7: {  	[tilespmem:$0x40] =	vst v0;
	s1 =	simm.s32 @!p0 $0x4650  }
0x8: {  	[tilespmem:$0x50] =	vst v0;
	s1 =	sadd.s32 s1, s3  }
0x9: {  	[tilespmem:$0x60] =	vst v1;
	s4 =	smin.u32 s1, $0x50910  }
0xa: {  	s7 =	simm.s32 $0x2;
	[tilespmem:$0x70] =	vst v1;
	s9 =	ssub.s32 s4, s3  }
0xb: {  	s8 =	simm.s32 $0x8;
	s31 =	simm.s32 $0x9;
	[tilespmem:$0x80] =	vst v1;
	p0 =	sgt.s32 s9, $0x0  }
0xc: {  	s16 =	simm.s32 $0x0;
	s17 =	simm.s32 $0xF0;
	v1 =	vimm.s32 $0x0;
	[tilespmem:$0xB0] =	vst v0;
	s9 =	simm.s32 @!p0 $0x0  }
0xd: {  	s18 =	simm.s32 $0xFFFFFFFF;
	s19 =	simm.s32 $0xFFFFD220;
	[tilespmem:$0x90] =	vst v1;
	s5 =	smulhi.u32 $0x57619F1, s9  }
0xe: {  	s20 =	simm.s32 $0xFFFFFFFE;
	[tilespmem:$0xA0] =	vst v1;
	[sflag:s7] =	ssyncpa.u1 $0x0;
	s7 =	simm.s32 $0x7  }
0xf: {  	s21 =	simm.s32 $0xF;
	[sflag:s7] =	ssyncpa.u1 $0x0;
	s10 =	sshrl.u32 s5, $0x7  }
0x10: {  	s25 =	simm.s32 $0x0;
	[sflag:s8] =	ssyncpa.u1 $0x0;
	s11 =	smul.u32 $0x1770, s10  }
0x11: {  	s24 =	simm.s32 $0x0;
	s14 =	sshllo.u32 s6, $0x1;
	[sflag:s31] =	ssyncpa.u1 $0x0  }
.Ltmp0:
0x12: {  	s1 =	sadd.s32 $0x1E00, s0;
	p0 =	sne.s32 s9, s11;
	(pc) =	sbr.rel .LBB2_1-.Ltmp0, $4  }
0x13: {  	s5 =	sadd.s32 $0x47200, s0;
	s0 =	sadd.s32 $0x51400, s0;
	s2 =	simm.s32 @!p0 $0x0  }
0x14: {  	s23 =	smov.u32 s3;
	[dreg:$0x2] =	wrdreg s0;
	s9 =	sadd.s32 s2, s10  }
0x15: {  	vm0 =	vmmov $0xffff;
	v2 =	vlaneseq.u32;
	p0 =	por $0x0, $0x0;
	s10 =	sshll.u32 s6, $0x1;
	s11 =	sadd.s32 $0x1, s9  }
0x16: {  	vm1 =	vmxor vm1, vm1;
	vm2 =	vmmov $0x1;
	vm3 =	vcmask $0x3F3C;
	s12 =	sadd.s32 $0x2, s9;
	s13 =	sor.u32 $0x81, s10;
	s15 =	sor.u32 $0x80, s10  }
.LBB2_9:
0x17: {  	p1 =	slt.u32 s24, $0x3  }
0x18: {  	s0 =	simm.s32 @!p1 $0x2  }
0x19: {  	_ =	swait.ge @!p1 [sflag:s0], $0x1770  }
0x1a: {  	[sflag:s0] =	ssyncset.done @!p1 $0x0  }
0x1b: {  	[sflag:s0] =	ssyncadd.s32 @!p1 $0xFFFFE890;
	s0 =	simm.s32 @!p1 $0x9  }
0x1c: {  	_ =	swait.ge @!p1 [sflag:s0], $0x10  }
0x1d: {  	[sflag:s0] =	ssyncset.done @!p1 $0x0  }
0x1e: {  	[sflag:s0] =	ssyncadd.s32 @!p1 $0xFFFFFFF0;
	p1 =	sne.s32 s24, s12  }
.Ltmp1:
0x1f: {  	s2 =	sadd.s32 $0x1770, s23;
	(pc) =	sbr.rel @!p1 .LBB2_10-.Ltmp1, $4  }
0x20: {  	s6 =	smov.u32 s3;
	s31 =	sadd.s32 $0x1, s24;
	s17 =	sadd.s32 $0x1770, s17  }
0x21: {  	s18 =	sadd.s32 $0x1, s18;
	s25 =	smov.u32 s23;
	p2 =	slt.s32 s2, s4  }
0x22: {  	p0 =	por !p0, !p0;
	s19 =	sadd.s32 $0x1770, s19;
	s6 =	smov.u32 @p2 s2  }
0x23: {  	s20 =	sadd.s32 $0x1, s20;
	s23 =	smov.u32 s6;
	s24 =	smov.u32 s31  }
.LBB2_1:
0x24: {  	p1 =	sge.u32 s24, s9  }
0x25: {  	s0 =	smulhi.u32 @!p1 $0xAAAAAAAB, s24;
	_ =	sdelay $0x1  }
0x26: {  	s0 =	sshrl.u32 @!p1 s0, $0x1  }
0x27: {  	s0 =	smul.u32 @!p1 $0x3, s0;
	_ =	sdelay $0x1  }
0x28: {  	s0 =	ssub.s32 @!p1 s24, s0  }
0x29: {  	s0 =	smul.u32 @!p1 $0x5DC0, s0;
	_ =	sdelay $0x1  }
0x2a: {  	s2 =	sshrl.u32 @!p1 s23, $0x3;
	s0 =	sshrl.u32 @!p1 s0, $0x2  }
0x2b: {  	s22 =	sand.u32 @!p1 $0x7, s23;
	s2 =	sadd.s32 @!p1 s5, s2;
	s0 =	sadd.s32 @!p1 $0x100, s0  }
0x2c: {  	[tilespmem:s0], [sflag:$0x7] =	stream.linear.gather @!p1 [hbm4b:s2+s22], $0x1770, $0x38;
	[tilespmem:$0xD410] =	vst v63  }
0x2d: {  	s0 =	sadd.s32 $0xFFFFFFFF, s24  }
0x2e: {  	p1 =	sge.u32 s0, s9  }
.Ltmp2:
0x2f: {  	_ = 	snop;
	(pc) =	sbr.rel @p1 .LBB2_5-.Ltmp2, $1  }
0x30: {  	_ =	sdelay $0x3  }
0x31: {  	s2 =	smulhi.u32 $0xAAAAAAAB, s0;
	_ =	sdelay $0x1  }
0x32: {  	s2 =	sshrl.u32 s2, $0x1  }
0x33: {  	s2 =	smul.u32 $0x3, s2;
	_ =	sdelay $0x1  }
0x34: {  	s2 =	ssub.s32 s0, s2  }
0x35: {  	s2 =	smul.u32 $0x5DC0, s2  }
0x36: {  	_ =	swait.ge [sflag:s7], $0x1770  }
0x37: {  	[sflag:s7] =	ssyncset.done $0x0;
	s2 =	sshrl.u32 s2, $0x2  }
0x38: {  	[sflag:s7] =	ssyncadd.s32 $0xFFFFE890;
	(ifvalue) =	ssetifvalue $0xFFFFFFFF;
	v3 =	vld.msk [tilespmem:s2+$0x100 ss:$0x1], $0xffff;
	_ =	sdelay $0x2  }
0x39: {  	s30 =	smulhi.u32 $0xAAAAAAAB, s18;
	p1 =	sne.s32 s24, $0x1  }
0x3a: {  	v4 =	vimm.s32 @!p1 $0x0  }
0x3b: {  	s2 =	sshrl.u32 s30, $0x1;
	v4 =	vperm.xlane @!p1 v3, v4  }
0x3c: {  	s22 =	sshll.u32 s24, $0x4;
	s2 =	smul.u32 $0xFFFEE6C0, s2;
	vm4 =	vlt.u32 v3, $0x2800  }
0x3d: {  	s22 =	sand.u32 $0x10, s22;
	v3 =	vnsel vm4, $0xFFFFFFFE, v3;
	vm4 =	vlt.u32 @!p1 v4, $0x2800  }
0x3e: {  	s2 =	sshra.s32 s2, $0x2;
	[tilespmem:s22+$0x60] =	vst v3;
	v3 =	vnsel @!p1 vm4, $0xFFFFFFFE, v4  }
0x3f: {  	s28 =	sadd.s32 s2, s17;
	[tilespmem:$0x80] =	vst @!p1 v3  }
0x40: {  	v3 =	vld.msk [tilespmem:s28+$0x0 ss:$0x1], $0xffff;
	_ =	sdelay $0x4  }
0x41: {  	(xrf1) =	vunique.msk.u32 $0xffff, v3;
	_ =	sdelay $0xd  }
0x42: {  	v4 =	vimm.s32 $0xFFFFFFFF;
	v5, _, _ =	vpop (xrf1)  }
0x43: {  	vm5 =	vne.s32 v3, v4;
	vm4 =	veq.s32 v5, v2  }
0x44: {  	vm6 =	vlt.u32 v3, $0x2800;
	vm4 =	vmand vm5, vm4  }
0x45: {  	vm4 =	vmand vm6, vm4  }
0x46: {  	v4 =	vnsel vm4, $0xFFFFFFFF, v3  }
0x47: {  	s31 =	sand.u32 $0x1, s0  }
0x48: {  	s0 =	simm.s32 $0x1770;
	p1 =	seq.s32 s31, $0x1  }
0x49: {  	s0 =	simm.s32 @!p1 $0x0  }
0x4a: {  	s26 =	sadd.s32 $0x5EB0, s0;
	(ifvalue) =	ssetifvalue $0xFFFFFFFF  }
0x4b: {  	v3 =	vperm.xlane v3, v1;
	[tilespmem:s26], [sflag:$0x8] =	stream.indirect_vreg.gather [hbm4b:s1+s16], $0x1, v4, vm0, $0x4038;
	v4 =	vnsel vm6, $0xFFFFFFFE, v4;
	[tilespmem:$0xD410] =	vst v63  }
0x4c: {  	s2 =	simm.s32 $0x0;
	s22 =	sadd.s32 $0xFFFFFFF0, s28;
	[tilespmem:s28+$0x0] =	vst v4  }
.LBB2_3:
0x4d: {  	v4 =	vld.msk [tilespmem:s22+$0x0 ss:$0x1], $0xffff;
	s2 =	sadd.s32 $0x10, s2;
	v5 =	vmov v3;
	s28 =	smov.u32 s22  }
0x4e: {  	p1 =	slt.u32 s2, $0x1760;
	_ =	sdelay $0x4  }
0x4f: {  	v3 =	vperm.xlane v4, v1;
	(xrf1) =	vunique.msk.u32 $0xffff, v4;
	_ =	sdelay $0xd  }
0x50: {  	v6, _, _ =	vpop (xrf1)  }
0x51: {  	vm5 =	vne.s32 v4, v5;
	vm4 =	veq.s32 v6, v2  }
0x52: {  	vm6 =	vlt.u32 v4, $0x2800;
	vm4 =	vmand vm5, vm4  }
0x53: {  	vm4 =	vmand vm6, vm4  }
0x54: {  	v4 =	vnsel vm4, $0xFFFFFFFF, v4  }
.Ltmp3:
0x55: {  	v5 =	vnsel vm6, $0xFFFFFFFE, v4;
	(pc) =	sbr.rel @p1 .LBB2_3-.Ltmp3, $3  }
0x56: {  	_ =	sdelay $0x1  }
0x57: {  	s22 =	sadd.s32 $0xFFFFFFF0, s22;
	s26 =	sadd.s32 $0xFFFFFFF0, s26;
	(ifvalue) =	ssetifvalue $0xFFFFFFFF  }
0x58: {  	[tilespmem:s26], [sflag:$0x8] =	stream.indirect_vreg.gather [hbm4b:s1+s16], $0x1, v4, vm0, $0x4038;
	[tilespmem:s28+$0x0] =	vst v5  }
0x59: {  	s2 =	sshrl.u32 s25, $0x3;
	s6 =	rddreg [dreg:$0x2]  }
0x5a: {  	s0 =	sadd.s32 $0x7630, s0;
	s2 =	sadd.s32 s6, s2  }
0x5b: {  	[tilespmem:s0], [sflag:$0x8] =	stream.linear.gather [hbm:s2], $0x1770, $0x38;
	[tilespmem:$0xD410] =	vst v63  }
.LBB2_5:
0x5c: {  	p1 =	slt.u32 s24, $0x2  }
0x5d: {  	p2 =	sge.u32 @!p1 s24, s12  }
0x5e: {  	p1 =	por p1, p2  }
.Ltmp4:
0x5f: {  	_ = 	snop;
	(pc) =	sbr.rel @p1 .LBB2_9-.Ltmp4, $1  }
0x60: {  	_ =	sdelay $0x3  }
0x61: {  	s0 =	sadd.s32 $0xFFFFFFFE, s24  }
0x62: {  	s2 =	smulhi.u32 $0xAAAAAAAB, s0;
	_ =	sdelay $0x1  }
0x63: {  	s2 =	sshrl.u32 s2, $0x1  }
0x64: {  	s2 =	smul.u32 $0x3, s2;
	_ =	sdelay $0x1  }
0x65: {  	s0 =	ssub.s32 s0, s2  }
0x66: {  	_ =	swait.ge [sflag:s8], $0x2EE0;
	s0 =	smul.u32 $0x1770, s0  }
0x67: {  	p1 =	sne.s32 s24, s11;
	[sflag:s8] =	ssyncset.done $0x0  }
0x68: {  	[sflag:s8] =	ssyncadd.s32 $0xFFFFD120;
	s2 =	sadd.s32 @!p1 $0x186F, s0  }
0x69: {  	[spmem:s13] =	stream.linear.scatter @!p1 [tilespmem:s2], [sflag:$0x1], $0x1, $0x38;
	[tilespmem:$0xD410] =	vst v63  }
0x6a: {  	s2 =	simm.s32 @!p1 $0x1  }
0x6b: {  	_ =	swait.ge @!p1 [sflag:s2], $0x1  }
0x6c: {  	s22 =	sshll.u32 s24, $0x4;
	[sflag:s2] =	ssyncset.done @!p1 $0x0  }
0x6d: {  	s25 =	sand.u32 $0x10, s22;
	[sflag:s2] =	ssyncadd.s32 @!p1 $0xFFFFFFFF  }
0x6e: {  	s2 =	sxor.u32 $0x10, s25;
	v4 =	vld [tilespmem:s25+$0x10]  }
0x6f: {  	v5 =	vld [tilespmem:s2+$0x60]  }
0x70: {  	v3 =	vld [tilespmem:$0x80];
	_ =	sdelay $0x2  }
0x71: {  	(v2sf) =	vpush v4, $0x0  }
0x72: {  	(v2sf) =	vpush v5, $0x0  }
0x73: {  	(v2sf) =	vpush v3, $0x0;
	_ =	sdelay $0xc  }
0x74: {  	s6 =	spop (v2sf)  }
0x75: {  	s28 =	spop (v2sf)  }
0x76: {  	s26 =	spop (v2sf)  }
0x77: {  	p2 =	seq.s32 s6, s28;
	p3 =	seq.s32 s26, s6  }
0x78: {  	p3 =	por p2, p3  }
0x79: {  	s6 =	sand.u32 $0x1, s24;
	v4 =	vpsel p3, $0xFFFFFFFF, v4  }
0x7a: {  	s28 =	smul.u32 $0x1770, s6;
	[tilespmem:s25+$0x10] =	vst.msk $0x1, v4  }
0x7b: {  	v4 =	vld [tilespmem:$0x30]  }
0x7c: {  	v5 =	vld [tilespmem:s28+$0x7630]  }
0x7d: {  	v6 =	vld [tilespmem:s25+$0x40];
	_ =	sdelay $0x3  }
0x7e: {  	vm4 =	vmmov vm1;
	v5 =	vadd.f32 v5, v4  }
0x7f: {  	vm5 =	vmmov vm2;
	vm4 =	vmmov @p2 vm2;
	v4 =	vadd.f32 v6, v4  }
0x80: {  	s22 =	sshll.u32 s6, $0x4;
	vm5 =	vmmov @p3 vm1;
	[tilespmem:s28+$0x7630] =	vst.msk vm4, v5  }
0x81: {  	[tilespmem:s22+$0xD3F0] =	vst.msk vm5, v4  }
0x82: {  	v4 =	vld [tilespmem:s28+$0x5EB0];
	_ =	sdelay $0x3  }
0x83: {  	v5 =	vimm.f32 $0.0e+00  }
0x84: {  	v4 =	vshift.insert v4, v5, s21  }
0x85: {  	s29 =	sor.u32 $0x40, s2  }
0x86: {  	[tilespmem:s29+$0x0] =	vst.msk $0x1, v4  }
0x87: {  	[tilespmem:s28+$0x5EBF] =	vst.msk $0x1, v5  }
0x88: {  	v4 =	vld [tilespmem:s0+$0x1860];
	_ =	sdelay $0x1  }
0x89: {  	s29 =	smulhi.u32 $0xAAAAAAAB, s20;
	s0 =	simm.s32 $0x1  }
0x8a: {  	s0 =	simm.s32 @!p0 $0x0  }
0x8b: {  	s29 =	sshrl.u32 s29, $0x1;
	s0 =	smul.u32 $0x5DC0, s0  }
0x8c: {  	s29 =	smul.u32 $0xFFFEE6C0, s29;
	v4 =	vshift.insert v4, v1, s21  }
0x8d: {  	s0 =	sshrl.u32 s0, $0x2  }
0x8e: {  	s29 =	sshra.s32 s29, $0x2;
	s30 =	sadd.s32 $0x7630, s0;
	[tilespmem:s2+$0x10] =	vst.msk $0x1, v4  }
0x8f: {  	s6 =	sadd.s32 s29, s19;
	v6 =	vld [tilespmem:s30+$0x0]  }
0x90: {  	v7 =	vld [tilespmem:s6+$0x0];
	_ =	sdelay $0x3  }
0x91: {  	v5 =	vadd.f32 v6, v5  }
0x92: {  	vm4 =	vne.s32 v7, $0xFFFFFFFF  }
0x93: {  	(xrf2) =	vadd.seg.scan.f32 vm4, v5;
	_ =	sdelay $0x3  }
0x94: {  	s31 =	sadd.s32 $0x4750, s0;
	v5 =	vperm.xlane v4, v1  }
0x95: {  	v6 =	vld [tilespmem:s31+$0x0]  }
0x96: {  	vm5 =	veq.s32 v7, v3;
	vm6 =	veq.s32 v7, v5  }
0x97: {  	vm7 =	vgt.u32 v7, $0xFFFFFFFD;
	vm6 =	vmor vm6, vm5  }
0x98: {  	vm6 =	vmor vm6, vm7  }
0x99: {  	v9 =	vld [tilespmem:$0xA0];
	v7 =	vsel vm6, $0xFFFFFFFF, v7  }
0x9a: {  	v10 =	vld [tilespmem:$0x90];
	v6 =	vsel vm5, $0x0, v6;
	v8, _, _ =	vpop (xrf2)  }
0x9b: {  	v6 =	vadd.f32 v8, v6  }
0x9c: {  	s0 =	sadd.s32 $0xA510, s0  }
0x9d: {  	vm4 =	vmand vm4, vm3;
	[tilespmem:s0+$0x0] =	vst v6;
	(ifvalue) =	ssetifvalue $0xFFFFFFFF  }
0x9e: {  	vm6 =	veq.s32 v9, $0x1;
	[hbm4b:s1+s16] =	stream.indirect_vreg.scatter [tilespmem:s0], [sflag:$0x2], $0x1, v7, vm0, $0x4038;
	v7 =	vsel vm4, $0x0, v8;
	[tilespmem:$0xD410] =	vst v63  }
0x9f: {  	s29 =	sadd.s32 $0xD3F0, s22;
	s22 =	sadd.s32 $0x10, s6;
	s2 =	simm.s32 $0x0;
	vm4 =	vmor vm6, vm5;
	v6 =	vsel vm5, v8, v10;
	v7 =	vshift.insert v7, v0, s21  }
.LBB2_7:
0xa0: {  	v8 =	vld [tilespmem:s22+$0x0];
	s30 =	sadd.s32 $0x10, s30  }
0xa1: {  	s31 =	sadd.s32 $0x10, s31;
	v9 =	vld [tilespmem:s30+$0x0]  }
0xa2: {  	s2 =	sadd.s32 $0x10, s2;
	v10 =	vld [tilespmem:s31+$0x0]  }
0xa3: {  	p2 =	slt.u32 s2, $0x1760;
	_ =	sdelay $0x2  }
0xa4: {  	v7 =	vadd.f32 v9, v7  }
0xa5: {  	vm5 =	vne.s32 v8, $0xFFFFFFFF  }
0xa6: {  	vm6 =	vmand vm5, vm3;
	(xrf2) =	vadd.seg.scan.f32 vm5, v7;
	_ =	sdelay $0x5  }
0xa7: {  	vm7 =	veq.s32 v8, v5;
	vm5 =	veq.s32 v8, v3  }
0xa8: {  	vm8 =	vgt.u32 v8, $0xFFFFFFFD;
	vm4 =	vmor vm4, vm5;
	vm7 =	vmor vm7, vm5  }
0xa9: {  	vm7 =	vmor vm7, vm8  }
0xaa: {  	v8 =	vsel vm7, $0xFFFFFFFF, v8  }
.Ltmp5:
0xab: {  	v7 =	vsel vm5, $0x0, v10;
	v9, _, _ =	vpop (xrf2);
	(pc) =	sbr.rel @p2 .LBB2_7-.Ltmp5, $4  }
0xac: {  	v6 =	vsel vm5, v9, v6;
	v10 =	vadd.f32 v9, v7;
	v7 =	vsel vm6, $0x0, v9  }
0xad: {  	s0 =	sadd.s32 $0x10, s0;
	v7 =	vshift.insert v7, v0, s21  }
0xae: {  	s22 =	sadd.s32 $0x10, s22;
	[tilespmem:s0+$0x0] =	vst v10;
	(ifvalue) =	ssetifvalue $0xFFFFFFFF  }
0xaf: {  	[hbm4b:s1+s16] =	stream.indirect_vreg.scatter [tilespmem:s0], [sflag:$0x2], $0x1, v8, vm0, $0x4038;
	[tilespmem:$0xD410] =	vst v63  }
0xb0: {  	v3 =	vld [tilespmem:s28+$0xBC70];
	_ =	sdelay $0x4  }
0xb1: {  	v3 =	vshift.insert v3, v0, s21  }
0xb2: {  	s0 =	simm.s32 $0x30  }
0xb3: {  	[tilespmem:s0+$0x0] =	vst.msk $0x1, v3  }
0xb4: {  	v3 =	vsel vm4, $0x1, v1;
	[tilespmem:$0x90] =	vst v6  }
0xb5: {  	s0 =	sadd.s32 @!p1 $0xBC7F, s28;
	[tilespmem:$0xA0] =	vst v3  }
0xb6: {  	[spmem:s14] =	stream.linear.scatter @!p1 [tilespmem:s0], [sflag:$0x1], $0x1, $0x38;
	[tilespmem:$0xD410] =	vst v63  }
0xb7: {  	s0 =	simm.s32 @!p1 $0x1  }
0xb8: {  	v3 =	vmctz.xlane @!p1 vm4;
	_ =	swait.ge @!p1 [sflag:s0], $0x1  }
0xb9: {  	(v2sf) =	vpush @!p1 v4, $0x0  }
0xba: {  	(v2sf) =	vpush @!p1 v3, $0x0;
	_ =	sdelay $0xd  }
0xbb: {  	s2 =	spop @!p1 (v2sf)  }
0xbc: {  	s6 =	spop @!p1 (v2sf)  }
0xbd: {  	p2 =	sne.s32 @!p1 s26, s2;
	p3 =	slt.s32 @!p1 s6, $0xF  }
0xbe: {  	[sflag:s0] =	ssyncset.done @!p1 $0x0;
	p2 =	por p2, p1;
	p3 =	por !p3, p1  }
0xbf: {  	[sflag:s0] =	ssyncadd.s32 @!p1 $0xFFFFFFFF;
	v3 =	vimm.s32 @!p2 $0xFFFFFFFF;
	s6 =	simm.s32 @p3 $0xF  }
0xc0: {  	[tilespmem:$0x80] =	vst @!p2 v3;
	s2 =	sadd.s32 @!p1 $0x90, s6  }
0xc1: {  	[spmem:s10] =	stream.linear.scatter @!p1 [tilespmem:s2], [sflag:$0x1], $0x1, $0x38;
	[tilespmem:$0xD410] =	vst v63  }
0xc2: {  	_ =	swait.ge @!p1 [sflag:s0], $0x1  }
0xc3: {  	[sflag:s0] =	ssyncset.done @!p1 $0x0  }
0xc4: {  	s2 =	simm.s32 @!p1 $0x80;
	[sflag:s0] =	ssyncadd.s32 @!p1 $0xFFFFFFFF  }
0xc5: {  	[spmem:s15] =	stream.linear.scatter @!p1 [tilespmem:s2], [sflag:$0x1], $0x1, $0x38;
	[tilespmem:$0xD410] =	vst v63  }
0xc6: {  	_ =	swait.ge @!p1 [sflag:s0], $0x1  }
0xc7: {  	[sflag:s0] =	ssyncset.done @!p1 $0x0  }
0xc8: {  	[sflag:s0] =	ssyncadd.s32 @!p1 $0xFFFFFFFF;
	(ifvalue) =	ssetifvalue $0xFFFFFFFF;
	v3 =	vld [tilespmem:s25+$0x10];
	_ =	sdelay $0x3  }
.Ltmp6:
0xc9: {  	_ = 	snop;
	(pc) =	sbr.rel .LBB2_9-.Ltmp6, $3  }
0xca: {  	_ =	sdelay $0x1  }
0xcb: {  	(ifvalue) =	ssetifvalue $0xFFFFFFFF  }
0xcc: {  	[hbm4b:s1+s16] =	stream.indirect_vreg.scatter [tilespmem:s29], [sflag:$0x9], $0x1, v3, vm0, $0x4038;
	[tilespmem:$0xD410] =	vst v63  }
.LBB2_10:
0xcd: {  	_ =	sfence.sel $0x180000  }
0xce: {  	s0 =	simm.s32 $0x7;
	[bflag:$0x0] =	sbarrier.arrive $0xFFFF  }
0xcf: {  	s26 =	simm.s32 $0x8;
	[sflag:s0] =	ssyncpa.u1 $0x1  }
0xd0: {  	s28 =	simm.s32 $0x9;
	[sflag:s26] =	ssyncpa.u1 $0x1  }
0xd1: {  	[sflag:s28] =	ssyncpa.u1 $0x1  }
0xd2: {  	_ =	sfence.stream.spmem  }
0xd3: {  	s29 =	simm.s32 $0x3;
	[bflag:$0x0] =	sbarrier.arrive $0xFFFF  }
0xd4: {  	s30 =	simm.s32 $0x4;
	[sflag:s29] =	ssyncpa.u1 $0x1  }
0xd5: {  	s31 =	simm.s32 $0x3C;
	s2 =	stileid.u32;
	[sflag:s30] =	ssyncpa.u1 $0x1  }
0xd6: {  	p0 =	sne.s32 s2, $0x0;
	[sflag:s31] =	ssyncpa.u1 $0x1  }
0xd7: {  	s0 =	simm.s32 @p0 $0x1;
	_ =	sfence @p0  }
0xd8: {  	[sflag:s0] =	ssyncpa.u1 @p0 $0x1;
	s0 =	simm.s32 @p0 $0x2  }
0xd9: {  	[sflag:s0] =	ssyncpa.u1 @p0 $0x1  }
0xda: {  	_ =	strace @p0 $0x9000005C  }
0xdb: {  	[bflag:$0x2] =	sbarrier.arrive @p0 $0xFFFF  }
0xdc: {  	_ =	shalt @p0  }
.LBB2_11:
0xdd: {  	_ =	sfence.stream.spmem;
	s0 =	simm.s32 $0x5  }
0xde: {  	s2 =	simm.s32 $0x80;
	s3 =	simm.s32 $0xC0;
	[sflag:s0] =	ssyncpa.u1 $0x0  }
0xdf: {  	[tilespmem:s3], [sflag:$0x5] =	stream.linear.gather [spmem:s2], $0x20, $0x38;
	[tilespmem:$0xD410] =	vst v63  }
0xe0: {  	s2 =	simm.s32 $0x0;
	s3 =	simm.s32 $0xE0  }
0xe1: {  	[tilespmem:s3], [sflag:$0x5] =	stream.linear.gather [spmem:s2], $0x20, $0x38;
	[tilespmem:$0xD410] =	vst v63  }
.Ltmp7:
0xe2: {  	_ = 	snop;
	(pc) =	sbr.rel .LBB2_12-.Ltmp7, $4  }
0xe3: {  	_ =	swait.ge [sflag:s0], $0x40  }
0xe4: {  	[sflag:s0] =	ssyncset.done $0x0  }
0xe5: {  	s31 =	simm.s32 $0x6;
	[sflag:s0] =	ssyncadd.s32 $0xFFFFFFC0  }
0xe6: {  	s4 =	simm.s32 $0x0;
	[sflag:s31] =	ssyncpa.u1 $0x0  }
.LBB2_17:
0xe7: {  	p0 =	sgt.u32 s5, $0x27FF  }
0xe8: {  	s0 =	sshrl.u32 @!p0 s5, $0x3  }
0xe9: {  	s5 =	sand.u32 @!p0 $0x7, s5;
	s6 =	simm.s32 @!p0 $0xB0;
	s0 =	sadd.s32 @!p0 s1, s0  }
0xea: {  	[tilespmem:s6], [sflag:$0x6] =	stream.linear.gather @!p0 [hbm4b:s0+s5], $0x1, $0x38;
	[tilespmem:$0xD410] =	vst v63  }
0xeb: {  	s0 =	simm.s32 @!p0 $0x6  }
0xec: {  	_ =	swait.ge @!p0 [sflag:s0], $0x1  }
0xed: {  	[sflag:s0] =	ssyncset.done @!p0 $0x0  }
0xee: {  	[sflag:s0] =	ssyncadd.s32 @!p0 $0xFFFFFFFF  }
0xef: {  	v2 =	vmov @!p0 s4;
	v1 =	vld.msk @!p0 [tilespmem:$0xB0], $0x1;
	_ =	sdelay $0x3  }
0xf0: {  	s0 =	simm.s32 @!p0 $0xE0  }
0xf1: {  	[tilespmem:v2+s0+$0x0], v1 =	vst.idx.ret.add.f32.msk @!p0 $0x1, v1  }
0xf2: {  	[tilespmem:s2+$0xC0] =	vst.msk $0x1, v0  }
0xf3: {  	v0 =	vld.msk [tilespmem:s4+$0xE0], $0x1;
	_ =	sdelay $0x4  }
0xf4: {  	[tilespmem:s2+$0xE0] =	vst.msk $0x1, v0;
	s2 =	sadd.s32 $0x1, s2  }
.LBB2_19:
0xf5: {  	s4 =	sadd.s32 $0x1, s4  }
0xf6: {  	p0 =	sne.s32 s4, $0x20  }
.Ltmp8:
0xf7: {  	_ = 	snop;
	(pc) =	sbr.rel @!p0 .LBB2_20-.Ltmp8, $1  }
0xf8: {  	_ =	sdelay $0x3  }
.LBB2_12:
0xf9: {  	v0 =	vld.msk [tilespmem:s4+$0xC0], $0x1;
	_ =	sdelay $0x4  }
0xfa: {  	(v2sf) =	vpush v0, $0x0;
	_ =	sdelay $0xe  }
0xfb: {  	s5 =	spop (v2sf)  }
0xfc: {  	p0 =	seq.s32 s5, $0xFFFFFFFF  }
.Ltmp9:
0xfd: {  	_ = 	snop;
	(pc) =	sbr.rel @p0 .LBB2_19-.Ltmp9, $1  }
0xfe: {  	_ =	sdelay $0x3  }
0xff: {  	p0 =	slt.s32 s2, $0x1  }
.Ltmp10:
0x100: {  	_ = 	snop;
	(pc) =	sbr.rel @p0 .LBB2_17-.Ltmp10, $1  }
0x101: {  	_ =	sdelay $0x3  }
0x102: {  	s0 =	simm.s32 $0xC0;
	p0 =	por $0x0, $0x0  }
0x103: {  	v1 =	vld.msk @!p0 [tilespmem:s0+$0x0], $0x1;
	_ =	sdelay $0x4  }
0x104: {  	(v2sf) =	vpush @!p0 v1, $0x0;
	_ =	sdelay $0xd  }
0x105: {  	p2 =	sne.s32 s2, $0x1  }
.Ltmp11:
0x106: {  	s6 =	spop @!p0 (v2sf);
	(pc) =	sbr.rel @!p2 .LBB2_16-.Ltmp11, $4  }
0x107: {  	p1 =	seq.s32 @!p0 s5, s6  }
0x108: {  	s6 =	simm.s32 $0x0;
	p1 =	por !p1, p0  }
0x109: {  	s8 =	simm.s32 $0xFFFFFFFF;
	s6 =	simm.s32 @p1 $0xFFFFFFFF  }
0x10a: {  	s7 =	simm.s32 $0x1;
	s6 =	smov.u32 @p0 s8  }
.LBB2_15:
0x10b: {  	s8 =	smov.u32 s6;
	p0 =	sne.s32 s6, $0xFFFFFFFF  }
0x10c: {  	s0 =	sadd.s32 $0x1, s0;
	s6 =	smov.u32 s7;
	s7 =	sadd.s32 $0x1, s7  }
0x10d: {  	p1 =	sne.s32 s2, s7;
	v1 =	vld.msk @!p0 [tilespmem:s0+$0x0], $0x1;
	_ =	sdelay $0x4  }
0x10e: {  	(v2sf) =	vpush @!p0 v1, $0x0;
	_ =	sdelay $0xe  }
.Ltmp12:
0x10f: {  	s9 =	spop @!p0 (v2sf);
	(pc) =	sbr.rel @p1 .LBB2_15-.Ltmp12, $4  }
0x110: {  	p2 =	seq.s32 @!p0 s5, s9  }
0x111: {  	p2 =	por !p2, p0  }
0x112: {  	s6 =	simm.s32 @p2 $0xFFFFFFFF  }
0x113: {  	s6 =	smov.u32 @p0 s8  }
.LBB2_16:
0x114: {  	p0 =	sne.s32 s6, $0xFFFFFFFF  }
.Ltmp13:
0x115: {  	_ = 	snop;
	(pc) =	sbr.rel @!p0 .LBB2_17-.Ltmp13, $1  }
0x116: {  	_ =	sdelay $0x3  }
0x117: {  	v0 =	vld.msk [tilespmem:s4+$0xE0], $0x1;
	v1 =	vmov s6  }
.Ltmp14:
0x118: {  	_ = 	snop;
	(pc) =	sbr.rel .LBB2_19-.Ltmp14, $2  }
0x119: {  	_ =	sdelay $0x2  }
0x11a: {  	[tilespmem:v1+s3+$0x0], v0 =	vst.idx.ret.add.f32.msk $0x1, v0  }
.LBB2_20:
0x11b: {  	p0 =	slt.s32 s2, $0x1  }
.Ltmp15:
0x11c: {  	_ = 	snop;
	(pc) =	sbr.rel @p0 .LBB2_24-.Ltmp15, $3  }
0x11d: {  	_ =	sdelay $0x1  }
0x11e: {  	s0 =	simm.s32 $0x6  }
0x11f: {  	s3 =	simm.s32 $0x0;
	[sflag:s0] =	ssyncpa.u1 $0x1  }
0x120: {  	s0 =	simm.s32 $0xC0  }
0x121: {  	v0 =	vld.msk [tilespmem:s0+$0x0], $0x1;
	_ =	sdelay $0x4  }
0x122: {  	(v2sf) =	vpush v0, $0x0;
	_ =	sdelay $0xe  }
0x123: {  	s2 =	sadd.s32 $0xFFFFFFFF, s2;
	s4 =	spop (v2sf)  }
0x124: {  	p1 =	sne.s32 s2, $0x0;
	p0 =	sgt.u32 s4, $0x27FF  }
.Ltmp16:
0x125: {  	s5 =	sshrl.u32 @!p0 s4, $0x3;
	(pc) =	sbr.rel @!p1 .LBB2_23-.Ltmp16, $4  }
0x126: {  	s0 =	simm.s32 $0xE0;
	s4 =	sand.u32 @!p0 $0x7, s4;
	s5 =	sadd.s32 @!p0 s1, s5  }
0x127: {  	[hbm4b:s5+s4] =	stream.linear.scatter @!p0 [tilespmem:s0], [sflag:$0x5], $0x1, $0x38;
	[tilespmem:$0xD410] =	vst v63  }
0x128: {  	s5 =	simm.s32 $0x0  }
0x129: {  	s4 =	simm.s32 $0xC1;
	s5 =	simm.s32 @!p0 $0x4  }
.LBB2_22:
0x12a: {  	v0 =	vld.msk [tilespmem:s4+$0x0], $0x1;
	s2 =	sadd.s32 $0xFFFFFFFF, s2;
	s3 =	sadd.s32 s3, s5  }
0x12b: {  	p0 =	sne.s32 s2, $0x0;
	_ =	sdelay $0x3  }
0x12c: {  	(v2sf) =	vpush v0, $0x0;
	_ =	sdelay $0xe  }
.Ltmp17:
0x12d: {  	s6 =	spop (v2sf);
	(pc) =	sbr.rel @p0 .LBB2_22-.Ltmp17, $4  }
0x12e: {  	s5 =	simm.s32 $0x0;
	p1 =	sgt.u32 s6, $0x27FF  }
0x12f: {  	s0 =	sadd.s32 $0x1, s0;
	s5 =	simm.s32 @!p1 $0x4;
	s7 =	sshrl.u32 @!p1 s6, $0x3  }
0x130: {  	s4 =	sadd.s32 $0x1, s4;
	s6 =	sand.u32 @!p1 $0x7, s6;
	s7 =	sadd.s32 @!p1 s1, s7  }
0x131: {  	[hbm4b:s7+s6] =	stream.linear.scatter @!p1 [tilespmem:s0], [sflag:$0x5], $0x1, $0x38;
	[tilespmem:$0xD410] =	vst v63  }
.LBB2_23:
0x132: {  	s0 =	sadd.s32 s3, s5  }
0x133: {  	s3 =	sshrl.u32 s0, $0x2  }
.LBB2_24:
0x134: {  	s0 =	simm.s32 $0x5  }
0x135: {  	_ =	swait.ge [sflag:s0], s3  }
0x136: {  	s1 =	ssub.s32 $0x0, s3;
	[sflag:s0] =	ssyncset.done $0x0  }
0x137: {  	[sflag:s0] =	ssyncadd.s32 s1  }
0x138: {  	[sflag:s0] =	ssyncpa.u1 $0x1  }
0x139: {  	s29 =	simm.s32 $0x1;
	_ =	sfence  }
0x13a: {  	s30 =	simm.s32 $0x2;
	[sflag:s29] =	ssyncpa.u1 $0x1  }
0x13b: {  	[sflag:s30] =	ssyncpa.u1 $0x1  }
0x13c: {  	_ =	strace $0x9000005C  }
0x13d: {  	[bflag:$0x2] =	sbarrier.arrive $0xFFFF  }
0x13e: {  	s31 =	rddreg [dreg:$0x1]  }
0x13f: {  	s0 =	sadd.s32 $0x100000, s31  }
0x140: {  	[sflag:s0] =	ssyncadd.tile.s32 $0x1;
	_ =	shalt  }
.Lfunc_end2:
_tile_overlayer_lowered:
.L_overlay_start_2:
0x141: {  	(tag) =	ssettag $0x2  }
0x142: {  	s0 =	rddreg [dreg:$0x0];
	s2 =	stileid.u32  }
0x143: {  	s1 =	rddreg [dreg:$0x1];
	p0 =	sne.s32 s2, $0x0  }
0x144: {  	s3 =	rddreg [dreg:$0x2];
	[bflag:$0x3] =	sbarrier.arrive $0xFFFF;
	s2 =	simm.s32 @!p0 $0x1C01  }
0x145: {  	[timem:s3], [sflag:s2] =	dma.local @!p0 [hbm:s0], s1  }
0x146: {  	s0 =	simm.s32 @!p0 $0x1  }
0x147: {  	_ =	swait.ge @!p0 [sflag:s0], s1  }
0x148: {  	s1 =	ssub.s32 @!p0 $0x0, s1;
	[sflag:s0] =	ssyncset.done @!p0 $0x0  }
0x149: {  	[sflag:s0] =	ssyncadd.s32 @!p0 s1  }
0x14a: {  	[bflag:$0x3] =	sbarrier.arrive $0xFFFF  }
0x14b: {  	_ =	shalt  }

// kernel: scatter_offload_async_start.5
scs
__scs_entry_jumppad:
0x0: {  	(pc) =	sbr.rel $0x88, $3  }
0x1: {  	(tag) =	ssettag $0x0;
	lr =	simm.s32 $0x1  }
0x2: {  	[smem:$0x3F81] =	sst lr;
	_ =	strace $0xD0000000  }
0x3: {  	_ = 	snop  }
0x4: {  	_ = 	snop  }
0x5: {  	_ = 	snop  }
0x6: {  	_ = 	snop  }
0x7: {  	_ = 	snop  }
__scs_overlays_trampoline_lowered:
0x8: {  	[smem:$0x3F90] =	sst s0  }
0x9: {  	[smem:$0x3F91] =	sst s1  }
0xa: {  	[smem:$0x3F92] =	sst s2  }
0xb: {  	[smem:$0x3F93] =	sst s3  }
0xc: {  	[smem:$0x3F94] =	sst s4  }
0xd: {  	[smem:$0x3F95] =	sst s5  }
0xe: {  	[smem:$0x3F96] =	sst s6  }
0xf: {  	[smem:$0x3F97] =	sst s7  }
0x10: {  	[smem:$0x3F98] =	sst s8  }
0x11: {  	[smem:$0x3F99] =	sst s9;
	s0 =	simm.s32 @!p0 $0x0  }
0x12: {  	s1 =	sld [smem:$0x3F7F];
	s0 =	simm.s32 @p0 $0x1  }
0x13: {  	[smem:$0x3F9A] =	sst s0;
	s0 =	simm.s32 @!p1 $0x0  }
0x14: {  	s2 =	sld [smem:$0x3F7E];
	s0 =	simm.s32 @p1 $0x1  }
0x15: {  	[smem:$0x3F9B] =	sst s0;
	s0 =	simm.s32 @!p2 $0x0  }
0x16: {  	s3 =	sld [smem:$0x3FDB];
	s0 =	simm.s32 @p2 $0x1  }
0x17: {  	s4 =	simm.s32 $0x1BF5;
	[smem:$0x3F9D] =	sst s0  }
0x18: {  	s0 =	sld [smem:$0x3F80];
	_ =	swait.ge [sflag:s4], $0x0  }
0x19: {  	s7 =	sld [smem:$0x3F81]  }
0x1a: {  	s8 =	sadd.s32 $0xFFFFE003, lr  }
0x1b: {  	s9 =	sadd.s32 $0xFFFFFEF7, lr;
	s5 =	simm.s32 $0xFFFFFFFF;
	p2 =	slt.u32 s8, $0xFFFFF086  }
0x1c: {  	p1 =	slt.u32 s9, $0xF7A;
	s5 =	simm.s32 @!p2 $0x0  }
0x1d: {  	s5 =	simm.s32 @p1 $0x1;
	p0 =	seq.s32 s7, s2  }
0x1e: {  	s7 =	smul.u32 @!p0 $0xF7A, s2;
	p2 =	seq.s32 @!p0 s5, $0x0  }
0x1f: {  	s9 =	smul.u32 $0xF7A, s1;
	s8 =	simm.s32 @!p0 $0x1BF5;
	p2 =	por !p2, p0  }
0x20: {  	[sflag:s8] =	ssyncset.s32 @!p0 $0xFFFFF086;
	s6 =	sadd.s32 @!p0 s3, s7;
	s7 =	simm.s32 @!p0 $0x108  }
0x21: {  	s3 =	sadd.s32 s3, s9;
	s6 =	sadd.s32 @!p0 $0x88, s6;
	s7 =	simm.s32 @p2 $0x1082  }
0x22: {  	[simem:s7], [sflag:s8] =	dma.local @!p0 [hbm:s6], $0xF7A  }
0x23: {  	s9 =	sor.u32 $0xD0000000, s2;
	s6 =	simm.s32 $0x108;
	_ =	swait.ge @!p0 [sflag:s8], $0x0  }
0x24: {  	s3 =	sadd.s32 $0x88, s3;
	s6 =	simm.s32 @!p1 $0x1082;
	[sflag:s4] =	ssyncset.s32 $0xFFFFF086  }
0x25: {  	[simem:s6], [sflag:s4] =	dma.local [hbm:s3], $0xF7A  }
0x26: {  	[smem:$0x3F81] =	sst s1;
	(tag) =	ssettag s2;
	_ =	strace s9  }
0x27: {  	s1 =	sld [smem:$0x3F91]  }
0x28: {  	s2 =	sld [smem:$0x3F92]  }
0x29: {  	s4 =	sld [smem:$0x3F94]  }
0x2a: {  	p0 =	seq.s32 s5, $0x0;
	s5 =	sld [smem:$0x3F95]  }
0x2b: {  	s6 =	sld [smem:$0x3F96]  }
0x2c: {  	s7 =	sld [smem:$0x3F97]  }
0x2d: {  	s3 =	simm.s32 $0x108;
	s8 =	sld [smem:$0x3F98]  }
0x2e: {  	s3 =	simm.s32 @!p0 $0x1082;
	s9 =	sld [smem:$0x3F99]  }
0x2f: {  	lr =	sadd.s32 s0, s3;
	s0 =	sld [smem:$0x3F90]  }
0x30: {  	s3 =	sld [smem:$0x3F93]  }
0x31: {  	[smem:$0x3F9C] =	sst s10  }
0x32: {  	s10 =	sld [smem:$0x3F9A];
	_ =	sdelay $0x3  }
0x33: {  	p0 =	seq.s32 s10, $0x1;
	s10 =	sld [smem:$0x3F9C];
	_ =	sdelay $0x3  }
0x34: {  	[smem:$0x3F9C] =	sst s10  }
0x35: {  	s10 =	sld [smem:$0x3F9B];
	_ =	sdelay $0x3  }
0x36: {  	p1 =	seq.s32 s10, $0x1;
	s10 =	sld [smem:$0x3F9C];
	_ =	sdelay $0x3  }
0x37: {  	[smem:$0x3F9C] =	sst s10  }
0x38: {  	s10 =	sld [smem:$0x3F9D]  }
0x39: {  	_ = 	snop;
	(pc) =	sbr.ind lr, $3  }
0x3a: {  	_ = 	snop  }
0x3b: {  	_ = 	snop  }
0x3c: {  	p2 =	seq.s32 s10, $0x1;
	s10 =	sld [smem:$0x3F9C]  }
0x3d: {  	_ =	shalt  }
0x3e: {  	_ =	shalt  }
0x3f: {  	_ =	shalt  }
0x40: {  	_ =	shalt  }
0x41: {  	_ =	shalt  }
0x42: {  	_ =	shalt  }
0x43: {  	_ =	shalt  }
0x44: {  	_ =	shalt  }
0x45: {  	_ =	shalt  }
0x46: {  	_ =	shalt  }
0x47: {  	_ =	shalt  }
0x48: {  	_ =	shalt  }
0x49: {  	_ =	shalt  }
0x4a: {  	_ =	shalt  }
0x4b: {  	_ =	shalt  }
0x4c: {  	_ =	shalt  }
0x4d: {  	_ =	shalt  }
0x4e: {  	_ =	shalt  }
0x4f: {  	_ =	shalt  }
0x50: {  	_ =	shalt  }
0x51: {  	_ =	shalt  }
0x52: {  	_ =	shalt  }
0x53: {  	_ =	shalt  }
0x54: {  	_ =	shalt  }
0x55: {  	_ =	shalt  }
0x56: {  	_ =	shalt  }
0x57: {  	_ =	shalt  }
0x58: {  	_ =	shalt  }
0x59: {  	_ =	shalt  }
0x5a: {  	_ =	shalt  }
0x5b: {  	_ =	shalt  }
0x5c: {  	_ =	shalt  }
0x5d: {  	_ =	shalt  }
0x5e: {  	_ =	shalt  }
0x5f: {  	_ =	shalt  }
0x60: {  	_ =	shalt  }
0x61: {  	_ =	shalt  }
0x62: {  	_ =	shalt  }
0x63: {  	_ =	shalt  }
0x64: {  	_ =	shalt  }
0x65: {  	_ =	shalt  }
0x66: {  	_ =	shalt  }
0x67: {  	_ =	shalt  }
0x68: {  	_ =	shalt  }
0x69: {  	_ =	shalt  }
0x6a: {  	_ =	shalt  }
0x6b: {  	_ =	shalt  }
0x6c: {  	_ =	shalt  }
0x6d: {  	_ =	shalt  }
0x6e: {  	_ =	shalt  }
0x6f: {  	_ =	shalt  }
0x70: {  	_ =	shalt  }
0x71: {  	_ =	shalt  }
0x72: {  	_ =	shalt  }
0x73: {  	_ =	shalt  }
0x74: {  	_ =	shalt  }
0x75: {  	_ =	shalt  }
0x76: {  	_ =	shalt  }
0x77: {  	_ =	shalt  }
0x78: {  	_ =	shalt  }
0x79: {  	_ =	shalt  }
0x7a: {  	_ =	shalt  }
0x7b: {  	_ =	shalt  }
0x7c: {  	_ =	shalt  }
0x7d: {  	_ =	shalt  }
0x7e: {  	_ =	shalt  }
0x7f: {  	_ =	shalt  }
0x80: {  	_ =	shalt  }
0x81: {  	_ =	shalt  }
0x82: {  	_ =	shalt  }
0x83: {  	_ =	shalt  }
0x84: {  	_ =	shalt  }
0x85: {  	_ =	shalt  }
0x86: {  	_ =	shalt  }
0x87: {  	_ =	shalt  }
.Lfunc_end0:
.L_simem_size_0:
called_computation.5_lowered:
.L_overlay_start_0:
0x88: {  	s0 =	sld [smem:$0x3FD9]  }
0x89: {  	s1 =	sld [smem:$0x3FFE];
	_ =	sdelay $0x3  }
0x8a: {  	s0 =	sadd.s32 s1, s0  }
0x8b: {  	[smem:$0x3FA8] =	sst s0  }
0x8c: {  	_ = 	snop  }
0x8d: {  	(tm) =	ssettm $0x1  }
0x8e: {  	s15 =	sld [smem:$0x3FFB];
	_ =	sdelay $0x3  }
0x8f: {  	_ =	strace s15  }
0x90: {  	s0 =	sld [smem:$0x3FFC];
	_ =	sdelay $0x3  }
0x91: {  	_ =	strace s0  }
0x92: {  	s0 =	sld [smem:$0x3FFD];
	_ =	sdelay $0x3  }
0x93: {  	_ =	strace s0  }
0x94: {  	_ =	strace $0x8FFFFFFF  }
0x95: {  	s16 =	sld [smem:$0x3FDB];
	_ =	sdelay $0x1  }
0x96: {  	s17 =	simm.s32 $_scs_section_size  }
0x97: {  	s2 =	simm.s32 $_size__tile_overlayer_lowered;
	s3 =	simm.s32 $_tile_overlayer_lowered  }
0x98: {  	s20 =	simm.s32 $0x1BFF;
	s19 =	sshll.u32 s3, $0x1;
	s0 =	sadd.s32 s17, s16  }
0x99: {  	s4 =	simm.s32 $0x0;
	s18 =	sshll.u32 s2, $0x1;
	s2 =	sadd.s32 s19, s0  }
0x9a: {  	[timem:s4], [sflag:s20] =	dma.local [hbm:s2], s18  }
0x9b: {  	_ =	swait.ge [sflag:s20], s18  }
0x9c: {  	s1 =	ssub.s32 $0x0, s18;
	[sflag:s20] =	ssyncset.done $0x0  }
0x9d: {  	[sflag:s20] =	ssyncadd.s32 s1;
	_ =	sdelay $0x1  }
0x9e: {  	s21 =	simm.s32 $0x1B8B  }
0x9f: {  	_ =	swait.ge [sflag:s21], $0x1  }
0xa0: {  	[sflag:s21] =	ssyncset.done $0x0  }
0xa1: {  	s23 =	simm.s32 $0x1B8E;
	s22 =	sld [smem:$0x3FFE];
	[sflag:s21] =	ssyncadd.s32 $0xFFFFFFFF  }
0xa2: {  	s24 =	simm.s32 $execute0_lowered;
	[smem:$0x3FD2] =	sst s23  }
0xa3: {  	s2 =	sshll.u32 s24, $0x1;
	_ =	strace $0x8000005E;
	[dreg:$0x1] =	wrdreg $0xFFFFFFFF  }
0xa4: {  	s25 =	simm.s32 $_size_execute0_lowered;
	s0 =	sadd.s32 s0, s2;
	[dreg:$0x0] =	wrdreg $0x0  }
0xa5: {  	s2 =	sshll.u32 s25, $0x1;
	[dreg:$0x2] =	wrdreg s0  }
0xa6: {  	[dreg:$0x3] =	wrdreg s2  }
0xa7: {  	[dreg:$0x4] =	wrdreg $0xC0  }
0xa8: {  	_ =	task [dreg:s4], $0x5FFFF  }
0xa9: {  	[dreg:$0x1] =	wrdreg $0xFFFFFFFF  }
0xaa: {  	[dreg:$0x0] =	wrdreg $0x60  }
0xab: {  	[dreg:$0x2] =	wrdreg s22  }
0xac: {  	[dreg:$0x3] =	wrdreg $0x9  }
0xad: {  	_ =	task.clear_ibuf [dreg:s4], $0x4FFFF;
	_ =	strace $0x9000005E  }
0xae: {  	s26 =	simm.s32 $0x9;
	_ =	strace $0x80000060  }
0xaf: {  	_ =	swait.ge [sflag:s26], $0x1  }
0xb0: {  	[sflag:s26] =	ssyncadd.s32 $0xFFFFFFFF  }
0xb1: {  	_ =	strace $0x90000060  }
0xb2: {  	_ =	sfence  }
0xb3: {  	s28 =	sld [smem:$0x0];
	_ =	sdelay $0x1  }
0xb4: {  	s29 =	srdreg.scid  }
0xb5: {  	s30 =	sshll.u32 s29, $0xD;
	s31 =	sshrl.u32 s29, $0x2  }
0xb6: {  	s1 =	sand.u32 $0x1, s29;
	s2 =	sand.u32 $0x4000, s30;
	s0 =	sadd.s32 s31, s28  }
0xb7: {  	s1 =	sor.u32 s2, s1;
	s0 =	sshll.u32 s0, $0x11  }
0xb8: {  	s0 =	sor.u32 s0, s1  }
0xb9: {  	s0 =	sadd.s32 $0x8F2B, s0  }
0xba: {  	[sflag:s0] =	ssyncadd.remote.s32 $0x1  }
0xbb: {  	_ =	sfence.sel $0xFFFF  }
0xbc: {  	[dreg:$0x0] =	wrdreg $0xFFFFFFFF;
	(pc) =	sbr.abs _section_cstart, $3  }
0xbd: {  	[dreg:$0x1] =	wrdreg $0xFFFFFFFF  }
0xbe: {  	_ =	task.clear_ibuf [dreg:s4], $0x2FFFF;
	_ =	strace $0x9FFFFFFF  }
0xbf: {  	(tm) =	ssettm $0x7FFFFFFF  }
tec
execute0_lowered:
.L_overlay_start_1:
0x0: {  	(tag) =	ssettag $0x1  }
0x1: {  	s0 =	rddreg [dreg:$0x0];
	_ =	strace $0x8000005F;
	s1 =	simm.s32 $0x1  }
0x2: {  	s8 =	simm.s32 $0x88;
	v0 =	vimm.s32 $0x0;
	[sflag:s1] =	ssyncpa.u1 $0x0  }
0x3: {  	[tilespmem:s8+$0x30] =	vst v0  }
0x4: {  	s1 =	sadd.s32 $0x578C00, s0;
	s3 =	sadd.s32 $0x2A00, s0;
	[tilespmem:s8+$0x20] =	vst v0  }
0x5: {  	s4 =	sadd.s32 $0x5B600, s0;
	s5 =	sadd.s32 $0xCC00, s0;
	s0 =	simm.s32 $0x40;
	[tilespmem:s8+$0x10] =	vst v0  }
.LBB2_1:
0x6: {  	s0 =	sadd.s32 $0x40, s0  }
0x7: {  	[tilespmem:s8+$0x0] =	vst v0;
	s8 =	sadd.s32 $0x40, s8;
	p0 =	slt.u32 s0, $0x5040  }
.Ltmp0:
0x8: {  	(pc) =	sbr.rel @p0 .LBB2_1-.Ltmp0, $4  }
0x9: {  	_ = 	snop  }
0xa: {  	[tilespmem:s8+$0x30] =	vst v0  }
0xb: {  	[tilespmem:s8+$0x20] =	vst v0  }
0xc: {  	[tilespmem:s8+$0x10] =	vst v0  }
0xd: {  	s9 =	stileid.u32  }
0xe: {  	s0 =	smin.u32 s9, $0x8;
	s2 =	sshll.u32 s9, $0x6  }
0xf: {  	s0 =	sor.u32 s0, s2  }
0x10: {  	p0 =	slt.u32 s9, $0x8;
	s6 =	smul.u32 $0x140, s0;
	s0 =	simm.s32 $0x5140  }
0x11: {  	s0 =	simm.s32 @!p0 $0x5000  }
0x12: {  	s0 =	sadd.s32 s0, s6  }
0x13: {  	s7 =	smin.u32 s0, $0x50910  }
0x14: {  	s0 =	ssub.s32 s7, s6  }
0x15: {  	p0 =	sgt.s32 s0, $0x0  }
0x16: {  	s0 =	simm.s32 @!p0 $0x0  }
0x17: {  	s29 =	simm.s32 $0x2;
	s10 =	simm.s32 $0x7;
	s28 =	smulhi.u32 $0x66666667, s0  }
0x18: {  	s31 =	simm.s32 $0x8;
	s11 =	simm.s32 $0x1;
	s15 =	simm.s32 $0x0  }
0x19: {  	p1 =	por $0x0, $0x0;
	s16 =	simm.s32 $0xA;
	s2 =	sshrl.u32 s28, $0x7  }
0x1a: {  	s20 =	simm.s32 $0x0;
	s17 =	simm.s32 $0x0;
	s30 =	smul.u32 $0x140, s2  }
.Ltmp1:
0x1b: {  	[tilespmem:s8+$0x0] =	vst v0;
	v0 =	vimm.s32 $0xFFFFFFFF;
	s19 =	simm.s32 $0x0;
	[sflag:s29] =	ssyncpa.u1 $0x0;
	(pc) =	sbr.rel .LBB2_3-.Ltmp1, $4  }
0x1c: {  	[tilespmem:$0xA108] =	vst v0;
	[sflag:s10] =	ssyncpa.u1 $0x0;
	p0 =	sne.s32 s0, s30;
	s0 =	simm.s32 $0x1  }
0x1d: {  	s10 =	simm.s32 $0x9;
	[sflag:s31] =	ssyncpa.u1 $0x0;
	s0 =	simm.s32 @!p0 $0x0  }
0x1e: {  	s13 =	sshll.u32 s9, $0x7;
	[sflag:s10] =	ssyncpa.u1 $0x0;
	s12 =	sadd.s32 s0, s2  }
0x1f: {  	v0 =	vlaneseq.u32;
	s18 =	smov.u32 s6;
	p0 =	por $0x1, $0x1;
	s14 =	sadd.s32 $0x1, s12  }
.LBB2_24:
0x20: {  	s0 =	sshrl.u32 s29, $0x2  }
.LBB2_26:
0x21: {  	_ =	swait.ge [sflag:s16], s0  }
0x22: {  	s31 =	ssub.s32 $0x0, s0;
	v1 =	vmov s22;
	vm0 =	veq.s32 v0, $0x0;
	[sflag:s16] =	ssyncset.done $0x0  }
0x23: {  	vm15 =	veq.s32 v0, $0x2;
	v1 =	vsel vm0, s28, v1;
	[sflag:s16] =	ssyncadd.s32 s31  }
0x24: {  	v1 =	vsel vm15, s20, v1;
	[sflag:s16] =	ssyncpa.u1 $0x1  }
0x25: {  	[tilespmem:$0xA108] =	vst v1  }
.LBB2_27:
0x26: {  	s0 =	sadd.s32 $0x140, s18  }
0x27: {  	s2 =	smov.u32 s6;
	p2 =	slt.s32 s0, s7  }
0x28: {  	s2 =	smov.u32 @p2 s0;
	p2 =	sne.s32 s19, s14  }
.Ltmp2:
0x29: {  	_ = 	snop;
	(pc) =	sbr.rel @!p2 .LBB2_28-.Ltmp2, $4  }
0x2a: {  	_ = 	snop  }
0x2b: {  	s20 =	smov.u32 s17  }
0x2c: {  	s31 =	sadd.s32 $0x1, s19;
	s17 =	smov.u32 s18;
	p0 =	por !p0, !p0  }
0x2d: {  	p1 =	por !p1, !p1;
	s19 =	smov.u32 s31;
	s18 =	smov.u32 s2  }
.LBB2_3:
0x2e: {  	p2 =	sge.u32 s19, s12  }
0x2f: {  	s0 =	smulhi.u32 @!p2 $0xAAAAAAAB, s19  }
0x30: {  	s2 =	smov.u32 s18;
	p3 =	sgt.s32 @!p2 s18, $0x507D0  }
0x31: {  	s8 =	sshra.s32 @!p2 s18, $0x1F;
	p3 =	por !p3, p2;
	s0 =	sshrl.u32 @!p2 s0, $0x1  }
0x32: {  	s8 =	sand.u32 @!p2 s8, s18;
	s2 =	simm.s32 @p3 $0x507D0;
	s0 =	smul.u32 @!p2 $0x3, s0  }
0x33: {  	s2 =	ssub.s32 @!p2 s2, s8  }
0x34: {  	s22 =	sadd.s32 $0xFFFFFFFF, s19;
	s2 =	sadd.s32 @!p2 $0xFFFAF830, s2;
	s0 =	ssub.s32 @!p2 s19, s0  }
0x35: {  	s8 =	sshll.u32 @!p2 s2, $0x2;
	p3 =	sgt.s32 @!p2 s2, $0x13F;
	s0 =	smul.u32 @!p2 $0x500, s0  }
0x36: {  	s21 =	sand.u32 @!p2 $0x7, s18;
	s2 =	ssub.s32 @!p2 $0x500, s8;
	p3 =	por !p3, p2  }
0x37: {  	s8 =	sshrl.u32 @!p2 s18, $0x3;
	s2 =	sshrl.u32 @!p2 s2, $0x2;
	s0 =	sshrl.u32 @!p2 s0, $0x2  }
0x38: {  	s8 =	sadd.s32 @!p2 s5, s8;
	s2 =	simm.s32 @!p3 $0x0;
	s0 =	sadd.s32 @!p2 $0xA938, s0  }
0x39: {  	[tilespmem:s0], [sflag:$0x8] =	stream.linear.gather @!p2 [hbm4b:s8+s21], s2, $0x38;
	[tilespmem:$0x1EF78] =	vst v63  }
0x3a: {  	p2 =	sge.u32 s22, s12  }
0x3b: {  	p3 =	sgt.s32 @!p2 s17, $0x507D0  }
0x3c: {  	s0 =	smov.u32 s17;
	s2 =	sshra.s32 @!p2 s17, $0x1F;
	p3 =	por !p3, p2  }
0x3d: {  	s2 =	sand.u32 @!p2 s2, s17;
	s0 =	simm.s32 @p3 $0x507D0  }
0x3e: {  	s0 =	ssub.s32 @!p2 s0, s2  }
0x3f: {  	s0 =	sadd.s32 @!p2 $0xFFFAF830, s0  }
0x40: {  	s2 =	sshll.u32 @!p2 s0, $0x2  }
0x41: {  	p3 =	sgt.s32 @!p2 s0, $0x13F;
	s0 =	ssub.s32 @!p2 $0x500, s2  }
0x42: {  	p3 =	por !p3, p2;
	s0 =	sshrl.u32 @!p2 s0, $0x2  }
0x43: {  	s8 =	simm.s32 @!p2 $0x8;
	s2 =	sand.u32 @!p2 $0x1, s22;
	s0 =	simm.s32 @!p3 $0x0  }
0x44: {  	s2 =	smul.u32 @!p2 $0x500, s2;
	_ =	swait.ge @!p2 [sflag:s8], s0  }
0x45: {  	s21 =	ssub.s32 @!p2 $0x0, s0;
	[sflag:s8] =	ssyncset.done @!p2 $0x0  }
0x46: {  	s2 =	sshrl.u32 @!p2 s2, $0x2;
	[sflag:s8] =	ssyncadd.s32 @!p2 s21;
	s8 =	sshrl.u32 @!p2 s17, $0x3  }
0x47: {  	s2 =	sadd.s32 @!p2 $0xACF8, s2;
	s21 =	sand.u32 @!p2 $0x7, s17;
	s8 =	sadd.s32 @!p2 s3, s8  }
0x48: {  	[tilespmem:s2], [sflag:$0x9] =	stream.linear.gather @!p2 [hbm4b:s8+s21], s0, $0x38;
	[tilespmem:$0x1EF78] =	vst v63  }
0x49: {  	s21 =	ssub.s32 @!p2 $0x50910, s17  }
0x4a: {  	p3 =	slt.s32 @!p2 s21, $0x1  }
0x4b: {  	p3 =	por p2, p3  }
.Ltmp3:
0x4c: {  	_ = 	snop;
	(pc) =	sbr.rel @p3 .LBB2_9-.Ltmp3, $1  }
0x4d: {  	_ =	sdelay $0x3  }
0x4e: {  	s0 =	smulhi.u32 $0xAAAAAAAB, s22;
	_ =	sdelay $0x1  }
0x4f: {  	s0 =	sshrl.u32 s0, $0x1  }
0x50: {  	s0 =	smul.u32 $0x3, s0;
	_ =	sdelay $0x1  }
0x51: {  	s0 =	ssub.s32 s22, s0  }
0x52: {  	s2 =	simm.s32 $0x1;
	s0 =	smul.u32 $0x500, s0  }
.Ltmp4:
0x53: {  	s2 =	simm.s32 @!p0 $0x0;
	(pc) =	sbr.rel .LBB2_6-.Ltmp4, $4  }
0x54: {  	s2 =	smul.u32 $0x28000, s2  }
0x55: {  	p3 =	slt.s32 @!p2 s21, $0x140;
	s0 =	sshrl.u32 s0, $0x2  }
0x56: {  	p2 =	por !p3, p2;
	s2 =	sshrl.u32 s2, $0x2;
	s0 =	sadd.s32 $0xA938, s0  }
0x57: {  	s23 =	simm.s32 $0x0;
	s21 =	simm.s32 @p2 $0x140;
	s22 =	sadd.s32 $0xAF78, s2;
	v1 =	vmov s0  }
.LBB2_5:
0x58: {  	p2 =	sge.s32 s23, s21  }
.Ltmp5:
0x59: {  	_ = 	snop;
	(pc) =	sbr.rel @p2 .LBB2_9-.Ltmp5, $2  }
0x5a: {  	_ =	sdelay $0x2  }
0x5b: {  	s22 =	sadd.s32 $0x800, s22  }
.LBB2_6:
0x5c: {  	p2 =	sle.s32 s21, s23  }
.Ltmp6:
0x5d: {  	_ = 	snop;
	(pc) =	sbr.rel @p2 .LBB2_5-.Ltmp6, $2  }
0x5e: {  	_ =	sdelay $0x2  }
0x5f: {  	s24 =	smov.u32 s23;
	s23 =	sadd.s32 $0x10, s23  }
0x60: {  	s0 =	ssub.s32 s21, s24  }
0x61: {  	p2 =	slt.s32 s0, $0x10  }
0x62: {  	s0 =	simm.s32 @!p2 $0x10  }
0x63: {  	v2 =	vmov s0  }
0x64: {  	vm0 =	vgt.s32 v2, v0;
	_ =	sdelay $0x5  }
0x65: {  	v2 =	vld.idx.msk [tilespmem:v1+s24+$0x0 ss:$0x1], vm0;
	_ =	sdelay $0x2  }
0x66: {  	p2 =	slt.s32 s23, s21;
	s0 =	smov.u32 s21  }
0x67: {  	s2 =	smov.u32 s22;
	s25 =	simm.s32 $0x0;
	s0 =	smov.u32 @p2 s23  }
.LBB2_8:
0x68: {  	(v2sf) =	vpush v2, s25;
	_ =	sdelay $0xc  }
0x69: {  	s25 =	sadd.s32 $0x1, s25  }
0x6a: {  	s31 =	sadd.s32 s25, s24  }
0x6b: {  	p2 =	slt.s32 s31, s0;
	s8 =	spop (v2sf)  }
.Ltmp7:
0x6c: {  	s8 =	sshll.u32 s8, $0x4;
	(pc) =	sbr.rel @p2 .LBB2_8-.Ltmp7, $4  }
0x6d: {  	s8 =	sand.u32 $0x1FFFFFF0, s8  }
0x6e: {  	s8 =	sadd.s32 s4, s8  }
0x6f: {  	[tilespmem:s2], [sflag:$0x7] =	stream.linear.gather [hbm4b:s8+s15], $0x40, $0x38;
	[tilespmem:$0x1EF78] =	vst v63  }
0x70: {  	s2 =	sadd.s32 $0x80, s2  }
.Ltmp8:
0x71: {  	_ = 	snop;
	(pc) =	sbr.rel .LBB2_5-.Ltmp8, $1  }
0x72: {  	_ =	sdelay $0x3  }
.LBB2_9:
0x73: {  	p2 =	slt.u32 s19, $0x2  }
.Ltmp9:
0x74: {  	_ = 	snop;
	(pc) =	sbr.rel @p2 .LBB2_27-.Ltmp9, $1  }
0x75: {  	_ =	sdelay $0x3  }
0x76: {  	p2 =	sgt.s32 s20, $0x507D0;
	s0 =	smov.u32 s20  }
0x77: {  	s2 =	sshra.s32 s20, $0x1F;
	s8 =	ssub.s32 $0x50910, s20;
	s0 =	simm.s32 @!p2 $0x507D0  }
0x78: {  	s2 =	sand.u32 s2, s20;
	p2 =	slt.s32 s8, $0x140;
	s21 =	smov.u32 s8  }
0x79: {  	s0 =	ssub.s32 s0, s2;
	s21 =	simm.s32 @!p2 $0x140  }
0x7a: {  	s0 =	sadd.s32 $0xFFFAF830, s0;
	s26 =	sshll.u32 s21, $0x6  }
0x7b: {  	s9 =	simm.s32 $0x7;
	s29 =	sshll.u32 s0, $0x2;
	s2 =	sand.u32 $0x3FFFFFC0, s26  }
0x7c: {  	p2 =	sgt.s32 s0, $0x13F;
	s30 =	ssub.s32 $0x500, s29;
	_ =	swait.ge [sflag:s9], s2  }
0x7d: {  	s2 =	ssub.s32 $0x0, s2;
	[sflag:s9] =	ssyncset.done $0x0;
	s0 =	sshrl.u32 s30, $0x2  }
0x7e: {  	[sflag:s9] =	ssyncadd.s32 s2;
	s0 =	simm.s32 @p2 $0x0  }
0x7f: {  	_ =	swait.ge [sflag:s10], s0  }
0x80: {  	s0 =	ssub.s32 $0x0, s0;
	[sflag:s10] =	ssyncset.done $0x0  }
0x81: {  	[sflag:s10] =	ssyncadd.s32 s0  }
0x82: {  	v1 =	vld [tilespmem:$0xA108];
	_ =	sdelay $0x4  }
0x83: {  	(v2sf) =	vpush v1, $0x0  }
0x84: {  	(v2sf) =	vpush v1, $0x1  }
0x85: {  	(v2sf) =	vpush v1, $0x2;
	_ =	sdelay $0x3  }
0x86: {  	s0 =	sadd.s32 $0x140, s20  }
0x87: {  	p2 =	slt.s32 s7, s0  }
0x88: {  	s0 =	smov.u32 @p2 s7;
	p2 =	sgt.s32 s8, $0x0  }
0x89: {  	s24 =	ssub.s32 s0, s20;
	s8 =	simm.s32 @!p2 $0x0  }
0x8a: {  	p2 =	slt.s32 s8, s24  }
0x8b: {  	s24 =	smov.u32 @p2 s8  }
0x8c: {  	s23 =	simm.s32 $0x1;
	p2 =	slt.s32 s24, $0x1  }
.Ltmp10:
0x8d: {  	s23 =	simm.s32 @!p1 $0x0;
	(pc) =	sbr.rel @p2 .LBB2_14-.Ltmp10, $4  }
0x8e: {  	s31 =	smul.u32 $0x500, s23  }
0x8f: {  	s25 =	spop (v2sf)  }
0x90: {  	s0 =	sshrl.u32 s31, $0x2;
	s28 =	spop (v2sf)  }
0x91: {  	s21 =	sadd.s32 $0xACF8, s0;
	s20 =	spop (v2sf)  }
0x92: {  	s0 =	smin.u32 s24, $0x10  }
0x93: {  	v1 =	vmov s0  }
0x94: {  	p3 =	sgt.s32 s24, $0x10;
	vm1 =	vgt.u32 v1, v0  }
.Ltmp11:
0x95: {  	_ = 	snop;
	(pc) =	sbr.rel @!p3 .LBB2_13-.Ltmp11, $2  }
0x96: {  	_ =	sdelay $0x2  }
0x97: {  	s26 =	simm.s32 $0x10;
	s29 =	sadd.s32 $0xFFFFFFF0, s24;
	s22 =	smov.u32 s21;
	vm0 =	vmmov vm1  }
.LBB2_12:
0x98: {  	s0 =	smin.u32 s29, $0x10;
	s26 =	sadd.s32 $0x10, s26;
	v1 =	vld.msk [tilespmem:s22+$0x0 ss:$0x1], vm1  }
0x99: {  	v2 =	vmov s0;
	p3 =	slt.s32 s26, s24  }
0x9a: {  	vm1 =	vgt.u32 v2, v0  }
.Ltmp12:
0x9b: {  	(pc) =	sbr.rel @p3 .LBB2_12-.Ltmp12, $3  }
0x9c: {  	_ =	sdelay $0x1  }
0x9d: {  	v1 =	vshll.u32 v1, $0x4  }
0x9e: {  	s29 =	sadd.s32 $0xFFFFFFF0, s29;
	[tilespmem:s22+$0x0] =	vst.msk vm0, v1;
	s22 =	sadd.s32 $0x10, s22;
	vm0 =	vmmov vm1  }
.LBB2_13:
0x9f: {  	_ =	sdelay $0x4  }
0xa0: {  	v1 =	vld.msk [tilespmem:s22+$0x0 ss:$0x1], vm1;
	_ =	sdelay $0x4  }
0xa1: {  	v1 =	vshll.u32 v1, $0x4  }
0xa2: {  	[tilespmem:s22+$0x0] =	vst.msk vm0, v1  }
.LBB2_14:
0xa3: {  	s0 =	sand.u32 $0x1, s19  }
0xa4: {  	s0 =	smul.u32 $0x140, s0  }
0xa5: {  	p3 =	sne.s32 s28, $0xFFFFFFFF  }
0xa6: {  	v1 =	vld.msk @!p3 [tilespmem:s0+$0xACF8], $0x1;
	_ =	sdelay $0x4  }
0xa7: {  	(v2sf) =	vpush @!p3 v1, $0x0;
	_ =	sdelay $0xc  }
.Ltmp13:
0xa8: {  	_ = 	snop;
	(pc) =	sbr.rel @p2 .LBB2_25-.Ltmp13, $4  }
0xa9: {  	_ = 	snop  }
0xaa: {  	s26 =	spop @!p3 (v2sf)  }
0xab: {  	s20 =	simm.s32 @!p3 $0x0;
	s22 =	smov.u32 s26  }
0xac: {  	[sflag:s16] =	ssyncpa.u1 $0x0;
	s26 =	smov.u32 @p3 s25;
	s22 =	smov.u32 @p3 s28  }
0xad: {  	v1 =	vld.msk [tilespmem:s21+$0x0], $0x1;
	_ =	sdelay $0x4  }
0xae: {  	(v2sf) =	vpush v1, $0x0;
	_ =	sdelay $0xe  }
0xaf: {  	s0 =	smul.u32 $0x28000, s23;
	s30 =	spop (v2sf)  }
0xb0: {  	s24 =	ssub.s32 $0x0, s24;
	p2 =	seq.s32 s26, s30  }
0xb1: {  	s28 =	sadd.s32 $0x1, s24;
	s0 =	sshrl.u32 s0, $0x2;
	p3 =	sgt.s32 @!p2 s26, $0x0  }
0xb2: {  	s23 =	sadd.s32 $0xAF98, s0;
	s0 =	smov.u32 s26;
	p3 =	por !p3, p2  }
0xb3: {  	s0 =	simm.s32 @p3 $0x0;
	p3 =	seq.s32 s28, $0x0  }
.Ltmp14:
0xb4: {  	_ = 	snop;
	(pc) =	sbr.rel @p3 .LBB2_17-.Ltmp14, $4  }
0xb5: {  	_ = 	snop  }
0xb6: {  	s25 =	simm.s32 $0x0;
	s31 =	simm.s32 @!p2 $0x1;
	s2 =	smin.u32 @!p2 s0, $0x270F8  }
0xb7: {  	s29 =	sadd.s32 $0x1, s21;
	s31 =	smov.u32 @p2 s25;
	s8 =	sand.u32 @!p2 $0x3FFF8, s2  }
0xb8: {  	s0 =	simm.s32 @!p2 $0x50C8;
	s2 =	sand.u32 @!p2 $0x7, s2;
	s8 =	sadd.s32 @!p2 s1, s8  }
.LBB2_16:
0xb9: {  	s9 =	smov.u32 s31  }
0xba: {  	[tilespmem:s0], [sflag:$0x2] =	stream.linear.gather @!p2 [hbm4b:s8+s2], $0x40, $0x38;
	[tilespmem:$0x1EF78] =	vst v63  }
0xbb: {  	s28 =	sadd.s32 $0x1, s28;
	s2 =	smov.u32 s30;
	v1 =	vld.msk [tilespmem:s29+$0x0], $0x1  }
0xbc: {  	p3 =	seq.s32 s28, $0x0;
	_ =	sdelay $0x3  }
0xbd: {  	(v2sf) =	vpush v1, $0x0;
	_ =	sdelay $0xe  }
0xbe: {  	s30 =	spop (v2sf)  }
0xbf: {  	p2 =	seq.s32 s2, s30  }
0xc0: {  	p4 =	sgt.s32 @!p2 s2, $0x0;
	s0 =	sshll.u32 @!p2 s31, $0x8;
	s31 =	sadd.s32 @!p2 $0x1, s31  }
.Ltmp15:
0xc1: {  	p4 =	por !p4, p2;
	s0 =	sshra.s32 @!p2 s0, $0x2;
	(pc) =	sbr.rel @!p3 .LBB2_16-.Ltmp15, $4  }
0xc2: {  	s31 =	smov.u32 @p2 s9;
	s2 =	simm.s32 @p4 $0x0;
	s0 =	sadd.s32 @!p2 $0x50C8, s0  }
0xc3: {  	s2 =	smin.u32 @!p2 s2, $0x270F8  }
0xc4: {  	s8 =	sand.u32 @!p2 $0x3FFF8, s2;
	s2 =	sand.u32 @!p2 $0x7, s2  }
0xc5: {  	s29 =	sadd.s32 $0x1, s29;
	s8 =	sadd.s32 @!p2 s1, s8  }
.LBB2_17:
0xc6: {  	[tilespmem:s0], [sflag:$0x2] =	stream.linear.gather @!p2 [hbm4b:s8+s2], $0x40, $0x38;
	[tilespmem:$0x1EF78] =	vst v63  }
.Ltmp16:
0xc7: {  	s30 =	sshll.u32 s31, $0x6;
	(pc) =	sbr.rel .LBB2_18-.Ltmp16, $4  }
0xc8: {  	s31 =	simm.s32 $0x2;
	s0 =	sand.u32 $0x3FFFFFC0, s30  }
0xc9: {  	_ =	swait.ge [sflag:s31], s0  }
0xca: {  	s0 =	ssub.s32 $0x0, s0;
	[sflag:s31] =	ssyncset.done $0x0  }
0xcb: {  	s29 =	simm.s32 $0x0;
	[sflag:s31] =	ssyncadd.s32 s0  }
.LBB2_19:
0xcc: {  	v1 =	vld [tilespmem:s23+$0xFFFFFFE0];
	_ =	sdelay $0x4  }
0xcd: {  	[tilespmem:s30+$0x88] =	vst.add.f32.msk $0xffff, v1  }
0xce: {  	v1 =	vld [tilespmem:s23+$0xFFFFFFF0];
	_ =	sdelay $0x4  }
0xcf: {  	[tilespmem:s30+$0x98] =	vst.add.f32.msk $0xffff, v1  }
0xd0: {  	v1 =	vld [tilespmem:s23+$0x0];
	_ =	sdelay $0x4  }
0xd1: {  	[tilespmem:s30+$0xA8] =	vst.add.f32.msk $0xffff, v1  }
0xd2: {  	v1 =	vld [tilespmem:s23+$0x10];
	_ =	sdelay $0x4  }
0xd3: {  	[tilespmem:s30+$0xB8] =	vst.add.f32.msk $0xffff, v1  }
.LBB2_23:
0xd4: {  	s24 =	sadd.s32 $0x1, s24  }
0xd5: {  	p2 =	seq.s32 s24, $0x0  }
.Ltmp17:
0xd6: {  	_ = 	snop;
	(pc) =	sbr.rel @p2 .LBB2_24-.Ltmp17, $2  }
0xd7: {  	_ =	sdelay $0x2  }
0xd8: {  	s23 =	sadd.s32 $0x80, s23;
	s21 =	sadd.s32 $0x1, s21;
	s26 =	smov.u32 s28  }
.LBB2_18:
0xd9: {  	v1 =	vld.msk [tilespmem:s21+$0x0], $0x1;
	_ =	sdelay $0x4  }
0xda: {  	(v2sf) =	vpush v1, $0x0;
	_ =	sdelay $0xe  }
0xdb: {  	s28 =	spop (v2sf)  }
0xdc: {  	p2 =	sne.s32 s26, s28  }
.Ltmp18:
0xdd: {  	_ = 	snop;
	(pc) =	sbr.rel @!p2 .LBB2_19-.Ltmp18, $3  }
0xde: {  	_ =	sdelay $0x1  }
0xdf: {  	s0 =	sshll.u32 s20, $0x8  }
0xe0: {  	s30 =	sshra.s32 s0, $0x2  }
0xe1: {  	p2 =	seq.s32 s26, s22  }
.Ltmp19:
0xe2: {  	_ = 	snop;
	(pc) =	sbr.rel @!p2 .LBB2_21-.Ltmp19, $1  }
0xe3: {  	_ =	sdelay $0x3  }
.Ltmp20:
0xe4: {  	s0 =	sadd.s32 $0x88, s30;
	(pc) =	sbr.rel .LBB2_22-.Ltmp20, $4  }
0xe5: {  	[spmem:s13] =	stream.linear.scatter [tilespmem:s0], [sflag:$0x1], $0x40, $0x38;
	[tilespmem:$0x1EF78] =	vst v63  }
0xe6: {  	_ =	swait.ge [sflag:s11], $0x40  }
0xe7: {  	[sflag:s11] =	ssyncset.done $0x0  }
0xe8: {  	[sflag:s11] =	ssyncadd.s32 $0xFFFFFFC0  }
.LBB2_21:
0xe9: {  	s0 =	sshll.u32 s25, $0x8  }
0xea: {  	s0 =	sshra.s32 s0, $0x2  }
0xeb: {  	v1 =	vld [tilespmem:s0+$0x50C8];
	_ =	sdelay $0x4  }
0xec: {  	[tilespmem:s30+$0x88] =	vst.add.f32.msk $0xffff, v1  }
0xed: {  	v1 =	vld [tilespmem:s0+$0x50D8];
	_ =	sdelay $0x4  }
0xee: {  	[tilespmem:s30+$0x98] =	vst.add.f32.msk $0xffff, v1  }
0xef: {  	v1 =	vld [tilespmem:s0+$0x50E8];
	_ =	sdelay $0x4  }
0xf0: {  	[tilespmem:s30+$0xA8] =	vst.add.f32.msk $0xffff, v1  }
0xf1: {  	v1 =	vld [tilespmem:s0+$0x50F8];
	_ =	sdelay $0x2  }
0xf2: {  	p2 =	sgt.u32 s26, $0x270F8  }
0xf3: {  	s0 =	sand.u32 @!p2 $0x3FFF8, s26  }
0xf4: {  	s2 =	sadd.s32 $0x88, s30;
	s8 =	sand.u32 @!p2 $0x7, s26;
	s0 =	sadd.s32 @!p2 s1, s0;
	[tilespmem:s30+$0xB8] =	vst.add.f32.msk $0xffff, v1  }
0xf5: {  	[hbm4b:s0+s8] =	stream.linear.scatter @!p2 [tilespmem:s2], [sflag:$0xA], $0x40, $0x38;
	[tilespmem:$0x1EF78] =	vst v63  }
0xf6: {  	s0 =	simm.s32 $0x0  }
0xf7: {  	s0 =	simm.s32 @!p2 $0x100  }
0xf8: {  	s29 =	sadd.s32 s0, s29  }
.LBB2_22:
0xf9: {  	s0 =	sadd.s32 $0x1, s20  }
0xfa: {  	s2 =	smulhi.u32 $0xCCCCCCCD, s0;
	_ =	sdelay $0x1  }
0xfb: {  	v1 =	vld [tilespmem:s23+$0xFFFFFFE0];
	s2 =	sshrl.u32 s2, $0x8  }
0xfc: {  	s2 =	smul.u32 $0x140, s2;
	_ =	sdelay $0x1  }
0xfd: {  	s20 =	ssub.s32 s0, s2  }
0xfe: {  	s0 =	sshll.u32 s20, $0x6  }
0xff: {  	[tilespmem:s0+$0x88] =	vst v1  }
0x100: {  	v1 =	vld [tilespmem:s23+$0xFFFFFFF0];
	_ =	sdelay $0x4  }
0x101: {  	[tilespmem:s0+$0x98] =	vst v1  }
0x102: {  	v1 =	vld [tilespmem:s23+$0x0];
	_ =	sdelay $0x4  }
0x103: {  	[tilespmem:s0+$0xA8] =	vst v1  }
0x104: {  	v1 =	vld [tilespmem:s23+$0x10]  }
.Ltmp21:
0x105: {  	_ = 	snop;
	(pc) =	sbr.rel .LBB2_23-.Ltmp21, $2  }
0x106: {  	_ =	sdelay $0x2  }
0x107: {  	s25 =	sadd.s32 $0x1, s25;
	[tilespmem:s0+$0xB8] =	vst v1  }
.LBB2_25:
.Ltmp22:
0x108: {  	(pc) =	sbr.rel .LBB2_26-.Ltmp22, $4  }
0x109: {  	_ = 	snop  }
0x10a: {  	s0 =	simm.s32 $0x2  }
0x10b: {  	_ =	swait.ge [sflag:s0], $0x0  }
0x10c: {  	s28 =	smov.u32 s26;
	[sflag:s0] =	ssyncset.done $0x0;
	s0 =	simm.s32 $0x0  }
.LBB2_28:
0x10d: {  	_ =	sfence.sel $0x180000  }
0x10e: {  	s0 =	simm.s32 $0x7;
	[bflag:$0x0] =	sbarrier.arrive $0xFFFF  }
0x10f: {  	s25 =	simm.s32 $0x8;
	[sflag:s0] =	ssyncpa.u1 $0x1  }
0x110: {  	s26 =	simm.s32 $0x9;
	[sflag:s25] =	ssyncpa.u1 $0x1  }
0x111: {  	s28 =	simm.s32 $0x2;
	[sflag:s26] =	ssyncpa.u1 $0x1  }
0x112: {  	[sflag:s28] =	ssyncpa.u1 $0x1  }
0x113: {  	v0 =	vld [tilespmem:$0xA108];
	_ =	sdelay $0x4  }
0x114: {  	(v2sf) =	vpush v0, $0x0  }
0x115: {  	(v2sf) =	vpush v0, $0x1;
	_ =	sdelay $0x1  }
0x116: {  	(v2sf) =	vpush v0, $0x2;
	_ =	sdelay $0xb  }
0x117: {  	s0 =	spop (v2sf)  }
0x118: {  	s2 =	spop (v2sf)  }
0x119: {  	s3 =	smov.u32 s0;
	p0 =	sne.s32 s0, s2  }
0x11a: {  	s4 =	spop (v2sf);
	s3 =	simm.s32 @!p0 $0xFFFFFFFF  }
0x11b: {  	v2 =	vimm.s32 $0x1;
	v3 =	vlaneseq.u32;
	p0 =	seq.s32 s4, $0xFFFFFFFF;
	v1 =	vmov s3  }
0x11c: {  	s7 =	stileid.u32;
	v0 =	vperm.xlane v0, v2;
	p1 =	sne.s32 @!p0 s0, s2;
	v1 =	vperm.xlane v1, v3  }
0x11d: {  	vm0 =	vcmask $0x3F04;
	s6 =	simm.s32 $0xA108;
	s0 =	simm.s32 @!p0 $0x1;
	p1 =	por !p1, p0  }
0x11e: {  	s3 =	sshll.u32 s7, $0x1;
	s2 =	sshll.u32 @!p0 s4, $0x8;
	s0 =	simm.s32 @p1 $0x0;
	v0 =	vsel vm0, v1, v0  }
0x11f: {  	s5 =	sor.u32 $0x800, s3;
	s2 =	sshra.s32 @!p0 s2, $0x2;
	s0 =	sor.u32 @!p0 s0, s3;
	[tilespmem:$0xA108] =	vst v0  }
0x120: {  	[spmem:s5] =	stream.linear.scatter [tilespmem:s6], [sflag:$0x1], $0x2, $0x38;
	[tilespmem:$0x1EF78] =	vst v63  }
0x121: {  	s2 =	sadd.s32 @!p0 $0x88, s2;
	s0 =	sshll.u32 @!p0 s0, $0x6  }
0x122: {  	[spmem:s0] =	stream.linear.scatter @!p0 [tilespmem:s2], [sflag:$0x1], $0x40, $0x38;
	[tilespmem:$0x1EF78] =	vst v63  }
0x123: {  	s2 =	simm.s32 @!p0 $0x42  }
0x124: {  	s0 =	simm.s32 $0x1;
	s2 =	simm.s32 @p0 $0x2  }
0x125: {  	_ =	swait.ge [sflag:s0], s2  }
0x126: {  	s2 =	ssub.s32 $0x0, s2;
	[sflag:s0] =	ssyncset.done $0x0  }
0x127: {  	[sflag:s0] =	ssyncadd.s32 s2  }
0x128: {  	_ =	sfence.stream.spmem  }
0x129: {  	s29 =	simm.s32 $0x3;
	[bflag:$0x0] =	sbarrier.arrive $0xFFFF  }
0x12a: {  	s30 =	simm.s32 $0x4;
	[sflag:s29] =	ssyncpa.u1 $0x1  }
0x12b: {  	s31 =	simm.s32 $0x3C;
	[sflag:s30] =	ssyncpa.u1 $0x1  }
0x12c: {  	p0 =	sne.s32 s7, $0x0;
	[sflag:s31] =	ssyncpa.u1 $0x1  }
0x12d: {  	_ =	sfence @p0  }
0x12e: {  	[sflag:s0] =	ssyncpa.u1 @p0 $0x1  }
0x12f: {  	_ =	strace @p0 $0x9000005F  }
0x130: {  	[bflag:$0x2] =	sbarrier.arrive @p0 $0xFFFF  }
0x131: {  	_ =	shalt @p0  }
.LBB2_29:
0x132: {  	_ =	sfence.stream.spmem;
	s0 =	simm.s32 $0x5  }
0x133: {  	s2 =	simm.s32 $0x800;
	s3 =	simm.s32 $0xA118;
	[sflag:s0] =	ssyncpa.u1 $0x0  }
0x134: {  	[tilespmem:s3], [sflag:$0x5] =	stream.linear.gather [spmem:s2], $0x20, $0x38;
	[tilespmem:$0x1EF78] =	vst v63  }
0x135: {  	s30 =	simm.s32 $0xA138;
	s2 =	simm.s32 $0x0  }
0x136: {  	[tilespmem:s30], [sflag:$0x5] =	stream.linear.gather [spmem:s2], $0x800, $0x38;
	[tilespmem:$0x1EF78] =	vst v63  }
.Ltmp23:
0x137: {  	_ = 	snop;
	(pc) =	sbr.rel .LBB2_30-.Ltmp23, $4  }
0x138: {  	_ =	swait.ge [sflag:s0], $0x820  }
0x139: {  	[sflag:s0] =	ssyncset.done $0x0  }
0x13a: {  	s31 =	simm.s32 $0x6;
	[sflag:s0] =	ssyncadd.s32 $0xFFFFF7E0  }
0x13b: {  	s3 =	simm.s32 $0x0;
	[sflag:s31] =	ssyncpa.u1 $0x0  }
.LBB2_36:
0x13c: {  	p0 =	slt.u32 s4, $0x270F9  }
0x13d: {  	s0 =	sand.u32 @p0 $0x3FFF8, s4  }
0x13e: {  	s4 =	sand.u32 @p0 $0x7, s4;
	s5 =	simm.s32 @p0 $0xA0C8;
	s0 =	sadd.s32 @p0 s1, s0  }
0x13f: {  	[tilespmem:s5], [sflag:$0x6] =	stream.linear.gather @p0 [hbm4b:s0+s4], $0x40, $0x38;
	[tilespmem:$0x1EF78] =	vst v63  }
0x140: {  	s0 =	simm.s32 @p0 $0x6  }
0x141: {  	_ =	swait.ge @p0 [sflag:s0], $0x40  }
0x142: {  	[sflag:s0] =	ssyncset.done @p0 $0x0  }
0x143: {  	[sflag:s0] =	ssyncadd.s32 @p0 $0xFFFFFFC0  }
0x144: {  	v1 =	vld @p0 [tilespmem:$0xA0C8];
	_ =	sdelay $0x2  }
0x145: {  	s0 =	sshll.u32 @p0 s3, $0x8  }
0x146: {  	s4 =	sshrl.u32 @p0 s0, $0x2  }
0x147: {  	[tilespmem:s4+$0xA138] =	vst.add.f32.msk @p0 $0xffff, v1  }
0x148: {  	v1 =	vld @p0 [tilespmem:$0xA0D8];
	_ =	sdelay $0x4  }
0x149: {  	[tilespmem:s4+$0xA148] =	vst.add.f32.msk @p0 $0xffff, v1  }
0x14a: {  	v1 =	vld @p0 [tilespmem:$0xA0E8];
	_ =	sdelay $0x4  }
0x14b: {  	[tilespmem:s4+$0xA158] =	vst.add.f32.msk @p0 $0xffff, v1  }
0x14c: {  	v1 =	vld @p0 [tilespmem:$0xA0F8];
	_ =	sdelay $0x3  }
0x14d: {  	s5 =	sshll.u32 @!p0 s3, $0x8  }
0x14e: {  	s5 =	smov.u32 @p0 s0;
	[tilespmem:s4+$0xA168] =	vst.add.f32.msk @p0 $0xffff, v1  }
0x14f: {  	s0 =	sshrl.u32 s5, $0x2;
	[tilespmem:s2+$0xA118] =	vst.msk $0x1, v0  }
0x150: {  	v0 =	vld [tilespmem:s0+$0xA138];
	_ =	sdelay $0x2  }
0x151: {  	s31 =	sshll.u32 s2, $0x8  }
0x152: {  	s4 =	sshra.s32 s31, $0x2  }
0x153: {  	[tilespmem:s4+$0xA138] =	vst v0  }
0x154: {  	v0 =	vld [tilespmem:s0+$0xA148];
	_ =	sdelay $0x4  }
0x155: {  	[tilespmem:s4+$0xA148] =	vst v0  }
0x156: {  	v0 =	vld [tilespmem:s0+$0xA158];
	_ =	sdelay $0x4  }
0x157: {  	[tilespmem:s4+$0xA158] =	vst v0  }
0x158: {  	v0 =	vld [tilespmem:s0+$0xA168];
	_ =	sdelay $0x4  }
0x159: {  	s2 =	sadd.s32 $0x1, s2;
	[tilespmem:s4+$0xA168] =	vst v0  }
.LBB2_37:
0x15a: {  	s3 =	sadd.s32 $0x1, s3  }
0x15b: {  	p0 =	sne.s32 s3, $0x20  }
.Ltmp24:
0x15c: {  	_ = 	snop;
	(pc) =	sbr.rel @!p0 .LBB2_38-.Ltmp24, $1  }
0x15d: {  	_ =	sdelay $0x3  }
.LBB2_30:
0x15e: {  	v0 =	vld.msk [tilespmem:s3+$0xA118], $0x1;
	_ =	sdelay $0x4  }
0x15f: {  	(v2sf) =	vpush v0, $0x0;
	_ =	sdelay $0xe  }
0x160: {  	s4 =	spop (v2sf)  }
0x161: {  	p0 =	seq.s32 s4, $0xFFFFFFFF  }
.Ltmp25:
0x162: {  	_ = 	snop;
	(pc) =	sbr.rel @p0 .LBB2_37-.Ltmp25, $1  }
0x163: {  	_ =	sdelay $0x3  }
0x164: {  	p0 =	slt.s32 s2, $0x1  }
.Ltmp26:
0x165: {  	_ = 	snop;
	(pc) =	sbr.rel @p0 .LBB2_36-.Ltmp26, $1  }
0x166: {  	_ =	sdelay $0x3  }
0x167: {  	s5 =	simm.s32 $0xA118;
	p0 =	por $0x0, $0x0  }
0x168: {  	v1 =	vld.msk @!p0 [tilespmem:s5+$0x0], $0x1;
	_ =	sdelay $0x4  }
0x169: {  	(v2sf) =	vpush @!p0 v1, $0x0;
	_ =	sdelay $0xd  }
0x16a: {  	p2 =	sne.s32 s2, $0x1  }
.Ltmp27:
0x16b: {  	s0 =	spop @!p0 (v2sf);
	(pc) =	sbr.rel @!p2 .LBB2_34-.Ltmp27, $4  }
0x16c: {  	p1 =	seq.s32 @!p0 s4, s0  }
0x16d: {  	s6 =	simm.s32 $0x0;
	p1 =	por !p1, p0  }
0x16e: {  	s0 =	simm.s32 $0xFFFFFFFF;
	s6 =	simm.s32 @p1 $0xFFFFFFFF  }
0x16f: {  	s7 =	simm.s32 $0x1;
	s6 =	smov.u32 @p0 s0  }
.LBB2_33:
0x170: {  	s0 =	smov.u32 s6;
	p0 =	sne.s32 s6, $0xFFFFFFFF  }
0x171: {  	s5 =	sadd.s32 $0x1, s5;
	s6 =	smov.u32 s7;
	s7 =	sadd.s32 $0x1, s7  }
0x172: {  	p1 =	sne.s32 s2, s7;
	v1 =	vld.msk @!p0 [tilespmem:s5+$0x0], $0x1;
	_ =	sdelay $0x4  }
0x173: {  	(v2sf) =	vpush @!p0 v1, $0x0;
	_ =	sdelay $0xe  }
.Ltmp28:
0x174: {  	s8 =	spop @!p0 (v2sf);
	(pc) =	sbr.rel @p1 .LBB2_33-.Ltmp28, $4  }
0x175: {  	p2 =	seq.s32 @!p0 s4, s8  }
0x176: {  	p2 =	por !p2, p0  }
0x177: {  	s6 =	simm.s32 @p2 $0xFFFFFFFF  }
0x178: {  	s6 =	smov.u32 @p0 s0  }
.LBB2_34:
0x179: {  	p0 =	seq.s32 s6, $0xFFFFFFFF  }
.Ltmp29:
0x17a: {  	_ = 	snop;
	(pc) =	sbr.rel @p0 .LBB2_36-.Ltmp29, $1  }
0x17b: {  	_ =	sdelay $0x3  }
0x17c: {  	s0 =	sshll.u32 s3, $0x6  }
0x17d: {  	s0 =	sand.u32 $0x3FFFFFC0, s0  }
0x17e: {  	v0 =	vld [tilespmem:s0+$0xA138];
	_ =	sdelay $0x2  }
0x17f: {  	s4 =	sshll.u32 s6, $0x8  }
0x180: {  	s4 =	sshra.s32 s4, $0x2  }
0x181: {  	[tilespmem:s4+$0xA138] =	vst.add.f32.msk $0xffff, v0  }
0x182: {  	v0 =	vld [tilespmem:s0+$0xA148];
	_ =	sdelay $0x4  }
0x183: {  	[tilespmem:s4+$0xA148] =	vst.add.f32.msk $0xffff, v0  }
0x184: {  	v0 =	vld [tilespmem:s0+$0xA158];
	_ =	sdelay $0x4  }
0x185: {  	[tilespmem:s4+$0xA158] =	vst.add.f32.msk $0xffff, v0  }
0x186: {  	v0 =	vld [tilespmem:s0+$0xA168]  }
.Ltmp30:
0x187: {  	_ = 	snop;
	(pc) =	sbr.rel .LBB2_37-.Ltmp30, $2  }
0x188: {  	_ =	sdelay $0x2  }
0x189: {  	[tilespmem:s4+$0xA168] =	vst.add.f32.msk $0xffff, v0  }
.LBB2_38:
0x18a: {  	p0 =	slt.s32 s2, $0x1  }
.Ltmp31:
0x18b: {  	_ = 	snop;
	(pc) =	sbr.rel @p0 .LBB2_42-.Ltmp31, $3  }
0x18c: {  	_ =	sdelay $0x1  }
0x18d: {  	s0 =	simm.s32 $0x6  }
0x18e: {  	s3 =	simm.s32 $0x0;
	[sflag:s0] =	ssyncpa.u1 $0x1  }
0x18f: {  	s0 =	simm.s32 $0xA118  }
0x190: {  	v0 =	vld.msk [tilespmem:s0+$0x0], $0x1;
	_ =	sdelay $0x4  }
0x191: {  	(v2sf) =	vpush v0, $0x0;
	_ =	sdelay $0xe  }
0x192: {  	s2 =	sadd.s32 $0xFFFFFFFF, s2;
	s0 =	spop (v2sf)  }
0x193: {  	p1 =	sne.s32 s2, $0x0;
	p0 =	sgt.u32 s0, $0x270F8  }
.Ltmp32:
0x194: {  	s5 =	sand.u32 @!p0 $0x3FFF8, s0;
	(pc) =	sbr.rel @!p1 .LBB2_41-.Ltmp32, $4  }
0x195: {  	s4 =	simm.s32 $0xA138;
	s0 =	sand.u32 @!p0 $0x7, s0;
	s5 =	sadd.s32 @!p0 s1, s5  }
0x196: {  	[hbm4b:s5+s0] =	stream.linear.scatter @!p0 [tilespmem:s4], [sflag:$0x5], $0x40, $0x38;
	[tilespmem:$0x1EF78] =	vst v63  }
0x197: {  	s0 =	simm.s32 $0x0  }
0x198: {  	s5 =	simm.s32 $0xA119;
	s0 =	simm.s32 @!p0 $0x100  }
.LBB2_40:
0x199: {  	v0 =	vld.msk [tilespmem:s5+$0x0], $0x1;
	s2 =	sadd.s32 $0xFFFFFFFF, s2;
	s3 =	sadd.s32 s3, s0  }
0x19a: {  	p0 =	sne.s32 s2, $0x0;
	_ =	sdelay $0x3  }
0x19b: {  	(v2sf) =	vpush v0, $0x0;
	_ =	sdelay $0xe  }
.Ltmp33:
0x19c: {  	s6 =	spop (v2sf);
	(pc) =	sbr.rel @p0 .LBB2_40-.Ltmp33, $4  }
0x19d: {  	s0 =	simm.s32 $0x0;
	p1 =	sgt.u32 s6, $0x270F8  }
0x19e: {  	s4 =	sadd.s32 $0x40, s4;
	s0 =	simm.s32 @!p1 $0x100;
	s7 =	sand.u32 @!p1 $0x3FFF8, s6  }
0x19f: {  	s5 =	sadd.s32 $0x1, s5;
	s6 =	sand.u32 @!p1 $0x7, s6;
	s7 =	sadd.s32 @!p1 s1, s7  }
0x1a0: {  	[hbm4b:s7+s6] =	stream.linear.scatter @!p1 [tilespmem:s4], [sflag:$0x5], $0x40, $0x38;
	[tilespmem:$0x1EF78] =	vst v63  }
.LBB2_41:
0x1a1: {  	s0 =	sadd.s32 s3, s0  }
0x1a2: {  	s3 =	sshrl.u32 s0, $0x2  }
.LBB2_42:
0x1a3: {  	s0 =	simm.s32 $0x5  }
0x1a4: {  	_ =	swait.ge [sflag:s0], s3  }
0x1a5: {  	s1 =	ssub.s32 $0x0, s3;
	[sflag:s0] =	ssyncset.done $0x0  }
0x1a6: {  	[sflag:s0] =	ssyncadd.s32 s1  }
0x1a7: {  	[sflag:s0] =	ssyncpa.u1 $0x1  }
0x1a8: {  	s30 =	simm.s32 $0x1;
	_ =	sfence  }
0x1a9: {  	[sflag:s30] =	ssyncpa.u1 $0x1  }
0x1aa: {  	_ =	strace $0x9000005F  }
0x1ab: {  	[bflag:$0x2] =	sbarrier.arrive $0xFFFF  }
0x1ac: {  	s31 =	rddreg [dreg:$0x1]  }
0x1ad: {  	s0 =	sadd.s32 $0x100000, s31  }
0x1ae: {  	[sflag:s0] =	ssyncadd.tile.s32 $0x1;
	_ =	shalt  }
.Lfunc_end2:
_tile_overlayer_lowered:
.L_overlay_start_2:
0x1af: {  	(tag) =	ssettag $0x2  }
0x1b0: {  	s0 =	rddreg [dreg:$0x0];
	s2 =	stileid.u32  }
0x1b1: {  	s1 =	rddreg [dreg:$0x1];
	p0 =	sne.s32 s2, $0x0  }
0x1b2: {  	s3 =	rddreg [dreg:$0x2];
	[bflag:$0x3] =	sbarrier.arrive $0xFFFF;
	s2 =	simm.s32 @!p0 $0x1C01  }
0x1b3: {  	[timem:s3], [sflag:s2] =	dma.local @!p0 [hbm:s0], s1  }
0x1b4: {  	s0 =	simm.s32 @!p0 $0x1  }
0x1b5: {  	_ =	swait.ge @!p0 [sflag:s0], s1  }
0x1b6: {  	s1 =	ssub.s32 @!p0 $0x0, s1;
	[sflag:s0] =	ssyncset.done @!p0 $0x0  }
0x1b7: {  	[sflag:s0] =	ssyncadd.s32 @!p0 s1  }
0x1b8: {  	[bflag:$0x3] =	sbarrier.arrive $0xFFFF  }
0x1b9: {  	_ =	shalt  }

// kernel: scatter_offload_async_start
scs
__scs_entry_jumppad:
0x0: {  	(pc) =	sbr.rel $0x88, $3  }
0x1: {  	(tag) =	ssettag $0x0;
	lr =	simm.s32 $0x1  }
0x2: {  	[smem:$0x3F81] =	sst lr;
	_ =	strace $0xD0000000  }
0x3: {  	_ = 	snop  }
0x4: {  	_ = 	snop  }
0x5: {  	_ = 	snop  }
0x6: {  	_ = 	snop  }
0x7: {  	_ = 	snop  }
__scs_overlays_trampoline_lowered:
0x8: {  	[smem:$0x3F90] =	sst s0  }
0x9: {  	[smem:$0x3F91] =	sst s1  }
0xa: {  	[smem:$0x3F92] =	sst s2  }
0xb: {  	[smem:$0x3F93] =	sst s3  }
0xc: {  	[smem:$0x3F94] =	sst s4  }
0xd: {  	[smem:$0x3F95] =	sst s5  }
0xe: {  	[smem:$0x3F96] =	sst s6  }
0xf: {  	[smem:$0x3F97] =	sst s7  }
0x10: {  	[smem:$0x3F98] =	sst s8  }
0x11: {  	[smem:$0x3F99] =	sst s9;
	s0 =	simm.s32 @!p0 $0x0  }
0x12: {  	s1 =	sld [smem:$0x3F7F];
	s0 =	simm.s32 @p0 $0x1  }
0x13: {  	[smem:$0x3F9A] =	sst s0;
	s0 =	simm.s32 @!p1 $0x0  }
0x14: {  	s2 =	sld [smem:$0x3F7E];
	s0 =	simm.s32 @p1 $0x1  }
0x15: {  	[smem:$0x3F9B] =	sst s0;
	s0 =	simm.s32 @!p2 $0x0  }
0x16: {  	s3 =	sld [smem:$0x3FDB];
	s0 =	simm.s32 @p2 $0x1  }
0x17: {  	s4 =	simm.s32 $0x1BF5;
	[smem:$0x3F9D] =	sst s0  }
0x18: {  	s0 =	sld [smem:$0x3F80];
	_ =	swait.ge [sflag:s4], $0x0  }
0x19: {  	s7 =	sld [smem:$0x3F81]  }
0x1a: {  	s8 =	sadd.s32 $0xFFFFE003, lr  }
0x1b: {  	s9 =	sadd.s32 $0xFFFFFEF7, lr;
	s5 =	simm.s32 $0xFFFFFFFF;
	p2 =	slt.u32 s8, $0xFFFFF086  }
0x1c: {  	p1 =	slt.u32 s9, $0xF7A;
	s5 =	simm.s32 @!p2 $0x0  }
0x1d: {  	s5 =	simm.s32 @p1 $0x1;
	p0 =	seq.s32 s7, s2  }
0x1e: {  	s7 =	smul.u32 @!p0 $0xF7A, s2;
	p2 =	seq.s32 @!p0 s5, $0x0  }
0x1f: {  	s9 =	smul.u32 $0xF7A, s1;
	s8 =	simm.s32 @!p0 $0x1BF5;
	p2 =	por !p2, p0  }
0x20: {  	[sflag:s8] =	ssyncset.s32 @!p0 $0xFFFFF086;
	s6 =	sadd.s32 @!p0 s3, s7;
	s7 =	simm.s32 @!p0 $0x108  }
0x21: {  	s3 =	sadd.s32 s3, s9;
	s6 =	sadd.s32 @!p0 $0x88, s6;
	s7 =	simm.s32 @p2 $0x1082  }
0x22: {  	[simem:s7], [sflag:s8] =	dma.local @!p0 [hbm:s6], $0xF7A  }
0x23: {  	s9 =	sor.u32 $0xD0000000, s2;
	s6 =	simm.s32 $0x108;
	_ =	swait.ge @!p0 [sflag:s8], $0x0  }
0x24: {  	s3 =	sadd.s32 $0x88, s3;
	s6 =	simm.s32 @!p1 $0x1082;
	[sflag:s4] =	ssyncset.s32 $0xFFFFF086  }
0x25: {  	[simem:s6], [sflag:s4] =	dma.local [hbm:s3], $0xF7A  }
0x26: {  	[smem:$0x3F81] =	sst s1;
	(tag) =	ssettag s2;
	_ =	strace s9  }
0x27: {  	s1 =	sld [smem:$0x3F91]  }
0x28: {  	s2 =	sld [smem:$0x3F92]  }
0x29: {  	s4 =	sld [smem:$0x3F94]  }
0x2a: {  	p0 =	seq.s32 s5, $0x0;
	s5 =	sld [smem:$0x3F95]  }
0x2b: {  	s6 =	sld [smem:$0x3F96]  }
0x2c: {  	s7 =	sld [smem:$0x3F97]  }
0x2d: {  	s3 =	simm.s32 $0x108;
	s8 =	sld [smem:$0x3F98]  }
0x2e: {  	s3 =	simm.s32 @!p0 $0x1082;
	s9 =	sld [smem:$0x3F99]  }
0x2f: {  	lr =	sadd.s32 s0, s3;
	s0 =	sld [smem:$0x3F90]  }
0x30: {  	s3 =	sld [smem:$0x3F93]  }
0x31: {  	[smem:$0x3F9C] =	sst s10  }
0x32: {  	s10 =	sld [smem:$0x3F9A];
	_ =	sdelay $0x3  }
0x33: {  	p0 =	seq.s32 s10, $0x1;
	s10 =	sld [smem:$0x3F9C];
	_ =	sdelay $0x3  }
0x34: {  	[smem:$0x3F9C] =	sst s10  }
0x35: {  	s10 =	sld [smem:$0x3F9B];
	_ =	sdelay $0x3  }
0x36: {  	p1 =	seq.s32 s10, $0x1;
	s10 =	sld [smem:$0x3F9C];
	_ =	sdelay $0x3  }
0x37: {  	[smem:$0x3F9C] =	sst s10  }
0x38: {  	s10 =	sld [smem:$0x3F9D]  }
0x39: {  	_ = 	snop;
	(pc) =	sbr.ind lr, $3  }
0x3a: {  	_ = 	snop  }
0x3b: {  	_ = 	snop  }
0x3c: {  	p2 =	seq.s32 s10, $0x1;
	s10 =	sld [smem:$0x3F9C]  }
0x3d: {  	_ =	shalt  }
0x3e: {  	_ =	shalt  }
0x3f: {  	_ =	shalt  }
0x40: {  	_ =	shalt  }
0x41: {  	_ =	shalt  }
0x42: {  	_ =	shalt  }
0x43: {  	_ =	shalt  }
0x44: {  	_ =	shalt  }
0x45: {  	_ =	shalt  }
0x46: {  	_ =	shalt  }
0x47: {  	_ =	shalt  }
0x48: {  	_ =	shalt  }
0x49: {  	_ =	shalt  }
0x4a: {  	_ =	shalt  }
0x4b: {  	_ =	shalt  }
0x4c: {  	_ =	shalt  }
0x4d: {  	_ =	shalt  }
0x4e: {  	_ =	shalt  }
0x4f: {  	_ =	shalt  }
0x50: {  	_ =	shalt  }
0x51: {  	_ =	shalt  }
0x52: {  	_ =	shalt  }
0x53: {  	_ =	shalt  }
0x54: {  	_ =	shalt  }
0x55: {  	_ =	shalt  }
0x56: {  	_ =	shalt  }
0x57: {  	_ =	shalt  }
0x58: {  	_ =	shalt  }
0x59: {  	_ =	shalt  }
0x5a: {  	_ =	shalt  }
0x5b: {  	_ =	shalt  }
0x5c: {  	_ =	shalt  }
0x5d: {  	_ =	shalt  }
0x5e: {  	_ =	shalt  }
0x5f: {  	_ =	shalt  }
0x60: {  	_ =	shalt  }
0x61: {  	_ =	shalt  }
0x62: {  	_ =	shalt  }
0x63: {  	_ =	shalt  }
0x64: {  	_ =	shalt  }
0x65: {  	_ =	shalt  }
0x66: {  	_ =	shalt  }
0x67: {  	_ =	shalt  }
0x68: {  	_ =	shalt  }
0x69: {  	_ =	shalt  }
0x6a: {  	_ =	shalt  }
0x6b: {  	_ =	shalt  }
0x6c: {  	_ =	shalt  }
0x6d: {  	_ =	shalt  }
0x6e: {  	_ =	shalt  }
0x6f: {  	_ =	shalt  }
0x70: {  	_ =	shalt  }
0x71: {  	_ =	shalt  }
0x72: {  	_ =	shalt  }
0x73: {  	_ =	shalt  }
0x74: {  	_ =	shalt  }
0x75: {  	_ =	shalt  }
0x76: {  	_ =	shalt  }
0x77: {  	_ =	shalt  }
0x78: {  	_ =	shalt  }
0x79: {  	_ =	shalt  }
0x7a: {  	_ =	shalt  }
0x7b: {  	_ =	shalt  }
0x7c: {  	_ =	shalt  }
0x7d: {  	_ =	shalt  }
0x7e: {  	_ =	shalt  }
0x7f: {  	_ =	shalt  }
0x80: {  	_ =	shalt  }
0x81: {  	_ =	shalt  }
0x82: {  	_ =	shalt  }
0x83: {  	_ =	shalt  }
0x84: {  	_ =	shalt  }
0x85: {  	_ =	shalt  }
0x86: {  	_ =	shalt  }
0x87: {  	_ =	shalt  }
.Lfunc_end0:
.L_simem_size_0:
called_computation_lowered:
.L_overlay_start_0:
0x88: {  	s0 =	sld [smem:$0x3FD9]  }
0x89: {  	s1 =	sld [smem:$0x3FFE];
	_ =	sdelay $0x3  }
0x8a: {  	s0 =	sadd.s32 s1, s0  }
0x8b: {  	[smem:$0x3FA8] =	sst s0  }
0x8c: {  	_ = 	snop  }
0x8d: {  	s14 =	sld [smem:$0x3FD0];
	(tm) =	ssettm $0x1  }
0x8e: {  	s15 =	sld [smem:$0x3FFB];
	_ =	sdelay $0x3  }
0x8f: {  	_ =	strace s15  }
0x90: {  	s0 =	sld [smem:$0x3FFC];
	_ =	sdelay $0x3  }
0x91: {  	_ =	strace s0  }
0x92: {  	s0 =	sld [smem:$0x3FFD];
	_ =	sdelay $0x3  }
0x93: {  	_ =	strace s0  }
0x94: {  	_ =	strace $0x8FFFFFFF  }
0x95: {  	s16 =	sld [smem:$0x3FDB];
	_ =	sdelay $0x1  }
0x96: {  	s2 =	simm.s32 $_scs_section_size  }
0x97: {  	s3 =	simm.s32 $_size__tile_overlayer_lowered;
	s4 =	simm.s32 $_tile_overlayer_lowered  }
0x98: {  	s5 =	simm.s32 $0x1BFF;
	s17 =	sshll.u32 s4, $0x1;
	s2 =	sadd.s32 s2, s16  }
0x99: {  	s18 =	simm.s32 $0x0;
	s3 =	sshll.u32 s3, $0x1;
	s4 =	sadd.s32 s17, s2  }
0x9a: {  	[timem:s18], [sflag:s5] =	dma.local [hbm:s4], s3  }
0x9b: {  	_ =	swait.ge [sflag:s5], s3  }
0x9c: {  	s3 =	ssub.s32 $0x0, s3;
	[sflag:s5] =	ssyncset.done $0x0  }
0x9d: {  	[sflag:s5] =	ssyncadd.s32 s3;
	_ =	sdelay $0x1  }
0x9e: {  	s19 =	simm.s32 $0x1B8B  }
0x9f: {  	_ =	swait.ge [sflag:s19], $0x1  }
0xa0: {  	[sflag:s19] =	ssyncset.done $0x0  }
0xa1: {  	s21 =	simm.s32 $0x1B8E;
	s20 =	sld [smem:$0x3FFE];
	[sflag:s19] =	ssyncadd.s32 $0xFFFFFFFF  }
0xa2: {  	s22 =	simm.s32 $execute0_lowered;
	[smem:$0x3FD2] =	sst s21  }
0xa3: {  	s4 =	sshll.u32 s22, $0x1;
	_ =	strace $0x80000046;
	[dreg:$0x1] =	wrdreg $0xFFFFFFFF  }
0xa4: {  	s23 =	simm.s32 $_size_execute0_lowered;
	s4 =	sadd.s32 s2, s4;
	[dreg:$0x0] =	wrdreg $0x0  }
0xa5: {  	s5 =	sshll.u32 s23, $0x1;
	[dreg:$0x2] =	wrdreg s4  }
0xa6: {  	[dreg:$0x3] =	wrdreg s5  }
0xa7: {  	[dreg:$0x4] =	wrdreg $0xC0  }
0xa8: {  	s24 =	simm.s32 $execute1_lowered;
	_ =	task [dreg:s18], $0x5FFFF  }
0xa9: {  	s4 =	sshll.u32 s24, $0x1;
	[dreg:$0x1] =	wrdreg $0xFFFFFFFF  }
0xaa: {  	s2 =	sadd.s32 s2, s4;
	[dreg:$0x0] =	wrdreg $0x60  }
0xab: {  	[dreg:$0x2] =	wrdreg s2  }
0xac: {  	[dreg:$0x3] =	wrdreg s14  }
0xad: {  	[dreg:$0x4] =	wrdreg s20  }
0xae: {  	[dreg:$0x5] =	wrdreg $0x9  }
0xaf: {  	_ =	task.clear_ibuf [dreg:s18], $0x6FFFF;
	_ =	strace $0x90000046  }
0xb0: {  	s25 =	simm.s32 $0x9;
	_ =	strace $0x80000048  }
0xb1: {  	_ =	swait.ge [sflag:s25], $0x1  }
0xb2: {  	[sflag:s25] =	ssyncadd.s32 $0xFFFFFFFF  }
0xb3: {  	_ =	strace $0x90000048  }
0xb4: {  	_ =	strace $0x80000049;
	[dreg:$0x1] =	wrdreg $0xFFFFFFFF  }
0xb5: {  	[dreg:$0x0] =	wrdreg $0x2030  }
0xb6: {  	[dreg:$0x2] =	wrdreg s20  }
0xb7: {  	[dreg:$0x3] =	wrdreg $0xA  }
0xb8: {  	_ =	task.clear_ibuf [dreg:s18], $0x4FFFF;
	_ =	strace $0x90000049  }
0xb9: {  	s26 =	simm.s32 $0xA;
	_ =	strace $0x8000004B  }
0xba: {  	_ =	swait.ge [sflag:s26], $0x1  }
0xbb: {  	[sflag:s26] =	ssyncadd.s32 $0xFFFFFFFF  }
0xbc: {  	_ =	strace $0x9000004B  }
0xbd: {  	_ =	sfence  }
0xbe: {  	s28 =	sld [smem:$0x0];
	_ =	sdelay $0x1  }
0xbf: {  	s29 =	srdreg.scid  }
0xc0: {  	s30 =	sshll.u32 s29, $0xD;
	s31 =	sshrl.u32 s29, $0x2  }
0xc1: {  	s3 =	sand.u32 $0x4000, s30;
	s2 =	sand.u32 $0x1, s29;
	s1 =	sadd.s32 s31, s28  }
0xc2: {  	s2 =	sor.u32 s3, s2;
	s1 =	sshll.u32 s1, $0x11  }
0xc3: {  	s1 =	sor.u32 s1, s2  }
0xc4: {  	s1 =	sadd.s32 $0x8F2B, s1  }
0xc5: {  	[sflag:s1] =	ssyncadd.remote.s32 $0x1  }
0xc6: {  	_ =	sfence.sel $0xFFFF  }
0xc7: {  	[dreg:$0x0] =	wrdreg $0xFFFFFFFF;
	(pc) =	sbr.abs _section_cstart, $3  }
0xc8: {  	[dreg:$0x1] =	wrdreg $0xFFFFFFFF  }
0xc9: {  	_ =	task.clear_ibuf [dreg:s18], $0x2FFFF;
	_ =	strace $0x9FFFFFFF  }
0xca: {  	(tm) =	ssettm $0x7FFFFFFF  }
0xcb: {  	_ =	shalt  }
tec
execute0_lowered:
.L_overlay_start_1:
0x0: {  	(tag) =	ssettag $0x1  }
0x1: {  	s2 =	rddreg [dreg:$0x0]  }
0x2: {  	s5 =	rddreg [dreg:$0x1]  }
0x3: {  	s4 =	rddreg [dreg:$0x2]  }
0x4: {  	s0 =	rddreg [dreg:$0x3];
	s3 =	stileid.u32  }
0x5: {  	[bflag:$0x3] =	sbarrier.arrive $0xFFFF;
	s1 =	simm.s32 $_size_execute1_lowered;
	p0 =	sne.s32 s3, $0x0  }
0x6: {  	s1 =	sshll.u32 s1, $0x1;
	s6 =	simm.s32 @!p0 $0x1C3F;
	s7 =	simm.s32 @!p0 $0x4060  }
0x7: {  	[timem:s7], [sflag:s6] =	dma.local @!p0 [hbm:s2], s1  }
.Ltmp0:
0x8: {  	s30 =	simm.s32 $0x2;
	s8 =	simm.s32 $0x780;
	(pc) =	sbr.rel .LBB2_1-.Ltmp0, $4  }
0x9: {  	s10 =	simm.s32 $0x0;
	s9 =	simm.s32 $0x0;
	s2 =	smul.u32 $0x280, s3  }
0xa: {  	s4 =	sadd.s32 $0x1E00, s4;
	s3 =	simm.s32 $0x1;
	_ =	strace $0x80000047  }
0xb: {  	s6 =	simm.s32 $0x0;
	[sflag:s3] =	ssyncpa.u1 $0x0;
	s31 =	sshrl.u32 s2, $0x3  }
0xc: {  	s7 =	simm.s32 $0x280;
	[sflag:s30] =	ssyncpa.u1 $0x0;
	s5 =	sadd.s32 s31, s5  }
.LBB2_8:
0xd: {  	p1 =	seq.s32 s9, $0x2  }
.Ltmp1:
0xe: {  	_ = 	snop;
	(pc) =	sbr.rel @p1 .LBB2_10-.Ltmp1, $1  }
0xf: {  	_ =	sdelay $0x3  }
.LBB2_9:
0x10: {  	s9 =	sadd.s32 $0x1, s9;
	s10 =	smov.u32 s2  }
.LBB2_1:
0x11: {  	p1 =	sne.s32 s9, $0x0  }
.Ltmp2:
0x12: {  	_ = 	snop;
	(pc) =	sbr.rel @!p1 .LBB2_2-.Ltmp2, $1  }
0x13: {  	_ =	sdelay $0x3  }
0x14: {  	s11 =	sand.u32 $0x1, s9  }
0x15: {  	p1 =	seq.s32 s11, $0x0  }
.Ltmp3:
0x16: {  	_ = 	snop;
	(pc) =	sbr.rel @p1 .LBB2_8-.Ltmp3, $1  }
0x17: {  	_ =	sdelay $0x3  }
0x18: {  	_ =	swait.ge [sflag:s3], $0x280  }
0x19: {  	[sflag:s3] =	ssyncset.done $0x0  }
0x1a: {  	s11 =	simm.s32 $0x0;
	p1 =	por $0x1, $0x1;
	[sflag:s3] =	ssyncadd.s32 $0xFFFFFD80  }
.LBB2_5:
0x1b: {  	v0 =	vld [tilespmem:s11+$0x280]  }
0x1c: {  	v1 =	vld [tilespmem:s11+$0x290]  }
0x1d: {  	v2 =	vld [tilespmem:s11+$0x2A0]  }
0x1e: {  	v3 =	vld [tilespmem:s11+$0x2B0]  }
0x1f: {  	v4 =	vld [tilespmem:s11+$0x2C0]  }
0x20: {  	v53 =	vld [tilespmem:s11+$0x2D0];
	[tilespmem:s11+$0x780] =	vst v0  }
0x21: {  	v54 =	vld [tilespmem:s11+$0x2E0];
	[tilespmem:s11+$0x790] =	vst v1  }
0x22: {  	v55 =	vld [tilespmem:s11+$0x2F0];
	[tilespmem:s11+$0x7A0] =	vst v2  }
0x23: {  	v56 =	vld [tilespmem:s11+$0x300];
	[tilespmem:s11+$0x7B0] =	vst v3  }
0x24: {  	v57 =	vld [tilespmem:s11+$0x310];
	[tilespmem:s11+$0x7C0] =	vst v4  }
0x25: {  	v58 =	vld [tilespmem:s11+$0x320];
	[tilespmem:s11+$0x7D0] =	vst v53  }
0x26: {  	v59 =	vld [tilespmem:s11+$0x330];
	[tilespmem:s11+$0x7E0] =	vst v54  }
0x27: {  	v60 =	vld [tilespmem:s11+$0x340];
	[tilespmem:s11+$0x7F0] =	vst v55  }
0x28: {  	v61 =	vld [tilespmem:s11+$0x350];
	[tilespmem:s11+$0x800] =	vst v56  }
0x29: {  	v62 =	vld [tilespmem:s11+$0x360];
	[tilespmem:s11+$0x810] =	vst v57  }
0x2a: {  	v63 =	vld [tilespmem:s11+$0x370];
	p2 =	por p1, p1;
	[tilespmem:s11+$0x820] =	vst v58  }
.Ltmp4:
0x2b: {  	[tilespmem:s11+$0x830] =	vst v59;
	(pc) =	sbr.rel @p2 .LBB2_5-.Ltmp4, $4  }
0x2c: {  	[tilespmem:s11+$0x840] =	vst v60  }
0x2d: {  	[tilespmem:s11+$0x850] =	vst v61  }
0x2e: {  	s12 =	simm.s32 $0x1F0;
	s13 =	simm.s32 $0x980;
	[tilespmem:s11+$0x860] =	vst v62  }
0x2f: {  	s14 =	simm.s32 $0x480;
	p1 =	por $0x0, $0x0;
	[tilespmem:s11+$0x870] =	vst v63;
	s11 =	simm.s32 $0x100  }
.LBB2_6:
0x30: {  	s12 =	sadd.s32 $0x10, s12  }
0x31: {  	v0 =	vld [tilespmem:s14+$0x0];
	p1 =	slt.u32 s12, $0x270  }
.Ltmp5:
0x32: {  	_ = 	snop;
	(pc) =	sbr.rel @p1 .LBB2_6-.Ltmp5, $2  }
0x33: {  	_ =	sdelay $0x2  }
0x34: {  	s14 =	sadd.s32 $0x10, s14;
	[tilespmem:s13+$0x0] =	vst v0;
	s13 =	sadd.s32 $0x10, s13  }
.Ltmp6:
0x35: {  	(pc) =	sbr.rel .LBB2_8-.Ltmp6, $4  }
0x36: {  	_ = 	snop  }
0x37: {  	s10 =	sshrl.u32 s10, $0x3  }
0x38: {  	s10 =	sadd.s32 s4, s10  }
0x39: {  	[hbm4b:s10+s6] =	stream.linear.scatter [tilespmem:s8], [sflag:$0x2], $0x280, $0x38;
	[tilespmem:$0xA00] =	vst v63  }
.LBB2_2:
.Ltmp7:
0x3a: {  	(pc) =	sbr.rel .LBB2_9-.Ltmp7, $2  }
0x3b: {  	_ =	sdelay $0x2  }
0x3c: {  	[tilespmem:s7], [sflag:$0x1] =	stream.linear.gather [hbm4b:s5+s6], $0x280, $0x38;
	[tilespmem:$0xA00] =	vst v63  }
.LBB2_10:
0x3d: {  	s2 =	simm.s32 $0x2  }
0x3e: {  	_ =	swait.ge [sflag:s2], $0x280  }
0x3f: {  	[sflag:s2] =	ssyncset.done $0x0  }
0x40: {  	[sflag:s2] =	ssyncadd.s32 $0xFFFFFD80  }
0x41: {  	_ =	sfence.sel $0x180000  }
0x42: {  	s3 =	simm.s32 $0x1;
	[bflag:$0x0] =	sbarrier.arrive $0xFFFF  }
0x43: {  	[sflag:s3] =	ssyncpa.u1 $0x1  }
0x44: {  	[sflag:s2] =	ssyncpa.u1 $0x1  }
0x45: {  	_ =	strace $0x90000047  }
0x46: {  	s0 =	sadd.s32 @!p0 $0x100000, s0;
	[bflag:$0x2] =	sbarrier.arrive $0xFFFF  }
0x47: {  	[sflag:s0] =	ssyncadd.tile.s32 @!p0 $0x1;
	s0 =	simm.s32 @!p0 $0x3F  }
0x48: {  	_ =	swait.ge @!p0 [sflag:s0], s1  }
0x49: {  	s1 =	ssub.s32 @!p0 $0x0, s1;
	[sflag:s0] =	ssyncset.done @!p0 $0x0  }
0x4a: {  	[sflag:s0] =	ssyncadd.s32 @!p0 s1  }
0x4b: {  	[bflag:$0x3] =	sbarrier.arrive $0xFFFF  }
0x4c: {  	_ =	shalt  }
.Lfunc_end2:
execute1_lowered:
.L_overlay_start_2:
0x4d: {  	(tag) =	ssettag $0x2  }
0x4e: {  	s0 =	rddreg [dreg:$0x0]  }
0x4f: {  	s11 =	stileid.u32;
	_ =	strace $0x8000004A;
	s2 =	simm.s32 $0x1  }
0x50: {  	v1 =	vimm.s32 $0xFFFFFFFF;
	s1 =	smul.u32 $0x3, s11;
	[sflag:s2] =	ssyncpa.u1 $0x0  }
0x51: {  	s3 =	smin.u32 s11, $0x7;
	[tilespmem:$0x10] =	vst v1  }
0x52: {  	v0 =	vimm.f32 $-Inf;
	[tilespmem:$0x20] =	vst v1;
	s1 =	sadd.s32 s3, s1  }
0x53: {  	p0 =	slt.u32 s11, $0x7;
	[tilespmem:$0x30] =	vst v0;
	s3 =	smul.u32 $0x1770, s1;
	s1 =	simm.s32 $0x5DC0  }
0x54: {  	[tilespmem:$0x40] =	vst v0;
	s1 =	simm.s32 @!p0 $0x4650  }
0x55: {  	[tilespmem:$0x50] =	vst v0;
	s1 =	sadd.s32 s1, s3  }
0x56: {  	s7 =	simm.s32 $0x2;
	[tilespmem:$0x60] =	vst v1;
	s4 =	smin.u32 s1, $0x50910  }
0x57: {  	s8 =	simm.s32 $0x8;
	s29 =	simm.s32 $0x9;
	[tilespmem:$0x70] =	vst v1;
	s6 =	ssub.s32 s4, s3  }
0x58: {  	s16 =	simm.s32 $0x0;
	s17 =	simm.s32 $0xF0;
	[tilespmem:$0x80] =	vst v1;
	p0 =	sgt.s32 s6, $0x0  }
0x59: {  	s18 =	simm.s32 $0xFFFFFFFF;
	s19 =	simm.s32 $0xFFFFD220;
	v1 =	vimm.s32 $0x0;
	[tilespmem:$0xB0] =	vst v0;
	s6 =	simm.s32 @!p0 $0x0  }
0x5a: {  	s20 =	simm.s32 $0xFFFFFFFE;
	s21 =	simm.s32 $0xF;
	[tilespmem:$0x90] =	vst v1;
	s5 =	smulhi.u32 $0x57619F1, s6  }
0x5b: {  	s25 =	simm.s32 $0x0;
	[tilespmem:$0xA0] =	vst v1;
	[sflag:s7] =	ssyncpa.u1 $0x0;
	s7 =	simm.s32 $0x7  }
0x5c: {  	s24 =	simm.s32 $0x0;
	[sflag:s7] =	ssyncpa.u1 $0x0;
	s9 =	sshrl.u32 s5, $0x7  }
0x5d: {  	s14 =	sshllo.u32 s11, $0x1;
	[sflag:s8] =	ssyncpa.u1 $0x0;
	s10 =	smul.u32 $0x1770, s9  }
0x5e: {  	[sflag:s29] =	ssyncpa.u1 $0x0;
	s23 =	smov.u32 s3;
	s1 =	sadd.s32 $0x1E00, s0  }
.Ltmp8:
0x5f: {  	s5 =	sadd.s32 $0x5B600, s0;
	p0 =	sne.s32 s6, s10;
	(pc) =	sbr.rel .LBB3_1-.Ltmp8, $4  }
0x60: {  	s0 =	sadd.s32 $0x65800, s0;
	s10 =	sshll.u32 s11, $0x1;
	s2 =	simm.s32 @!p0 $0x0  }
0x61: {  	[dreg:$0x2] =	wrdreg s0;
	s31 =	sor.u32 $0x81, s10;
	s9 =	sadd.s32 s2, s9  }
0x62: {  	vm0 =	vmmov $0xffff;
	v2 =	vlaneseq.u32;
	vm1 =	vmxor vm1, vm1;
	s15 =	sor.u32 $0x80, s10;
	[dreg:$0x4] =	wrdreg s31;
	s30 =	sadd.s32 $0x1, s9  }
0x63: {  	vm2 =	vmmov $0x1;
	v3 =	vimm.f32 $0.0e+00;
	vm3 =	vcmask $0x3F3C;
	p0 =	por $0x0, $0x0;
	s12 =	sadd.s32 $0x2, s9;
	[dreg:$0x3] =	wrdreg s30  }
.LBB3_9:
0x64: {  	p1 =	slt.u32 s24, $0x3  }
0x65: {  	s0 =	simm.s32 @!p1 $0x2  }
0x66: {  	_ =	swait.ge @!p1 [sflag:s0], $0x1770  }
0x67: {  	[sflag:s0] =	ssyncset.done @!p1 $0x0  }
0x68: {  	[sflag:s0] =	ssyncadd.s32 @!p1 $0xFFFFE890;
	s0 =	simm.s32 @!p1 $0x9  }
0x69: {  	_ =	swait.ge @!p1 [sflag:s0], $0x10  }
0x6a: {  	[sflag:s0] =	ssyncset.done @!p1 $0x0  }
0x6b: {  	[sflag:s0] =	ssyncadd.s32 @!p1 $0xFFFFFFF0;
	p1 =	sne.s32 s24, s12  }
.Ltmp9:
0x6c: {  	s2 =	sadd.s32 $0x1770, s23;
	(pc) =	sbr.rel @!p1 .LBB3_10-.Ltmp9, $4  }
0x6d: {  	s6 =	smov.u32 s3;
	s31 =	sadd.s32 $0x1, s24;
	s17 =	sadd.s32 $0x1770, s17  }
0x6e: {  	s18 =	sadd.s32 $0x1, s18;
	s25 =	smov.u32 s23;
	p2 =	slt.s32 s2, s4  }
0x6f: {  	p0 =	por !p0, !p0;
	s19 =	sadd.s32 $0x1770, s19;
	s6 =	smov.u32 @p2 s2  }
0x70: {  	s20 =	sadd.s32 $0x1, s20;
	s23 =	smov.u32 s6;
	s24 =	smov.u32 s31  }
.LBB3_1:
0x71: {  	p1 =	sge.u32 s24, s9  }
0x72: {  	s0 =	smulhi.u32 @!p1 $0xAAAAAAAB, s24;
	_ =	sdelay $0x1  }
0x73: {  	s0 =	sshrl.u32 @!p1 s0, $0x1  }
0x74: {  	s0 =	smul.u32 @!p1 $0x3, s0;
	_ =	sdelay $0x1  }
0x75: {  	s0 =	ssub.s32 @!p1 s24, s0  }
0x76: {  	s0 =	smul.u32 @!p1 $0x5DC0, s0;
	_ =	sdelay $0x1  }
0x77: {  	s2 =	sshrl.u32 @!p1 s23, $0x3;
	s0 =	sshrl.u32 @!p1 s0, $0x2  }
0x78: {  	s6 =	sand.u32 @!p1 $0x7, s23;
	s2 =	sadd.s32 @!p1 s5, s2;
	s0 =	sadd.s32 @!p1 $0x100, s0  }
0x79: {  	[tilespmem:s0], [sflag:$0x7] =	stream.linear.gather @!p1 [hbm4b:s2+s6], $0x1770, $0x38;
	[tilespmem:$0xD410] =	vst v63  }
0x7a: {  	s0 =	sadd.s32 $0xFFFFFFFF, s24  }
0x7b: {  	p1 =	sge.u32 s0, s9  }
.Ltmp10:
0x7c: {  	_ = 	snop;
	(pc) =	sbr.rel @p1 .LBB3_5-.Ltmp10, $1  }
0x7d: {  	_ =	sdelay $0x3  }
0x7e: {  	s2 =	smulhi.u32 $0xAAAAAAAB, s0;
	_ =	sdelay $0x1  }
0x7f: {  	s2 =	sshrl.u32 s2, $0x1  }
0x80: {  	s2 =	smul.u32 $0x3, s2;
	_ =	sdelay $0x1  }
0x81: {  	s2 =	ssub.s32 s0, s2  }
0x82: {  	s2 =	smul.u32 $0x5DC0, s2  }
0x83: {  	_ =	swait.ge [sflag:s7], $0x1770  }
0x84: {  	[sflag:s7] =	ssyncset.done $0x0;
	s2 =	sshrl.u32 s2, $0x2  }
0x85: {  	[sflag:s7] =	ssyncadd.s32 $0xFFFFE890;
	(ifvalue) =	ssetifvalue $0xFFFFFFFF;
	v4 =	vld.msk [tilespmem:s2+$0x100 ss:$0x1], $0xffff;
	_ =	sdelay $0x2  }
0x86: {  	s29 =	smulhi.u32 $0xAAAAAAAB, s18;
	p1 =	sne.s32 s24, $0x1  }
0x87: {  	v5 =	vimm.s32 @!p1 $0x0  }
0x88: {  	s2 =	sshrl.u32 s29, $0x1;
	v5 =	vperm.xlane @!p1 v4, v5  }
0x89: {  	s6 =	sshll.u32 s24, $0x4;
	s2 =	smul.u32 $0xFFFEE6C0, s2;
	vm4 =	vlt.u32 v4, $0x2800  }
0x8a: {  	s6 =	sand.u32 $0x10, s6;
	v4 =	vnsel vm4, $0xFFFFFFFE, v4;
	vm4 =	vlt.u32 @!p1 v5, $0x2800  }
0x8b: {  	s2 =	sshra.s32 s2, $0x2;
	[tilespmem:s6+$0x60] =	vst v4;
	v4 =	vnsel @!p1 vm4, $0xFFFFFFFE, v5  }
0x8c: {  	s30 =	sadd.s32 s2, s17;
	[tilespmem:$0x80] =	vst @!p1 v4  }
0x8d: {  	v4 =	vld.msk [tilespmem:s30+$0x0 ss:$0x1], $0xffff;
	_ =	sdelay $0x4  }
0x8e: {  	(xrf1) =	vunique.msk.u32 $0xffff, v4;
	_ =	sdelay $0xd  }
0x8f: {  	v5 =	vimm.s32 $0xFFFFFFFF;
	v6, _, _ =	vpop (xrf1)  }
0x90: {  	vm5 =	vne.s32 v4, v5;
	vm4 =	veq.s32 v6, v2  }
0x91: {  	vm6 =	vlt.u32 v4, $0x2800;
	vm4 =	vmand vm5, vm4  }
0x92: {  	vm4 =	vmand vm6, vm4  }
0x93: {  	v5 =	vnsel vm4, $0xFFFFFFFF, v4  }
0x94: {  	s31 =	sand.u32 $0x1, s0  }
0x95: {  	s26 =	simm.s32 $0x1770;
	p1 =	seq.s32 s31, $0x1  }
0x96: {  	s26 =	simm.s32 @!p1 $0x0  }
0x97: {  	s28 =	sadd.s32 $0x5EB0, s26;
	(ifvalue) =	ssetifvalue $0xFFFFFFFF  }
0x98: {  	v4 =	vperm.xlane v4, v1;
	[tilespmem:s28], [sflag:$0x8] =	stream.indirect_vreg.gather [hbm4b:s1+s16], $0x1, v5, vm0, $0x4038;
	v5 =	vnsel vm6, $0xFFFFFFFE, v5;
	[tilespmem:$0xD410] =	vst v63  }
0x99: {  	s0 =	simm.s32 $0x0;
	s2 =	sadd.s32 $0xFFFFFFF0, s30;
	[tilespmem:s30+$0x0] =	vst v5  }
.LBB3_3:
0x9a: {  	v5 =	vld.msk [tilespmem:s2+$0x0 ss:$0x1], $0xffff;
	s0 =	sadd.s32 $0x10, s0;
	v6 =	vmov v4;
	s6 =	smov.u32 s2  }
0x9b: {  	p1 =	slt.u32 s0, $0x1760;
	_ =	sdelay $0x4  }
0x9c: {  	v4 =	vperm.xlane v5, v1;
	(xrf1) =	vunique.msk.u32 $0xffff, v5;
	_ =	sdelay $0xd  }
0x9d: {  	v7, _, _ =	vpop (xrf1)  }
0x9e: {  	vm5 =	vne.s32 v5, v6;
	vm4 =	veq.s32 v7, v2  }
0x9f: {  	vm6 =	vlt.u32 v5, $0x2800;
	vm4 =	vmand vm5, vm4  }
0xa0: {  	vm4 =	vmand vm6, vm4  }
0xa1: {  	v5 =	vnsel vm4, $0xFFFFFFFF, v5  }
.Ltmp11:
0xa2: {  	v6 =	vnsel vm6, $0xFFFFFFFE, v5;
	(pc) =	sbr.rel @p1 .LBB3_3-.Ltmp11, $3  }
0xa3: {  	_ =	sdelay $0x1  }
0xa4: {  	s2 =	sadd.s32 $0xFFFFFFF0, s2;
	s28 =	sadd.s32 $0xFFFFFFF0, s28;
	(ifvalue) =	ssetifvalue $0xFFFFFFFF  }
0xa5: {  	[tilespmem:s28], [sflag:$0x8] =	stream.indirect_vreg.gather [hbm4b:s1+s16], $0x1, v5, vm0, $0x4038;
	[tilespmem:s6+$0x0] =	vst v6  }
0xa6: {  	s0 =	sshrl.u32 s25, $0x3;
	s2 =	rddreg [dreg:$0x2]  }
0xa7: {  	s31 =	sadd.s32 $0x7630, s26;
	s0 =	sadd.s32 s2, s0  }
0xa8: {  	[tilespmem:s31], [sflag:$0x8] =	stream.linear.gather [hbm:s0], $0x1770, $0x38;
	[tilespmem:$0xD410] =	vst v63  }
.LBB3_5:
0xa9: {  	p1 =	slt.u32 s24, $0x2  }
0xaa: {  	p2 =	sge.u32 @!p1 s24, s12  }
0xab: {  	p1 =	por p1, p2  }
.Ltmp12:
0xac: {  	_ = 	snop;
	(pc) =	sbr.rel @p1 .LBB3_9-.Ltmp12, $1  }
0xad: {  	_ =	sdelay $0x3  }
0xae: {  	s0 =	sadd.s32 $0xFFFFFFFE, s24  }
0xaf: {  	s2 =	smulhi.u32 $0xAAAAAAAB, s0;
	_ =	sdelay $0x1  }
0xb0: {  	s2 =	sshrl.u32 s2, $0x1  }
0xb1: {  	s2 =	smul.u32 $0x3, s2;
	_ =	sdelay $0x1  }
0xb2: {  	_ =	swait.ge [sflag:s8], $0x2EE0;
	s0 =	ssub.s32 s0, s2  }
0xb3: {  	s6 =	rddreg [dreg:$0x3];
	s0 =	smul.u32 $0x1770, s0  }
0xb4: {  	[sflag:s8] =	ssyncset.done $0x0;
	p1 =	sne.s32 s24, s6  }
0xb5: {  	[sflag:s8] =	ssyncadd.s32 $0xFFFFD120;
	s6 =	rddreg [dreg:$0x4];
	s2 =	sadd.s32 @!p1 $0x186F, s0  }
0xb6: {  	[spmem:s6] =	stream.linear.scatter @!p1 [tilespmem:s2], [sflag:$0x1], $0x1, $0x38;
	[tilespmem:$0xD410] =	vst v63  }
0xb7: {  	s2 =	simm.s32 @!p1 $0x1  }
0xb8: {  	_ =	swait.ge @!p1 [sflag:s2], $0x1  }
0xb9: {  	s11 =	sshll.u32 s24, $0x4;
	[sflag:s2] =	ssyncset.done @!p1 $0x0  }
0xba: {  	s25 =	sand.u32 $0x10, s11;
	[sflag:s2] =	ssyncadd.s32 @!p1 $0xFFFFFFFF  }
0xbb: {  	s2 =	sxor.u32 $0x10, s25;
	v5 =	vld [tilespmem:s25+$0x10]  }
0xbc: {  	v6 =	vld [tilespmem:s2+$0x60]  }
0xbd: {  	v4 =	vld [tilespmem:$0x80];
	_ =	sdelay $0x2  }
0xbe: {  	(v2sf) =	vpush v5, $0x0  }
0xbf: {  	(v2sf) =	vpush v6, $0x0  }
0xc0: {  	(v2sf) =	vpush v4, $0x0;
	_ =	sdelay $0xc  }
0xc1: {  	s13 =	spop (v2sf)  }
0xc2: {  	s22 =	spop (v2sf)  }
0xc3: {  	s26 =	spop (v2sf)  }
0xc4: {  	p2 =	seq.s32 s13, s22;
	p3 =	seq.s32 s26, s13  }
0xc5: {  	p3 =	por p2, p3  }
0xc6: {  	s22 =	sand.u32 $0x1, s24;
	v5 =	vpsel p3, $0xFFFFFFFF, v5  }
0xc7: {  	s28 =	smul.u32 $0x1770, s22;
	[tilespmem:s25+$0x10] =	vst.msk $0x1, v5  }
0xc8: {  	v5 =	vld [tilespmem:$0x30]  }
0xc9: {  	v6 =	vld [tilespmem:s28+$0x7630]  }
0xca: {  	v7 =	vld [tilespmem:s25+$0x40];
	_ =	sdelay $0x2  }
0xcb: {  	vm4 =	vmmov vm1  }
0xcc: {  	vm5 =	vmmov vm2;
	vm4 =	vmmov @p2 vm2;
	v6 =	vmax.f32 v5, v6  }
0xcd: {  	s6 =	sshll.u32 s22, $0x4;
	vm5 =	vmmov @p3 vm1;
	v5 =	vmax.f32 v5, v7;
	[tilespmem:s28+$0x7630] =	vst.msk vm4, v6  }
0xce: {  	[tilespmem:s6+$0xD3F0] =	vst.msk vm5, v5  }
0xcf: {  	v5 =	vld [tilespmem:s28+$0x5EB0];
	_ =	sdelay $0x4  }
0xd0: {  	v5 =	vshift.insert v5, v3, s21  }
0xd1: {  	s11 =	sor.u32 $0x40, s2  }
0xd2: {  	v6 =	vimm.f32 $-Inf;
	[tilespmem:s11+$0x0] =	vst.msk $0x1, v5  }
0xd3: {  	[tilespmem:s28+$0x5EBF] =	vst.msk $0x1, v6  }
0xd4: {  	v5 =	vld [tilespmem:s0+$0x1860]  }
0xd5: {  	s13 =	smulhi.u32 $0xAAAAAAAB, s20;
	_ =	sdelay $0x1  }
0xd6: {  	s22 =	simm.s32 $0x1;
	s0 =	sshrl.u32 s13, $0x1  }
0xd7: {  	s22 =	simm.s32 @!p0 $0x0;
	s0 =	smul.u32 $0xFFFEE6C0, s0  }
0xd8: {  	s22 =	smul.u32 $0x5DC0, s22;
	v5 =	vshift.insert v5, v1, s21  }
0xd9: {  	s0 =	sshra.s32 s0, $0x2  }
0xda: {  	s22 =	sshrl.u32 s22, $0x2;
	s11 =	sadd.s32 s0, s19;
	[tilespmem:s2+$0x10] =	vst.msk $0x1, v5  }
0xdb: {  	s2 =	sadd.s32 $0x7630, s22;
	v7 =	vld [tilespmem:s11+$0x0]  }
0xdc: {  	v8 =	vld [tilespmem:s2+$0x0];
	_ =	sdelay $0x4  }
0xdd: {  	vm4 =	vne.s32 v7, $0xFFFFFFFF;
	v6 =	vmax.f32 v8, v6  }
0xde: {  	(xrf0) =	vmax.seg.scan.f32 vm4, v6  }
0xdf: {  	s13 =	sadd.s32 $0x4750, s22;
	v8 =	vld [tilespmem:$0xA0]  }
0xe0: {  	v9 =	vld [tilespmem:s13+$0x0];
	_ =	sdelay $0x1  }
0xe1: {  	v6 =	vperm.xlane v5, v1;
	_ =	sdelay $0x1  }
0xe2: {  	vm6 =	veq.s32 v7, v4;
	vm7 =	veq.s32 v7, v6;
	vm5 =	veq.s32 v8, $0x1;
	v8, _, _ =	vpop (xrf0)  }
0xe3: {  	vm8 =	vgt.u32 v7, $0xFFFFFFFD;
	vm7 =	vmor vm7, vm6;
	v9 =	vmax.f32 v8, v9  }
0xe4: {  	s30 =	sadd.s32 $0xA510, s22;
	v10 =	vld [tilespmem:$0x90];
	vm7 =	vmor vm7, vm8;
	v9 =	vsel vm6, v8, v9  }
0xe5: {  	[tilespmem:s30+$0x0] =	vst v9;
	v9 =	vsel vm7, $0xFFFFFFFF, v7;
	_ =	sdelay $0x1  }
0xe6: {  	s31 =	simm.s32 $0x0;
	vm9 =	vmand vm4, vm3  }
0xe7: {  	s29 =	sadd.s32 $0xD3F0, s6;
	s6 =	sadd.s32 $0x10, s13;
	s22 =	sadd.s32 $0x10, s30;
	v11 =	vsel vm9, $0xFF800000, v8  }
0xe8: {  	s0 =	sadd.s32 $0x10, s2;
	s2 =	sadd.s32 $0x10, s11;
	vm4 =	vmor vm5, vm6;
	v7 =	vsel vm6, v8, v10;
	v8 =	vshift.insert v11, v0, s21;
	(ifvalue) =	ssetifvalue $0xFFFFFFFF  }
.LBB3_7:
0xe9: {  	[hbm4b:s1+s16] =	stream.indirect_vreg.scatter [tilespmem:s30], [sflag:$0x2], $0x1, v9, vm0, $0x4038;
	[tilespmem:$0xD410] =	vst v63  }
0xea: {  	s31 =	sadd.s32 $0x10, s31;
	s30 =	smov.u32 s22;
	v9 =	vld [tilespmem:s2+$0x0]  }
0xeb: {  	p2 =	slt.u32 s31, $0x1760;
	v10 =	vld [tilespmem:s0+$0x0];
	_ =	sdelay $0x4  }
0xec: {  	vm5 =	vne.s32 v9, $0xFFFFFFFF;
	v8 =	vmax.f32 v10, v8  }
0xed: {  	(xrf0) =	vmax.seg.scan.f32 vm5, v8;
	_ =	sdelay $0x1  }
0xee: {  	v8 =	vld [tilespmem:s6+$0x0]  }
0xef: {  	vm6 =	veq.s32 v9, v4;
	vm7 =	veq.s32 v9, v6  }
0xf0: {  	vm8 =	vgt.u32 v9, $0xFFFFFFFD;
	vm4 =	vmor vm4, vm6;
	vm7 =	vmor vm7, vm6  }
0xf1: {  	vm7 =	vmor vm7, vm8  }
.Ltmp13:
0xf2: {  	vm5 =	vmand vm5, vm3;
	v9 =	vsel vm7, $0xFFFFFFFF, v9;
	v10, _, _ =	vpop (xrf0);
	(pc) =	sbr.rel @p2 .LBB3_7-.Ltmp13, $4  }
0xf3: {  	v7 =	vsel vm6, v10, v7;
	v8 =	vmax.f32 v10, v8;
	v11 =	vsel vm5, $0xFF800000, v10  }
0xf4: {  	v10 =	vsel vm6, v10, v8;
	v8 =	vshift.insert v11, v0, s21  }
0xf5: {  	s2 =	sadd.s32 $0x10, s2;
	s0 =	sadd.s32 $0x10, s0;
	[tilespmem:s22+$0x0] =	vst v10  }
0xf6: {  	s6 =	sadd.s32 $0x10, s6;
	s22 =	sadd.s32 $0x10, s22;
	(ifvalue) =	ssetifvalue $0xFFFFFFFF  }
0xf7: {  	_ =	sdelay $0x3  }
0xf8: {  	[hbm4b:s1+s16] =	stream.indirect_vreg.scatter [tilespmem:s30], [sflag:$0x2], $0x1, v9, vm0, $0x4038;
	[tilespmem:$0xD410] =	vst v63  }
0xf9: {  	v4 =	vld [tilespmem:s28+$0xBC70];
	_ =	sdelay $0x4  }
0xfa: {  	v4 =	vshift.insert v4, v3, s21  }
0xfb: {  	s0 =	simm.s32 $0x30  }
0xfc: {  	[tilespmem:s0+$0x0] =	vst.msk $0x1, v4  }
0xfd: {  	v4 =	vsel vm4, $0x1, v1;
	[tilespmem:$0x90] =	vst v7  }
0xfe: {  	s0 =	sadd.s32 @!p1 $0xBC7F, s28;
	[tilespmem:$0xA0] =	vst v4  }
0xff: {  	[spmem:s14] =	stream.linear.scatter @!p1 [tilespmem:s0], [sflag:$0x1], $0x1, $0x38;
	[tilespmem:$0xD410] =	vst v63  }
0x100: {  	s0 =	simm.s32 @!p1 $0x1  }
0x101: {  	v4 =	vmctz.xlane @!p1 vm4;
	_ =	swait.ge @!p1 [sflag:s0], $0x1  }
0x102: {  	(v2sf) =	vpush @!p1 v5, $0x0  }
0x103: {  	(v2sf) =	vpush @!p1 v4, $0x0;
	_ =	sdelay $0xd  }
0x104: {  	s2 =	spop @!p1 (v2sf)  }
0x105: {  	s6 =	spop @!p1 (v2sf)  }
0x106: {  	p2 =	sne.s32 @!p1 s26, s2;
	p3 =	slt.s32 @!p1 s6, $0xF  }
0x107: {  	[sflag:s0] =	ssyncset.done @!p1 $0x0;
	p2 =	por p2, p1;
	p3 =	por !p3, p1  }
0x108: {  	[sflag:s0] =	ssyncadd.s32 @!p1 $0xFFFFFFFF;
	v4 =	vimm.s32 @!p2 $0xFFFFFFFF;
	s6 =	simm.s32 @p3 $0xF  }
0x109: {  	[tilespmem:$0x80] =	vst @!p2 v4;
	s2 =	sadd.s32 @!p1 $0x90, s6  }
0x10a: {  	[spmem:s10] =	stream.linear.scatter @!p1 [tilespmem:s2], [sflag:$0x1], $0x1, $0x38;
	[tilespmem:$0xD410] =	vst v63  }
0x10b: {  	_ =	swait.ge @!p1 [sflag:s0], $0x1  }
0x10c: {  	[sflag:s0] =	ssyncset.done @!p1 $0x0  }
0x10d: {  	s2 =	simm.s32 @!p1 $0x80;
	[sflag:s0] =	ssyncadd.s32 @!p1 $0xFFFFFFFF  }
0x10e: {  	[spmem:s15] =	stream.linear.scatter @!p1 [tilespmem:s2], [sflag:$0x1], $0x1, $0x38;
	[tilespmem:$0xD410] =	vst v63  }
0x10f: {  	_ =	swait.ge @!p1 [sflag:s0], $0x1  }
0x110: {  	[sflag:s0] =	ssyncset.done @!p1 $0x0  }
0x111: {  	[sflag:s0] =	ssyncadd.s32 @!p1 $0xFFFFFFFF;
	(ifvalue) =	ssetifvalue $0xFFFFFFFF;
	v4 =	vld [tilespmem:s25+$0x10];
	_ =	sdelay $0x3  }
.Ltmp14:
0x112: {  	_ = 	snop;
	(pc) =	sbr.rel .LBB3_9-.Ltmp14, $3  }
0x113: {  	_ =	sdelay $0x1  }
0x114: {  	(ifvalue) =	ssetifvalue $0xFFFFFFFF  }
0x115: {  	[hbm4b:s1+s16] =	stream.indirect_vreg.scatter [tilespmem:s29], [sflag:$0x9], $0x1, v4, vm0, $0x4038;
	[tilespmem:$0xD410] =	vst v63  }
.LBB3_10:
0x116: {  	_ =	sfence.sel $0x180000  }
0x117: {  	s0 =	simm.s32 $0x7;
	[bflag:$0x0] =	sbarrier.arrive $0xFFFF  }
0x118: {  	s26 =	simm.s32 $0x8;
	[sflag:s0] =	ssyncpa.u1 $0x1  }
0x119: {  	s28 =	simm.s32 $0x9;
	[sflag:s26] =	ssyncpa.u1 $0x1  }
0x11a: {  	[sflag:s28] =	ssyncpa.u1 $0x1  }
0x11b: {  	_ =	sfence.stream.spmem  }
0x11c: {  	s29 =	simm.s32 $0x3;
	[bflag:$0x0] =	sbarrier.arrive $0xFFFF  }
0x11d: {  	s30 =	simm.s32 $0x4;
	[sflag:s29] =	ssyncpa.u1 $0x1  }
0x11e: {  	s31 =	simm.s32 $0x3C;
	s2 =	stileid.u32;
	[sflag:s30] =	ssyncpa.u1 $0x1  }
0x11f: {  	p0 =	sne.s32 s2, $0x0;
	[sflag:s31] =	ssyncpa.u1 $0x1  }
0x120: {  	s0 =	simm.s32 @p0 $0x1;
	_ =	sfence @p0  }
0x121: {  	[sflag:s0] =	ssyncpa.u1 @p0 $0x1;
	s0 =	simm.s32 @p0 $0x2  }
0x122: {  	[sflag:s0] =	ssyncpa.u1 @p0 $0x1  }
0x123: {  	_ =	strace @p0 $0x9000004A  }
0x124: {  	[bflag:$0x2] =	sbarrier.arrive @p0 $0xFFFF  }
0x125: {  	_ =	shalt @p0  }
.LBB3_11:
0x126: {  	_ =	sfence.stream.spmem;
	s0 =	simm.s32 $0x5  }
0x127: {  	s2 =	simm.s32 $0x80;
	s3 =	simm.s32 $0xC0;
	[sflag:s0] =	ssyncpa.u1 $0x0  }
0x128: {  	[tilespmem:s3], [sflag:$0x5] =	stream.linear.gather [spmem:s2], $0x20, $0x38;
	[tilespmem:$0xD410] =	vst v63  }
0x129: {  	s30 =	simm.s32 $0xE0;
	s2 =	simm.s32 $0x0  }
0x12a: {  	[tilespmem:s30], [sflag:$0x5] =	stream.linear.gather [spmem:s2], $0x20, $0x38;
	[tilespmem:$0xD410] =	vst v63  }
.Ltmp15:
0x12b: {  	_ = 	snop;
	(pc) =	sbr.rel .LBB3_12-.Ltmp15, $4  }
0x12c: {  	_ =	swait.ge [sflag:s0], $0x40  }
0x12d: {  	[sflag:s0] =	ssyncset.done $0x0  }
0x12e: {  	s31 =	simm.s32 $0x6;
	[sflag:s0] =	ssyncadd.s32 $0xFFFFFFC0  }
0x12f: {  	s3 =	simm.s32 $0x0;
	[sflag:s31] =	ssyncpa.u1 $0x0  }
.LBB3_17:
0x130: {  	p0 =	sgt.u32 s4, $0x27FF  }
0x131: {  	s0 =	sshrl.u32 @!p0 s4, $0x3  }
0x132: {  	s4 =	sand.u32 @!p0 $0x7, s4;
	s5 =	simm.s32 @!p0 $0xB0;
	s0 =	sadd.s32 @!p0 s1, s0  }
0x133: {  	[tilespmem:s5], [sflag:$0x6] =	stream.linear.gather @!p0 [hbm4b:s0+s4], $0x1, $0x38;
	[tilespmem:$0xD410] =	vst v63  }
0x134: {  	s0 =	simm.s32 @!p0 $0x6  }
0x135: {  	_ =	swait.ge @!p0 [sflag:s0], $0x1  }
0x136: {  	[sflag:s0] =	ssyncset.done @!p0 $0x0  }
0x137: {  	[sflag:s0] =	ssyncadd.s32 @!p0 $0xFFFFFFFF  }
0x138: {  	v1 =	vld.msk @!p0 [tilespmem:$0xB0], $0x1  }
0x139: {  	v2 =	vld.msk @!p0 [tilespmem:s3+$0xE0], $0x1;
	_ =	sdelay $0x4  }
0x13a: {  	v1 =	vmax.f32 @!p0 v2, v1  }
0x13b: {  	[tilespmem:s3+$0xE0] =	vst.msk @!p0 $0x1, v1  }
0x13c: {  	[tilespmem:s2+$0xC0] =	vst.msk $0x1, v0  }
0x13d: {  	v0 =	vld.msk [tilespmem:s3+$0xE0], $0x1;
	_ =	sdelay $0x4  }
0x13e: {  	[tilespmem:s2+$0xE0] =	vst.msk $0x1, v0;
	s2 =	sadd.s32 $0x1, s2  }
.LBB3_19:
0x13f: {  	s3 =	sadd.s32 $0x1, s3  }
0x140: {  	p0 =	sne.s32 s3, $0x20  }
.Ltmp16:
0x141: {  	_ = 	snop;
	(pc) =	sbr.rel @!p0 .LBB3_20-.Ltmp16, $1  }
0x142: {  	_ =	sdelay $0x3  }
.LBB3_12:
0x143: {  	v0 =	vld.msk [tilespmem:s3+$0xC0], $0x1;
	_ =	sdelay $0x4  }
0x144: {  	(v2sf) =	vpush v0, $0x0;
	_ =	sdelay $0xe  }
0x145: {  	s4 =	spop (v2sf)  }
0x146: {  	p0 =	seq.s32 s4, $0xFFFFFFFF  }
.Ltmp17:
0x147: {  	_ = 	snop;
	(pc) =	sbr.rel @p0 .LBB3_19-.Ltmp17, $1  }
0x148: {  	_ =	sdelay $0x3  }
0x149: {  	p0 =	slt.s32 s2, $0x1  }
.Ltmp18:
0x14a: {  	_ = 	snop;
	(pc) =	sbr.rel @p0 .LBB3_17-.Ltmp18, $1  }
0x14b: {  	_ =	sdelay $0x3  }
0x14c: {  	s0 =	simm.s32 $0xC0;
	p0 =	por $0x0, $0x0  }
0x14d: {  	v1 =	vld.msk @!p0 [tilespmem:s0+$0x0], $0x1;
	_ =	sdelay $0x4  }
0x14e: {  	(v2sf) =	vpush @!p0 v1, $0x0;
	_ =	sdelay $0xd  }
0x14f: {  	p2 =	sne.s32 s2, $0x1  }
.Ltmp19:
0x150: {  	s5 =	spop @!p0 (v2sf);
	(pc) =	sbr.rel @!p2 .LBB3_16-.Ltmp19, $4  }
0x151: {  	p1 =	seq.s32 @!p0 s4, s5  }
0x152: {  	s5 =	simm.s32 $0x0;
	p1 =	por !p1, p0  }
0x153: {  	s7 =	simm.s32 $0xFFFFFFFF;
	s5 =	simm.s32 @p1 $0xFFFFFFFF  }
0x154: {  	s6 =	simm.s32 $0x1;
	s5 =	smov.u32 @p0 s7  }
.LBB3_15:
0x155: {  	s7 =	smov.u32 s5;
	p0 =	sne.s32 s5, $0xFFFFFFFF  }
0x156: {  	s0 =	sadd.s32 $0x1, s0;
	s5 =	smov.u32 s6;
	s6 =	sadd.s32 $0x1, s6  }
0x157: {  	p1 =	sne.s32 s2, s6;
	v1 =	vld.msk @!p0 [tilespmem:s0+$0x0], $0x1;
	_ =	sdelay $0x4  }
0x158: {  	(v2sf) =	vpush @!p0 v1, $0x0;
	_ =	sdelay $0xe  }
.Ltmp20:
0x159: {  	s8 =	spop @!p0 (v2sf);
	(pc) =	sbr.rel @p1 .LBB3_15-.Ltmp20, $4  }
0x15a: {  	p2 =	seq.s32 @!p0 s4, s8  }
0x15b: {  	p2 =	por !p2, p0  }
0x15c: {  	s5 =	simm.s32 @p2 $0xFFFFFFFF  }
0x15d: {  	s5 =	smov.u32 @p0 s7  }
.LBB3_16:
0x15e: {  	p0 =	sne.s32 s5, $0xFFFFFFFF  }
.Ltmp21:
0x15f: {  	_ = 	snop;
	(pc) =	sbr.rel @!p0 .LBB3_17-.Ltmp21, $1  }
0x160: {  	_ =	sdelay $0x3  }
0x161: {  	v0 =	vld.msk [tilespmem:s3+$0xE0], $0x1  }
0x162: {  	v1 =	vld.msk [tilespmem:s5+$0xE0], $0x1;
	_ =	sdelay $0x1  }
.Ltmp22:
0x163: {  	_ = 	snop;
	(pc) =	sbr.rel .LBB3_19-.Ltmp22, $3  }
0x164: {  	_ =	sdelay $0x1  }
0x165: {  	v0 =	vmax.f32 v1, v0  }
0x166: {  	[tilespmem:s5+$0xE0] =	vst.msk $0x1, v0  }
.LBB3_20:
0x167: {  	p0 =	slt.s32 s2, $0x1  }
.Ltmp23:
0x168: {  	_ = 	snop;
	(pc) =	sbr.rel @p0 .LBB3_24-.Ltmp23, $3  }
0x169: {  	_ =	sdelay $0x1  }
0x16a: {  	s0 =	simm.s32 $0x6  }
0x16b: {  	s3 =	simm.s32 $0x0;
	[sflag:s0] =	ssyncpa.u1 $0x1  }
0x16c: {  	s0 =	simm.s32 $0xC0  }
0x16d: {  	v0 =	vld.msk [tilespmem:s0+$0x0], $0x1;
	_ =	sdelay $0x4  }
0x16e: {  	(v2sf) =	vpush v0, $0x0;
	_ =	sdelay $0xe  }
0x16f: {  	s2 =	sadd.s32 $0xFFFFFFFF, s2;
	s4 =	spop (v2sf)  }
0x170: {  	p1 =	sne.s32 s2, $0x0;
	p0 =	sgt.u32 s4, $0x27FF  }
.Ltmp24:
0x171: {  	s5 =	sshrl.u32 @!p0 s4, $0x3;
	(pc) =	sbr.rel @!p1 .LBB3_23-.Ltmp24, $4  }
0x172: {  	s0 =	simm.s32 $0xE0;
	s4 =	sand.u32 @!p0 $0x7, s4;
	s5 =	sadd.s32 @!p0 s1, s5  }
0x173: {  	[hbm4b:s5+s4] =	stream.linear.scatter @!p0 [tilespmem:s0], [sflag:$0x5], $0x1, $0x38;
	[tilespmem:$0xD410] =	vst v63  }
0x174: {  	s5 =	simm.s32 $0x0  }
0x175: {  	s4 =	simm.s32 $0xC1;
	s5 =	simm.s32 @!p0 $0x4  }
.LBB3_22:
0x176: {  	v0 =	vld.msk [tilespmem:s4+$0x0], $0x1;
	s2 =	sadd.s32 $0xFFFFFFFF, s2;
	s3 =	sadd.s32 s3, s5  }
0x177: {  	p0 =	sne.s32 s2, $0x0;
	_ =	sdelay $0x3  }
0x178: {  	(v2sf) =	vpush v0, $0x0;
	_ =	sdelay $0xe  }
.Ltmp25:
0x179: {  	s6 =	spop (v2sf);
	(pc) =	sbr.rel @p0 .LBB3_22-.Ltmp25, $4  }
0x17a: {  	s5 =	simm.s32 $0x0;
	p1 =	sgt.u32 s6, $0x27FF  }
0x17b: {  	s0 =	sadd.s32 $0x1, s0;
	s5 =	simm.s32 @!p1 $0x4;
	s7 =	sshrl.u32 @!p1 s6, $0x3  }
0x17c: {  	s4 =	sadd.s32 $0x1, s4;
	s6 =	sand.u32 @!p1 $0x7, s6;
	s7 =	sadd.s32 @!p1 s1, s7  }
0x17d: {  	[hbm4b:s7+s6] =	stream.linear.scatter @!p1 [tilespmem:s0], [sflag:$0x5], $0x1, $0x38;
	[tilespmem:$0xD410] =	vst v63  }
.LBB3_23:
0x17e: {  	s0 =	sadd.s32 s3, s5  }
0x17f: {  	s3 =	sshrl.u32 s0, $0x2  }
.LBB3_24:
0x180: {  	s0 =	simm.s32 $0x5  }
0x181: {  	_ =	swait.ge [sflag:s0], s3  }
0x182: {  	s1 =	ssub.s32 $0x0, s3;
	[sflag:s0] =	ssyncset.done $0x0  }
0x183: {  	[sflag:s0] =	ssyncadd.s32 s1  }
0x184: {  	[sflag:s0] =	ssyncpa.u1 $0x1  }
0x185: {  	s29 =	simm.s32 $0x1;
	_ =	sfence  }
0x186: {  	s30 =	simm.s32 $0x2;
	[sflag:s29] =	ssyncpa.u1 $0x1  }
0x187: {  	[sflag:s30] =	ssyncpa.u1 $0x1  }
0x188: {  	_ =	strace $0x9000004A  }
0x189: {  	[bflag:$0x2] =	sbarrier.arrive $0xFFFF  }
0x18a: {  	s31 =	rddreg [dreg:$0x1]  }
0x18b: {  	s0 =	sadd.s32 $0x100000, s31  }
0x18c: {  	[sflag:s0] =	ssyncadd.tile.s32 $0x1;
	_ =	shalt  }
.Lfunc_end3:
_tile_overlayer_lowered:
.L_overlay_start_3:
0x18d: {  	(tag) =	ssettag $0x3  }
0x18e: {  	s0 =	rddreg [dreg:$0x0];
	s2 =	stileid.u32  }
0x18f: {  	s1 =	rddreg [dreg:$0x1];
	p0 =	sne.s32 s2, $0x0  }
0x190: {  	s3 =	rddreg [dreg:$0x2];
	[bflag:$0x3] =	sbarrier.arrive $0xFFFF;
	s2 =	simm.s32 @!p0 $0x1C01  }
0x191: {  	[timem:s3], [sflag:s2] =	dma.local @!p0 [hbm:s0], s1  }
0x192: {  	s0 =	simm.s32 @!p0 $0x1  }
0x193: {  	_ =	swait.ge @!p0 [sflag:s0], s1  }
0x194: {  	s1 =	ssub.s32 @!p0 $0x0, s1;
	[sflag:s0] =	ssyncset.done @!p0 $0x0  }
0x195: {  	[sflag:s0] =	ssyncadd.s32 @!p0 s1  }
0x196: {  	[bflag:$0x3] =	sbarrier.arrive $0xFFFF  }
0x197: {  	_ =	shalt  }

</sc_bundles>
